<compile_context>
chip_gen: v7x
topology: tpu7x:2x2x1
jax: 0.10.2.dev20260603
libtpu: 0.0.44.dev20260713+nightly
codegen_flags: <defaults>
</compile_context>

<pallas_src>
import functools

import jax
import jax.numpy as jnp
from jax import lax
from jax.experimental import pallas as pl
from jax.experimental.pallas import tpu as pltpu
from jax.experimental.pallas import tpu_sc as plsc

_N = 10000
_NPAD = 10240
_E = 320000
_NC, _NS = 2, 16
_NW = _NC * _NS
_EPW = _E // _NW
_K = 80
_CH = _EPW // _K
_CHD = 2 * _CH
_D = 16
_RS = _NPAD // _NS
_G = 5
_NB = 4
_L = 16
_U = 8

_mesh = plsc.VectorSubcoreMesh(
    core_axis_name="c", subcore_axis_name="s",
    num_cores=_NC, num_subcores=_NS)
_SC_PARAMS = pltpu.CompilerParams(use_tc_tiling_on_sc=False,
                                 needs_layout_passes=False)


def _splat(v, u):
    return lax.gather(
        v, jnp.full((_L, 1), u, jnp.int32),
        lax.GatherDimensionNumbers(offset_dims=(), collapsed_slice_dims=(0,),
                                   start_index_map=(0,)),
        (1,), mode=lax.GatherScatterMode.PROMISE_IN_BOUNDS)


def _fast_rsqrt(d):
    xhalf = d * 0.5
    i = plsc.bitcast(d, jnp.int32)
    i = jnp.int32(0x5F3759DF) - lax.shift_right_logical(i, 1)
    y = plsc.bitcast(i, jnp.float32)
    y = y * (1.5 - xhalf * y * y)
    y = y * (1.5 - xhalf * y * y)
    y = y * (1.5 - xhalf * y * y)
    return jnp.where(d > 0.5, y, 0.0)


@functools.partial(
    pl.kernel,
    out_type=jax.ShapeDtypeStruct((_NPAD,), jnp.float32),
    mesh=_mesh, compiler_params=_SC_PARAMS,
    scratch_types=[
        pltpu.VMEM((_CHD, _K), jnp.int32),
        pltpu.VMEM((_K,), jnp.float32),
        pltpu.VMEM((_RS,), jnp.float32),
        pltpu.VMEM_SHARED((_NPAD,), jnp.float32),
        pltpu.SemaphoreType.DMA,
    ],
)
def _sc_degree(ei_hbm, dinv_hbm, idx_v, ones_v, dbuf, deg_sp, sem):
    c = lax.axis_index("c")
    s = lax.axis_index("s")
    one = jnp.full((_L,), 1.0, jnp.float32)
    zero = jnp.zeros((_L,), jnp.float32)
    for i in range(_K // _L):
        ones_v[pl.ds(i * _L, _L)] = one
    for i in range(_RS // _L):
        dbuf[pl.ds(i * _L, _L)] = zero
    pltpu.sync_copy(dbuf, deg_sp.at[pl.ds(s * _RS, _RS)])
    pltpu.sync_copy(ei_hbm.at[1, 2 * s], idx_v.at[pl.ds(0, _CH)])
    pltpu.sync_copy(ei_hbm.at[1, 2 * s + 1], idx_v.at[pl.ds(_CH, _CH)])
    plsc.subcore_barrier()

    def body(g, carry):
        for b in range(_G):
            pltpu.async_copy(ones_v, deg_sp.at[idx_v.at[g * _G + b]], sem,
                             add=True)
        for b in range(_G):
            pltpu.make_async_copy(ones_v, deg_sp.at[idx_v.at[g * _G + b]],
                                  sem).wait()
        return carry

    lax.fori_loop(0, _CHD // _G, body, 0)
    plsc.subcore_barrier()
    pltpu.sync_copy(deg_sp.at[pl.ds(s * _RS, _RS)], dbuf)

    def grp(g, carry):
        d = dbuf[pl.ds(g * _L, _L)]
        dbuf[pl.ds(g * _L, _L)] = _fast_rsqrt(d)
        return carry

    lax.fori_loop(0, _RS // _L, grp, 0)

    @pl.when(c == 0)
    def _():
        pltpu.sync_copy(dbuf, dinv_hbm.at[pl.ds(s * _RS, _RS)])


def _make_segsum(mode):
    @functools.partial(
        pl.kernel,
        out_type=jax.ShapeDtypeStruct((_NC, _NPAD, _D), jnp.float32),
        mesh=_mesh, compiler_params=_SC_PARAMS,
        scratch_types=(
            [pltpu.VMEM((_CH, _K), jnp.int32),
             pltpu.VMEM((_CH, _K), jnp.int32),
             pltpu.VMEM((_RS,), jnp.float32),
             pltpu.VMEM((_RS, _D), jnp.float32),
             pltpu.VMEM((_RS, _D), jnp.float32),
             pltpu.VMEM((_D,), jnp.float32)]
            + [pltpu.VMEM((_K, _D), jnp.float32)] * _NB
            + [pltpu.VMEM_SHARED((_NPAD, _D), jnp.float32),
               pltpu.VMEM_SHARED((_NPAD, _D), jnp.float32)]
            + [pltpu.SemaphoreType.DMA] * (2 * _NB)
        ),
    )
    def _seg(h_hbm, ei_hbm, dinv_hbm, bias_hbm, out_hbm, idx_s_v, idx_d_v,
             dbuf, hbuf, h2buf, bvec, r0, r1, r2, r3, g_sp, acc_sp,
             g0, g1_, g2_, g3, s0, s1, s2, s3):
        c = lax.axis_index("c")
        s = lax.axis_index("s")
        wid = s * _NC + c
        rows = (r0, r1, r2, r3)
        gsem = (g0, g1_, g2_, g3)
        ssem = (s0, s1, s2, s3)
        base = s * _RS
        zero = jnp.zeros((_L,), jnp.float32)
        for i in range(_K):
            r0[i] = zero
        for i in range(_RS // _K):
            pltpu.sync_copy(r0, acc_sp.at[pl.ds(base + i * _K, _K)])
        pltpu.sync_copy(dinv_hbm.at[pl.ds(base, _RS)], dbuf)
        pltpu.sync_copy(bias_hbm, bvec)
        if mode == 0:
            pltpu.sync_copy(h_hbm.at[pl.ds(base, _RS)], hbuf)
        else:
            pltpu.sync_copy(h_hbm.at[0, pl.ds(base, _RS)], hbuf)
            pltpu.sync_copy(h_hbm.at[1, pl.ds(base, _RS)], h2buf)
        bv = bvec[...]

        def stage(j, carry):
            dv = dbuf[pl.ds(j * _L, _L)]
            for u in range(_L):
                r = j * _L + u
                sc = _splat(dv, u)
                if mode == 0:
                    row = hbuf[r] * sc
                else:
                    t = sc * (hbuf[r] + h2buf[r]) + bv
                    row = sc * jnp.maximum(t, 0.0)
                hbuf[r] = row
            return carry

        lax.fori_loop(0, _RS // _L, stage, 0)
        pltpu.sync_copy(hbuf, g_sp.at[pl.ds(base, _RS)])
        pltpu.sync_copy(ei_hbm.at[0, wid], idx_s_v)
        pltpu.sync_copy(ei_hbm.at[1, wid], idx_d_v)
        plsc.subcore_barrier()

        def gather(ch, b):
            pltpu.async_copy(g_sp.at[idx_s_v.at[ch]], rows[b], gsem[b])

        def gather_wait(ch, b):
            pltpu.make_async_copy(g_sp.at[idx_s_v.at[ch]], rows[b],
                                  gsem[b]).wait()

        def scatter(ch, b):
            pltpu.async_copy(rows[b], acc_sp.at[idx_d_v.at[ch]], ssem[b],
                             add=True)

        def scatter_wait(ch, b):
            pltpu.make_async_copy(rows[b], acc_sp.at[idx_d_v.at[ch]],
                                  ssem[b]).wait()

        for b in range(_NB):
            gather(b, b)

        def body(p, carry):
            c0 = 4 * p
            for b in range(_NB):
                gather_wait(c0 + b, b)
                scatter(c0 + b, b)
            for b in range(_NB):
                n = c0 + 4 + b

                @pl.when(n < _CH)
                def _():
                    scatter_wait(c0 + b, b)
                    gather(n, b)

            return carry

        lax.fori_loop(0, _CH // _NB, body, 0)
        gather_wait(_CH - 1, 0)
        scatter(_CH - 1, 0)
        scatter_wait(_CH - 1, 0)
        for b in range(1, _NB):
            scatter_wait(_CH - 5 + b, b)
        plsc.subcore_barrier()
        if mode == 0:
            pltpu.sync_copy(acc_sp.at[pl.ds(base, _RS)],
                            out_hbm.at[c, pl.ds(base, _RS)])
        else:
            pltpu.sync_copy(acc_sp.at[pl.ds(base, _RS)], hbuf)

            def post(j, carry):
                dv = dbuf[pl.ds(j * _L, _L)]
                for u in range(_L):
                    r = j * _L + u
                    sc = _splat(dv, u)
                    hbuf[r] = hbuf[r] * sc
                return carry

            lax.fori_loop(0, _RS // _L, post, 0)
            pltpu.sync_copy(hbuf, out_hbm.at[c, pl.ds(base, _RS)])

    return _seg


_sc_segsum1 = _make_segsum(0)
_sc_segsum2 = _make_segsum(1)


def _tc1_body(x_ref, w_ref, h_ref):
    h_ref[_N:, :] = jnp.zeros((_NPAD - _N, _D), jnp.float32)
    h_ref[:_N, :] = jnp.dot(x_ref[...], w_ref[...],
                            preferred_element_type=jnp.float32)


def _tc2_body(t_ref, w_ref, b_ref, bs_ref, bc_ref, o_ref):
    z = t_ref[0] + t_ref[1]
    o = jnp.dot(z, w_ref[...], preferred_element_type=jnp.float32) + b_ref[...]
    o = jnp.maximum(o, 0.0)
    m = jnp.max(o, axis=1, keepdims=True)
    sh = o - m
    e = jnp.exp(sh)
    s8 = jnp.dot(e, bs_ref[...], preferred_element_type=jnp.float32,
                 precision=lax.Precision.HIGHEST)
    lsb = jnp.log(s8)
    o_ref[...] = sh - jnp.dot(lsb, bc_ref[...],
                              preferred_element_type=jnp.float32,
                              precision=lax.Precision.HIGHEST)


def kernel(x, edge_index, W1, b1, W2, b2):
    f32 = jnp.float32
    ei3 = edge_index.astype(jnp.int32).reshape(2, _NW, _CH, _K)

    dinv = _sc_degree(ei3)

    h1 = pl.pallas_call(
        _tc1_body,
        out_shape=jax.ShapeDtypeStruct((_NPAD, _D), f32),
    )(x, W1)

    zero_bias = jnp.zeros((_D,), f32)
    acc1 = _sc_segsum1(h1, ei3, dinv, zero_bias)
    t2 = _sc_segsum2(acc1, ei3, dinv, b1)

    dout = W2.shape[1]
    eye8 = jnp.eye(8, dtype=f32)
    w2big = jnp.kron(eye8, W2)
    b2big = jnp.tile(b2, 8).reshape(1, 8 * dout)
    bsum = jnp.kron(eye8, jnp.ones((dout, 1), f32))
    bcast = jnp.kron(eye8, jnp.ones((1, dout), f32))
    o = pl.pallas_call(
        _tc2_body,
        out_shape=jax.ShapeDtypeStruct((_NPAD // 8, 8 * dout), f32),
    )(t2.reshape(_NC, _NPAD // 8, 128), w2big, b2big, bsum, bcast)

    return o.reshape(_NPAD, dout)[:_N]

# --- scband reference (transcript-rebuilt; emitter-appended) ---
"""Pipeline reference for scband-gcn-76416058130453 (READ-ONLY COPY).

The authoritative reference and input builder live on the scoring server;
editing this copy changes nothing except your own understanding.
"""

import jax, jax.numpy as jnp
import numpy as np

N_NODES = 10000
N_EDGES = 320000
D_IN = 128
D_HID = 16
D_OUT = 40


def glorot(key, shape):
    fan_in, fan_out = shape[0], shape[1]
    limit = jnp.sqrt(6.0 / (fan_in + fan_out))
    return jax.random.uniform(key, shape, dtype=jnp.float32, minval=-limit, maxval=limit)


def setup_inputs(seed: int = 0) -> dict:
    key = jax.random.key(seed)
    k_x, k_e, k_w1, k_w2 = jax.random.split(key, 4)
    x = jax.random.normal(k_x, (N_NODES, D_IN), dtype=jnp.float32)
    edge_index = jax.random.randint(k_e, (2, N_EDGES), 0, N_NODES, dtype=jnp.int64)
    W1 = glorot(k_w1, (D_IN, D_HID))
    b1 = jnp.zeros((D_HID,), dtype=jnp.float32)
    W2 = glorot(k_w2, (D_HID, D_OUT))
    b2 = jnp.zeros((D_OUT,), dtype=jnp.float32)
    return {"x": x, "edge_index": edge_index, "W1": W1, "b1": b1, "W2": W2, "b2": b2}


def gcn_conv(x, edge_index, W, b):
    # PyG GCNConv with add_self_loops=False, normalize=True:
    #   x' = x @ W; deg computed by scattering unit edge weights to col (dst);
    #   norm = deg^{-1/2}[row] * deg^{-1/2}[col]; aggregate messages at dst; add bias.
    src = edge_index[0]
    dst = edge_index[1]
    h = x @ W
    n = x.shape[0]
    deg = jnp.zeros((n,), dtype=h.dtype).at[dst].add(1.0)
    deg_inv_sqrt = jnp.where(deg > 0, jax.lax.rsqrt(jnp.maximum(deg, 1e-12)), 0.0)
    norm = deg_inv_sqrt[src] * deg_inv_sqrt[dst]
    msg = h[src] * norm[:, None]
    out = jnp.zeros((n, h.shape[1]), dtype=h.dtype).at[dst].add(msg)
    return out + b


def reference(x, edge_index, W1, b1, W2, b2):
    h = gcn_conv(x, edge_index, W1, b1)
    h = jax.nn.relu(h)
    # F.dropout with training=False (eval mode) is identity
    h = gcn_conv(h, edge_index, W2, b2)
    h = jax.nn.relu(h)
    return jax.nn.log_softmax(h, axis=1)

if __name__ == "__main__":
    import jax
    _d = setup_inputs()
    print(jax.jit(kernel)(*tuple(_d.values())))

</pallas_src>

<mosaic_0001>
#map = affine_map<(d0, d1) -> (0, 0, 0, 0)>
#map1 = affine_map<(d0, d1) -> (0)>
module attributes {stable_mosaic.version = 14 : i64} {
  func.func @_sc_degree(%arg0: i32, %arg1: i32, %arg2: memref<2x32x125x80xi32, #tpu.memory_space<hbm>>, %arg3: memref<10240xf32, #tpu.memory_space<hbm>>, %arg4: memref<250x80xi32, #tpu.memory_space<vmem>>, %arg5: memref<80xf32, #tpu.memory_space<vmem>>, %arg6: memref<640xf32, #tpu.memory_space<vmem>>, %arg7: memref<10240xf32, #tpu.memory_space<vmem_shared>>, %arg8: memref<!tpu.dma_semaphore, #tpu.memory_space<semaphore_mem>>) attributes {dimension_semantics = [#tpu.dimension_semantics<core_parallel>, #tpu.dimension_semantics<subcore_parallel>], iteration_bounds = array<i64: 2, 16>, scalar_prefetch = 0 : i64, scratch_operands = 5 : i64, tpu.core_type = #tpu.core_type<sc_vector_subcore>, window_params = [{transform_indices = #map}, {transform_indices = #map1}]} {
    %broadcast_in_dim3A = arith.constant 1.000000e+00 : f32
    %broadcast_in_dim3A_0 = vector.broadcast %broadcast_in_dim3A : f32 to vector<16xf32>
    %broadcast_in_dim3A_1 = arith.constant 0.000000e+00 : f32
    %broadcast_in_dim3A_2 = vector.broadcast %broadcast_in_dim3A_1 : f32 to vector<16xf32>
    %swap3A = arith.constant 0 : index
    %swap3A_3 = tpu.vector_load %arg5[%swap3A] {strides = array<i32>} : memref<80xf32, #tpu.memory_space<vmem>>, vector<16xf32>,
    tpu.vector_store %arg5[%swap3A], %broadcast_in_dim3A_0 {strides = array<i32>} : memref<80xf32, #tpu.memory_space<vmem>>, vector<16xf32>,
    %swap3A_4 = arith.constant 16 : index
    %swap3A_5 = tpu.vector_load %arg5[%swap3A_4] {strides = array<i32>} : memref<80xf32, #tpu.memory_space<vmem>>, vector<16xf32>,
    tpu.vector_store %arg5[%swap3A_4], %broadcast_in_dim3A_0 {strides = array<i32>} : memref<80xf32, #tpu.memory_space<vmem>>, vector<16xf32>,
    %swap3A_6 = arith.constant 32 : index
    %swap3A_7 = tpu.vector_load %arg5[%swap3A_6] {strides = array<i32>} : memref<80xf32, #tpu.memory_space<vmem>>, vector<16xf32>,
    tpu.vector_store %arg5[%swap3A_6], %broadcast_in_dim3A_0 {strides = array<i32>} : memref<80xf32, #tpu.memory_space<vmem>>, vector<16xf32>,
    %swap3A_8 = arith.constant 48 : index
    %swap3A_9 = tpu.vector_load %arg5[%swap3A_8] {strides = array<i32>} : memref<80xf32, #tpu.memory_space<vmem>>, vector<16xf32>,
    tpu.vector_store %arg5[%swap3A_8], %broadcast_in_dim3A_0 {strides = array<i32>} : memref<80xf32, #tpu.memory_space<vmem>>, vector<16xf32>,
    %swap3A_10 = arith.constant 64 : index
    %swap3A_11 = tpu.vector_load %arg5[%swap3A_10] {strides = array<i32>} : memref<80xf32, #tpu.memory_space<vmem>>, vector<16xf32>,
    tpu.vector_store %arg5[%swap3A_10], %broadcast_in_dim3A_0 {strides = array<i32>} : memref<80xf32, #tpu.memory_space<vmem>>, vector<16xf32>,
    %swap3A_12 = arith.constant 0 : index
    %swap3A_13 = tpu.vector_load %arg6[%swap3A_12] {strides = array<i32>} : memref<640xf32, #tpu.memory_space<vmem>>, vector<16xf32>,
    tpu.vector_store %arg6[%swap3A_12], %broadcast_in_dim3A_2 {strides = array<i32>} : memref<640xf32, #tpu.memory_space<vmem>>, vector<16xf32>,
    %swap3A_14 = arith.constant 16 : index
    %swap3A_15 = tpu.vector_load %arg6[%swap3A_14] {strides = array<i32>} : memref<640xf32, #tpu.memory_space<vmem>>, vector<16xf32>,
    tpu.vector_store %arg6[%swap3A_14], %broadcast_in_dim3A_2 {strides = array<i32>} : memref<640xf32, #tpu.memory_space<vmem>>, vector<16xf32>,
    %swap3A_16 = arith.constant 32 : index
    %swap3A_17 = tpu.vector_load %arg6[%swap3A_16] {strides = array<i32>} : memref<640xf32, #tpu.memory_space<vmem>>, vector<16xf32>,
    tpu.vector_store %arg6[%swap3A_16], %broadcast_in_dim3A_2 {strides = array<i32>} : memref<640xf32, #tpu.memory_space<vmem>>, vector<16xf32>,
    %swap3A_18 = arith.constant 48 : index
    %swap3A_19 = tpu.vector_load %arg6[%swap3A_18] {strides = array<i32>} : memref<640xf32, #tpu.memory_space<vmem>>, vector<16xf32>,
    tpu.vector_store %arg6[%swap3A_18], %broadcast_in_dim3A_2 {strides = array<i32>} : memref<640xf32, #tpu.memory_space<vmem>>, vector<16xf32>,
    %swap3A_20 = arith.constant 64 : index
    %swap3A_21 = tpu.vector_load %arg6[%swap3A_20] {strides = array<i32>} : memref<640xf32, #tpu.memory_space<vmem>>, vector<16xf32>,
    tpu.vector_store %arg6[%swap3A_20], %broadcast_in_dim3A_2 {strides = array<i32>} : memref<640xf32, #tpu.memory_space<vmem>>, vector<16xf32>,
    %swap3A_22 = arith.constant 80 : index
    %swap3A_23 = tpu.vector_load %arg6[%swap3A_22] {strides = array<i32>} : memref<640xf32, #tpu.memory_space<vmem>>, vector<16xf32>,
    tpu.vector_store %arg6[%swap3A_22], %broadcast_in_dim3A_2 {strides = array<i32>} : memref<640xf32, #tpu.memory_space<vmem>>, vector<16xf32>,
    %swap3A_24 = arith.constant 96 : index
    %swap3A_25 = tpu.vector_load %arg6[%swap3A_24] {strides = array<i32>} : memref<640xf32, #tpu.memory_space<vmem>>, vector<16xf32>,
    tpu.vector_store %arg6[%swap3A_24], %broadcast_in_dim3A_2 {strides = array<i32>} : memref<640xf32, #tpu.memory_space<vmem>>, vector<16xf32>,
    %swap3A_26 = arith.constant 112 : index
    %swap3A_27 = tpu.vector_load %arg6[%swap3A_26] {strides = array<i32>} : memref<640xf32, #tpu.memory_space<vmem>>, vector<16xf32>,
    tpu.vector_store %arg6[%swap3A_26], %broadcast_in_dim3A_2 {strides = array<i32>} : memref<640xf32, #tpu.memory_space<vmem>>, vector<16xf32>,
    %swap3A_28 = arith.constant 128 : index
    %swap3A_29 = tpu.vector_load %arg6[%swap3A_28] {strides = array<i32>} : memref<640xf32, #tpu.memory_space<vmem>>, vector<16xf32>,
    tpu.vector_store %arg6[%swap3A_28], %broadcast_in_dim3A_2 {strides = array<i32>} : memref<640xf32, #tpu.memory_space<vmem>>, vector<16xf32>,
    %swap3A_30 = arith.constant 144 : index
    %swap3A_31 = tpu.vector_load %arg6[%swap3A_30] {strides = array<i32>} : memref<640xf32, #tpu.memory_space<vmem>>, vector<16xf32>,
    tpu.vector_store %arg6[%swap3A_30], %broadcast_in_dim3A_2 {strides = array<i32>} : memref<640xf32, #tpu.memory_space<vmem>>, vector<16xf32>,
    %swap3A_32 = arith.constant 160 : index
    %swap3A_33 = tpu.vector_load %arg6[%swap3A_32] {strides = array<i32>} : memref<640xf32, #tpu.memory_space<vmem>>, vector<16xf32>,
    tpu.vector_store %arg6[%swap3A_32], %broadcast_in_dim3A_2 {strides = array<i32>} : memref<640xf32, #tpu.memory_space<vmem>>, vector<16xf32>,
    %swap3A_34 = arith.constant 176 : index
    %swap3A_35 = tpu.vector_load %arg6[%swap3A_34] {strides = array<i32>} : memref<640xf32, #tpu.memory_space<vmem>>, vector<16xf32>,
    tpu.vector_store %arg6[%swap3A_34], %broadcast_in_dim3A_2 {strides = array<i32>} : memref<640xf32, #tpu.memory_space<vmem>>, vector<16xf32>,
    %swap3A_36 = arith.constant 192 : index
    %swap3A_37 = tpu.vector_load %arg6[%swap3A_36] {strides = array<i32>} : memref<640xf32, #tpu.memory_space<vmem>>, vector<16xf32>,
    tpu.vector_store %arg6[%swap3A_36], %broadcast_in_dim3A_2 {strides = array<i32>} : memref<640xf32, #tpu.memory_space<vmem>>, vector<16xf32>,
    %swap3A_38 = arith.constant 208 : index
    %swap3A_39 = tpu.vector_load %arg6[%swap3A_38] {strides = array<i32>} : memref<640xf32, #tpu.memory_space<vmem>>, vector<16xf32>,
    tpu.vector_store %arg6[%swap3A_38], %broadcast_in_dim3A_2 {strides = array<i32>} : memref<640xf32, #tpu.memory_space<vmem>>, vector<16xf32>,
    %swap3A_40 = arith.constant 224 : index
    %swap3A_41 = tpu.vector_load %arg6[%swap3A_40] {strides = array<i32>} : memref<640xf32, #tpu.memory_space<vmem>>, vector<16xf32>,
    tpu.vector_store %arg6[%swap3A_40], %broadcast_in_dim3A_2 {strides = array<i32>} : memref<640xf32, #tpu.memory_space<vmem>>, vector<16xf32>,
    %swap3A_42 = arith.constant 240 : index
    %swap3A_43 = tpu.vector_load %arg6[%swap3A_42] {strides = array<i32>} : memref<640xf32, #tpu.memory_space<vmem>>, vector<16xf32>,
    tpu.vector_store %arg6[%swap3A_42], %broadcast_in_dim3A_2 {strides = array<i32>} : memref<640xf32, #tpu.memory_space<vmem>>, vector<16xf32>,
    %swap3A_44 = arith.constant 256 : index
    %swap3A_45 = tpu.vector_load %arg6[%swap3A_44] {strides = array<i32>} : memref<640xf32, #tpu.memory_space<vmem>>, vector<16xf32>,
    tpu.vector_store %arg6[%swap3A_44], %broadcast_in_dim3A_2 {strides = array<i32>} : memref<640xf32, #tpu.memory_space<vmem>>, vector<16xf32>,
    %swap3A_46 = arith.constant 272 : index
    %swap3A_47 = tpu.vector_load %arg6[%swap3A_46] {strides = array<i32>} : memref<640xf32, #tpu.memory_space<vmem>>, vector<16xf32>,
    tpu.vector_store %arg6[%swap3A_46], %broadcast_in_dim3A_2 {strides = array<i32>} : memref<640xf32, #tpu.memory_space<vmem>>, vector<16xf32>,
    %swap3A_48 = arith.constant 288 : index
    %swap3A_49 = tpu.vector_load %arg6[%swap3A_48] {strides = array<i32>} : memref<640xf32, #tpu.memory_space<vmem>>, vector<16xf32>,
    tpu.vector_store %arg6[%swap3A_48], %broadcast_in_dim3A_2 {strides = array<i32>} : memref<640xf32, #tpu.memory_space<vmem>>, vector<16xf32>,
    %swap3A_50 = arith.constant 304 : index
    %swap3A_51 = tpu.vector_load %arg6[%swap3A_50] {strides = array<i32>} : memref<640xf32, #tpu.memory_space<vmem>>, vector<16xf32>,
    tpu.vector_store %arg6[%swap3A_50], %broadcast_in_dim3A_2 {strides = array<i32>} : memref<640xf32, #tpu.memory_space<vmem>>, vector<16xf32>,
    %swap3A_52 = arith.constant 320 : index
    %swap3A_53 = tpu.vector_load %arg6[%swap3A_52] {strides = array<i32>} : memref<640xf32, #tpu.memory_space<vmem>>, vector<16xf32>,
    tpu.vector_store %arg6[%swap3A_52], %broadcast_in_dim3A_2 {strides = array<i32>} : memref<640xf32, #tpu.memory_space<vmem>>, vector<16xf32>,
    %swap3A_54 = arith.constant 336 : index
    %swap3A_55 = tpu.vector_load %arg6[%swap3A_54] {strides = array<i32>} : memref<640xf32, #tpu.memory_space<vmem>>, vector<16xf32>,
    tpu.vector_store %arg6[%swap3A_54], %broadcast_in_dim3A_2 {strides = array<i32>} : memref<640xf32, #tpu.memory_space<vmem>>, vector<16xf32>,
    %swap3A_56 = arith.constant 352 : index
    %swap3A_57 = tpu.vector_load %arg6[%swap3A_56] {strides = array<i32>} : memref<640xf32, #tpu.memory_space<vmem>>, vector<16xf32>,
    tpu.vector_store %arg6[%swap3A_56], %broadcast_in_dim3A_2 {strides = array<i32>} : memref<640xf32, #tpu.memory_space<vmem>>, vector<16xf32>,
    %swap3A_58 = arith.constant 368 : index
    %swap3A_59 = tpu.vector_load %arg6[%swap3A_58] {strides = array<i32>} : memref<640xf32, #tpu.memory_space<vmem>>, vector<16xf32>,
    tpu.vector_store %arg6[%swap3A_58], %broadcast_in_dim3A_2 {strides = array<i32>} : memref<640xf32, #tpu.memory_space<vmem>>, vector<16xf32>,
    %swap3A_60 = arith.constant 384 : index
    %swap3A_61 = tpu.vector_load %arg6[%swap3A_60] {strides = array<i32>} : memref<640xf32, #tpu.memory_space<vmem>>, vector<16xf32>,
    tpu.vector_store %arg6[%swap3A_60], %broadcast_in_dim3A_2 {strides = array<i32>} : memref<640xf32, #tpu.memory_space<vmem>>, vector<16xf32>,
    %swap3A_62 = arith.constant 400 : index
    %swap3A_63 = tpu.vector_load %arg6[%swap3A_62] {strides = array<i32>} : memref<640xf32, #tpu.memory_space<vmem>>, vector<16xf32>,
    tpu.vector_store %arg6[%swap3A_62], %broadcast_in_dim3A_2 {strides = array<i32>} : memref<640xf32, #tpu.memory_space<vmem>>, vector<16xf32>,
    %swap3A_64 = arith.constant 416 : index
    %swap3A_65 = tpu.vector_load %arg6[%swap3A_64] {strides = array<i32>} : memref<640xf32, #tpu.memory_space<vmem>>, vector<16xf32>,
    tpu.vector_store %arg6[%swap3A_64], %broadcast_in_dim3A_2 {strides = array<i32>} : memref<640xf32, #tpu.memory_space<vmem>>, vector<16xf32>,
    %swap3A_66 = arith.constant 432 : index
    %swap3A_67 = tpu.vector_load %arg6[%swap3A_66] {strides = array<i32>} : memref<640xf32, #tpu.memory_space<vmem>>, vector<16xf32>,
    tpu.vector_store %arg6[%swap3A_66], %broadcast_in_dim3A_2 {strides = array<i32>} : memref<640xf32, #tpu.memory_space<vmem>>, vector<16xf32>,
    %swap3A_68 = arith.constant 448 : index
    %swap3A_69 = tpu.vector_load %arg6[%swap3A_68] {strides = array<i32>} : memref<640xf32, #tpu.memory_space<vmem>>, vector<16xf32>,
    tpu.vector_store %arg6[%swap3A_68], %broadcast_in_dim3A_2 {strides = array<i32>} : memref<640xf32, #tpu.memory_space<vmem>>, vector<16xf32>,
    %swap3A_70 = arith.constant 464 : index
    %swap3A_71 = tpu.vector_load %arg6[%swap3A_70] {strides = array<i32>} : memref<640xf32, #tpu.memory_space<vmem>>, vector<16xf32>,
    tpu.vector_store %arg6[%swap3A_70], %broadcast_in_dim3A_2 {strides = array<i32>} : memref<640xf32, #tpu.memory_space<vmem>>, vector<16xf32>,
    %swap3A_72 = arith.constant 480 : index
    %swap3A_73 = tpu.vector_load %arg6[%swap3A_72] {strides = array<i32>} : memref<640xf32, #tpu.memory_space<vmem>>, vector<16xf32>,
    tpu.vector_store %arg6[%swap3A_72], %broadcast_in_dim3A_2 {strides = array<i32>} : memref<640xf32, #tpu.memory_space<vmem>>, vector<16xf32>,
    %swap3A_74 = arith.constant 496 : index
    %swap3A_75 = tpu.vector_load %arg6[%swap3A_74] {strides = array<i32>} : memref<640xf32, #tpu.memory_space<vmem>>, vector<16xf32>,
    tpu.vector_store %arg6[%swap3A_74], %broadcast_in_dim3A_2 {strides = array<i32>} : memref<640xf32, #tpu.memory_space<vmem>>, vector<16xf32>,
    %swap3A_76 = arith.constant 512 : index
    %swap3A_77 = tpu.vector_load %arg6[%swap3A_76] {strides = array<i32>} : memref<640xf32, #tpu.memory_space<vmem>>, vector<16xf32>,
    tpu.vector_store %arg6[%swap3A_76], %broadcast_in_dim3A_2 {strides = array<i32>} : memref<640xf32, #tpu.memory_space<vmem>>, vector<16xf32>,
    %swap3A_78 = arith.constant 528 : index
    %swap3A_79 = tpu.vector_load %arg6[%swap3A_78] {strides = array<i32>} : memref<640xf32, #tpu.memory_space<vmem>>, vector<16xf32>,
    tpu.vector_store %arg6[%swap3A_78], %broadcast_in_dim3A_2 {strides = array<i32>} : memref<640xf32, #tpu.memory_space<vmem>>, vector<16xf32>,
    %swap3A_80 = arith.constant 544 : index
    %swap3A_81 = tpu.vector_load %arg6[%swap3A_80] {strides = array<i32>} : memref<640xf32, #tpu.memory_space<vmem>>, vector<16xf32>,
    tpu.vector_store %arg6[%swap3A_80], %broadcast_in_dim3A_2 {strides = array<i32>} : memref<640xf32, #tpu.memory_space<vmem>>, vector<16xf32>,
    %swap3A_82 = arith.constant 560 : index
    %swap3A_83 = tpu.vector_load %arg6[%swap3A_82] {strides = array<i32>} : memref<640xf32, #tpu.memory_space<vmem>>, vector<16xf32>,
    tpu.vector_store %arg6[%swap3A_82], %broadcast_in_dim3A_2 {strides = array<i32>} : memref<640xf32, #tpu.memory_space<vmem>>, vector<16xf32>,
    %swap3A_84 = arith.constant 576 : index
    %swap3A_85 = tpu.vector_load %arg6[%swap3A_84] {strides = array<i32>} : memref<640xf32, #tpu.memory_space<vmem>>, vector<16xf32>,
    tpu.vector_store %arg6[%swap3A_84], %broadcast_in_dim3A_2 {strides = array<i32>} : memref<640xf32, #tpu.memory_space<vmem>>, vector<16xf32>,
    %swap3A_86 = arith.constant 592 : index
    %swap3A_87 = tpu.vector_load %arg6[%swap3A_86] {strides = array<i32>} : memref<640xf32, #tpu.memory_space<vmem>>, vector<16xf32>,
    tpu.vector_store %arg6[%swap3A_86], %broadcast_in_dim3A_2 {strides = array<i32>} : memref<640xf32, #tpu.memory_space<vmem>>, vector<16xf32>,
    %swap3A_88 = arith.constant 608 : index
    %swap3A_89 = tpu.vector_load %arg6[%swap3A_88] {strides = array<i32>} : memref<640xf32, #tpu.memory_space<vmem>>, vector<16xf32>,
    tpu.vector_store %arg6[%swap3A_88], %broadcast_in_dim3A_2 {strides = array<i32>} : memref<640xf32, #tpu.memory_space<vmem>>, vector<16xf32>,
    %swap3A_90 = arith.constant 624 : index
    %swap3A_91 = tpu.vector_load %arg6[%swap3A_90] {strides = array<i32>} : memref<640xf32, #tpu.memory_space<vmem>>, vector<16xf32>,
    tpu.vector_store %arg6[%swap3A_90], %broadcast_in_dim3A_2 {strides = array<i32>} : memref<640xf32, #tpu.memory_space<vmem>>, vector<16xf32>,
    %mul3A = arith.constant 640 : i32
    %mul3A_92 = arith.muli %arg1, %mul3A : i32
    "tpu.region"() ({
      %run_scoped3A_115 = tpu.sem_alloc : memref<!tpu.dma_semaphore, #tpu.memory_space<semaphore_mem>>
      %dma_start3A = tpu.memref_slice %arg7[%mul3A_92] : memref<10240xf32, #tpu.memory_space<vmem_shared>> -> memref<640xf32, #tpu.memory_space<vmem_shared>>
      %dma_start3A_116 = tpu.memref_slice %arg7[%mul3A_92] : memref<10240xf32, #tpu.memory_space<vmem_shared>> -> memref<640xf32, #tpu.memory_space<vmem_shared>>
      tpu.enqueue_dma source(%arg6 : memref<640xf32, #tpu.memory_space<vmem>>) target(%dma_start3A_116 : memref<640xf32, #tpu.memory_space<vmem_shared>>) target_semaphore(%run_scoped3A_115 : memref<!tpu.dma_semaphore, #tpu.memory_space<semaphore_mem>>)
      %dma_wait3A = tpu.memref_slice %arg7[%mul3A_92] : memref<10240xf32, #tpu.memory_space<vmem_shared>> -> memref<640xf32, #tpu.memory_space<vmem_shared>>
      %dma_wait3A_117 = tpu.memref_slice %arg7[%mul3A_92] : memref<10240xf32, #tpu.memory_space<vmem_shared>> -> memref<640xf32, #tpu.memory_space<vmem_shared>>
      tpu.wait_dma2 semaphore(%run_scoped3A_115 : memref<!tpu.dma_semaphore, #tpu.memory_space<semaphore_mem>>) src(%arg6 : memref<640xf32, #tpu.memory_space<vmem>>) dst(%dma_wait3A_117 : memref<640xf32, #tpu.memory_space<vmem_shared>>)
      tpu.yield
    }) : () -> ()
    %mul3A_93 = arith.constant 2 : i32
    %mul3A_94 = arith.muli %mul3A_93, %arg1 : i32
    %run_scoped3A = arith.constant 1 : i32
    "tpu.region"() ({
      %run_scoped3A_115 = tpu.sem_alloc : memref<!tpu.dma_semaphore, #tpu.memory_space<semaphore_mem>>
      %dma_start3A = arith.constant 0 : i32
      %dma_start3A_116 = arith.constant 0 : i32
      %dma_start3A_117 = tpu.memref_slice %arg4[%dma_start3A, %dma_start3A_116] : memref<250x80xi32, #tpu.memory_space<vmem>> -> memref<125x80xi32, #tpu.memory_space<vmem>>
      %dma_start3A_118 = arith.constant 0 : i32
      %dma_start3A_119 = arith.constant 0 : i32
      %dma_start3A_120 = tpu.memref_slice %arg2[%run_scoped3A, %mul3A_94, %dma_start3A_118, %dma_start3A_119] : memref<2x32x125x80xi32, #tpu.memory_space<hbm>> -> memref<1x1x125x80xi32, #tpu.memory_space<hbm>>
      %dma_start3A_121 = tpu.memref_squeeze %dma_start3A_120 : memref<1x1x125x80xi32, #tpu.memory_space<hbm>> -> memref<125x80xi32, #tpu.memory_space<hbm>>
      %dma_start3A_122 = arith.constant 0 : i32
      %dma_start3A_123 = arith.constant 0 : i32
      %dma_start3A_124 = tpu.memref_slice %arg4[%dma_start3A_122, %dma_start3A_123] : memref<250x80xi32, #tpu.memory_space<vmem>> -> memref<125x80xi32, #tpu.memory_space<vmem>>
      %dma_start3A_125 = arith.constant 0 : i32
      %dma_start3A_126 = arith.constant 0 : i32
      %dma_start3A_127 = tpu.memref_slice %arg2[%run_scoped3A, %mul3A_94, %dma_start3A_125, %dma_start3A_126] : memref<2x32x125x80xi32, #tpu.memory_space<hbm>> -> memref<1x1x125x80xi32, #tpu.memory_space<hbm>>
      %dma_start3A_128 = tpu.memref_squeeze %dma_start3A_127 : memref<1x1x125x80xi32, #tpu.memory_space<hbm>> -> memref<125x80xi32, #tpu.memory_space<hbm>>
      tpu.enqueue_dma source(%dma_start3A_128 : memref<125x80xi32, #tpu.memory_space<hbm>>) target(%dma_start3A_124 : memref<125x80xi32, #tpu.memory_space<vmem>>) target_semaphore(%run_scoped3A_115 : memref<!tpu.dma_semaphore, #tpu.memory_space<semaphore_mem>>)
      %dma_wait3A = arith.constant 0 : i32
      %dma_wait3A_129 = arith.constant 0 : i32
      %dma_wait3A_130 = tpu.memref_slice %arg4[%dma_wait3A, %dma_wait3A_129] : memref<250x80xi32, #tpu.memory_space<vmem>> -> memref<125x80xi32, #tpu.memory_space<vmem>>
      %dma_wait3A_131 = arith.constant 0 : i32
      %dma_wait3A_132 = arith.constant 0 : i32
      %dma_wait3A_133 = tpu.memref_slice %arg2[%run_scoped3A, %mul3A_94, %dma_wait3A_131, %dma_wait3A_132] : memref<2x32x125x80xi32, #tpu.memory_space<hbm>> -> memref<1x1x125x80xi32, #tpu.memory_space<hbm>>
      %dma_wait3A_134 = tpu.memref_squeeze %dma_wait3A_133 : memref<1x1x125x80xi32, #tpu.memory_space<hbm>> -> memref<125x80xi32, #tpu.memory_space<hbm>>
      %dma_wait3A_135 = arith.constant 0 : i32
      %dma_wait3A_136 = arith.constant 0 : i32
      %dma_wait3A_137 = tpu.memref_slice %arg4[%dma_wait3A_135, %dma_wait3A_136] : memref<250x80xi32, #tpu.memory_space<vmem>> -> memref<125x80xi32, #tpu.memory_space<vmem>>
      %dma_wait3A_138 = arith.constant 0 : i32
      %dma_wait3A_139 = arith.constant 0 : i32
      %dma_wait3A_140 = tpu.memref_slice %arg2[%run_scoped3A, %mul3A_94, %dma_wait3A_138, %dma_wait3A_139] : memref<2x32x125x80xi32, #tpu.memory_space<hbm>> -> memref<1x1x125x80xi32, #tpu.memory_space<hbm>>
      %dma_wait3A_141 = tpu.memref_squeeze %dma_wait3A_140 : memref<1x1x125x80xi32, #tpu.memory_space<hbm>> -> memref<125x80xi32, #tpu.memory_space<hbm>>
      tpu.wait_dma2 semaphore(%run_scoped3A_115 : memref<!tpu.dma_semaphore, #tpu.memory_space<semaphore_mem>>) src(%dma_wait3A_141 : memref<125x80xi32, #tpu.memory_space<hbm>>) dst(%dma_wait3A_137 : memref<125x80xi32, #tpu.memory_space<vmem>>)
      tpu.yield
    }) : () -> ()
    %mul3A_95 = arith.constant 2 : i32
    %mul3A_96 = arith.muli %mul3A_95, %arg1 : i32
    %add3A = arith.constant 1 : i32
    %add3A_97 = arith.addi %mul3A_96, %add3A : i32
    %run_scoped3A_98 = arith.constant 1 : i32
    "tpu.region"() ({
      %run_scoped3A_115 = tpu.sem_alloc : memref<!tpu.dma_semaphore, #tpu.memory_space<semaphore_mem>>
      %dma_start3A = arith.constant 125 : i32
      %dma_start3A_116 = arith.constant 0 : i32
      %dma_start3A_117 = tpu.memref_slice %arg4[%dma_start3A, %dma_start3A_116] : memref<250x80xi32, #tpu.memory_space<vmem>> -> memref<125x80xi32, #tpu.memory_space<vmem>>
      %dma_start3A_118 = arith.constant 0 : i32
      %dma_start3A_119 = arith.constant 0 : i32
      %dma_start3A_120 = tpu.memref_slice %arg2[%run_scoped3A_98, %add3A_97, %dma_start3A_118, %dma_start3A_119] : memref<2x32x125x80xi32, #tpu.memory_space<hbm>> -> memref<1x1x125x80xi32, #tpu.memory_space<hbm>>
      %dma_start3A_121 = tpu.memref_squeeze %dma_start3A_120 : memref<1x1x125x80xi32, #tpu.memory_space<hbm>> -> memref<125x80xi32, #tpu.memory_space<hbm>>
      %dma_start3A_122 = arith.constant 125 : i32
      %dma_start3A_123 = arith.constant 0 : i32
      %dma_start3A_124 = tpu.memref_slice %arg4[%dma_start3A_122, %dma_start3A_123] : memref<250x80xi32, #tpu.memory_space<vmem>> -> memref<125x80xi32, #tpu.memory_space<vmem>>
      %dma_start3A_125 = arith.constant 0 : i32
      %dma_start3A_126 = arith.constant 0 : i32
      %dma_start3A_127 = tpu.memref_slice %arg2[%run_scoped3A_98, %add3A_97, %dma_start3A_125, %dma_start3A_126] : memref<2x32x125x80xi32, #tpu.memory_space<hbm>> -> memref<1x1x125x80xi32, #tpu.memory_space<hbm>>
      %dma_start3A_128 = tpu.memref_squeeze %dma_start3A_127 : memref<1x1x125x80xi32, #tpu.memory_space<hbm>> -> memref<125x80xi32, #tpu.memory_space<hbm>>
      tpu.enqueue_dma source(%dma_start3A_128 : memref<125x80xi32, #tpu.memory_space<hbm>>) target(%dma_start3A_124 : memref<125x80xi32, #tpu.memory_space<vmem>>) target_semaphore(%run_scoped3A_115 : memref<!tpu.dma_semaphore, #tpu.memory_space<semaphore_mem>>)
      %dma_wait3A = arith.constant 125 : i32
      %dma_wait3A_129 = arith.constant 0 : i32
      %dma_wait3A_130 = tpu.memref_slice %arg4[%dma_wait3A, %dma_wait3A_129] : memref<250x80xi32, #tpu.memory_space<vmem>> -> memref<125x80xi32, #tpu.memory_space<vmem>>
      %dma_wait3A_131 = arith.constant 0 : i32
      %dma_wait3A_132 = arith.constant 0 : i32
      %dma_wait3A_133 = tpu.memref_slice %arg2[%run_scoped3A_98, %add3A_97, %dma_wait3A_131, %dma_wait3A_132] : memref<2x32x125x80xi32, #tpu.memory_space<hbm>> -> memref<1x1x125x80xi32, #tpu.memory_space<hbm>>
      %dma_wait3A_134 = tpu.memref_squeeze %dma_wait3A_133 : memref<1x1x125x80xi32, #tpu.memory_space<hbm>> -> memref<125x80xi32, #tpu.memory_space<hbm>>
      %dma_wait3A_135 = arith.constant 125 : i32
      %dma_wait3A_136 = arith.constant 0 : i32
      %dma_wait3A_137 = tpu.memref_slice %arg4[%dma_wait3A_135, %dma_wait3A_136] : memref<250x80xi32, #tpu.memory_space<vmem>> -> memref<125x80xi32, #tpu.memory_space<vmem>>
      %dma_wait3A_138 = arith.constant 0 : i32
      %dma_wait3A_139 = arith.constant 0 : i32
      %dma_wait3A_140 = tpu.memref_slice %arg2[%run_scoped3A_98, %add3A_97, %dma_wait3A_138, %dma_wait3A_139] : memref<2x32x125x80xi32, #tpu.memory_space<hbm>> -> memref<1x1x125x80xi32, #tpu.memory_space<hbm>>
      %dma_wait3A_141 = tpu.memref_squeeze %dma_wait3A_140 : memref<1x1x125x80xi32, #tpu.memory_space<hbm>> -> memref<125x80xi32, #tpu.memory_space<hbm>>
      tpu.wait_dma2 semaphore(%run_scoped3A_115 : memref<!tpu.dma_semaphore, #tpu.memory_space<semaphore_mem>>) src(%dma_wait3A_141 : memref<125x80xi32, #tpu.memory_space<hbm>>) dst(%dma_wait3A_137 : memref<125x80xi32, #tpu.memory_space<vmem>>)
      tpu.yield
    }) : () -> ()
    %barrier3A = arith.constant 0 : index
    tpu.barrier barrier_id(%barrier3A)
    %scan3A = arith.constant 0 : i32
    %scan3A_99 = arith.constant 0 : i32
    %scan3A_100 = arith.constant 50 : i32
    %scan3A_101 = arith.addi %scan3A_99, %scan3A_100 : i32
    %scan3A_102 = arith.constant 1 : i32
    scf.for %scan3A_115 = %scan3A_99 to %scan3A_101 step %scan3A_102  : i32 {
      %mul3A_116 = arith.constant 5 : i32
      %mul3A_117 = arith.muli %scan3A_115, %mul3A_116 : i32
      %add3A_118 = arith.constant 0 : i32
      %add3A_119 = arith.addi %mul3A_117, %add3A_118 : i32
      %dma_start3A = arith.constant 0 : i32
      %dma_start3A_120 = tpu.memref_slice %arg4[%add3A_119, %dma_start3A] : memref<250x80xi32, #tpu.memory_space<vmem>> -> memref<1x80xi32, #tpu.memory_space<vmem>>
      %dma_start3A_121 = tpu.memref_squeeze %dma_start3A_120 : memref<1x80xi32, #tpu.memory_space<vmem>> -> memref<80xi32, #tpu.memory_space<vmem>>
      %dma_start3A_122 = arith.constant 0 : i32
      %dma_start3A_123 = tpu.memref_slice %arg7[%dma_start3A_122] : memref<10240xf32, #tpu.memory_space<vmem_shared>> -> memref<10240xf32, #tpu.memory_space<vmem_shared>>
      tpu.enqueue_indirect_dma source(%arg5 : memref<80xf32, #tpu.memory_space<vmem>>) target(%dma_start3A_123 : memref<10240xf32, #tpu.memory_space<vmem_shared>>) offsets(%dma_start3A_121 : memref<80xi32, #tpu.memory_space<vmem>>) semaphore(%arg8 : memref<!tpu.dma_semaphore, #tpu.memory_space<semaphore_mem>>) {add = true}
      %mul3A_124 = arith.constant 5 : i32
      %mul3A_125 = arith.muli %scan3A_115, %mul3A_124 : i32
      %add3A_126 = arith.constant 1 : i32
      %add3A_127 = arith.addi %mul3A_125, %add3A_126 : i32
      %dma_start3A_128 = arith.constant 0 : i32
      %dma_start3A_129 = tpu.memref_slice %arg4[%add3A_127, %dma_start3A_128] : memref<250x80xi32, #tpu.memory_space<vmem>> -> memref<1x80xi32, #tpu.memory_space<vmem>>
      %dma_start3A_130 = tpu.memref_squeeze %dma_start3A_129 : memref<1x80xi32, #tpu.memory_space<vmem>> -> memref<80xi32, #tpu.memory_space<vmem>>
      %dma_start3A_131 = arith.constant 0 : i32
      %dma_start3A_132 = tpu.memref_slice %arg7[%dma_start3A_131] : memref<10240xf32, #tpu.memory_space<vmem_shared>> -> memref<10240xf32, #tpu.memory_space<vmem_shared>>
      tpu.enqueue_indirect_dma source(%arg5 : memref<80xf32, #tpu.memory_space<vmem>>) target(%dma_start3A_132 : memref<10240xf32, #tpu.memory_space<vmem_shared>>) offsets(%dma_start3A_130 : memref<80xi32, #tpu.memory_space<vmem>>) semaphore(%arg8 : memref<!tpu.dma_semaphore, #tpu.memory_space<semaphore_mem>>) {add = true}
      %mul3A_133 = arith.constant 5 : i32
      %mul3A_134 = arith.muli %scan3A_115, %mul3A_133 : i32
      %add3A_135 = arith.constant 2 : i32
      %add3A_136 = arith.addi %mul3A_134, %add3A_135 : i32
      %dma_start3A_137 = arith.constant 0 : i32
      %dma_start3A_138 = tpu.memref_slice %arg4[%add3A_136, %dma_start3A_137] : memref<250x80xi32, #tpu.memory_space<vmem>> -> memref<1x80xi32, #tpu.memory_space<vmem>>
      %dma_start3A_139 = tpu.memref_squeeze %dma_start3A_138 : memref<1x80xi32, #tpu.memory_space<vmem>> -> memref<80xi32, #tpu.memory_space<vmem>>
      %dma_start3A_140 = arith.constant 0 : i32
      %dma_start3A_141 = tpu.memref_slice %arg7[%dma_start3A_140] : memref<10240xf32, #tpu.memory_space<vmem_shared>> -> memref<10240xf32, #tpu.memory_space<vmem_shared>>
      tpu.enqueue_indirect_dma source(%arg5 : memref<80xf32, #tpu.memory_space<vmem>>) target(%dma_start3A_141 : memref<10240xf32, #tpu.memory_space<vmem_shared>>) offsets(%dma_start3A_139 : memref<80xi32, #tpu.memory_space<vmem>>) semaphore(%arg8 : memref<!tpu.dma_semaphore, #tpu.memory_space<semaphore_mem>>) {add = true}
      %mul3A_142 = arith.constant 5 : i32
      %mul3A_143 = arith.muli %scan3A_115, %mul3A_142 : i32
      %add3A_144 = arith.constant 3 : i32
      %add3A_145 = arith.addi %mul3A_143, %add3A_144 : i32
      %dma_start3A_146 = arith.constant 0 : i32
      %dma_start3A_147 = tpu.memref_slice %arg4[%add3A_145, %dma_start3A_146] : memref<250x80xi32, #tpu.memory_space<vmem>> -> memref<1x80xi32, #tpu.memory_space<vmem>>
      %dma_start3A_148 = tpu.memref_squeeze %dma_start3A_147 : memref<1x80xi32, #tpu.memory_space<vmem>> -> memref<80xi32, #tpu.memory_space<vmem>>
      %dma_start3A_149 = arith.constant 0 : i32
      %dma_start3A_150 = tpu.memref_slice %arg7[%dma_start3A_149] : memref<10240xf32, #tpu.memory_space<vmem_shared>> -> memref<10240xf32, #tpu.memory_space<vmem_shared>>
      tpu.enqueue_indirect_dma source(%arg5 : memref<80xf32, #tpu.memory_space<vmem>>) target(%dma_start3A_150 : memref<10240xf32, #tpu.memory_space<vmem_shared>>) offsets(%dma_start3A_148 : memref<80xi32, #tpu.memory_space<vmem>>) semaphore(%arg8 : memref<!tpu.dma_semaphore, #tpu.memory_space<semaphore_mem>>) {add = true}
      %mul3A_151 = arith.constant 5 : i32
      %mul3A_152 = arith.muli %scan3A_115, %mul3A_151 : i32
      %add3A_153 = arith.constant 4 : i32
      %add3A_154 = arith.addi %mul3A_152, %add3A_153 : i32
      %dma_start3A_155 = arith.constant 0 : i32
      %dma_start3A_156 = tpu.memref_slice %arg4[%add3A_154, %dma_start3A_155] : memref<250x80xi32, #tpu.memory_space<vmem>> -> memref<1x80xi32, #tpu.memory_space<vmem>>
      %dma_start3A_157 = tpu.memref_squeeze %dma_start3A_156 : memref<1x80xi32, #tpu.memory_space<vmem>> -> memref<80xi32, #tpu.memory_space<vmem>>
      %dma_start3A_158 = arith.constant 0 : i32
      %dma_start3A_159 = tpu.memref_slice %arg7[%dma_start3A_158] : memref<10240xf32, #tpu.memory_space<vmem_shared>> -> memref<10240xf32, #tpu.memory_space<vmem_shared>>
      tpu.enqueue_indirect_dma source(%arg5 : memref<80xf32, #tpu.memory_space<vmem>>) target(%dma_start3A_159 : memref<10240xf32, #tpu.memory_space<vmem_shared>>) offsets(%dma_start3A_157 : memref<80xi32, #tpu.memory_space<vmem>>) semaphore(%arg8 : memref<!tpu.dma_semaphore, #tpu.memory_space<semaphore_mem>>) {add = true}
      %mul3A_160 = arith.constant 5 : i32
      %mul3A_161 = arith.muli %scan3A_115, %mul3A_160 : i32
      %add3A_162 = arith.constant 0 : i32
      %add3A_163 = arith.addi %mul3A_161, %add3A_162 : i32
      %dma_wait3A = arith.constant 0 : i32
      %dma_wait3A_164 = tpu.memref_slice %arg4[%add3A_163, %dma_wait3A] : memref<250x80xi32, #tpu.memory_space<vmem>> -> memref<1x80xi32, #tpu.memory_space<vmem>>
      %dma_wait3A_165 = tpu.memref_squeeze %dma_wait3A_164 : memref<1x80xi32, #tpu.memory_space<vmem>> -> memref<80xi32, #tpu.memory_space<vmem>>
      %dma_wait3A_166 = arith.constant 0 : i32
      %dma_wait3A_167 = tpu.memref_slice %arg7[%dma_wait3A_166] : memref<10240xf32, #tpu.memory_space<vmem_shared>> -> memref<10240xf32, #tpu.memory_space<vmem_shared>>
      tpu.wait_indirect_dma semaphore(%arg8 : memref<!tpu.dma_semaphore, #tpu.memory_space<semaphore_mem>>) src(%arg5 : memref<80xf32, #tpu.memory_space<vmem>>) dst(%dma_wait3A_167 : memref<10240xf32, #tpu.memory_space<vmem_shared>>)
      %mul3A_168 = arith.constant 5 : i32
      %mul3A_169 = arith.muli %scan3A_115, %mul3A_168 : i32
      %add3A_170 = arith.constant 1 : i32
      %add3A_171 = arith.addi %mul3A_169, %add3A_170 : i32
      %dma_wait3A_172 = arith.constant 0 : i32
      %dma_wait3A_173 = tpu.memref_slice %arg4[%add3A_171, %dma_wait3A_172] : memref<250x80xi32, #tpu.memory_space<vmem>> -> memref<1x80xi32, #tpu.memory_space<vmem>>
      %dma_wait3A_174 = tpu.memref_squeeze %dma_wait3A_173 : memref<1x80xi32, #tpu.memory_space<vmem>> -> memref<80xi32, #tpu.memory_space<vmem>>
      %dma_wait3A_175 = arith.constant 0 : i32
      %dma_wait3A_176 = tpu.memref_slice %arg7[%dma_wait3A_175] : memref<10240xf32, #tpu.memory_space<vmem_shared>> -> memref<10240xf32, #tpu.memory_space<vmem_shared>>
      tpu.wait_indirect_dma semaphore(%arg8 : memref<!tpu.dma_semaphore, #tpu.memory_space<semaphore_mem>>) src(%arg5 : memref<80xf32, #tpu.memory_space<vmem>>) dst(%dma_wait3A_176 : memref<10240xf32, #tpu.memory_space<vmem_shared>>)
      %mul3A_177 = arith.constant 5 : i32
      %mul3A_178 = arith.muli %scan3A_115, %mul3A_177 : i32
      %add3A_179 = arith.constant 2 : i32
      %add3A_180 = arith.addi %mul3A_178, %add3A_179 : i32
      %dma_wait3A_181 = arith.constant 0 : i32
      %dma_wait3A_182 = tpu.memref_slice %arg4[%add3A_180, %dma_wait3A_181] : memref<250x80xi32, #tpu.memory_space<vmem>> -> memref<1x80xi32, #tpu.memory_space<vmem>>
      %dma_wait3A_183 = tpu.memref_squeeze %dma_wait3A_182 : memref<1x80xi32, #tpu.memory_space<vmem>> -> memref<80xi32, #tpu.memory_space<vmem>>
      %dma_wait3A_184 = arith.constant 0 : i32
      %dma_wait3A_185 = tpu.memref_slice %arg7[%dma_wait3A_184] : memref<10240xf32, #tpu.memory_space<vmem_shared>> -> memref<10240xf32, #tpu.memory_space<vmem_shared>>
      tpu.wait_indirect_dma semaphore(%arg8 : memref<!tpu.dma_semaphore, #tpu.memory_space<semaphore_mem>>) src(%arg5 : memref<80xf32, #tpu.memory_space<vmem>>) dst(%dma_wait3A_185 : memref<10240xf32, #tpu.memory_space<vmem_shared>>)
      %mul3A_186 = arith.constant 5 : i32
      %mul3A_187 = arith.muli %scan3A_115, %mul3A_186 : i32
      %add3A_188 = arith.constant 3 : i32
      %add3A_189 = arith.addi %mul3A_187, %add3A_188 : i32
      %dma_wait3A_190 = arith.constant 0 : i32
      %dma_wait3A_191 = tpu.memref_slice %arg4[%add3A_189, %dma_wait3A_190] : memref<250x80xi32, #tpu.memory_space<vmem>> -> memref<1x80xi32, #tpu.memory_space<vmem>>
      %dma_wait3A_192 = tpu.memref_squeeze %dma_wait3A_191 : memref<1x80xi32, #tpu.memory_space<vmem>> -> memref<80xi32, #tpu.memory_space<vmem>>
      %dma_wait3A_193 = arith.constant 0 : i32
      %dma_wait3A_194 = tpu.memref_slice %arg7[%dma_wait3A_193] : memref<10240xf32, #tpu.memory_space<vmem_shared>> -> memref<10240xf32, #tpu.memory_space<vmem_shared>>
      tpu.wait_indirect_dma semaphore(%arg8 : memref<!tpu.dma_semaphore, #tpu.memory_space<semaphore_mem>>) src(%arg5 : memref<80xf32, #tpu.memory_space<vmem>>) dst(%dma_wait3A_194 : memref<10240xf32, #tpu.memory_space<vmem_shared>>)
      %mul3A_195 = arith.constant 5 : i32
      %mul3A_196 = arith.muli %scan3A_115, %mul3A_195 : i32
      %add3A_197 = arith.constant 4 : i32
      %add3A_198 = arith.addi %mul3A_196, %add3A_197 : i32
      %dma_wait3A_199 = arith.constant 0 : i32
      %dma_wait3A_200 = tpu.memref_slice %arg4[%add3A_198, %dma_wait3A_199] : memref<250x80xi32, #tpu.memory_space<vmem>> -> memref<1x80xi32, #tpu.memory_space<vmem>>
      %dma_wait3A_201 = tpu.memref_squeeze %dma_wait3A_200 : memref<1x80xi32, #tpu.memory_space<vmem>> -> memref<80xi32, #tpu.memory_space<vmem>>
      %dma_wait3A_202 = arith.constant 0 : i32
      %dma_wait3A_203 = tpu.memref_slice %arg7[%dma_wait3A_202] : memref<10240xf32, #tpu.memory_space<vmem_shared>> -> memref<10240xf32, #tpu.memory_space<vmem_shared>>
      tpu.wait_indirect_dma semaphore(%arg8 : memref<!tpu.dma_semaphore, #tpu.memory_space<semaphore_mem>>) src(%arg5 : memref<80xf32, #tpu.memory_space<vmem>>) dst(%dma_wait3A_203 : memref<10240xf32, #tpu.memory_space<vmem_shared>>)
    }
    %scan3A_103 = arith.constant 50 : i32
    %barrier3A_104 = arith.constant 0 : index
    tpu.barrier barrier_id(%barrier3A_104)
    %mul3A_105 = arith.constant 640 : i32
    %mul3A_106 = arith.muli %arg1, %mul3A_105 : i32
    "tpu.region"() ({
      %run_scoped3A_115 = tpu.sem_alloc : memref<!tpu.dma_semaphore, #tpu.memory_space<semaphore_mem>>
      %dma_start3A = tpu.memref_slice %arg7[%mul3A_106] : memref<10240xf32, #tpu.memory_space<vmem_shared>> -> memref<640xf32, #tpu.memory_space<vmem_shared>>
      %dma_start3A_116 = tpu.memref_slice %arg7[%mul3A_106] : memref<10240xf32, #tpu.memory_space<vmem_shared>> -> memref<640xf32, #tpu.memory_space<vmem_shared>>
      tpu.enqueue_dma source(%dma_start3A_116 : memref<640xf32, #tpu.memory_space<vmem_shared>>) target(%arg6 : memref<640xf32, #tpu.memory_space<vmem>>) target_semaphore(%run_scoped3A_115 : memref<!tpu.dma_semaphore, #tpu.memory_space<semaphore_mem>>)
      %dma_wait3A = tpu.memref_slice %arg7[%mul3A_106] : memref<10240xf32, #tpu.memory_space<vmem_shared>> -> memref<640xf32, #tpu.memory_space<vmem_shared>>
      %dma_wait3A_117 = tpu.memref_slice %arg7[%mul3A_106] : memref<10240xf32, #tpu.memory_space<vmem_shared>> -> memref<640xf32, #tpu.memory_space<vmem_shared>>
      tpu.wait_dma2 semaphore(%run_scoped3A_115 : memref<!tpu.dma_semaphore, #tpu.memory_space<semaphore_mem>>) src(%dma_wait3A_117 : memref<640xf32, #tpu.memory_space<vmem_shared>>) dst(%arg6 : memref<640xf32, #tpu.memory_space<vmem>>)
      tpu.yield
    }) : () -> ()
    %scan3A_107 = arith.constant 0 : i32
    %scan3A_108 = arith.constant 0 : i32
    %scan3A_109 = arith.constant 40 : i32
    %scan3A_110 = arith.addi %scan3A_108, %scan3A_109 : i32
    %scan3A_111 = arith.constant 1 : i32
    scf.for %scan3A_115 = %scan3A_108 to %scan3A_110 step %scan3A_111  : i32 {
      %mul3A_116 = arith.constant 16 : i32
      %mul3A_117 = arith.muli %scan3A_115, %mul3A_116 : i32
      %get3A = arith.index_cast %mul3A_117 : i32 to index
      %get3A_118 = tpu.vector_load %arg6[%get3A] {strides = array<i32>} : memref<640xf32, #tpu.memory_space<vmem>>, vector<16xf32>,
      %mul3A_119 = arith.constant 5.000000e-01 : f32
      %mul3A_120 = vector.broadcast %mul3A_119 : f32 to vector<16xf32>
      %mul3A_121 = arith.mulf %get3A_118, %mul3A_120 : vector<16xf32>
      %bitcast3A = vector.bitcast %get3A_118 : vector<16xf32> to vector<16xi32>
      %shift_right_logical3A = arith.constant 1 : i32
      %shift_right_logical3A_122 = vector.broadcast %shift_right_logical3A : i32 to vector<16xi32>
      %shift_right_logical3A_123 = arith.shrui %bitcast3A, %shift_right_logical3A_122 : vector<16xi32>
      %sub3A = arith.constant 1597463007 : i32
      %sub3A_124 = vector.broadcast %sub3A : i32 to vector<16xi32>
      %sub3A_125 = arith.subi %sub3A_124, %shift_right_logical3A_123 : vector<16xi32>
      %bitcast3A_126 = vector.bitcast %sub3A_125 : vector<16xi32> to vector<16xf32>
      %mul3A_127 = arith.mulf %mul3A_121, %bitcast3A_126 : vector<16xf32>
      %mul3A_128 = arith.mulf %mul3A_127, %bitcast3A_126 : vector<16xf32>
      %sub3A_129 = arith.constant 1.500000e+00 : f32
      %sub3A_130 = vector.broadcast %sub3A_129 : f32 to vector<16xf32>
      %sub3A_131 = arith.subf %sub3A_130, %mul3A_128 : vector<16xf32>
      %mul3A_132 = arith.mulf %bitcast3A_126, %sub3A_131 : vector<16xf32>
      %mul3A_133 = arith.mulf %mul3A_121, %mul3A_132 : vector<16xf32>
      %mul3A_134 = arith.mulf %mul3A_133, %mul3A_132 : vector<16xf32>
      %sub3A_135 = arith.constant 1.500000e+00 : f32
      %sub3A_136 = vector.broadcast %sub3A_135 : f32 to vector<16xf32>
      %sub3A_137 = arith.subf %sub3A_136, %mul3A_134 : vector<16xf32>
      %mul3A_138 = arith.mulf %mul3A_132, %sub3A_137 : vector<16xf32>
      %mul3A_139 = arith.mulf %mul3A_121, %mul3A_138 : vector<16xf32>
      %mul3A_140 = arith.mulf %mul3A_139, %mul3A_138 : vector<16xf32>
      %sub3A_141 = arith.constant 1.500000e+00 : f32
      %sub3A_142 = vector.broadcast %sub3A_141 : f32 to vector<16xf32>
      %sub3A_143 = arith.subf %sub3A_142, %mul3A_140 : vector<16xf32>
      %mul3A_144 = arith.mulf %mul3A_138, %sub3A_143 : vector<16xf32>
      %gt3A = arith.constant 5.000000e-01 : f32
      %gt3A_145 = vector.broadcast %gt3A : f32 to vector<16xf32>
      %gt3A_146 = arith.cmpf ogt, %get3A_118, %gt3A_145 : vector<16xf32>
      %jit3A = arith.constant 0.000000e+00 : f32
      %broadcast_in_dim3A_147 = vector.broadcast %jit3A : f32 to vector<16xf32>
      %select_n3A = arith.select %gt3A_146, %mul3A_144, %broadcast_in_dim3A_147 : vector<16xi1>, vector<16xf32>
      %mul3A_148 = arith.constant 16 : i32
      %mul3A_149 = arith.muli %scan3A_115, %mul3A_148 : i32
      %swap3A_150 = arith.index_cast %mul3A_149 : i32 to index
      %swap3A_151 = tpu.vector_load %arg6[%swap3A_150] {strides = array<i32>} : memref<640xf32, #tpu.memory_space<vmem>>, vector<16xf32>,
      tpu.vector_store %arg6[%swap3A_150], %select_n3A {strides = array<i32>} : memref<640xf32, #tpu.memory_space<vmem>>, vector<16xf32>,
    }
    %scan3A_112 = arith.constant 40 : i32
    %eq3A = arith.constant 0 : i32
    %eq3A_113 = arith.cmpi eq, %arg0, %eq3A : i32
    %convert_element_type3A = arith.extui %eq3A_113 : i1 to i32
    %cond3A = arith.constant 0 : i32
    %cond3A_114 = arith.cmpi ne, %convert_element_type3A, %cond3A : i32
    scf.if %cond3A_114 {
      %mul3A_115 = arith.constant 640 : i32
      %mul3A_116 = arith.muli %arg1, %mul3A_115 : i32
      "tpu.region"() ({
        %run_scoped3A_117 = tpu.sem_alloc : memref<!tpu.dma_semaphore, #tpu.memory_space<semaphore_mem>>
        %dma_start3A = tpu.memref_slice %arg3[%mul3A_116] : memref<10240xf32, #tpu.memory_space<hbm>> -> memref<640xf32, #tpu.memory_space<hbm>>
        %dma_start3A_118 = tpu.memref_slice %arg3[%mul3A_116] : memref<10240xf32, #tpu.memory_space<hbm>> -> memref<640xf32, #tpu.memory_space<hbm>>
        tpu.enqueue_dma source(%arg6 : memref<640xf32, #tpu.memory_space<vmem>>) target(%dma_start3A_118 : memref<640xf32, #tpu.memory_space<hbm>>) target_semaphore(%run_scoped3A_117 : memref<!tpu.dma_semaphore, #tpu.memory_space<semaphore_mem>>)
        %dma_wait3A = tpu.memref_slice %arg3[%mul3A_116] : memref<10240xf32, #tpu.memory_space<hbm>> -> memref<640xf32, #tpu.memory_space<hbm>>
        %dma_wait3A_119 = tpu.memref_slice %arg3[%mul3A_116] : memref<10240xf32, #tpu.memory_space<hbm>> -> memref<640xf32, #tpu.memory_space<hbm>>
        tpu.wait_dma2 semaphore(%run_scoped3A_117 : memref<!tpu.dma_semaphore, #tpu.memory_space<semaphore_mem>>) src(%arg6 : memref<640xf32, #tpu.memory_space<vmem>>) dst(%dma_wait3A_119 : memref<640xf32, #tpu.memory_space<hbm>>)
        tpu.yield
      }) : () -> ()
    } else {
    }
    return
  }
}

#map = affine_map<(d0, d1) -> (0, 0, 0)>
#map1 = affine_map<(d0, d1) -> (0, 0, 0, 0)>
#map2 = affine_map<(d0, d1) -> (0)>
module attributes {stable_mosaic.version = 14 : i64} {
  func.func @_seg(%arg0: i32, %arg1: i32, %arg2: memref<2x10240x16xf32, #tpu.memory_space<hbm>>, %arg3: memref<2x32x125x80xi32, #tpu.memory_space<hbm>>, %arg4: memref<10240xf32, #tpu.memory_space<hbm>>, %arg5: memref<16xf32, #tpu.memory_space<hbm>>, %arg6: memref<2x10240x16xf32, #tpu.memory_space<hbm>>, %arg7: memref<125x80xi32, #tpu.memory_space<vmem>>, %arg8: memref<125x80xi32, #tpu.memory_space<vmem>>, %arg9: memref<640xf32, #tpu.memory_space<vmem>>, %arg10: memref<640x16xf32, #tpu.memory_space<vmem>>, %arg11: memref<640x16xf32, #tpu.memory_space<vmem>>, %arg12: memref<16xf32, #tpu.memory_space<vmem>>, %arg13: memref<80x16xf32, #tpu.memory_space<vmem>>, %arg14: memref<80x16xf32, #tpu.memory_space<vmem>>, %arg15: memref<80x16xf32, #tpu.memory_space<vmem>>, %arg16: memref<80x16xf32, #tpu.memory_space<vmem>>, %arg17: memref<10240x16xf32, #tpu.memory_space<vmem_shared>>, %arg18: memref<10240x16xf32, #tpu.memory_space<vmem_shared>>, %arg19: memref<!tpu.dma_semaphore, #tpu.memory_space<semaphore_mem>>, %arg20: memref<!tpu.dma_semaphore, #tpu.memory_space<semaphore_mem>>, %arg21: memref<!tpu.dma_semaphore, #tpu.memory_space<semaphore_mem>>, %arg22: memref<!tpu.dma_semaphore, #tpu.memory_space<semaphore_mem>>, %arg23: memref<!tpu.dma_semaphore, #tpu.memory_space<semaphore_mem>>, %arg24: memref<!tpu.dma_semaphore, #tpu.memory_space<semaphore_mem>>, %arg25: memref<!tpu.dma_semaphore, #tpu.memory_space<semaphore_mem>>, %arg26: memref<!tpu.dma_semaphore, #tpu.memory_space<semaphore_mem>>) attributes {dimension_semantics = [#tpu.dimension_semantics<core_parallel>, #tpu.dimension_semantics<subcore_parallel>], iteration_bounds = array<i64: 2, 16>, scalar_prefetch = 0 : i64, scratch_operands = 20 : i64, tpu.core_type = #tpu.core_type<sc_vector_subcore>, window_params = [{transform_indices = #map}, {transform_indices = #map1}, {transform_indices = #map2}, {transform_indices = #map2}, {transform_indices = #map}]} {
    %mul3A = arith.constant 2 : i32
    %mul3A_0 = arith.muli %arg1, %mul3A : i32
    %add3A = arith.addi %mul3A_0, %arg0 : i32
    %mul3A_1 = arith.constant 640 : i32
    %mul3A_2 = arith.muli %arg1, %mul3A_1 : i32
    %broadcast_in_dim3A = arith.constant 0.000000e+00 : f32
    %broadcast_in_dim3A_3 = vector.broadcast %broadcast_in_dim3A : f32 to vector<16xf32>
    %swap3A = arith.constant 0 : i32
    %swap3A_4 = arith.index_cast %swap3A : i32 to index
    %swap3A_5 = arith.constant 0 : index
    %swap3A_6 = tpu.vector_load %arg13[%swap3A_4, %swap3A_5] {strides = array<i32>} : memref<80x16xf32, #tpu.memory_space<vmem>>, vector<16xf32>,
    tpu.vector_store %arg13[%swap3A_4, %swap3A_5], %broadcast_in_dim3A_3 {strides = array<i32>} : memref<80x16xf32, #tpu.memory_space<vmem>>, vector<16xf32>,
    %swap3A_7 = arith.constant 1 : i32
    %swap3A_8 = arith.index_cast %swap3A_7 : i32 to index
    %swap3A_9 = arith.constant 0 : index
    %swap3A_10 = tpu.vector_load %arg13[%swap3A_8, %swap3A_9] {strides = array<i32>} : memref<80x16xf32, #tpu.memory_space<vmem>>, vector<16xf32>,
    tpu.vector_store %arg13[%swap3A_8, %swap3A_9], %broadcast_in_dim3A_3 {strides = array<i32>} : memref<80x16xf32, #tpu.memory_space<vmem>>, vector<16xf32>,
    %swap3A_11 = arith.constant 2 : i32
    %swap3A_12 = arith.index_cast %swap3A_11 : i32 to index
    %swap3A_13 = arith.constant 0 : index
    %swap3A_14 = tpu.vector_load %arg13[%swap3A_12, %swap3A_13] {strides = array<i32>} : memref<80x16xf32, #tpu.memory_space<vmem>>, vector<16xf32>,
    tpu.vector_store %arg13[%swap3A_12, %swap3A_13], %broadcast_in_dim3A_3 {strides = array<i32>} : memref<80x16xf32, #tpu.memory_space<vmem>>, vector<16xf32>,
    %swap3A_15 = arith.constant 3 : i32
    %swap3A_16 = arith.index_cast %swap3A_15 : i32 to index
    %swap3A_17 = arith.constant 0 : index
    %swap3A_18 = tpu.vector_load %arg13[%swap3A_16, %swap3A_17] {strides = array<i32>} : memref<80x16xf32, #tpu.memory_space<vmem>>, vector<16xf32>,
    tpu.vector_store %arg13[%swap3A_16, %swap3A_17], %broadcast_in_dim3A_3 {strides = array<i32>} : memref<80x16xf32, #tpu.memory_space<vmem>>, vector<16xf32>,
    %swap3A_19 = arith.constant 4 : i32
    %swap3A_20 = arith.index_cast %swap3A_19 : i32 to index
    %swap3A_21 = arith.constant 0 : index
    %swap3A_22 = tpu.vector_load %arg13[%swap3A_20, %swap3A_21] {strides = array<i32>} : memref<80x16xf32, #tpu.memory_space<vmem>>, vector<16xf32>,
    tpu.vector_store %arg13[%swap3A_20, %swap3A_21], %broadcast_in_dim3A_3 {strides = array<i32>} : memref<80x16xf32, #tpu.memory_space<vmem>>, vector<16xf32>,
    %swap3A_23 = arith.constant 5 : i32
    %swap3A_24 = arith.index_cast %swap3A_23 : i32 to index
    %swap3A_25 = arith.constant 0 : index
    %swap3A_26 = tpu.vector_load %arg13[%swap3A_24, %swap3A_25] {strides = array<i32>} : memref<80x16xf32, #tpu.memory_space<vmem>>, vector<16xf32>,
    tpu.vector_store %arg13[%swap3A_24, %swap3A_25], %broadcast_in_dim3A_3 {strides = array<i32>} : memref<80x16xf32, #tpu.memory_space<vmem>>, vector<16xf32>,
    %swap3A_27 = arith.constant 6 : i32
    %swap3A_28 = arith.index_cast %swap3A_27 : i32 to index
    %swap3A_29 = arith.constant 0 : index
    %swap3A_30 = tpu.vector_load %arg13[%swap3A_28, %swap3A_29] {strides = array<i32>} : memref<80x16xf32, #tpu.memory_space<vmem>>, vector<16xf32>,
    tpu.vector_store %arg13[%swap3A_28, %swap3A_29], %broadcast_in_dim3A_3 {strides = array<i32>} : memref<80x16xf32, #tpu.memory_space<vmem>>, vector<16xf32>,
    %swap3A_31 = arith.constant 7 : i32
    %swap3A_32 = arith.index_cast %swap3A_31 : i32 to index
    %swap3A_33 = arith.constant 0 : index
    %swap3A_34 = tpu.vector_load %arg13[%swap3A_32, %swap3A_33] {strides = array<i32>} : memref<80x16xf32, #tpu.memory_space<vmem>>, vector<16xf32>,
    tpu.vector_store %arg13[%swap3A_32, %swap3A_33], %broadcast_in_dim3A_3 {strides = array<i32>} : memref<80x16xf32, #tpu.memory_space<vmem>>, vector<16xf32>,
    %swap3A_35 = arith.constant 8 : i32
    %swap3A_36 = arith.index_cast %swap3A_35 : i32 to index
    %swap3A_37 = arith.constant 0 : index
    %swap3A_38 = tpu.vector_load %arg13[%swap3A_36, %swap3A_37] {strides = array<i32>} : memref<80x16xf32, #tpu.memory_space<vmem>>, vector<16xf32>,
    tpu.vector_store %arg13[%swap3A_36, %swap3A_37], %broadcast_in_dim3A_3 {strides = array<i32>} : memref<80x16xf32, #tpu.memory_space<vmem>>, vector<16xf32>,
    %swap3A_39 = arith.constant 9 : i32
    %swap3A_40 = arith.index_cast %swap3A_39 : i32 to index
    %swap3A_41 = arith.constant 0 : index
    %swap3A_42 = tpu.vector_load %arg13[%swap3A_40, %swap3A_41] {strides = array<i32>} : memref<80x16xf32, #tpu.memory_space<vmem>>, vector<16xf32>,
    tpu.vector_store %arg13[%swap3A_40, %swap3A_41], %broadcast_in_dim3A_3 {strides = array<i32>} : memref<80x16xf32, #tpu.memory_space<vmem>>, vector<16xf32>,
    %swap3A_43 = arith.constant 10 : i32
    %swap3A_44 = arith.index_cast %swap3A_43 : i32 to index
    %swap3A_45 = arith.constant 0 : index
    %swap3A_46 = tpu.vector_load %arg13[%swap3A_44, %swap3A_45] {strides = array<i32>} : memref<80x16xf32, #tpu.memory_space<vmem>>, vector<16xf32>,
    tpu.vector_store %arg13[%swap3A_44, %swap3A_45], %broadcast_in_dim3A_3 {strides = array<i32>} : memref<80x16xf32, #tpu.memory_space<vmem>>, vector<16xf32>,
    %swap3A_47 = arith.constant 11 : i32
    %swap3A_48 = arith.index_cast %swap3A_47 : i32 to index
    %swap3A_49 = arith.constant 0 : index
    %swap3A_50 = tpu.vector_load %arg13[%swap3A_48, %swap3A_49] {strides = array<i32>} : memref<80x16xf32, #tpu.memory_space<vmem>>, vector<16xf32>,
    tpu.vector_store %arg13[%swap3A_48, %swap3A_49], %broadcast_in_dim3A_3 {strides = array<i32>} : memref<80x16xf32, #tpu.memory_space<vmem>>, vector<16xf32>,
    %swap3A_51 = arith.constant 12 : i32
    %swap3A_52 = arith.index_cast %swap3A_51 : i32 to index
    %swap3A_53 = arith.constant 0 : index
    %swap3A_54 = tpu.vector_load %arg13[%swap3A_52, %swap3A_53] {strides = array<i32>} : memref<80x16xf32, #tpu.memory_space<vmem>>, vector<16xf32>,
    tpu.vector_store %arg13[%swap3A_52, %swap3A_53], %broadcast_in_dim3A_3 {strides = array<i32>} : memref<80x16xf32, #tpu.memory_space<vmem>>, vector<16xf32>,
    %swap3A_55 = arith.constant 13 : i32
    %swap3A_56 = arith.index_cast %swap3A_55 : i32 to index
    %swap3A_57 = arith.constant 0 : index
    %swap3A_58 = tpu.vector_load %arg13[%swap3A_56, %swap3A_57] {strides = array<i32>} : memref<80x16xf32, #tpu.memory_space<vmem>>, vector<16xf32>,
    tpu.vector_store %arg13[%swap3A_56, %swap3A_57], %broadcast_in_dim3A_3 {strides = array<i32>} : memref<80x16xf32, #tpu.memory_space<vmem>>, vector<16xf32>,
    %swap3A_59 = arith.constant 14 : i32
    %swap3A_60 = arith.index_cast %swap3A_59 : i32 to index
    %swap3A_61 = arith.constant 0 : index
    %swap3A_62 = tpu.vector_load %arg13[%swap3A_60, %swap3A_61] {strides = array<i32>} : memref<80x16xf32, #tpu.memory_space<vmem>>, vector<16xf32>,
    tpu.vector_store %arg13[%swap3A_60, %swap3A_61], %broadcast_in_dim3A_3 {strides = array<i32>} : memref<80x16xf32, #tpu.memory_space<vmem>>, vector<16xf32>,
    %swap3A_63 = arith.constant 15 : i32
    %swap3A_64 = arith.index_cast %swap3A_63 : i32 to index
    %swap3A_65 = arith.constant 0 : index
    %swap3A_66 = tpu.vector_load %arg13[%swap3A_64, %swap3A_65] {strides = array<i32>} : memref<80x16xf32, #tpu.memory_space<vmem>>, vector<16xf32>,
    tpu.vector_store %arg13[%swap3A_64, %swap3A_65], %broadcast_in_dim3A_3 {strides = array<i32>} : memref<80x16xf32, #tpu.memory_space<vmem>>, vector<16xf32>,
    %swap3A_67 = arith.constant 16 : i32
    %swap3A_68 = arith.index_cast %swap3A_67 : i32 to index
    %swap3A_69 = arith.constant 0 : index
    %swap3A_70 = tpu.vector_load %arg13[%swap3A_68, %swap3A_69] {strides = array<i32>} : memref<80x16xf32, #tpu.memory_space<vmem>>, vector<16xf32>,
    tpu.vector_store %arg13[%swap3A_68, %swap3A_69], %broadcast_in_dim3A_3 {strides = array<i32>} : memref<80x16xf32, #tpu.memory_space<vmem>>, vector<16xf32>,
    %swap3A_71 = arith.constant 17 : i32
    %swap3A_72 = arith.index_cast %swap3A_71 : i32 to index
    %swap3A_73 = arith.constant 0 : index
    %swap3A_74 = tpu.vector_load %arg13[%swap3A_72, %swap3A_73] {strides = array<i32>} : memref<80x16xf32, #tpu.memory_space<vmem>>, vector<16xf32>,
    tpu.vector_store %arg13[%swap3A_72, %swap3A_73], %broadcast_in_dim3A_3 {strides = array<i32>} : memref<80x16xf32, #tpu.memory_space<vmem>>, vector<16xf32>,
    %swap3A_75 = arith.constant 18 : i32
    %swap3A_76 = arith.index_cast %swap3A_75 : i32 to index
    %swap3A_77 = arith.constant 0 : index
    %swap3A_78 = tpu.vector_load %arg13[%swap3A_76, %swap3A_77] {strides = array<i32>} : memref<80x16xf32, #tpu.memory_space<vmem>>, vector<16xf32>,
    tpu.vector_store %arg13[%swap3A_76, %swap3A_77], %broadcast_in_dim3A_3 {strides = array<i32>} : memref<80x16xf32, #tpu.memory_space<vmem>>, vector<16xf32>,
    %swap3A_79 = arith.constant 19 : i32
    %swap3A_80 = arith.index_cast %swap3A_79 : i32 to index
    %swap3A_81 = arith.constant 0 : index
    %swap3A_82 = tpu.vector_load %arg13[%swap3A_80, %swap3A_81] {strides = array<i32>} : memref<80x16xf32, #tpu.memory_space<vmem>>, vector<16xf32>,
    tpu.vector_store %arg13[%swap3A_80, %swap3A_81], %broadcast_in_dim3A_3 {strides = array<i32>} : memref<80x16xf32, #tpu.memory_space<vmem>>, vector<16xf32>,
    %swap3A_83 = arith.constant 20 : i32
    %swap3A_84 = arith.index_cast %swap3A_83 : i32 to index
    %swap3A_85 = arith.constant 0 : index
    %swap3A_86 = tpu.vector_load %arg13[%swap3A_84, %swap3A_85] {strides = array<i32>} : memref<80x16xf32, #tpu.memory_space<vmem>>, vector<16xf32>,
    tpu.vector_store %arg13[%swap3A_84, %swap3A_85], %broadcast_in_dim3A_3 {strides = array<i32>} : memref<80x16xf32, #tpu.memory_space<vmem>>, vector<16xf32>,
    %swap3A_87 = arith.constant 21 : i32
    %swap3A_88 = arith.index_cast %swap3A_87 : i32 to index
    %swap3A_89 = arith.constant 0 : index
    %swap3A_90 = tpu.vector_load %arg13[%swap3A_88, %swap3A_89] {strides = array<i32>} : memref<80x16xf32, #tpu.memory_space<vmem>>, vector<16xf32>,
    tpu.vector_store %arg13[%swap3A_88, %swap3A_89], %broadcast_in_dim3A_3 {strides = array<i32>} : memref<80x16xf32, #tpu.memory_space<vmem>>, vector<16xf32>,
    %swap3A_91 = arith.constant 22 : i32
    %swap3A_92 = arith.index_cast %swap3A_91 : i32 to index
    %swap3A_93 = arith.constant 0 : index
    %swap3A_94 = tpu.vector_load %arg13[%swap3A_92, %swap3A_93] {strides = array<i32>} : memref<80x16xf32, #tpu.memory_space<vmem>>, vector<16xf32>,
    tpu.vector_store %arg13[%swap3A_92, %swap3A_93], %broadcast_in_dim3A_3 {strides = array<i32>} : memref<80x16xf32, #tpu.memory_space<vmem>>, vector<16xf32>,
    %swap3A_95 = arith.constant 23 : i32
    %swap3A_96 = arith.index_cast %swap3A_95 : i32 to index
    %swap3A_97 = arith.constant 0 : index
    %swap3A_98 = tpu.vector_load %arg13[%swap3A_96, %swap3A_97] {strides = array<i32>} : memref<80x16xf32, #tpu.memory_space<vmem>>, vector<16xf32>,
    tpu.vector_store %arg13[%swap3A_96, %swap3A_97], %broadcast_in_dim3A_3 {strides = array<i32>} : memref<80x16xf32, #tpu.memory_space<vmem>>, vector<16xf32>,
    %swap3A_99 = arith.constant 24 : i32
    %swap3A_100 = arith.index_cast %swap3A_99 : i32 to index
    %swap3A_101 = arith.constant 0 : index
    %swap3A_102 = tpu.vector_load %arg13[%swap3A_100, %swap3A_101] {strides = array<i32>} : memref<80x16xf32, #tpu.memory_space<vmem>>, vector<16xf32>,
    tpu.vector_store %arg13[%swap3A_100, %swap3A_101], %broadcast_in_dim3A_3 {strides = array<i32>} : memref<80x16xf32, #tpu.memory_space<vmem>>, vector<16xf32>,
    %swap3A_103 = arith.constant 25 : i32
    %swap3A_104 = arith.index_cast %swap3A_103 : i32 to index
    %swap3A_105 = arith.constant 0 : index
    %swap3A_106 = tpu.vector_load %arg13[%swap3A_104, %swap3A_105] {strides = array<i32>} : memref<80x16xf32, #tpu.memory_space<vmem>>, vector<16xf32>,
    tpu.vector_store %arg13[%swap3A_104, %swap3A_105], %broadcast_in_dim3A_3 {strides = array<i32>} : memref<80x16xf32, #tpu.memory_space<vmem>>, vector<16xf32>,
    %swap3A_107 = arith.constant 26 : i32
    %swap3A_108 = arith.index_cast %swap3A_107 : i32 to index
    %swap3A_109 = arith.constant 0 : index
    %swap3A_110 = tpu.vector_load %arg13[%swap3A_108, %swap3A_109] {strides = array<i32>} : memref<80x16xf32, #tpu.memory_space<vmem>>, vector<16xf32>,
    tpu.vector_store %arg13[%swap3A_108, %swap3A_109], %broadcast_in_dim3A_3 {strides = array<i32>} : memref<80x16xf32, #tpu.memory_space<vmem>>, vector<16xf32>,
    %swap3A_111 = arith.constant 27 : i32
    %swap3A_112 = arith.index_cast %swap3A_111 : i32 to index
    %swap3A_113 = arith.constant 0 : index
    %swap3A_114 = tpu.vector_load %arg13[%swap3A_112, %swap3A_113] {strides = array<i32>} : memref<80x16xf32, #tpu.memory_space<vmem>>, vector<16xf32>,
    tpu.vector_store %arg13[%swap3A_112, %swap3A_113], %broadcast_in_dim3A_3 {strides = array<i32>} : memref<80x16xf32, #tpu.memory_space<vmem>>, vector<16xf32>,
    %swap3A_115 = arith.constant 28 : i32
    %swap3A_116 = arith.index_cast %swap3A_115 : i32 to index
    %swap3A_117 = arith.constant 0 : index
    %swap3A_118 = tpu.vector_load %arg13[%swap3A_116, %swap3A_117] {strides = array<i32>} : memref<80x16xf32, #tpu.memory_space<vmem>>, vector<16xf32>,
    tpu.vector_store %arg13[%swap3A_116, %swap3A_117], %broadcast_in_dim3A_3 {strides = array<i32>} : memref<80x16xf32, #tpu.memory_space<vmem>>, vector<16xf32>,
    %swap3A_119 = arith.constant 29 : i32
    %swap3A_120 = arith.index_cast %swap3A_119 : i32 to index
    %swap3A_121 = arith.constant 0 : index
    %swap3A_122 = tpu.vector_load %arg13[%swap3A_120, %swap3A_121] {strides = array<i32>} : memref<80x16xf32, #tpu.memory_space<vmem>>, vector<16xf32>,
    tpu.vector_store %arg13[%swap3A_120, %swap3A_121], %broadcast_in_dim3A_3 {strides = array<i32>} : memref<80x16xf32, #tpu.memory_space<vmem>>, vector<16xf32>,
    %swap3A_123 = arith.constant 30 : i32
    %swap3A_124 = arith.index_cast %swap3A_123 : i32 to index
    %swap3A_125 = arith.constant 0 : index
    %swap3A_126 = tpu.vector_load %arg13[%swap3A_124, %swap3A_125] {strides = array<i32>} : memref<80x16xf32, #tpu.memory_space<vmem>>, vector<16xf32>,
    tpu.vector_store %arg13[%swap3A_124, %swap3A_125], %broadcast_in_dim3A_3 {strides = array<i32>} : memref<80x16xf32, #tpu.memory_space<vmem>>, vector<16xf32>,
    %swap3A_127 = arith.constant 31 : i32
    %swap3A_128 = arith.index_cast %swap3A_127 : i32 to index
    %swap3A_129 = arith.constant 0 : index
    %swap3A_130 = tpu.vector_load %arg13[%swap3A_128, %swap3A_129] {strides = array<i32>} : memref<80x16xf32, #tpu.memory_space<vmem>>, vector<16xf32>,
    tpu.vector_store %arg13[%swap3A_128, %swap3A_129], %broadcast_in_dim3A_3 {strides = array<i32>} : memref<80x16xf32, #tpu.memory_space<vmem>>, vector<16xf32>,
    %swap3A_131 = arith.constant 32 : i32
    %swap3A_132 = arith.index_cast %swap3A_131 : i32 to index
    %swap3A_133 = arith.constant 0 : index
    %swap3A_134 = tpu.vector_load %arg13[%swap3A_132, %swap3A_133] {strides = array<i32>} : memref<80x16xf32, #tpu.memory_space<vmem>>, vector<16xf32>,
    tpu.vector_store %arg13[%swap3A_132, %swap3A_133], %broadcast_in_dim3A_3 {strides = array<i32>} : memref<80x16xf32, #tpu.memory_space<vmem>>, vector<16xf32>,
    %swap3A_135 = arith.constant 33 : i32
    %swap3A_136 = arith.index_cast %swap3A_135 : i32 to index
    %swap3A_137 = arith.constant 0 : index
    %swap3A_138 = tpu.vector_load %arg13[%swap3A_136, %swap3A_137] {strides = array<i32>} : memref<80x16xf32, #tpu.memory_space<vmem>>, vector<16xf32>,
    tpu.vector_store %arg13[%swap3A_136, %swap3A_137], %broadcast_in_dim3A_3 {strides = array<i32>} : memref<80x16xf32, #tpu.memory_space<vmem>>, vector<16xf32>,
    %swap3A_139 = arith.constant 34 : i32
    %swap3A_140 = arith.index_cast %swap3A_139 : i32 to index
    %swap3A_141 = arith.constant 0 : index
    %swap3A_142 = tpu.vector_load %arg13[%swap3A_140, %swap3A_141] {strides = array<i32>} : memref<80x16xf32, #tpu.memory_space<vmem>>, vector<16xf32>,
    tpu.vector_store %arg13[%swap3A_140, %swap3A_141], %broadcast_in_dim3A_3 {strides = array<i32>} : memref<80x16xf32, #tpu.memory_space<vmem>>, vector<16xf32>,
    %swap3A_143 = arith.constant 35 : i32
    %swap3A_144 = arith.index_cast %swap3A_143 : i32 to index
    %swap3A_145 = arith.constant 0 : index
    %swap3A_146 = tpu.vector_load %arg13[%swap3A_144, %swap3A_145] {strides = array<i32>} : memref<80x16xf32, #tpu.memory_space<vmem>>, vector<16xf32>,
    tpu.vector_store %arg13[%swap3A_144, %swap3A_145], %broadcast_in_dim3A_3 {strides = array<i32>} : memref<80x16xf32, #tpu.memory_space<vmem>>, vector<16xf32>,
    %swap3A_147 = arith.constant 36 : i32
    %swap3A_148 = arith.index_cast %swap3A_147 : i32 to index
    %swap3A_149 = arith.constant 0 : index
    %swap3A_150 = tpu.vector_load %arg13[%swap3A_148, %swap3A_149] {strides = array<i32>} : memref<80x16xf32, #tpu.memory_space<vmem>>, vector<16xf32>,
    tpu.vector_store %arg13[%swap3A_148, %swap3A_149], %broadcast_in_dim3A_3 {strides = array<i32>} : memref<80x16xf32, #tpu.memory_space<vmem>>, vector<16xf32>,
    %swap3A_151 = arith.constant 37 : i32
    %swap3A_152 = arith.index_cast %swap3A_151 : i32 to index
    %swap3A_153 = arith.constant 0 : index
    %swap3A_154 = tpu.vector_load %arg13[%swap3A_152, %swap3A_153] {strides = array<i32>} : memref<80x16xf32, #tpu.memory_space<vmem>>, vector<16xf32>,
    tpu.vector_store %arg13[%swap3A_152, %swap3A_153], %broadcast_in_dim3A_3 {strides = array<i32>} : memref<80x16xf32, #tpu.memory_space<vmem>>, vector<16xf32>,
    %swap3A_155 = arith.constant 38 : i32
    %swap3A_156 = arith.index_cast %swap3A_155 : i32 to index
    %swap3A_157 = arith.constant 0 : index
    %swap3A_158 = tpu.vector_load %arg13[%swap3A_156, %swap3A_157] {strides = array<i32>} : memref<80x16xf32, #tpu.memory_space<vmem>>, vector<16xf32>,
    tpu.vector_store %arg13[%swap3A_156, %swap3A_157], %broadcast_in_dim3A_3 {strides = array<i32>} : memref<80x16xf32, #tpu.memory_space<vmem>>, vector<16xf32>,
    %swap3A_159 = arith.constant 39 : i32
    %swap3A_160 = arith.index_cast %swap3A_159 : i32 to index
    %swap3A_161 = arith.constant 0 : index
    %swap3A_162 = tpu.vector_load %arg13[%swap3A_160, %swap3A_161] {strides = array<i32>} : memref<80x16xf32, #tpu.memory_space<vmem>>, vector<16xf32>,
    tpu.vector_store %arg13[%swap3A_160, %swap3A_161], %broadcast_in_dim3A_3 {strides = array<i32>} : memref<80x16xf32, #tpu.memory_space<vmem>>, vector<16xf32>,
    %swap3A_163 = arith.constant 40 : i32
    %swap3A_164 = arith.index_cast %swap3A_163 : i32 to index
    %swap3A_165 = arith.constant 0 : index
    %swap3A_166 = tpu.vector_load %arg13[%swap3A_164, %swap3A_165] {strides = array<i32>} : memref<80x16xf32, #tpu.memory_space<vmem>>, vector<16xf32>,
    tpu.vector_store %arg13[%swap3A_164, %swap3A_165], %broadcast_in_dim3A_3 {strides = array<i32>} : memref<80x16xf32, #tpu.memory_space<vmem>>, vector<16xf32>,
    %swap3A_167 = arith.constant 41 : i32
    %swap3A_168 = arith.index_cast %swap3A_167 : i32 to index
    %swap3A_169 = arith.constant 0 : index
    %swap3A_170 = tpu.vector_load %arg13[%swap3A_168, %swap3A_169] {strides = array<i32>} : memref<80x16xf32, #tpu.memory_space<vmem>>, vector<16xf32>,
    tpu.vector_store %arg13[%swap3A_168, %swap3A_169], %broadcast_in_dim3A_3 {strides = array<i32>} : memref<80x16xf32, #tpu.memory_space<vmem>>, vector<16xf32>,
    %swap3A_171 = arith.constant 42 : i32
    %swap3A_172 = arith.index_cast %swap3A_171 : i32 to index
    %swap3A_173 = arith.constant 0 : index
    %swap3A_174 = tpu.vector_load %arg13[%swap3A_172, %swap3A_173] {strides = array<i32>} : memref<80x16xf32, #tpu.memory_space<vmem>>, vector<16xf32>,
    tpu.vector_store %arg13[%swap3A_172, %swap3A_173], %broadcast_in_dim3A_3 {strides = array<i32>} : memref<80x16xf32, #tpu.memory_space<vmem>>, vector<16xf32>,
    %swap3A_175 = arith.constant 43 : i32
    %swap3A_176 = arith.index_cast %swap3A_175 : i32 to index
    %swap3A_177 = arith.constant 0 : index
    %swap3A_178 = tpu.vector_load %arg13[%swap3A_176, %swap3A_177] {strides = array<i32>} : memref<80x16xf32, #tpu.memory_space<vmem>>, vector<16xf32>,
    tpu.vector_store %arg13[%swap3A_176, %swap3A_177], %broadcast_in_dim3A_3 {strides = array<i32>} : memref<80x16xf32, #tpu.memory_space<vmem>>, vector<16xf32>,
    %swap3A_179 = arith.constant 44 : i32
    %swap3A_180 = arith.index_cast %swap3A_179 : i32 to index
    %swap3A_181 = arith.constant 0 : index
    %swap3A_182 = tpu.vector_load %arg13[%swap3A_180, %swap3A_181] {strides = array<i32>} : memref<80x16xf32, #tpu.memory_space<vmem>>, vector<16xf32>,
    tpu.vector_store %arg13[%swap3A_180, %swap3A_181], %broadcast_in_dim3A_3 {strides = array<i32>} : memref<80x16xf32, #tpu.memory_space<vmem>>, vector<16xf32>,
    %swap3A_183 = arith.constant 45 : i32
    %swap3A_184 = arith.index_cast %swap3A_183 : i32 to index
    %swap3A_185 = arith.constant 0 : index
    %swap3A_186 = tpu.vector_load %arg13[%swap3A_184, %swap3A_185] {strides = array<i32>} : memref<80x16xf32, #tpu.memory_space<vmem>>, vector<16xf32>,
    tpu.vector_store %arg13[%swap3A_184, %swap3A_185], %broadcast_in_dim3A_3 {strides = array<i32>} : memref<80x16xf32, #tpu.memory_space<vmem>>, vector<16xf32>,
    %swap3A_187 = arith.constant 46 : i32
    %swap3A_188 = arith.index_cast %swap3A_187 : i32 to index
    %swap3A_189 = arith.constant 0 : index
    %swap3A_190 = tpu.vector_load %arg13[%swap3A_188, %swap3A_189] {strides = array<i32>} : memref<80x16xf32, #tpu.memory_space<vmem>>, vector<16xf32>,
    tpu.vector_store %arg13[%swap3A_188, %swap3A_189], %broadcast_in_dim3A_3 {strides = array<i32>} : memref<80x16xf32, #tpu.memory_space<vmem>>, vector<16xf32>,
    %swap3A_191 = arith.constant 47 : i32
    %swap3A_192 = arith.index_cast %swap3A_191 : i32 to index
    %swap3A_193 = arith.constant 0 : index
    %swap3A_194 = tpu.vector_load %arg13[%swap3A_192, %swap3A_193] {strides = array<i32>} : memref<80x16xf32, #tpu.memory_space<vmem>>, vector<16xf32>,
    tpu.vector_store %arg13[%swap3A_192, %swap3A_193], %broadcast_in_dim3A_3 {strides = array<i32>} : memref<80x16xf32, #tpu.memory_space<vmem>>, vector<16xf32>,
    %swap3A_195 = arith.constant 48 : i32
    %swap3A_196 = arith.index_cast %swap3A_195 : i32 to index
    %swap3A_197 = arith.constant 0 : index
    %swap3A_198 = tpu.vector_load %arg13[%swap3A_196, %swap3A_197] {strides = array<i32>} : memref<80x16xf32, #tpu.memory_space<vmem>>, vector<16xf32>,
    tpu.vector_store %arg13[%swap3A_196, %swap3A_197], %broadcast_in_dim3A_3 {strides = array<i32>} : memref<80x16xf32, #tpu.memory_space<vmem>>, vector<16xf32>,
    %swap3A_199 = arith.constant 49 : i32
    %swap3A_200 = arith.index_cast %swap3A_199 : i32 to index
    %swap3A_201 = arith.constant 0 : index
    %swap3A_202 = tpu.vector_load %arg13[%swap3A_200, %swap3A_201] {strides = array<i32>} : memref<80x16xf32, #tpu.memory_space<vmem>>, vector<16xf32>,
    tpu.vector_store %arg13[%swap3A_200, %swap3A_201], %broadcast_in_dim3A_3 {strides = array<i32>} : memref<80x16xf32, #tpu.memory_space<vmem>>, vector<16xf32>,
    %swap3A_203 = arith.constant 50 : i32
    %swap3A_204 = arith.index_cast %swap3A_203 : i32 to index
    %swap3A_205 = arith.constant 0 : index
    %swap3A_206 = tpu.vector_load %arg13[%swap3A_204, %swap3A_205] {strides = array<i32>} : memref<80x16xf32, #tpu.memory_space<vmem>>, vector<16xf32>,
    tpu.vector_store %arg13[%swap3A_204, %swap3A_205], %broadcast_in_dim3A_3 {strides = array<i32>} : memref<80x16xf32, #tpu.memory_space<vmem>>, vector<16xf32>,
    %swap3A_207 = arith.constant 51 : i32
    %swap3A_208 = arith.index_cast %swap3A_207 : i32 to index
    %swap3A_209 = arith.constant 0 : index
    %swap3A_210 = tpu.vector_load %arg13[%swap3A_208, %swap3A_209] {strides = array<i32>} : memref<80x16xf32, #tpu.memory_space<vmem>>, vector<16xf32>,
    tpu.vector_store %arg13[%swap3A_208, %swap3A_209], %broadcast_in_dim3A_3 {strides = array<i32>} : memref<80x16xf32, #tpu.memory_space<vmem>>, vector<16xf32>,
    %swap3A_211 = arith.constant 52 : i32
    %swap3A_212 = arith.index_cast %swap3A_211 : i32 to index
    %swap3A_213 = arith.constant 0 : index
    %swap3A_214 = tpu.vector_load %arg13[%swap3A_212, %swap3A_213] {strides = array<i32>} : memref<80x16xf32, #tpu.memory_space<vmem>>, vector<16xf32>,
    tpu.vector_store %arg13[%swap3A_212, %swap3A_213], %broadcast_in_dim3A_3 {strides = array<i32>} : memref<80x16xf32, #tpu.memory_space<vmem>>, vector<16xf32>,
    %swap3A_215 = arith.constant 53 : i32
    %swap3A_216 = arith.index_cast %swap3A_215 : i32 to index
    %swap3A_217 = arith.constant 0 : index
    %swap3A_218 = tpu.vector_load %arg13[%swap3A_216, %swap3A_217] {strides = array<i32>} : memref<80x16xf32, #tpu.memory_space<vmem>>, vector<16xf32>,
    tpu.vector_store %arg13[%swap3A_216, %swap3A_217], %broadcast_in_dim3A_3 {strides = array<i32>} : memref<80x16xf32, #tpu.memory_space<vmem>>, vector<16xf32>,
    %swap3A_219 = arith.constant 54 : i32
    %swap3A_220 = arith.index_cast %swap3A_219 : i32 to index
    %swap3A_221 = arith.constant 0 : index
    %swap3A_222 = tpu.vector_load %arg13[%swap3A_220, %swap3A_221] {strides = array<i32>} : memref<80x16xf32, #tpu.memory_space<vmem>>, vector<16xf32>,
    tpu.vector_store %arg13[%swap3A_220, %swap3A_221], %broadcast_in_dim3A_3 {strides = array<i32>} : memref<80x16xf32, #tpu.memory_space<vmem>>, vector<16xf32>,
    %swap3A_223 = arith.constant 55 : i32
    %swap3A_224 = arith.index_cast %swap3A_223 : i32 to index
    %swap3A_225 = arith.constant 0 : index
    %swap3A_226 = tpu.vector_load %arg13[%swap3A_224, %swap3A_225] {strides = array<i32>} : memref<80x16xf32, #tpu.memory_space<vmem>>, vector<16xf32>,
    tpu.vector_store %arg13[%swap3A_224, %swap3A_225], %broadcast_in_dim3A_3 {strides = array<i32>} : memref<80x16xf32, #tpu.memory_space<vmem>>, vector<16xf32>,
    %swap3A_227 = arith.constant 56 : i32
    %swap3A_228 = arith.index_cast %swap3A_227 : i32 to index
    %swap3A_229 = arith.constant 0 : index
    %swap3A_230 = tpu.vector_load %arg13[%swap3A_228, %swap3A_229] {strides = array<i32>} : memref<80x16xf32, #tpu.memory_space<vmem>>, vector<16xf32>,
    tpu.vector_store %arg13[%swap3A_228, %swap3A_229], %broadcast_in_dim3A_3 {strides = array<i32>} : memref<80x16xf32, #tpu.memory_space<vmem>>, vector<16xf32>,
    %swap3A_231 = arith.constant 57 : i32
    %swap3A_232 = arith.index_cast %swap3A_231 : i32 to index
    %swap3A_233 = arith.constant 0 : index
    %swap3A_234 = tpu.vector_load %arg13[%swap3A_232, %swap3A_233] {strides = array<i32>} : memref<80x16xf32, #tpu.memory_space<vmem>>, vector<16xf32>,
    tpu.vector_store %arg13[%swap3A_232, %swap3A_233], %broadcast_in_dim3A_3 {strides = array<i32>} : memref<80x16xf32, #tpu.memory_space<vmem>>, vector<16xf32>,
    %swap3A_235 = arith.constant 58 : i32
    %swap3A_236 = arith.index_cast %swap3A_235 : i32 to index
    %swap3A_237 = arith.constant 0 : index
    %swap3A_238 = tpu.vector_load %arg13[%swap3A_236, %swap3A_237] {strides = array<i32>} : memref<80x16xf32, #tpu.memory_space<vmem>>, vector<16xf32>,
    tpu.vector_store %arg13[%swap3A_236, %swap3A_237], %broadcast_in_dim3A_3 {strides = array<i32>} : memref<80x16xf32, #tpu.memory_space<vmem>>, vector<16xf32>,
    %swap3A_239 = arith.constant 59 : i32
    %swap3A_240 = arith.index_cast %swap3A_239 : i32 to index
    %swap3A_241 = arith.constant 0 : index
    %swap3A_242 = tpu.vector_load %arg13[%swap3A_240, %swap3A_241] {strides = array<i32>} : memref<80x16xf32, #tpu.memory_space<vmem>>, vector<16xf32>,
    tpu.vector_store %arg13[%swap3A_240, %swap3A_241], %broadcast_in_dim3A_3 {strides = array<i32>} : memref<80x16xf32, #tpu.memory_space<vmem>>, vector<16xf32>,
    %swap3A_243 = arith.constant 60 : i32
    %swap3A_244 = arith.index_cast %swap3A_243 : i32 to index
    %swap3A_245 = arith.constant 0 : index
    %swap3A_246 = tpu.vector_load %arg13[%swap3A_244, %swap3A_245] {strides = array<i32>} : memref<80x16xf32, #tpu.memory_space<vmem>>, vector<16xf32>,
    tpu.vector_store %arg13[%swap3A_244, %swap3A_245], %broadcast_in_dim3A_3 {strides = array<i32>} : memref<80x16xf32, #tpu.memory_space<vmem>>, vector<16xf32>,
    %swap3A_247 = arith.constant 61 : i32
    %swap3A_248 = arith.index_cast %swap3A_247 : i32 to index
    %swap3A_249 = arith.constant 0 : index
    %swap3A_250 = tpu.vector_load %arg13[%swap3A_248, %swap3A_249] {strides = array<i32>} : memref<80x16xf32, #tpu.memory_space<vmem>>, vector<16xf32>,
    tpu.vector_store %arg13[%swap3A_248, %swap3A_249], %broadcast_in_dim3A_3 {strides = array<i32>} : memref<80x16xf32, #tpu.memory_space<vmem>>, vector<16xf32>,
    %swap3A_251 = arith.constant 62 : i32
    %swap3A_252 = arith.index_cast %swap3A_251 : i32 to index
    %swap3A_253 = arith.constant 0 : index
    %swap3A_254 = tpu.vector_load %arg13[%swap3A_252, %swap3A_253] {strides = array<i32>} : memref<80x16xf32, #tpu.memory_space<vmem>>, vector<16xf32>,
    tpu.vector_store %arg13[%swap3A_252, %swap3A_253], %broadcast_in_dim3A_3 {strides = array<i32>} : memref<80x16xf32, #tpu.memory_space<vmem>>, vector<16xf32>,
    %swap3A_255 = arith.constant 63 : i32
    %swap3A_256 = arith.index_cast %swap3A_255 : i32 to index
    %swap3A_257 = arith.constant 0 : index
    %swap3A_258 = tpu.vector_load %arg13[%swap3A_256, %swap3A_257] {strides = array<i32>} : memref<80x16xf32, #tpu.memory_space<vmem>>, vector<16xf32>,
    tpu.vector_store %arg13[%swap3A_256, %swap3A_257], %broadcast_in_dim3A_3 {strides = array<i32>} : memref<80x16xf32, #tpu.memory_space<vmem>>, vector<16xf32>,
    %swap3A_259 = arith.constant 64 : i32
    %swap3A_260 = arith.index_cast %swap3A_259 : i32 to index
    %swap3A_261 = arith.constant 0 : index
    %swap3A_262 = tpu.vector_load %arg13[%swap3A_260, %swap3A_261] {strides = array<i32>} : memref<80x16xf32, #tpu.memory_space<vmem>>, vector<16xf32>,
    tpu.vector_store %arg13[%swap3A_260, %swap3A_261], %broadcast_in_dim3A_3 {strides = array<i32>} : memref<80x16xf32, #tpu.memory_space<vmem>>, vector<16xf32>,
    %swap3A_263 = arith.constant 65 : i32
    %swap3A_264 = arith.index_cast %swap3A_263 : i32 to index
    %swap3A_265 = arith.constant 0 : index
    %swap3A_266 = tpu.vector_load %arg13[%swap3A_264, %swap3A_265] {strides = array<i32>} : memref<80x16xf32, #tpu.memory_space<vmem>>, vector<16xf32>,
    tpu.vector_store %arg13[%swap3A_264, %swap3A_265], %broadcast_in_dim3A_3 {strides = array<i32>} : memref<80x16xf32, #tpu.memory_space<vmem>>, vector<16xf32>,
    %swap3A_267 = arith.constant 66 : i32
    %swap3A_268 = arith.index_cast %swap3A_267 : i32 to index
    %swap3A_269 = arith.constant 0 : index
    %swap3A_270 = tpu.vector_load %arg13[%swap3A_268, %swap3A_269] {strides = array<i32>} : memref<80x16xf32, #tpu.memory_space<vmem>>, vector<16xf32>,
    tpu.vector_store %arg13[%swap3A_268, %swap3A_269], %broadcast_in_dim3A_3 {strides = array<i32>} : memref<80x16xf32, #tpu.memory_space<vmem>>, vector<16xf32>,
    %swap3A_271 = arith.constant 67 : i32
    %swap3A_272 = arith.index_cast %swap3A_271 : i32 to index
    %swap3A_273 = arith.constant 0 : index
    %swap3A_274 = tpu.vector_load %arg13[%swap3A_272, %swap3A_273] {strides = array<i32>} : memref<80x16xf32, #tpu.memory_space<vmem>>, vector<16xf32>,
    tpu.vector_store %arg13[%swap3A_272, %swap3A_273], %broadcast_in_dim3A_3 {strides = array<i32>} : memref<80x16xf32, #tpu.memory_space<vmem>>, vector<16xf32>,
    %swap3A_275 = arith.constant 68 : i32
    %swap3A_276 = arith.index_cast %swap3A_275 : i32 to index
    %swap3A_277 = arith.constant 0 : index
    %swap3A_278 = tpu.vector_load %arg13[%swap3A_276, %swap3A_277] {strides = array<i32>} : memref<80x16xf32, #tpu.memory_space<vmem>>, vector<16xf32>,
    tpu.vector_store %arg13[%swap3A_276, %swap3A_277], %broadcast_in_dim3A_3 {strides = array<i32>} : memref<80x16xf32, #tpu.memory_space<vmem>>, vector<16xf32>,
    %swap3A_279 = arith.constant 69 : i32
    %swap3A_280 = arith.index_cast %swap3A_279 : i32 to index
    %swap3A_281 = arith.constant 0 : index
    %swap3A_282 = tpu.vector_load %arg13[%swap3A_280, %swap3A_281] {strides = array<i32>} : memref<80x16xf32, #tpu.memory_space<vmem>>, vector<16xf32>,
    tpu.vector_store %arg13[%swap3A_280, %swap3A_281], %broadcast_in_dim3A_3 {strides = array<i32>} : memref<80x16xf32, #tpu.memory_space<vmem>>, vector<16xf32>,
    %swap3A_283 = arith.constant 70 : i32
    %swap3A_284 = arith.index_cast %swap3A_283 : i32 to index
    %swap3A_285 = arith.constant 0 : index
    %swap3A_286 = tpu.vector_load %arg13[%swap3A_284, %swap3A_285] {strides = array<i32>} : memref<80x16xf32, #tpu.memory_space<vmem>>, vector<16xf32>,
    tpu.vector_store %arg13[%swap3A_284, %swap3A_285], %broadcast_in_dim3A_3 {strides = array<i32>} : memref<80x16xf32, #tpu.memory_space<vmem>>, vector<16xf32>,
    %swap3A_287 = arith.constant 71 : i32
    %swap3A_288 = arith.index_cast %swap3A_287 : i32 to index
    %swap3A_289 = arith.constant 0 : index
    %swap3A_290 = tpu.vector_load %arg13[%swap3A_288, %swap3A_289] {strides = array<i32>} : memref<80x16xf32, #tpu.memory_space<vmem>>, vector<16xf32>,
    tpu.vector_store %arg13[%swap3A_288, %swap3A_289], %broadcast_in_dim3A_3 {strides = array<i32>} : memref<80x16xf32, #tpu.memory_space<vmem>>, vector<16xf32>,
    %swap3A_291 = arith.constant 72 : i32
    %swap3A_292 = arith.index_cast %swap3A_291 : i32 to index
    %swap3A_293 = arith.constant 0 : index
    %swap3A_294 = tpu.vector_load %arg13[%swap3A_292, %swap3A_293] {strides = array<i32>} : memref<80x16xf32, #tpu.memory_space<vmem>>, vector<16xf32>,
    tpu.vector_store %arg13[%swap3A_292, %swap3A_293], %broadcast_in_dim3A_3 {strides = array<i32>} : memref<80x16xf32, #tpu.memory_space<vmem>>, vector<16xf32>,
    %swap3A_295 = arith.constant 73 : i32
    %swap3A_296 = arith.index_cast %swap3A_295 : i32 to index
    %swap3A_297 = arith.constant 0 : index
    %swap3A_298 = tpu.vector_load %arg13[%swap3A_296, %swap3A_297] {strides = array<i32>} : memref<80x16xf32, #tpu.memory_space<vmem>>, vector<16xf32>,
    tpu.vector_store %arg13[%swap3A_296, %swap3A_297], %broadcast_in_dim3A_3 {strides = array<i32>} : memref<80x16xf32, #tpu.memory_space<vmem>>, vector<16xf32>,
    %swap3A_299 = arith.constant 74 : i32
    %swap3A_300 = arith.index_cast %swap3A_299 : i32 to index
    %swap3A_301 = arith.constant 0 : index
    %swap3A_302 = tpu.vector_load %arg13[%swap3A_300, %swap3A_301] {strides = array<i32>} : memref<80x16xf32, #tpu.memory_space<vmem>>, vector<16xf32>,
    tpu.vector_store %arg13[%swap3A_300, %swap3A_301], %broadcast_in_dim3A_3 {strides = array<i32>} : memref<80x16xf32, #tpu.memory_space<vmem>>, vector<16xf32>,
    %swap3A_303 = arith.constant 75 : i32
    %swap3A_304 = arith.index_cast %swap3A_303 : i32 to index
    %swap3A_305 = arith.constant 0 : index
    %swap3A_306 = tpu.vector_load %arg13[%swap3A_304, %swap3A_305] {strides = array<i32>} : memref<80x16xf32, #tpu.memory_space<vmem>>, vector<16xf32>,
    tpu.vector_store %arg13[%swap3A_304, %swap3A_305], %broadcast_in_dim3A_3 {strides = array<i32>} : memref<80x16xf32, #tpu.memory_space<vmem>>, vector<16xf32>,
    %swap3A_307 = arith.constant 76 : i32
    %swap3A_308 = arith.index_cast %swap3A_307 : i32 to index
    %swap3A_309 = arith.constant 0 : index
    %swap3A_310 = tpu.vector_load %arg13[%swap3A_308, %swap3A_309] {strides = array<i32>} : memref<80x16xf32, #tpu.memory_space<vmem>>, vector<16xf32>,
    tpu.vector_store %arg13[%swap3A_308, %swap3A_309], %broadcast_in_dim3A_3 {strides = array<i32>} : memref<80x16xf32, #tpu.memory_space<vmem>>, vector<16xf32>,
    %swap3A_311 = arith.constant 77 : i32
    %swap3A_312 = arith.index_cast %swap3A_311 : i32 to index
    %swap3A_313 = arith.constant 0 : index
    %swap3A_314 = tpu.vector_load %arg13[%swap3A_312, %swap3A_313] {strides = array<i32>} : memref<80x16xf32, #tpu.memory_space<vmem>>, vector<16xf32>,
    tpu.vector_store %arg13[%swap3A_312, %swap3A_313], %broadcast_in_dim3A_3 {strides = array<i32>} : memref<80x16xf32, #tpu.memory_space<vmem>>, vector<16xf32>,
    %swap3A_315 = arith.constant 78 : i32
    %swap3A_316 = arith.index_cast %swap3A_315 : i32 to index
    %swap3A_317 = arith.constant 0 : index
    %swap3A_318 = tpu.vector_load %arg13[%swap3A_316, %swap3A_317] {strides = array<i32>} : memref<80x16xf32, #tpu.memory_space<vmem>>, vector<16xf32>,
    tpu.vector_store %arg13[%swap3A_316, %swap3A_317], %broadcast_in_dim3A_3 {strides = array<i32>} : memref<80x16xf32, #tpu.memory_space<vmem>>, vector<16xf32>,
    %swap3A_319 = arith.constant 79 : i32
    %swap3A_320 = arith.index_cast %swap3A_319 : i32 to index
    %swap3A_321 = arith.constant 0 : index
    %swap3A_322 = tpu.vector_load %arg13[%swap3A_320, %swap3A_321] {strides = array<i32>} : memref<80x16xf32, #tpu.memory_space<vmem>>, vector<16xf32>,
    tpu.vector_store %arg13[%swap3A_320, %swap3A_321], %broadcast_in_dim3A_3 {strides = array<i32>} : memref<80x16xf32, #tpu.memory_space<vmem>>, vector<16xf32>,
    %add3A_323 = arith.constant 0 : i32
    %add3A_324 = arith.addi %mul3A_2, %add3A_323 : i32
    "tpu.region"() ({
      %run_scoped3A_429 = tpu.sem_alloc : memref<!tpu.dma_semaphore, #tpu.memory_space<semaphore_mem>>
      %dma_start3A_430 = arith.constant 0 : i32
      %dma_start3A_431 = tpu.memref_slice %arg18[%add3A_324, %dma_start3A_430] : memref<10240x16xf32, #tpu.memory_space<vmem_shared>> -> memref<80x16xf32, #tpu.memory_space<vmem_shared>>
      %dma_start3A_432 = arith.constant 0 : i32
      %dma_start3A_433 = tpu.memref_slice %arg18[%add3A_324, %dma_start3A_432] : memref<10240x16xf32, #tpu.memory_space<vmem_shared>> -> memref<80x16xf32, #tpu.memory_space<vmem_shared>>
      tpu.enqueue_dma source(%arg13 : memref<80x16xf32, #tpu.memory_space<vmem>>) target(%dma_start3A_433 : memref<80x16xf32, #tpu.memory_space<vmem_shared>>) target_semaphore(%run_scoped3A_429 : memref<!tpu.dma_semaphore, #tpu.memory_space<semaphore_mem>>)
      %dma_wait3A_434 = arith.constant 0 : i32
      %dma_wait3A_435 = tpu.memref_slice %arg18[%add3A_324, %dma_wait3A_434] : memref<10240x16xf32, #tpu.memory_space<vmem_shared>> -> memref<80x16xf32, #tpu.memory_space<vmem_shared>>
      %dma_wait3A_436 = arith.constant 0 : i32
      %dma_wait3A_437 = tpu.memref_slice %arg18[%add3A_324, %dma_wait3A_436] : memref<10240x16xf32, #tpu.memory_space<vmem_shared>> -> memref<80x16xf32, #tpu.memory_space<vmem_shared>>
      tpu.wait_dma2 semaphore(%run_scoped3A_429 : memref<!tpu.dma_semaphore, #tpu.memory_space<semaphore_mem>>) src(%arg13 : memref<80x16xf32, #tpu.memory_space<vmem>>) dst(%dma_wait3A_437 : memref<80x16xf32, #tpu.memory_space<vmem_shared>>)
      tpu.yield
    }) : () -> ()
    %add3A_325 = arith.constant 80 : i32
    %add3A_326 = arith.addi %mul3A_2, %add3A_325 : i32
    "tpu.region"() ({
      %run_scoped3A_429 = tpu.sem_alloc : memref<!tpu.dma_semaphore, #tpu.memory_space<semaphore_mem>>
      %dma_start3A_430 = arith.constant 0 : i32
      %dma_start3A_431 = tpu.memref_slice %arg18[%add3A_326, %dma_start3A_430] : memref<10240x16xf32, #tpu.memory_space<vmem_shared>> -> memref<80x16xf32, #tpu.memory_space<vmem_shared>>
      %dma_start3A_432 = arith.constant 0 : i32
      %dma_start3A_433 = tpu.memref_slice %arg18[%add3A_326, %dma_start3A_432] : memref<10240x16xf32, #tpu.memory_space<vmem_shared>> -> memref<80x16xf32, #tpu.memory_space<vmem_shared>>
      tpu.enqueue_dma source(%arg13 : memref<80x16xf32, #tpu.memory_space<vmem>>) target(%dma_start3A_433 : memref<80x16xf32, #tpu.memory_space<vmem_shared>>) target_semaphore(%run_scoped3A_429 : memref<!tpu.dma_semaphore, #tpu.memory_space<semaphore_mem>>)
      %dma_wait3A_434 = arith.constant 0 : i32
      %dma_wait3A_435 = tpu.memref_slice %arg18[%add3A_326, %dma_wait3A_434] : memref<10240x16xf32, #tpu.memory_space<vmem_shared>> -> memref<80x16xf32, #tpu.memory_space<vmem_shared>>
      %dma_wait3A_436 = arith.constant 0 : i32
      %dma_wait3A_437 = tpu.memref_slice %arg18[%add3A_326, %dma_wait3A_436] : memref<10240x16xf32, #tpu.memory_space<vmem_shared>> -> memref<80x16xf32, #tpu.memory_space<vmem_shared>>
      tpu.wait_dma2 semaphore(%run_scoped3A_429 : memref<!tpu.dma_semaphore, #tpu.memory_space<semaphore_mem>>) src(%arg13 : memref<80x16xf32, #tpu.memory_space<vmem>>) dst(%dma_wait3A_437 : memref<80x16xf32, #tpu.memory_space<vmem_shared>>)
      tpu.yield
    }) : () -> ()
    %add3A_327 = arith.constant 160 : i32
    %add3A_328 = arith.addi %mul3A_2, %add3A_327 : i32
    "tpu.region"() ({
      %run_scoped3A_429 = tpu.sem_alloc : memref<!tpu.dma_semaphore, #tpu.memory_space<semaphore_mem>>
      %dma_start3A_430 = arith.constant 0 : i32
      %dma_start3A_431 = tpu.memref_slice %arg18[%add3A_328, %dma_start3A_430] : memref<10240x16xf32, #tpu.memory_space<vmem_shared>> -> memref<80x16xf32, #tpu.memory_space<vmem_shared>>
      %dma_start3A_432 = arith.constant 0 : i32
      %dma_start3A_433 = tpu.memref_slice %arg18[%add3A_328, %dma_start3A_432] : memref<10240x16xf32, #tpu.memory_space<vmem_shared>> -> memref<80x16xf32, #tpu.memory_space<vmem_shared>>
      tpu.enqueue_dma source(%arg13 : memref<80x16xf32, #tpu.memory_space<vmem>>) target(%dma_start3A_433 : memref<80x16xf32, #tpu.memory_space<vmem_shared>>) target_semaphore(%run_scoped3A_429 : memref<!tpu.dma_semaphore, #tpu.memory_space<semaphore_mem>>)
      %dma_wait3A_434 = arith.constant 0 : i32
      %dma_wait3A_435 = tpu.memref_slice %arg18[%add3A_328, %dma_wait3A_434] : memref<10240x16xf32, #tpu.memory_space<vmem_shared>> -> memref<80x16xf32, #tpu.memory_space<vmem_shared>>
      %dma_wait3A_436 = arith.constant 0 : i32
      %dma_wait3A_437 = tpu.memref_slice %arg18[%add3A_328, %dma_wait3A_436] : memref<10240x16xf32, #tpu.memory_space<vmem_shared>> -> memref<80x16xf32, #tpu.memory_space<vmem_shared>>
      tpu.wait_dma2 semaphore(%run_scoped3A_429 : memref<!tpu.dma_semaphore, #tpu.memory_space<semaphore_mem>>) src(%arg13 : memref<80x16xf32, #tpu.memory_space<vmem>>) dst(%dma_wait3A_437 : memref<80x16xf32, #tpu.memory_space<vmem_shared>>)
      tpu.yield
    }) : () -> ()
    %add3A_329 = arith.constant 240 : i32
    %add3A_330 = arith.addi %mul3A_2, %add3A_329 : i32
    "tpu.region"() ({
      %run_scoped3A_429 = tpu.sem_alloc : memref<!tpu.dma_semaphore, #tpu.memory_space<semaphore_mem>>
      %dma_start3A_430 = arith.constant 0 : i32
      %dma_start3A_431 = tpu.memref_slice %arg18[%add3A_330, %dma_start3A_430] : memref<10240x16xf32, #tpu.memory_space<vmem_shared>> -> memref<80x16xf32, #tpu.memory_space<vmem_shared>>
      %dma_start3A_432 = arith.constant 0 : i32
      %dma_start3A_433 = tpu.memref_slice %arg18[%add3A_330, %dma_start3A_432] : memref<10240x16xf32, #tpu.memory_space<vmem_shared>> -> memref<80x16xf32, #tpu.memory_space<vmem_shared>>
      tpu.enqueue_dma source(%arg13 : memref<80x16xf32, #tpu.memory_space<vmem>>) target(%dma_start3A_433 : memref<80x16xf32, #tpu.memory_space<vmem_shared>>) target_semaphore(%run_scoped3A_429 : memref<!tpu.dma_semaphore, #tpu.memory_space<semaphore_mem>>)
      %dma_wait3A_434 = arith.constant 0 : i32
      %dma_wait3A_435 = tpu.memref_slice %arg18[%add3A_330, %dma_wait3A_434] : memref<10240x16xf32, #tpu.memory_space<vmem_shared>> -> memref<80x16xf32, #tpu.memory_space<vmem_shared>>
      %dma_wait3A_436 = arith.constant 0 : i32
      %dma_wait3A_437 = tpu.memref_slice %arg18[%add3A_330, %dma_wait3A_436] : memref<10240x16xf32, #tpu.memory_space<vmem_shared>> -> memref<80x16xf32, #tpu.memory_space<vmem_shared>>
      tpu.wait_dma2 semaphore(%run_scoped3A_429 : memref<!tpu.dma_semaphore, #tpu.memory_space<semaphore_mem>>) src(%arg13 : memref<80x16xf32, #tpu.memory_space<vmem>>) dst(%dma_wait3A_437 : memref<80x16xf32, #tpu.memory_space<vmem_shared>>)
      tpu.yield
    }) : () -> ()
    %add3A_331 = arith.constant 320 : i32
    %add3A_332 = arith.addi %mul3A_2, %add3A_331 : i32
    "tpu.region"() ({
      %run_scoped3A_429 = tpu.sem_alloc : memref<!tpu.dma_semaphore, #tpu.memory_space<semaphore_mem>>
      %dma_start3A_430 = arith.constant 0 : i32
      %dma_start3A_431 = tpu.memref_slice %arg18[%add3A_332, %dma_start3A_430] : memref<10240x16xf32, #tpu.memory_space<vmem_shared>> -> memref<80x16xf32, #tpu.memory_space<vmem_shared>>
      %dma_start3A_432 = arith.constant 0 : i32
      %dma_start3A_433 = tpu.memref_slice %arg18[%add3A_332, %dma_start3A_432] : memref<10240x16xf32, #tpu.memory_space<vmem_shared>> -> memref<80x16xf32, #tpu.memory_space<vmem_shared>>
      tpu.enqueue_dma source(%arg13 : memref<80x16xf32, #tpu.memory_space<vmem>>) target(%dma_start3A_433 : memref<80x16xf32, #tpu.memory_space<vmem_shared>>) target_semaphore(%run_scoped3A_429 : memref<!tpu.dma_semaphore, #tpu.memory_space<semaphore_mem>>)
      %dma_wait3A_434 = arith.constant 0 : i32
      %dma_wait3A_435 = tpu.memref_slice %arg18[%add3A_332, %dma_wait3A_434] : memref<10240x16xf32, #tpu.memory_space<vmem_shared>> -> memref<80x16xf32, #tpu.memory_space<vmem_shared>>
      %dma_wait3A_436 = arith.constant 0 : i32
      %dma_wait3A_437 = tpu.memref_slice %arg18[%add3A_332, %dma_wait3A_436] : memref<10240x16xf32, #tpu.memory_space<vmem_shared>> -> memref<80x16xf32, #tpu.memory_space<vmem_shared>>
      tpu.wait_dma2 semaphore(%run_scoped3A_429 : memref<!tpu.dma_semaphore, #tpu.memory_space<semaphore_mem>>) src(%arg13 : memref<80x16xf32, #tpu.memory_space<vmem>>) dst(%dma_wait3A_437 : memref<80x16xf32, #tpu.memory_space<vmem_shared>>)
      tpu.yield
    }) : () -> ()
    %add3A_333 = arith.constant 400 : i32
    %add3A_334 = arith.addi %mul3A_2, %add3A_333 : i32
    "tpu.region"() ({
      %run_scoped3A_429 = tpu.sem_alloc : memref<!tpu.dma_semaphore, #tpu.memory_space<semaphore_mem>>
      %dma_start3A_430 = arith.constant 0 : i32
      %dma_start3A_431 = tpu.memref_slice %arg18[%add3A_334, %dma_start3A_430] : memref<10240x16xf32, #tpu.memory_space<vmem_shared>> -> memref<80x16xf32, #tpu.memory_space<vmem_shared>>
      %dma_start3A_432 = arith.constant 0 : i32
      %dma_start3A_433 = tpu.memref_slice %arg18[%add3A_334, %dma_start3A_432] : memref<10240x16xf32, #tpu.memory_space<vmem_shared>> -> memref<80x16xf32, #tpu.memory_space<vmem_shared>>
      tpu.enqueue_dma source(%arg13 : memref<80x16xf32, #tpu.memory_space<vmem>>) target(%dma_start3A_433 : memref<80x16xf32, #tpu.memory_space<vmem_shared>>) target_semaphore(%run_scoped3A_429 : memref<!tpu.dma_semaphore, #tpu.memory_space<semaphore_mem>>)
      %dma_wait3A_434 = arith.constant 0 : i32
      %dma_wait3A_435 = tpu.memref_slice %arg18[%add3A_334, %dma_wait3A_434] : memref<10240x16xf32, #tpu.memory_space<vmem_shared>> -> memref<80x16xf32, #tpu.memory_space<vmem_shared>>
      %dma_wait3A_436 = arith.constant 0 : i32
      %dma_wait3A_437 = tpu.memref_slice %arg18[%add3A_334, %dma_wait3A_436] : memref<10240x16xf32, #tpu.memory_space<vmem_shared>> -> memref<80x16xf32, #tpu.memory_space<vmem_shared>>
      tpu.wait_dma2 semaphore(%run_scoped3A_429 : memref<!tpu.dma_semaphore, #tpu.memory_space<semaphore_mem>>) src(%arg13 : memref<80x16xf32, #tpu.memory_space<vmem>>) dst(%dma_wait3A_437 : memref<80x16xf32, #tpu.memory_space<vmem_shared>>)
      tpu.yield
    }) : () -> ()
    %add3A_335 = arith.constant 480 : i32
    %add3A_336 = arith.addi %mul3A_2, %add3A_335 : i32
    "tpu.region"() ({
      %run_scoped3A_429 = tpu.sem_alloc : memref<!tpu.dma_semaphore, #tpu.memory_space<semaphore_mem>>
      %dma_start3A_430 = arith.constant 0 : i32
      %dma_start3A_431 = tpu.memref_slice %arg18[%add3A_336, %dma_start3A_430] : memref<10240x16xf32, #tpu.memory_space<vmem_shared>> -> memref<80x16xf32, #tpu.memory_space<vmem_shared>>
      %dma_start3A_432 = arith.constant 0 : i32
      %dma_start3A_433 = tpu.memref_slice %arg18[%add3A_336, %dma_start3A_432] : memref<10240x16xf32, #tpu.memory_space<vmem_shared>> -> memref<80x16xf32, #tpu.memory_space<vmem_shared>>
      tpu.enqueue_dma source(%arg13 : memref<80x16xf32, #tpu.memory_space<vmem>>) target(%dma_start3A_433 : memref<80x16xf32, #tpu.memory_space<vmem_shared>>) target_semaphore(%run_scoped3A_429 : memref<!tpu.dma_semaphore, #tpu.memory_space<semaphore_mem>>)
      %dma_wait3A_434 = arith.constant 0 : i32
      %dma_wait3A_435 = tpu.memref_slice %arg18[%add3A_336, %dma_wait3A_434] : memref<10240x16xf32, #tpu.memory_space<vmem_shared>> -> memref<80x16xf32, #tpu.memory_space<vmem_shared>>
      %dma_wait3A_436 = arith.constant 0 : i32
      %dma_wait3A_437 = tpu.memref_slice %arg18[%add3A_336, %dma_wait3A_436] : memref<10240x16xf32, #tpu.memory_space<vmem_shared>> -> memref<80x16xf32, #tpu.memory_space<vmem_shared>>
      tpu.wait_dma2 semaphore(%run_scoped3A_429 : memref<!tpu.dma_semaphore, #tpu.memory_space<semaphore_mem>>) src(%arg13 : memref<80x16xf32, #tpu.memory_space<vmem>>) dst(%dma_wait3A_437 : memref<80x16xf32, #tpu.memory_space<vmem_shared>>)
      tpu.yield
    }) : () -> ()
    %add3A_337 = arith.constant 560 : i32
    %add3A_338 = arith.addi %mul3A_2, %add3A_337 : i32
    "tpu.region"() ({
      %run_scoped3A_429 = tpu.sem_alloc : memref<!tpu.dma_semaphore, #tpu.memory_space<semaphore_mem>>
      %dma_start3A_430 = arith.constant 0 : i32
      %dma_start3A_431 = tpu.memref_slice %arg18[%add3A_338, %dma_start3A_430] : memref<10240x16xf32, #tpu.memory_space<vmem_shared>> -> memref<80x16xf32, #tpu.memory_space<vmem_shared>>
      %dma_start3A_432 = arith.constant 0 : i32
      %dma_start3A_433 = tpu.memref_slice %arg18[%add3A_338, %dma_start3A_432] : memref<10240x16xf32, #tpu.memory_space<vmem_shared>> -> memref<80x16xf32, #tpu.memory_space<vmem_shared>>
      tpu.enqueue_dma source(%arg13 : memref<80x16xf32, #tpu.memory_space<vmem>>) target(%dma_start3A_433 : memref<80x16xf32, #tpu.memory_space<vmem_shared>>) target_semaphore(%run_scoped3A_429 : memref<!tpu.dma_semaphore, #tpu.memory_space<semaphore_mem>>)
      %dma_wait3A_434 = arith.constant 0 : i32
      %dma_wait3A_435 = tpu.memref_slice %arg18[%add3A_338, %dma_wait3A_434] : memref<10240x16xf32, #tpu.memory_space<vmem_shared>> -> memref<80x16xf32, #tpu.memory_space<vmem_shared>>
      %dma_wait3A_436 = arith.constant 0 : i32
      %dma_wait3A_437 = tpu.memref_slice %arg18[%add3A_338, %dma_wait3A_436] : memref<10240x16xf32, #tpu.memory_space<vmem_shared>> -> memref<80x16xf32, #tpu.memory_space<vmem_shared>>
      tpu.wait_dma2 semaphore(%run_scoped3A_429 : memref<!tpu.dma_semaphore, #tpu.memory_space<semaphore_mem>>) src(%arg13 : memref<80x16xf32, #tpu.memory_space<vmem>>) dst(%dma_wait3A_437 : memref<80x16xf32, #tpu.memory_space<vmem_shared>>)
      tpu.yield
    }) : () -> ()
    "tpu.region"() ({
      %run_scoped3A_429 = tpu.sem_alloc : memref<!tpu.dma_semaphore, #tpu.memory_space<semaphore_mem>>
      %dma_start3A_430 = tpu.memref_slice %arg4[%mul3A_2] : memref<10240xf32, #tpu.memory_space<hbm>> -> memref<640xf32, #tpu.memory_space<hbm>>
      %dma_start3A_431 = tpu.memref_slice %arg4[%mul3A_2] : memref<10240xf32, #tpu.memory_space<hbm>> -> memref<640xf32, #tpu.memory_space<hbm>>
      tpu.enqueue_dma source(%dma_start3A_431 : memref<640xf32, #tpu.memory_space<hbm>>) target(%arg9 : memref<640xf32, #tpu.memory_space<vmem>>) target_semaphore(%run_scoped3A_429 : memref<!tpu.dma_semaphore, #tpu.memory_space<semaphore_mem>>)
      %dma_wait3A_432 = tpu.memref_slice %arg4[%mul3A_2] : memref<10240xf32, #tpu.memory_space<hbm>> -> memref<640xf32, #tpu.memory_space<hbm>>
      %dma_wait3A_433 = tpu.memref_slice %arg4[%mul3A_2] : memref<10240xf32, #tpu.memory_space<hbm>> -> memref<640xf32, #tpu.memory_space<hbm>>
      tpu.wait_dma2 semaphore(%run_scoped3A_429 : memref<!tpu.dma_semaphore, #tpu.memory_space<semaphore_mem>>) src(%dma_wait3A_433 : memref<640xf32, #tpu.memory_space<hbm>>) dst(%arg9 : memref<640xf32, #tpu.memory_space<vmem>>)
      tpu.yield
    }) : () -> ()
    "tpu.region"() ({
      %run_scoped3A_429 = tpu.sem_alloc : memref<!tpu.dma_semaphore, #tpu.memory_space<semaphore_mem>>
      tpu.enqueue_dma source(%arg5 : memref<16xf32, #tpu.memory_space<hbm>>) target(%arg12 : memref<16xf32, #tpu.memory_space<vmem>>) target_semaphore(%run_scoped3A_429 : memref<!tpu.dma_semaphore, #tpu.memory_space<semaphore_mem>>)
      tpu.wait_dma2 semaphore(%run_scoped3A_429 : memref<!tpu.dma_semaphore, #tpu.memory_space<semaphore_mem>>) src(%arg5 : memref<16xf32, #tpu.memory_space<hbm>>) dst(%arg12 : memref<16xf32, #tpu.memory_space<vmem>>)
      tpu.yield
    }) : () -> ()
    %run_scoped3A = arith.constant 0 : i32
    "tpu.region"() ({
      %run_scoped3A_429 = tpu.sem_alloc : memref<!tpu.dma_semaphore, #tpu.memory_space<semaphore_mem>>
      %dma_start3A_430 = arith.constant 0 : i32
      %dma_start3A_431 = tpu.memref_slice %arg2[%run_scoped3A, %mul3A_2, %dma_start3A_430] : memref<2x10240x16xf32, #tpu.memory_space<hbm>> -> memref<1x640x16xf32, #tpu.memory_space<hbm>>
      %dma_start3A_432 = tpu.memref_squeeze %dma_start3A_431 : memref<1x640x16xf32, #tpu.memory_space<hbm>> -> memref<640x16xf32, #tpu.memory_space<hbm>>
      %dma_start3A_433 = arith.constant 0 : i32
      %dma_start3A_434 = tpu.memref_slice %arg2[%run_scoped3A, %mul3A_2, %dma_start3A_433] : memref<2x10240x16xf32, #tpu.memory_space<hbm>> -> memref<1x640x16xf32, #tpu.memory_space<hbm>>
      %dma_start3A_435 = tpu.memref_squeeze %dma_start3A_434 : memref<1x640x16xf32, #tpu.memory_space<hbm>> -> memref<640x16xf32, #tpu.memory_space<hbm>>
      tpu.enqueue_dma source(%dma_start3A_435 : memref<640x16xf32, #tpu.memory_space<hbm>>) target(%arg10 : memref<640x16xf32, #tpu.memory_space<vmem>>) target_semaphore(%run_scoped3A_429 : memref<!tpu.dma_semaphore, #tpu.memory_space<semaphore_mem>>)
      %dma_wait3A_436 = arith.constant 0 : i32
      %dma_wait3A_437 = tpu.memref_slice %arg2[%run_scoped3A, %mul3A_2, %dma_wait3A_436] : memref<2x10240x16xf32, #tpu.memory_space<hbm>> -> memref<1x640x16xf32, #tpu.memory_space<hbm>>
      %dma_wait3A_438 = tpu.memref_squeeze %dma_wait3A_437 : memref<1x640x16xf32, #tpu.memory_space<hbm>> -> memref<640x16xf32, #tpu.memory_space<hbm>>
      %dma_wait3A_439 = arith.constant 0 : i32
      %dma_wait3A_440 = tpu.memref_slice %arg2[%run_scoped3A, %mul3A_2, %dma_wait3A_439] : memref<2x10240x16xf32, #tpu.memory_space<hbm>> -> memref<1x640x16xf32, #tpu.memory_space<hbm>>
      %dma_wait3A_441 = tpu.memref_squeeze %dma_wait3A_440 : memref<1x640x16xf32, #tpu.memory_space<hbm>> -> memref<640x16xf32, #tpu.memory_space<hbm>>
      tpu.wait_dma2 semaphore(%run_scoped3A_429 : memref<!tpu.dma_semaphore, #tpu.memory_space<semaphore_mem>>) src(%dma_wait3A_441 : memref<640x16xf32, #tpu.memory_space<hbm>>) dst(%arg10 : memref<640x16xf32, #tpu.memory_space<vmem>>)
      tpu.yield
    }) : () -> ()
    %run_scoped3A_339 = arith.constant 1 : i32
    "tpu.region"() ({
      %run_scoped3A_429 = tpu.sem_alloc : memref<!tpu.dma_semaphore, #tpu.memory_space<semaphore_mem>>
      %dma_start3A_430 = arith.constant 0 : i32
      %dma_start3A_431 = tpu.memref_slice %arg2[%run_scoped3A_339, %mul3A_2, %dma_start3A_430] : memref<2x10240x16xf32, #tpu.memory_space<hbm>> -> memref<1x640x16xf32, #tpu.memory_space<hbm>>
      %dma_start3A_432 = tpu.memref_squeeze %dma_start3A_431 : memref<1x640x16xf32, #tpu.memory_space<hbm>> -> memref<640x16xf32, #tpu.memory_space<hbm>>
      %dma_start3A_433 = arith.constant 0 : i32
      %dma_start3A_434 = tpu.memref_slice %arg2[%run_scoped3A_339, %mul3A_2, %dma_start3A_433] : memref<2x10240x16xf32, #tpu.memory_space<hbm>> -> memref<1x640x16xf32, #tpu.memory_space<hbm>>
      %dma_start3A_435 = tpu.memref_squeeze %dma_start3A_434 : memref<1x640x16xf32, #tpu.memory_space<hbm>> -> memref<640x16xf32, #tpu.memory_space<hbm>>
      tpu.enqueue_dma source(%dma_start3A_435 : memref<640x16xf32, #tpu.memory_space<hbm>>) target(%arg11 : memref<640x16xf32, #tpu.memory_space<vmem>>) target_semaphore(%run_scoped3A_429 : memref<!tpu.dma_semaphore, #tpu.memory_space<semaphore_mem>>)
      %dma_wait3A_436 = arith.constant 0 : i32
      %dma_wait3A_437 = tpu.memref_slice %arg2[%run_scoped3A_339, %mul3A_2, %dma_wait3A_436] : memref<2x10240x16xf32, #tpu.memory_space<hbm>> -> memref<1x640x16xf32, #tpu.memory_space<hbm>>
      %dma_wait3A_438 = tpu.memref_squeeze %dma_wait3A_437 : memref<1x640x16xf32, #tpu.memory_space<hbm>> -> memref<640x16xf32, #tpu.memory_space<hbm>>
      %dma_wait3A_439 = arith.constant 0 : i32
      %dma_wait3A_440 = tpu.memref_slice %arg2[%run_scoped3A_339, %mul3A_2, %dma_wait3A_439] : memref<2x10240x16xf32, #tpu.memory_space<hbm>> -> memref<1x640x16xf32, #tpu.memory_space<hbm>>
      %dma_wait3A_441 = tpu.memref_squeeze %dma_wait3A_440 : memref<1x640x16xf32, #tpu.memory_space<hbm>> -> memref<640x16xf32, #tpu.memory_space<hbm>>
      tpu.wait_dma2 semaphore(%run_scoped3A_429 : memref<!tpu.dma_semaphore, #tpu.memory_space<semaphore_mem>>) src(%dma_wait3A_441 : memref<640x16xf32, #tpu.memory_space<hbm>>) dst(%arg11 : memref<640x16xf32, #tpu.memory_space<vmem>>)
      tpu.yield
    }) : () -> ()
    %get3A = arith.constant 0 : index
    %get3A_340 = tpu.vector_load %arg12[%get3A] {strides = array<i32>} : memref<16xf32, #tpu.memory_space<vmem>>, vector<16xf32>,
    %scan3A = arith.constant 0 : i32
    %scan3A_341 = arith.constant 0 : i32
    %scan3A_342 = arith.constant 40 : i32
    %scan3A_343 = arith.addi %scan3A_341, %scan3A_342 : i32
    %scan3A_344 = arith.constant 1 : i32
    scf.for %scan3A_429 = %scan3A_341 to %scan3A_343 step %scan3A_344  : i32 {
      %mul3A_430 = arith.constant 16 : i32
      %mul3A_431 = arith.muli %scan3A_429, %mul3A_430 : i32
      %get3A_432 = arith.index_cast %mul3A_431 : i32 to index
      %get3A_433 = tpu.vector_load %arg9[%get3A_432] {strides = array<i32>} : memref<640xf32, #tpu.memory_space<vmem>>, vector<16xf32>,
      %mul3A_434 = arith.constant 16 : i32
      %mul3A_435 = arith.muli %scan3A_429, %mul3A_434 : i32
      %add3A_436 = arith.constant 0 : i32
      %add3A_437 = arith.addi %mul3A_435, %add3A_436 : i32
      %broadcast_in_dim3A_438 = arith.constant 0 : i32
      %broadcast_in_dim3A_439 = vector.broadcast %broadcast_in_dim3A_438 : i32 to vector<16x1xi32>
      %gather3A = vector.shape_cast %broadcast_in_dim3A_439 : vector<16x1xi32> to vector<16xi32>
      %gather3A_440 = tpu.dynamic_gather %get3A_433[%gather3A] in [0] : vector<16xf32>, vector<16xi32> -> vector<16xf32>
      %get3A_441 = arith.index_cast %add3A_437 : i32 to index
      %get3A_442 = arith.constant 0 : index
      %get3A_443 = tpu.vector_load %arg10[%get3A_441, %get3A_442] {strides = array<i32>} : memref<640x16xf32, #tpu.memory_space<vmem>>, vector<16xf32>,
      %get3A_444 = arith.index_cast %add3A_437 : i32 to index
      %get3A_445 = arith.constant 0 : index
      %get3A_446 = tpu.vector_load %arg11[%get3A_444, %get3A_445] {strides = array<i32>} : memref<640x16xf32, #tpu.memory_space<vmem>>, vector<16xf32>,
      %add3A_447 = arith.addf %get3A_443, %get3A_446 : vector<16xf32>
      %mul3A_448 = arith.mulf %gather3A_440, %add3A_447 : vector<16xf32>
      %add3A_449 = arith.addf %mul3A_448, %get3A_340 : vector<16xf32>
      %max3A = arith.constant 0.000000e+00 : f32
      %max3A_450 = vector.broadcast %max3A : f32 to vector<16xf32>
      %max3A_451 = arith.maximumf %add3A_449, %max3A_450 : vector<16xf32>
      %mul3A_452 = arith.mulf %gather3A_440, %max3A_451 : vector<16xf32>
      %swap3A_453 = arith.index_cast %add3A_437 : i32 to index
      %swap3A_454 = arith.constant 0 : index
      %swap3A_455 = tpu.vector_load %arg10[%swap3A_453, %swap3A_454] {strides = array<i32>} : memref<640x16xf32, #tpu.memory_space<vmem>>, vector<16xf32>,
      tpu.vector_store %arg10[%swap3A_453, %swap3A_454], %mul3A_452 {strides = array<i32>} : memref<640x16xf32, #tpu.memory_space<vmem>>, vector<16xf32>,
      %mul3A_456 = arith.constant 16 : i32
      %mul3A_457 = arith.muli %scan3A_429, %mul3A_456 : i32
      %add3A_458 = arith.constant 1 : i32
      %add3A_459 = arith.addi %mul3A_457, %add3A_458 : i32
      %broadcast_in_dim3A_460 = arith.constant 1 : i32
      %broadcast_in_dim3A_461 = vector.broadcast %broadcast_in_dim3A_460 : i32 to vector<16x1xi32>
      %gather3A_462 = vector.shape_cast %broadcast_in_dim3A_461 : vector<16x1xi32> to vector<16xi32>
      %gather3A_463 = tpu.dynamic_gather %get3A_433[%gather3A_462] in [0] : vector<16xf32>, vector<16xi32> -> vector<16xf32>
      %get3A_464 = arith.index_cast %add3A_459 : i32 to index
      %get3A_465 = arith.constant 0 : index
      %get3A_466 = tpu.vector_load %arg10[%get3A_464, %get3A_465] {strides = array<i32>} : memref<640x16xf32, #tpu.memory_space<vmem>>, vector<16xf32>,
      %get3A_467 = arith.index_cast %add3A_459 : i32 to index
      %get3A_468 = arith.constant 0 : index
      %get3A_469 = tpu.vector_load %arg11[%get3A_467, %get3A_468] {strides = array<i32>} : memref<640x16xf32, #tpu.memory_space<vmem>>, vector<16xf32>,
      %add3A_470 = arith.addf %get3A_466, %get3A_469 : vector<16xf32>
      %mul3A_471 = arith.mulf %gather3A_463, %add3A_470 : vector<16xf32>
      %add3A_472 = arith.addf %mul3A_471, %get3A_340 : vector<16xf32>
      %max3A_473 = arith.constant 0.000000e+00 : f32
      %max3A_474 = vector.broadcast %max3A_473 : f32 to vector<16xf32>
      %max3A_475 = arith.maximumf %add3A_472, %max3A_474 : vector<16xf32>
      %mul3A_476 = arith.mulf %gather3A_463, %max3A_475 : vector<16xf32>
      %swap3A_477 = arith.index_cast %add3A_459 : i32 to index
      %swap3A_478 = arith.constant 0 : index
      %swap3A_479 = tpu.vector_load %arg10[%swap3A_477, %swap3A_478] {strides = array<i32>} : memref<640x16xf32, #tpu.memory_space<vmem>>, vector<16xf32>,
      tpu.vector_store %arg10[%swap3A_477, %swap3A_478], %mul3A_476 {strides = array<i32>} : memref<640x16xf32, #tpu.memory_space<vmem>>, vector<16xf32>,
      %mul3A_480 = arith.constant 16 : i32
      %mul3A_481 = arith.muli %scan3A_429, %mul3A_480 : i32
      %add3A_482 = arith.constant 2 : i32
      %add3A_483 = arith.addi %mul3A_481, %add3A_482 : i32
      %broadcast_in_dim3A_484 = arith.constant 2 : i32
      %broadcast_in_dim3A_485 = vector.broadcast %broadcast_in_dim3A_484 : i32 to vector<16x1xi32>
      %gather3A_486 = vector.shape_cast %broadcast_in_dim3A_485 : vector<16x1xi32> to vector<16xi32>
      %gather3A_487 = tpu.dynamic_gather %get3A_433[%gather3A_486] in [0] : vector<16xf32>, vector<16xi32> -> vector<16xf32>
      %get3A_488 = arith.index_cast %add3A_483 : i32 to index
      %get3A_489 = arith.constant 0 : index
      %get3A_490 = tpu.vector_load %arg10[%get3A_488, %get3A_489] {strides = array<i32>} : memref<640x16xf32, #tpu.memory_space<vmem>>, vector<16xf32>,
      %get3A_491 = arith.index_cast %add3A_483 : i32 to index
      %get3A_492 = arith.constant 0 : index
      %get3A_493 = tpu.vector_load %arg11[%get3A_491, %get3A_492] {strides = array<i32>} : memref<640x16xf32, #tpu.memory_space<vmem>>, vector<16xf32>,
      %add3A_494 = arith.addf %get3A_490, %get3A_493 : vector<16xf32>
      %mul3A_495 = arith.mulf %gather3A_487, %add3A_494 : vector<16xf32>
      %add3A_496 = arith.addf %mul3A_495, %get3A_340 : vector<16xf32>
      %max3A_497 = arith.constant 0.000000e+00 : f32
      %max3A_498 = vector.broadcast %max3A_497 : f32 to vector<16xf32>
      %max3A_499 = arith.maximumf %add3A_496, %max3A_498 : vector<16xf32>
      %mul3A_500 = arith.mulf %gather3A_487, %max3A_499 : vector<16xf32>
      %swap3A_501 = arith.index_cast %add3A_483 : i32 to index
      %swap3A_502 = arith.constant 0 : index
      %swap3A_503 = tpu.vector_load %arg10[%swap3A_501, %swap3A_502] {strides = array<i32>} : memref<640x16xf32, #tpu.memory_space<vmem>>, vector<16xf32>,
      tpu.vector_store %arg10[%swap3A_501, %swap3A_502], %mul3A_500 {strides = array<i32>} : memref<640x16xf32, #tpu.memory_space<vmem>>, vector<16xf32>,
      %mul3A_504 = arith.constant 16 : i32
      %mul3A_505 = arith.muli %scan3A_429, %mul3A_504 : i32
      %add3A_506 = arith.constant 3 : i32
      %add3A_507 = arith.addi %mul3A_505, %add3A_506 : i32
      %broadcast_in_dim3A_508 = arith.constant 3 : i32
      %broadcast_in_dim3A_509 = vector.broadcast %broadcast_in_dim3A_508 : i32 to vector<16x1xi32>
      %gather3A_510 = vector.shape_cast %broadcast_in_dim3A_509 : vector<16x1xi32> to vector<16xi32>
      %gather3A_511 = tpu.dynamic_gather %get3A_433[%gather3A_510] in [0] : vector<16xf32>, vector<16xi32> -> vector<16xf32>
      %get3A_512 = arith.index_cast %add3A_507 : i32 to index
      %get3A_513 = arith.constant 0 : index
      %get3A_514 = tpu.vector_load %arg10[%get3A_512, %get3A_513] {strides = array<i32>} : memref<640x16xf32, #tpu.memory_space<vmem>>, vector<16xf32>,
      %get3A_515 = arith.index_cast %add3A_507 : i32 to index
      %get3A_516 = arith.constant 0 : index
      %get3A_517 = tpu.vector_load %arg11[%get3A_515, %get3A_516] {strides = array<i32>} : memref<640x16xf32, #tpu.memory_space<vmem>>, vector<16xf32>,
      %add3A_518 = arith.addf %get3A_514, %get3A_517 : vector<16xf32>
      %mul3A_519 = arith.mulf %gather3A_511, %add3A_518 : vector<16xf32>
      %add3A_520 = arith.addf %mul3A_519, %get3A_340 : vector<16xf32>
      %max3A_521 = arith.constant 0.000000e+00 : f32
      %max3A_522 = vector.broadcast %max3A_521 : f32 to vector<16xf32>
      %max3A_523 = arith.maximumf %add3A_520, %max3A_522 : vector<16xf32>
      %mul3A_524 = arith.mulf %gather3A_511, %max3A_523 : vector<16xf32>
      %swap3A_525 = arith.index_cast %add3A_507 : i32 to index
      %swap3A_526 = arith.constant 0 : index
      %swap3A_527 = tpu.vector_load %arg10[%swap3A_525, %swap3A_526] {strides = array<i32>} : memref<640x16xf32, #tpu.memory_space<vmem>>, vector<16xf32>,
      tpu.vector_store %arg10[%swap3A_525, %swap3A_526], %mul3A_524 {strides = array<i32>} : memref<640x16xf32, #tpu.memory_space<vmem>>, vector<16xf32>,
      %mul3A_528 = arith.constant 16 : i32
      %mul3A_529 = arith.muli %scan3A_429, %mul3A_528 : i32
      %add3A_530 = arith.constant 4 : i32
      %add3A_531 = arith.addi %mul3A_529, %add3A_530 : i32
      %broadcast_in_dim3A_532 = arith.constant 4 : i32
      %broadcast_in_dim3A_533 = vector.broadcast %broadcast_in_dim3A_532 : i32 to vector<16x1xi32>
      %gather3A_534 = vector.shape_cast %broadcast_in_dim3A_533 : vector<16x1xi32> to vector<16xi32>
      %gather3A_535 = tpu.dynamic_gather %get3A_433[%gather3A_534] in [0] : vector<16xf32>, vector<16xi32> -> vector<16xf32>
      %get3A_536 = arith.index_cast %add3A_531 : i32 to index
      %get3A_537 = arith.constant 0 : index
      %get3A_538 = tpu.vector_load %arg10[%get3A_536, %get3A_537] {strides = array<i32>} : memref<640x16xf32, #tpu.memory_space<vmem>>, vector<16xf32>,
      %get3A_539 = arith.index_cast %add3A_531 : i32 to index
      %get3A_540 = arith.constant 0 : index
      %get3A_541 = tpu.vector_load %arg11[%get3A_539, %get3A_540] {strides = array<i32>} : memref<640x16xf32, #tpu.memory_space<vmem>>, vector<16xf32>,
      %add3A_542 = arith.addf %get3A_538, %get3A_541 : vector<16xf32>
      %mul3A_543 = arith.mulf %gather3A_535, %add3A_542 : vector<16xf32>
      %add3A_544 = arith.addf %mul3A_543, %get3A_340 : vector<16xf32>
      %max3A_545 = arith.constant 0.000000e+00 : f32
      %max3A_546 = vector.broadcast %max3A_545 : f32 to vector<16xf32>
      %max3A_547 = arith.maximumf %add3A_544, %max3A_546 : vector<16xf32>
      %mul3A_548 = arith.mulf %gather3A_535, %max3A_547 : vector<16xf32>
      %swap3A_549 = arith.index_cast %add3A_531 : i32 to index
      %swap3A_550 = arith.constant 0 : index
      %swap3A_551 = tpu.vector_load %arg10[%swap3A_549, %swap3A_550] {strides = array<i32>} : memref<640x16xf32, #tpu.memory_space<vmem>>, vector<16xf32>,
      tpu.vector_store %arg10[%swap3A_549, %swap3A_550], %mul3A_548 {strides = array<i32>} : memref<640x16xf32, #tpu.memory_space<vmem>>, vector<16xf32>,
      %mul3A_552 = arith.constant 16 : i32
      %mul3A_553 = arith.muli %scan3A_429, %mul3A_552 : i32
      %add3A_554 = arith.constant 5 : i32
      %add3A_555 = arith.addi %mul3A_553, %add3A_554 : i32
      %broadcast_in_dim3A_556 = arith.constant 5 : i32
      %broadcast_in_dim3A_557 = vector.broadcast %broadcast_in_dim3A_556 : i32 to vector<16x1xi32>
      %gather3A_558 = vector.shape_cast %broadcast_in_dim3A_557 : vector<16x1xi32> to vector<16xi32>
      %gather3A_559 = tpu.dynamic_gather %get3A_433[%gather3A_558] in [0] : vector<16xf32>, vector<16xi32> -> vector<16xf32>
      %get3A_560 = arith.index_cast %add3A_555 : i32 to index
      %get3A_561 = arith.constant 0 : index
      %get3A_562 = tpu.vector_load %arg10[%get3A_560, %get3A_561] {strides = array<i32>} : memref<640x16xf32, #tpu.memory_space<vmem>>, vector<16xf32>,
      %get3A_563 = arith.index_cast %add3A_555 : i32 to index
      %get3A_564 = arith.constant 0 : index
      %get3A_565 = tpu.vector_load %arg11[%get3A_563, %get3A_564] {strides = array<i32>} : memref<640x16xf32, #tpu.memory_space<vmem>>, vector<16xf32>,
      %add3A_566 = arith.addf %get3A_562, %get3A_565 : vector<16xf32>
      %mul3A_567 = arith.mulf %gather3A_559, %add3A_566 : vector<16xf32>
      %add3A_568 = arith.addf %mul3A_567, %get3A_340 : vector<16xf32>
      %max3A_569 = arith.constant 0.000000e+00 : f32
      %max3A_570 = vector.broadcast %max3A_569 : f32 to vector<16xf32>
      %max3A_571 = arith.maximumf %add3A_568, %max3A_570 : vector<16xf32>
      %mul3A_572 = arith.mulf %gather3A_559, %max3A_571 : vector<16xf32>
      %swap3A_573 = arith.index_cast %add3A_555 : i32 to index
      %swap3A_574 = arith.constant 0 : index
      %swap3A_575 = tpu.vector_load %arg10[%swap3A_573, %swap3A_574] {strides = array<i32>} : memref<640x16xf32, #tpu.memory_space<vmem>>, vector<16xf32>,
      tpu.vector_store %arg10[%swap3A_573, %swap3A_574], %mul3A_572 {strides = array<i32>} : memref<640x16xf32, #tpu.memory_space<vmem>>, vector<16xf32>,
      %mul3A_576 = arith.constant 16 : i32
      %mul3A_577 = arith.muli %scan3A_429, %mul3A_576 : i32
      %add3A_578 = arith.constant 6 : i32
      %add3A_579 = arith.addi %mul3A_577, %add3A_578 : i32
      %broadcast_in_dim3A_580 = arith.constant 6 : i32
      %broadcast_in_dim3A_581 = vector.broadcast %broadcast_in_dim3A_580 : i32 to vector<16x1xi32>
      %gather3A_582 = vector.shape_cast %broadcast_in_dim3A_581 : vector<16x1xi32> to vector<16xi32>
      %gather3A_583 = tpu.dynamic_gather %get3A_433[%gather3A_582] in [0] : vector<16xf32>, vector<16xi32> -> vector<16xf32>
      %get3A_584 = arith.index_cast %add3A_579 : i32 to index
      %get3A_585 = arith.constant 0 : index
      %get3A_586 = tpu.vector_load %arg10[%get3A_584, %get3A_585] {strides = array<i32>} : memref<640x16xf32, #tpu.memory_space<vmem>>, vector<16xf32>,
      %get3A_587 = arith.index_cast %add3A_579 : i32 to index
      %get3A_588 = arith.constant 0 : index
      %get3A_589 = tpu.vector_load %arg11[%get3A_587, %get3A_588] {strides = array<i32>} : memref<640x16xf32, #tpu.memory_space<vmem>>, vector<16xf32>,
      %add3A_590 = arith.addf %get3A_586, %get3A_589 : vector<16xf32>
      %mul3A_591 = arith.mulf %gather3A_583, %add3A_590 : vector<16xf32>
      %add3A_592 = arith.addf %mul3A_591, %get3A_340 : vector<16xf32>
      %max3A_593 = arith.constant 0.000000e+00 : f32
      %max3A_594 = vector.broadcast %max3A_593 : f32 to vector<16xf32>
      %max3A_595 = arith.maximumf %add3A_592, %max3A_594 : vector<16xf32>
      %mul3A_596 = arith.mulf %gather3A_583, %max3A_595 : vector<16xf32>
      %swap3A_597 = arith.index_cast %add3A_579 : i32 to index
      %swap3A_598 = arith.constant 0 : index
      %swap3A_599 = tpu.vector_load %arg10[%swap3A_597, %swap3A_598] {strides = array<i32>} : memref<640x16xf32, #tpu.memory_space<vmem>>, vector<16xf32>,
      tpu.vector_store %arg10[%swap3A_597, %swap3A_598], %mul3A_596 {strides = array<i32>} : memref<640x16xf32, #tpu.memory_space<vmem>>, vector<16xf32>,
      %mul3A_600 = arith.constant 16 : i32
      %mul3A_601 = arith.muli %scan3A_429, %mul3A_600 : i32
      %add3A_602 = arith.constant 7 : i32
      %add3A_603 = arith.addi %mul3A_601, %add3A_602 : i32
      %broadcast_in_dim3A_604 = arith.constant 7 : i32
      %broadcast_in_dim3A_605 = vector.broadcast %broadcast_in_dim3A_604 : i32 to vector<16x1xi32>
      %gather3A_606 = vector.shape_cast %broadcast_in_dim3A_605 : vector<16x1xi32> to vector<16xi32>
      %gather3A_607 = tpu.dynamic_gather %get3A_433[%gather3A_606] in [0] : vector<16xf32>, vector<16xi32> -> vector<16xf32>
      %get3A_608 = arith.index_cast %add3A_603 : i32 to index
      %get3A_609 = arith.constant 0 : index
      %get3A_610 = tpu.vector_load %arg10[%get3A_608, %get3A_609] {strides = array<i32>} : memref<640x16xf32, #tpu.memory_space<vmem>>, vector<16xf32>,
      %get3A_611 = arith.index_cast %add3A_603 : i32 to index
      %get3A_612 = arith.constant 0 : index
      %get3A_613 = tpu.vector_load %arg11[%get3A_611, %get3A_612] {strides = array<i32>} : memref<640x16xf32, #tpu.memory_space<vmem>>, vector<16xf32>,
      %add3A_614 = arith.addf %get3A_610, %get3A_613 : vector<16xf32>
      %mul3A_615 = arith.mulf %gather3A_607, %add3A_614 : vector<16xf32>
      %add3A_616 = arith.addf %mul3A_615, %get3A_340 : vector<16xf32>
      %max3A_617 = arith.constant 0.000000e+00 : f32
      %max3A_618 = vector.broadcast %max3A_617 : f32 to vector<16xf32>
      %max3A_619 = arith.maximumf %add3A_616, %max3A_618 : vector<16xf32>
      %mul3A_620 = arith.mulf %gather3A_607, %max3A_619 : vector<16xf32>
      %swap3A_621 = arith.index_cast %add3A_603 : i32 to index
      %swap3A_622 = arith.constant 0 : index
      %swap3A_623 = tpu.vector_load %arg10[%swap3A_621, %swap3A_622] {strides = array<i32>} : memref<640x16xf32, #tpu.memory_space<vmem>>, vector<16xf32>,
      tpu.vector_store %arg10[%swap3A_621, %swap3A_622], %mul3A_620 {strides = array<i32>} : memref<640x16xf32, #tpu.memory_space<vmem>>, vector<16xf32>,
      %mul3A_624 = arith.constant 16 : i32
      %mul3A_625 = arith.muli %scan3A_429, %mul3A_624 : i32
      %add3A_626 = arith.constant 8 : i32
      %add3A_627 = arith.addi %mul3A_625, %add3A_626 : i32
      %broadcast_in_dim3A_628 = arith.constant 8 : i32
      %broadcast_in_dim3A_629 = vector.broadcast %broadcast_in_dim3A_628 : i32 to vector<16x1xi32>
      %gather3A_630 = vector.shape_cast %broadcast_in_dim3A_629 : vector<16x1xi32> to vector<16xi32>
      %gather3A_631 = tpu.dynamic_gather %get3A_433[%gather3A_630] in [0] : vector<16xf32>, vector<16xi32> -> vector<16xf32>
      %get3A_632 = arith.index_cast %add3A_627 : i32 to index
      %get3A_633 = arith.constant 0 : index
      %get3A_634 = tpu.vector_load %arg10[%get3A_632, %get3A_633] {strides = array<i32>} : memref<640x16xf32, #tpu.memory_space<vmem>>, vector<16xf32>,
      %get3A_635 = arith.index_cast %add3A_627 : i32 to index
      %get3A_636 = arith.constant 0 : index
      %get3A_637 = tpu.vector_load %arg11[%get3A_635, %get3A_636] {strides = array<i32>} : memref<640x16xf32, #tpu.memory_space<vmem>>, vector<16xf32>,
      %add3A_638 = arith.addf %get3A_634, %get3A_637 : vector<16xf32>
      %mul3A_639 = arith.mulf %gather3A_631, %add3A_638 : vector<16xf32>
      %add3A_640 = arith.addf %mul3A_639, %get3A_340 : vector<16xf32>
      %max3A_641 = arith.constant 0.000000e+00 : f32
      %max3A_642 = vector.broadcast %max3A_641 : f32 to vector<16xf32>
      %max3A_643 = arith.maximumf %add3A_640, %max3A_642 : vector<16xf32>
      %mul3A_644 = arith.mulf %gather3A_631, %max3A_643 : vector<16xf32>
      %swap3A_645 = arith.index_cast %add3A_627 : i32 to index
      %swap3A_646 = arith.constant 0 : index
      %swap3A_647 = tpu.vector_load %arg10[%swap3A_645, %swap3A_646] {strides = array<i32>} : memref<640x16xf32, #tpu.memory_space<vmem>>, vector<16xf32>,
      tpu.vector_store %arg10[%swap3A_645, %swap3A_646], %mul3A_644 {strides = array<i32>} : memref<640x16xf32, #tpu.memory_space<vmem>>, vector<16xf32>,
      %mul3A_648 = arith.constant 16 : i32
      %mul3A_649 = arith.muli %scan3A_429, %mul3A_648 : i32
      %add3A_650 = arith.constant 9 : i32
      %add3A_651 = arith.addi %mul3A_649, %add3A_650 : i32
      %broadcast_in_dim3A_652 = arith.constant 9 : i32
      %broadcast_in_dim3A_653 = vector.broadcast %broadcast_in_dim3A_652 : i32 to vector<16x1xi32>
      %gather3A_654 = vector.shape_cast %broadcast_in_dim3A_653 : vector<16x1xi32> to vector<16xi32>
      %gather3A_655 = tpu.dynamic_gather %get3A_433[%gather3A_654] in [0] : vector<16xf32>, vector<16xi32> -> vector<16xf32>
      %get3A_656 = arith.index_cast %add3A_651 : i32 to index
      %get3A_657 = arith.constant 0 : index
      %get3A_658 = tpu.vector_load %arg10[%get3A_656, %get3A_657] {strides = array<i32>} : memref<640x16xf32, #tpu.memory_space<vmem>>, vector<16xf32>,
      %get3A_659 = arith.index_cast %add3A_651 : i32 to index
      %get3A_660 = arith.constant 0 : index
      %get3A_661 = tpu.vector_load %arg11[%get3A_659, %get3A_660] {strides = array<i32>} : memref<640x16xf32, #tpu.memory_space<vmem>>, vector<16xf32>,
      %add3A_662 = arith.addf %get3A_658, %get3A_661 : vector<16xf32>
      %mul3A_663 = arith.mulf %gather3A_655, %add3A_662 : vector<16xf32>
      %add3A_664 = arith.addf %mul3A_663, %get3A_340 : vector<16xf32>
      %max3A_665 = arith.constant 0.000000e+00 : f32
      %max3A_666 = vector.broadcast %max3A_665 : f32 to vector<16xf32>
      %max3A_667 = arith.maximumf %add3A_664, %max3A_666 : vector<16xf32>
      %mul3A_668 = arith.mulf %gather3A_655, %max3A_667 : vector<16xf32>
      %swap3A_669 = arith.index_cast %add3A_651 : i32 to index
      %swap3A_670 = arith.constant 0 : index
      %swap3A_671 = tpu.vector_load %arg10[%swap3A_669, %swap3A_670] {strides = array<i32>} : memref<640x16xf32, #tpu.memory_space<vmem>>, vector<16xf32>,
      tpu.vector_store %arg10[%swap3A_669, %swap3A_670], %mul3A_668 {strides = array<i32>} : memref<640x16xf32, #tpu.memory_space<vmem>>, vector<16xf32>,
      %mul3A_672 = arith.constant 16 : i32
      %mul3A_673 = arith.muli %scan3A_429, %mul3A_672 : i32
      %add3A_674 = arith.constant 10 : i32
      %add3A_675 = arith.addi %mul3A_673, %add3A_674 : i32
      %broadcast_in_dim3A_676 = arith.constant 10 : i32
      %broadcast_in_dim3A_677 = vector.broadcast %broadcast_in_dim3A_676 : i32 to vector<16x1xi32>
      %gather3A_678 = vector.shape_cast %broadcast_in_dim3A_677 : vector<16x1xi32> to vector<16xi32>
      %gather3A_679 = tpu.dynamic_gather %get3A_433[%gather3A_678] in [0] : vector<16xf32>, vector<16xi32> -> vector<16xf32>
      %get3A_680 = arith.index_cast %add3A_675 : i32 to index
      %get3A_681 = arith.constant 0 : index
      %get3A_682 = tpu.vector_load %arg10[%get3A_680, %get3A_681] {strides = array<i32>} : memref<640x16xf32, #tpu.memory_space<vmem>>, vector<16xf32>,
      %get3A_683 = arith.index_cast %add3A_675 : i32 to index
      %get3A_684 = arith.constant 0 : index
      %get3A_685 = tpu.vector_load %arg11[%get3A_683, %get3A_684] {strides = array<i32>} : memref<640x16xf32, #tpu.memory_space<vmem>>, vector<16xf32>,
      %add3A_686 = arith.addf %get3A_682, %get3A_685 : vector<16xf32>
      %mul3A_687 = arith.mulf %gather3A_679, %add3A_686 : vector<16xf32>
      %add3A_688 = arith.addf %mul3A_687, %get3A_340 : vector<16xf32>
      %max3A_689 = arith.constant 0.000000e+00 : f32
      %max3A_690 = vector.broadcast %max3A_689 : f32 to vector<16xf32>
      %max3A_691 = arith.maximumf %add3A_688, %max3A_690 : vector<16xf32>
      %mul3A_692 = arith.mulf %gather3A_679, %max3A_691 : vector<16xf32>
      %swap3A_693 = arith.index_cast %add3A_675 : i32 to index
      %swap3A_694 = arith.constant 0 : index
      %swap3A_695 = tpu.vector_load %arg10[%swap3A_693, %swap3A_694] {strides = array<i32>} : memref<640x16xf32, #tpu.memory_space<vmem>>, vector<16xf32>,
      tpu.vector_store %arg10[%swap3A_693, %swap3A_694], %mul3A_692 {strides = array<i32>} : memref<640x16xf32, #tpu.memory_space<vmem>>, vector<16xf32>,
      %mul3A_696 = arith.constant 16 : i32
      %mul3A_697 = arith.muli %scan3A_429, %mul3A_696 : i32
      %add3A_698 = arith.constant 11 : i32
      %add3A_699 = arith.addi %mul3A_697, %add3A_698 : i32
      %broadcast_in_dim3A_700 = arith.constant 11 : i32
      %broadcast_in_dim3A_701 = vector.broadcast %broadcast_in_dim3A_700 : i32 to vector<16x1xi32>
      %gather3A_702 = vector.shape_cast %broadcast_in_dim3A_701 : vector<16x1xi32> to vector<16xi32>
      %gather3A_703 = tpu.dynamic_gather %get3A_433[%gather3A_702] in [0] : vector<16xf32>, vector<16xi32> -> vector<16xf32>
      %get3A_704 = arith.index_cast %add3A_699 : i32 to index
      %get3A_705 = arith.constant 0 : index
      %get3A_706 = tpu.vector_load %arg10[%get3A_704, %get3A_705] {strides = array<i32>} : memref<640x16xf32, #tpu.memory_space<vmem>>, vector<16xf32>,
      %get3A_707 = arith.index_cast %add3A_699 : i32 to index
      %get3A_708 = arith.constant 0 : index
      %get3A_709 = tpu.vector_load %arg11[%get3A_707, %get3A_708] {strides = array<i32>} : memref<640x16xf32, #tpu.memory_space<vmem>>, vector<16xf32>,
      %add3A_710 = arith.addf %get3A_706, %get3A_709 : vector<16xf32>
      %mul3A_711 = arith.mulf %gather3A_703, %add3A_710 : vector<16xf32>
      %add3A_712 = arith.addf %mul3A_711, %get3A_340 : vector<16xf32>
      %max3A_713 = arith.constant 0.000000e+00 : f32
      %max3A_714 = vector.broadcast %max3A_713 : f32 to vector<16xf32>
      %max3A_715 = arith.maximumf %add3A_712, %max3A_714 : vector<16xf32>
      %mul3A_716 = arith.mulf %gather3A_703, %max3A_715 : vector<16xf32>
      %swap3A_717 = arith.index_cast %add3A_699 : i32 to index
      %swap3A_718 = arith.constant 0 : index
      %swap3A_719 = tpu.vector_load %arg10[%swap3A_717, %swap3A_718] {strides = array<i32>} : memref<640x16xf32, #tpu.memory_space<vmem>>, vector<16xf32>,
      tpu.vector_store %arg10[%swap3A_717, %swap3A_718], %mul3A_716 {strides = array<i32>} : memref<640x16xf32, #tpu.memory_space<vmem>>, vector<16xf32>,
      %mul3A_720 = arith.constant 16 : i32
      %mul3A_721 = arith.muli %scan3A_429, %mul3A_720 : i32
      %add3A_722 = arith.constant 12 : i32
      %add3A_723 = arith.addi %mul3A_721, %add3A_722 : i32
      %broadcast_in_dim3A_724 = arith.constant 12 : i32
      %broadcast_in_dim3A_725 = vector.broadcast %broadcast_in_dim3A_724 : i32 to vector<16x1xi32>
      %gather3A_726 = vector.shape_cast %broadcast_in_dim3A_725 : vector<16x1xi32> to vector<16xi32>
      %gather3A_727 = tpu.dynamic_gather %get3A_433[%gather3A_726] in [0] : vector<16xf32>, vector<16xi32> -> vector<16xf32>
      %get3A_728 = arith.index_cast %add3A_723 : i32 to index
      %get3A_729 = arith.constant 0 : index
      %get3A_730 = tpu.vector_load %arg10[%get3A_728, %get3A_729] {strides = array<i32>} : memref<640x16xf32, #tpu.memory_space<vmem>>, vector<16xf32>,
      %get3A_731 = arith.index_cast %add3A_723 : i32 to index
      %get3A_732 = arith.constant 0 : index
      %get3A_733 = tpu.vector_load %arg11[%get3A_731, %get3A_732] {strides = array<i32>} : memref<640x16xf32, #tpu.memory_space<vmem>>, vector<16xf32>,
      %add3A_734 = arith.addf %get3A_730, %get3A_733 : vector<16xf32>
      %mul3A_735 = arith.mulf %gather3A_727, %add3A_734 : vector<16xf32>
      %add3A_736 = arith.addf %mul3A_735, %get3A_340 : vector<16xf32>
      %max3A_737 = arith.constant 0.000000e+00 : f32
      %max3A_738 = vector.broadcast %max3A_737 : f32 to vector<16xf32>
      %max3A_739 = arith.maximumf %add3A_736, %max3A_738 : vector<16xf32>
      %mul3A_740 = arith.mulf %gather3A_727, %max3A_739 : vector<16xf32>
      %swap3A_741 = arith.index_cast %add3A_723 : i32 to index
      %swap3A_742 = arith.constant 0 : index
      %swap3A_743 = tpu.vector_load %arg10[%swap3A_741, %swap3A_742] {strides = array<i32>} : memref<640x16xf32, #tpu.memory_space<vmem>>, vector<16xf32>,
      tpu.vector_store %arg10[%swap3A_741, %swap3A_742], %mul3A_740 {strides = array<i32>} : memref<640x16xf32, #tpu.memory_space<vmem>>, vector<16xf32>,
      %mul3A_744 = arith.constant 16 : i32
      %mul3A_745 = arith.muli %scan3A_429, %mul3A_744 : i32
      %add3A_746 = arith.constant 13 : i32
      %add3A_747 = arith.addi %mul3A_745, %add3A_746 : i32
      %broadcast_in_dim3A_748 = arith.constant 13 : i32
      %broadcast_in_dim3A_749 = vector.broadcast %broadcast_in_dim3A_748 : i32 to vector<16x1xi32>
      %gather3A_750 = vector.shape_cast %broadcast_in_dim3A_749 : vector<16x1xi32> to vector<16xi32>
      %gather3A_751 = tpu.dynamic_gather %get3A_433[%gather3A_750] in [0] : vector<16xf32>, vector<16xi32> -> vector<16xf32>
      %get3A_752 = arith.index_cast %add3A_747 : i32 to index
      %get3A_753 = arith.constant 0 : index
      %get3A_754 = tpu.vector_load %arg10[%get3A_752, %get3A_753] {strides = array<i32>} : memref<640x16xf32, #tpu.memory_space<vmem>>, vector<16xf32>,
      %get3A_755 = arith.index_cast %add3A_747 : i32 to index
      %get3A_756 = arith.constant 0 : index
      %get3A_757 = tpu.vector_load %arg11[%get3A_755, %get3A_756] {strides = array<i32>} : memref<640x16xf32, #tpu.memory_space<vmem>>, vector<16xf32>,
      %add3A_758 = arith.addf %get3A_754, %get3A_757 : vector<16xf32>
      %mul3A_759 = arith.mulf %gather3A_751, %add3A_758 : vector<16xf32>
      %add3A_760 = arith.addf %mul3A_759, %get3A_340 : vector<16xf32>
      %max3A_761 = arith.constant 0.000000e+00 : f32
      %max3A_762 = vector.broadcast %max3A_761 : f32 to vector<16xf32>
      %max3A_763 = arith.maximumf %add3A_760, %max3A_762 : vector<16xf32>
      %mul3A_764 = arith.mulf %gather3A_751, %max3A_763 : vector<16xf32>
      %swap3A_765 = arith.index_cast %add3A_747 : i32 to index
      %swap3A_766 = arith.constant 0 : index
      %swap3A_767 = tpu.vector_load %arg10[%swap3A_765, %swap3A_766] {strides = array<i32>} : memref<640x16xf32, #tpu.memory_space<vmem>>, vector<16xf32>,
      tpu.vector_store %arg10[%swap3A_765, %swap3A_766], %mul3A_764 {strides = array<i32>} : memref<640x16xf32, #tpu.memory_space<vmem>>, vector<16xf32>,
      %mul3A_768 = arith.constant 16 : i32
      %mul3A_769 = arith.muli %scan3A_429, %mul3A_768 : i32
      %add3A_770 = arith.constant 14 : i32
      %add3A_771 = arith.addi %mul3A_769, %add3A_770 : i32
      %broadcast_in_dim3A_772 = arith.constant 14 : i32
      %broadcast_in_dim3A_773 = vector.broadcast %broadcast_in_dim3A_772 : i32 to vector<16x1xi32>
      %gather3A_774 = vector.shape_cast %broadcast_in_dim3A_773 : vector<16x1xi32> to vector<16xi32>
      %gather3A_775 = tpu.dynamic_gather %get3A_433[%gather3A_774] in [0] : vector<16xf32>, vector<16xi32> -> vector<16xf32>
      %get3A_776 = arith.index_cast %add3A_771 : i32 to index
      %get3A_777 = arith.constant 0 : index
      %get3A_778 = tpu.vector_load %arg10[%get3A_776, %get3A_777] {strides = array<i32>} : memref<640x16xf32, #tpu.memory_space<vmem>>, vector<16xf32>,
      %get3A_779 = arith.index_cast %add3A_771 : i32 to index
      %get3A_780 = arith.constant 0 : index
      %get3A_781 = tpu.vector_load %arg11[%get3A_779, %get3A_780] {strides = array<i32>} : memref<640x16xf32, #tpu.memory_space<vmem>>, vector<16xf32>,
      %add3A_782 = arith.addf %get3A_778, %get3A_781 : vector<16xf32>
      %mul3A_783 = arith.mulf %gather3A_775, %add3A_782 : vector<16xf32>
      %add3A_784 = arith.addf %mul3A_783, %get3A_340 : vector<16xf32>
      %max3A_785 = arith.constant 0.000000e+00 : f32
      %max3A_786 = vector.broadcast %max3A_785 : f32 to vector<16xf32>
      %max3A_787 = arith.maximumf %add3A_784, %max3A_786 : vector<16xf32>
      %mul3A_788 = arith.mulf %gather3A_775, %max3A_787 : vector<16xf32>
      %swap3A_789 = arith.index_cast %add3A_771 : i32 to index
      %swap3A_790 = arith.constant 0 : index
      %swap3A_791 = tpu.vector_load %arg10[%swap3A_789, %swap3A_790] {strides = array<i32>} : memref<640x16xf32, #tpu.memory_space<vmem>>, vector<16xf32>,
      tpu.vector_store %arg10[%swap3A_789, %swap3A_790], %mul3A_788 {strides = array<i32>} : memref<640x16xf32, #tpu.memory_space<vmem>>, vector<16xf32>,
      %mul3A_792 = arith.constant 16 : i32
      %mul3A_793 = arith.muli %scan3A_429, %mul3A_792 : i32
      %add3A_794 = arith.constant 15 : i32
      %add3A_795 = arith.addi %mul3A_793, %add3A_794 : i32
      %broadcast_in_dim3A_796 = arith.constant 15 : i32
      %broadcast_in_dim3A_797 = vector.broadcast %broadcast_in_dim3A_796 : i32 to vector<16x1xi32>
      %gather3A_798 = vector.shape_cast %broadcast_in_dim3A_797 : vector<16x1xi32> to vector<16xi32>
      %gather3A_799 = tpu.dynamic_gather %get3A_433[%gather3A_798] in [0] : vector<16xf32>, vector<16xi32> -> vector<16xf32>
      %get3A_800 = arith.index_cast %add3A_795 : i32 to index
      %get3A_801 = arith.constant 0 : index
      %get3A_802 = tpu.vector_load %arg10[%get3A_800, %get3A_801] {strides = array<i32>} : memref<640x16xf32, #tpu.memory_space<vmem>>, vector<16xf32>,
      %get3A_803 = arith.index_cast %add3A_795 : i32 to index
      %get3A_804 = arith.constant 0 : index
      %get3A_805 = tpu.vector_load %arg11[%get3A_803, %get3A_804] {strides = array<i32>} : memref<640x16xf32, #tpu.memory_space<vmem>>, vector<16xf32>,
      %add3A_806 = arith.addf %get3A_802, %get3A_805 : vector<16xf32>
      %mul3A_807 = arith.mulf %gather3A_799, %add3A_806 : vector<16xf32>
      %add3A_808 = arith.addf %mul3A_807, %get3A_340 : vector<16xf32>
      %max3A_809 = arith.constant 0.000000e+00 : f32
      %max3A_810 = vector.broadcast %max3A_809 : f32 to vector<16xf32>
      %max3A_811 = arith.maximumf %add3A_808, %max3A_810 : vector<16xf32>
      %mul3A_812 = arith.mulf %gather3A_799, %max3A_811 : vector<16xf32>
      %swap3A_813 = arith.index_cast %add3A_795 : i32 to index
      %swap3A_814 = arith.constant 0 : index
      %swap3A_815 = tpu.vector_load %arg10[%swap3A_813, %swap3A_814] {strides = array<i32>} : memref<640x16xf32, #tpu.memory_space<vmem>>, vector<16xf32>,
      tpu.vector_store %arg10[%swap3A_813, %swap3A_814], %mul3A_812 {strides = array<i32>} : memref<640x16xf32, #tpu.memory_space<vmem>>, vector<16xf32>,
    }
    %scan3A_345 = arith.constant 40 : i32
    "tpu.region"() ({
      %run_scoped3A_429 = tpu.sem_alloc : memref<!tpu.dma_semaphore, #tpu.memory_space<semaphore_mem>>
      %dma_start3A_430 = arith.constant 0 : i32
      %dma_start3A_431 = tpu.memref_slice %arg17[%mul3A_2, %dma_start3A_430] : memref<10240x16xf32, #tpu.memory_space<vmem_shared>> -> memref<640x16xf32, #tpu.memory_space<vmem_shared>>
      %dma_start3A_432 = arith.constant 0 : i32
      %dma_start3A_433 = tpu.memref_slice %arg17[%mul3A_2, %dma_start3A_432] : memref<10240x16xf32, #tpu.memory_space<vmem_shared>> -> memref<640x16xf32, #tpu.memory_space<vmem_shared>>
      tpu.enqueue_dma source(%arg10 : memref<640x16xf32, #tpu.memory_space<vmem>>) target(%dma_start3A_433 : memref<640x16xf32, #tpu.memory_space<vmem_shared>>) target_semaphore(%run_scoped3A_429 : memref<!tpu.dma_semaphore, #tpu.memory_space<semaphore_mem>>)
      %dma_wait3A_434 = arith.constant 0 : i32
      %dma_wait3A_435 = tpu.memref_slice %arg17[%mul3A_2, %dma_wait3A_434] : memref<10240x16xf32, #tpu.memory_space<vmem_shared>> -> memref<640x16xf32, #tpu.memory_space<vmem_shared>>
      %dma_wait3A_436 = arith.constant 0 : i32
      %dma_wait3A_437 = tpu.memref_slice %arg17[%mul3A_2, %dma_wait3A_436] : memref<10240x16xf32, #tpu.memory_space<vmem_shared>> -> memref<640x16xf32, #tpu.memory_space<vmem_shared>>
      tpu.wait_dma2 semaphore(%run_scoped3A_429 : memref<!tpu.dma_semaphore, #tpu.memory_space<semaphore_mem>>) src(%arg10 : memref<640x16xf32, #tpu.memory_space<vmem>>) dst(%dma_wait3A_437 : memref<640x16xf32, #tpu.memory_space<vmem_shared>>)
      tpu.yield
    }) : () -> ()
    %run_scoped3A_346 = arith.constant 0 : i32
    "tpu.region"() ({
      %run_scoped3A_429 = tpu.sem_alloc : memref<!tpu.dma_semaphore, #tpu.memory_space<semaphore_mem>>
      %dma_start3A_430 = arith.constant 0 : i32
      %dma_start3A_431 = arith.constant 0 : i32
      %dma_start3A_432 = tpu.memref_slice %arg3[%run_scoped3A_346, %add3A, %dma_start3A_430, %dma_start3A_431] : memref<2x32x125x80xi32, #tpu.memory_space<hbm>> -> memref<1x1x125x80xi32, #tpu.memory_space<hbm>>
      %dma_start3A_433 = tpu.memref_squeeze %dma_start3A_432 : memref<1x1x125x80xi32, #tpu.memory_space<hbm>> -> memref<125x80xi32, #tpu.memory_space<hbm>>
      %dma_start3A_434 = arith.constant 0 : i32
      %dma_start3A_435 = arith.constant 0 : i32
      %dma_start3A_436 = tpu.memref_slice %arg3[%run_scoped3A_346, %add3A, %dma_start3A_434, %dma_start3A_435] : memref<2x32x125x80xi32, #tpu.memory_space<hbm>> -> memref<1x1x125x80xi32, #tpu.memory_space<hbm>>
      %dma_start3A_437 = tpu.memref_squeeze %dma_start3A_436 : memref<1x1x125x80xi32, #tpu.memory_space<hbm>> -> memref<125x80xi32, #tpu.memory_space<hbm>>
      tpu.enqueue_dma source(%dma_start3A_437 : memref<125x80xi32, #tpu.memory_space<hbm>>) target(%arg7 : memref<125x80xi32, #tpu.memory_space<vmem>>) target_semaphore(%run_scoped3A_429 : memref<!tpu.dma_semaphore, #tpu.memory_space<semaphore_mem>>)
      %dma_wait3A_438 = arith.constant 0 : i32
      %dma_wait3A_439 = arith.constant 0 : i32
      %dma_wait3A_440 = tpu.memref_slice %arg3[%run_scoped3A_346, %add3A, %dma_wait3A_438, %dma_wait3A_439] : memref<2x32x125x80xi32, #tpu.memory_space<hbm>> -> memref<1x1x125x80xi32, #tpu.memory_space<hbm>>
      %dma_wait3A_441 = tpu.memref_squeeze %dma_wait3A_440 : memref<1x1x125x80xi32, #tpu.memory_space<hbm>> -> memref<125x80xi32, #tpu.memory_space<hbm>>
      %dma_wait3A_442 = arith.constant 0 : i32
      %dma_wait3A_443 = arith.constant 0 : i32
      %dma_wait3A_444 = tpu.memref_slice %arg3[%run_scoped3A_346, %add3A, %dma_wait3A_442, %dma_wait3A_443] : memref<2x32x125x80xi32, #tpu.memory_space<hbm>> -> memref<1x1x125x80xi32, #tpu.memory_space<hbm>>
      %dma_wait3A_445 = tpu.memref_squeeze %dma_wait3A_444 : memref<1x1x125x80xi32, #tpu.memory_space<hbm>> -> memref<125x80xi32, #tpu.memory_space<hbm>>
      tpu.wait_dma2 semaphore(%run_scoped3A_429 : memref<!tpu.dma_semaphore, #tpu.memory_space<semaphore_mem>>) src(%dma_wait3A_445 : memref<125x80xi32, #tpu.memory_space<hbm>>) dst(%arg7 : memref<125x80xi32, #tpu.memory_space<vmem>>)
      tpu.yield
    }) : () -> ()
    %run_scoped3A_347 = arith.constant 1 : i32
    "tpu.region"() ({
      %run_scoped3A_429 = tpu.sem_alloc : memref<!tpu.dma_semaphore, #tpu.memory_space<semaphore_mem>>
      %dma_start3A_430 = arith.constant 0 : i32
      %dma_start3A_431 = arith.constant 0 : i32
      %dma_start3A_432 = tpu.memref_slice %arg3[%run_scoped3A_347, %add3A, %dma_start3A_430, %dma_start3A_431] : memref<2x32x125x80xi32, #tpu.memory_space<hbm>> -> memref<1x1x125x80xi32, #tpu.memory_space<hbm>>
      %dma_start3A_433 = tpu.memref_squeeze %dma_start3A_432 : memref<1x1x125x80xi32, #tpu.memory_space<hbm>> -> memref<125x80xi32, #tpu.memory_space<hbm>>
      %dma_start3A_434 = arith.constant 0 : i32
      %dma_start3A_435 = arith.constant 0 : i32
      %dma_start3A_436 = tpu.memref_slice %arg3[%run_scoped3A_347, %add3A, %dma_start3A_434, %dma_start3A_435] : memref<2x32x125x80xi32, #tpu.memory_space<hbm>> -> memref<1x1x125x80xi32, #tpu.memory_space<hbm>>
      %dma_start3A_437 = tpu.memref_squeeze %dma_start3A_436 : memref<1x1x125x80xi32, #tpu.memory_space<hbm>> -> memref<125x80xi32, #tpu.memory_space<hbm>>
      tpu.enqueue_dma source(%dma_start3A_437 : memref<125x80xi32, #tpu.memory_space<hbm>>) target(%arg8 : memref<125x80xi32, #tpu.memory_space<vmem>>) target_semaphore(%run_scoped3A_429 : memref<!tpu.dma_semaphore, #tpu.memory_space<semaphore_mem>>)
      %dma_wait3A_438 = arith.constant 0 : i32
      %dma_wait3A_439 = arith.constant 0 : i32
      %dma_wait3A_440 = tpu.memref_slice %arg3[%run_scoped3A_347, %add3A, %dma_wait3A_438, %dma_wait3A_439] : memref<2x32x125x80xi32, #tpu.memory_space<hbm>> -> memref<1x1x125x80xi32, #tpu.memory_space<hbm>>
      %dma_wait3A_441 = tpu.memref_squeeze %dma_wait3A_440 : memref<1x1x125x80xi32, #tpu.memory_space<hbm>> -> memref<125x80xi32, #tpu.memory_space<hbm>>
      %dma_wait3A_442 = arith.constant 0 : i32
      %dma_wait3A_443 = arith.constant 0 : i32
      %dma_wait3A_444 = tpu.memref_slice %arg3[%run_scoped3A_347, %add3A, %dma_wait3A_442, %dma_wait3A_443] : memref<2x32x125x80xi32, #tpu.memory_space<hbm>> -> memref<1x1x125x80xi32, #tpu.memory_space<hbm>>
      %dma_wait3A_445 = tpu.memref_squeeze %dma_wait3A_444 : memref<1x1x125x80xi32, #tpu.memory_space<hbm>> -> memref<125x80xi32, #tpu.memory_space<hbm>>
      tpu.wait_dma2 semaphore(%run_scoped3A_429 : memref<!tpu.dma_semaphore, #tpu.memory_space<semaphore_mem>>) src(%dma_wait3A_445 : memref<125x80xi32, #tpu.memory_space<hbm>>) dst(%arg8 : memref<125x80xi32, #tpu.memory_space<vmem>>)
      tpu.yield
    }) : () -> ()
    %barrier3A = arith.constant 0 : index
    tpu.barrier barrier_id(%barrier3A)
    %dma_start3A = arith.constant 0 : i32
    %dma_start3A_348 = arith.constant 0 : i32
    %dma_start3A_349 = tpu.memref_slice %arg7[%dma_start3A, %dma_start3A_348] : memref<125x80xi32, #tpu.memory_space<vmem>> -> memref<1x80xi32, #tpu.memory_space<vmem>>
    %dma_start3A_350 = tpu.memref_squeeze %dma_start3A_349 : memref<1x80xi32, #tpu.memory_space<vmem>> -> memref<80xi32, #tpu.memory_space<vmem>>
    %dma_start3A_351 = arith.constant 0 : i32
    %dma_start3A_352 = arith.constant 0 : i32
    %dma_start3A_353 = tpu.memref_slice %arg17[%dma_start3A_351, %dma_start3A_352] : memref<10240x16xf32, #tpu.memory_space<vmem_shared>> -> memref<10240x16xf32, #tpu.memory_space<vmem_shared>>
    tpu.enqueue_indirect_dma source(%dma_start3A_353 : memref<10240x16xf32, #tpu.memory_space<vmem_shared>>) target(%arg13 : memref<80x16xf32, #tpu.memory_space<vmem>>) offsets(%dma_start3A_350 : memref<80xi32, #tpu.memory_space<vmem>>) semaphore(%arg19 : memref<!tpu.dma_semaphore, #tpu.memory_space<semaphore_mem>>)
    %dma_start3A_354 = arith.constant 1 : i32
    %dma_start3A_355 = arith.constant 0 : i32
    %dma_start3A_356 = tpu.memref_slice %arg7[%dma_start3A_354, %dma_start3A_355] : memref<125x80xi32, #tpu.memory_space<vmem>> -> memref<1x80xi32, #tpu.memory_space<vmem>>
    %dma_start3A_357 = tpu.memref_squeeze %dma_start3A_356 : memref<1x80xi32, #tpu.memory_space<vmem>> -> memref<80xi32, #tpu.memory_space<vmem>>
    %dma_start3A_358 = arith.constant 0 : i32
    %dma_start3A_359 = arith.constant 0 : i32
    %dma_start3A_360 = tpu.memref_slice %arg17[%dma_start3A_358, %dma_start3A_359] : memref<10240x16xf32, #tpu.memory_space<vmem_shared>> -> memref<10240x16xf32, #tpu.memory_space<vmem_shared>>
    tpu.enqueue_indirect_dma source(%dma_start3A_360 : memref<10240x16xf32, #tpu.memory_space<vmem_shared>>) target(%arg14 : memref<80x16xf32, #tpu.memory_space<vmem>>) offsets(%dma_start3A_357 : memref<80xi32, #tpu.memory_space<vmem>>) semaphore(%arg20 : memref<!tpu.dma_semaphore, #tpu.memory_space<semaphore_mem>>)
    %dma_start3A_361 = arith.constant 2 : i32
    %dma_start3A_362 = arith.constant 0 : i32
    %dma_start3A_363 = tpu.memref_slice %arg7[%dma_start3A_361, %dma_start3A_362] : memref<125x80xi32, #tpu.memory_space<vmem>> -> memref<1x80xi32, #tpu.memory_space<vmem>>
    %dma_start3A_364 = tpu.memref_squeeze %dma_start3A_363 : memref<1x80xi32, #tpu.memory_space<vmem>> -> memref<80xi32, #tpu.memory_space<vmem>>
    %dma_start3A_365 = arith.constant 0 : i32
    %dma_start3A_366 = arith.constant 0 : i32
    %dma_start3A_367 = tpu.memref_slice %arg17[%dma_start3A_365, %dma_start3A_366] : memref<10240x16xf32, #tpu.memory_space<vmem_shared>> -> memref<10240x16xf32, #tpu.memory_space<vmem_shared>>
    tpu.enqueue_indirect_dma source(%dma_start3A_367 : memref<10240x16xf32, #tpu.memory_space<vmem_shared>>) target(%arg15 : memref<80x16xf32, #tpu.memory_space<vmem>>) offsets(%dma_start3A_364 : memref<80xi32, #tpu.memory_space<vmem>>) semaphore(%arg21 : memref<!tpu.dma_semaphore, #tpu.memory_space<semaphore_mem>>)
    %dma_start3A_368 = arith.constant 3 : i32
    %dma_start3A_369 = arith.constant 0 : i32
    %dma_start3A_370 = tpu.memref_slice %arg7[%dma_start3A_368, %dma_start3A_369] : memref<125x80xi32, #tpu.memory_space<vmem>> -> memref<1x80xi32, #tpu.memory_space<vmem>>
    %dma_start3A_371 = tpu.memref_squeeze %dma_start3A_370 : memref<1x80xi32, #tpu.memory_space<vmem>> -> memref<80xi32, #tpu.memory_space<vmem>>
    %dma_start3A_372 = arith.constant 0 : i32
    %dma_start3A_373 = arith.constant 0 : i32
    %dma_start3A_374 = tpu.memref_slice %arg17[%dma_start3A_372, %dma_start3A_373] : memref<10240x16xf32, #tpu.memory_space<vmem_shared>> -> memref<10240x16xf32, #tpu.memory_space<vmem_shared>>
    tpu.enqueue_indirect_dma source(%dma_start3A_374 : memref<10240x16xf32, #tpu.memory_space<vmem_shared>>) target(%arg16 : memref<80x16xf32, #tpu.memory_space<vmem>>) offsets(%dma_start3A_371 : memref<80xi32, #tpu.memory_space<vmem>>) semaphore(%arg22 : memref<!tpu.dma_semaphore, #tpu.memory_space<semaphore_mem>>)
    %scan3A_375 = arith.constant 0 : i32
    %scan3A_376 = arith.constant 0 : i32
    %scan3A_377 = arith.constant 31 : i32
    %scan3A_378 = arith.addi %scan3A_376, %scan3A_377 : i32
    %scan3A_379 = arith.constant 1 : i32
    scf.for %scan3A_429 = %scan3A_376 to %scan3A_378 step %scan3A_379  : i32 {
      %mul3A_430 = arith.constant 4 : i32
      %mul3A_431 = arith.muli %mul3A_430, %scan3A_429 : i32
      %add3A_432 = arith.constant 0 : i32
      %add3A_433 = arith.addi %mul3A_431, %add3A_432 : i32
      %dma_wait3A_434 = arith.constant 0 : i32
      %dma_wait3A_435 = tpu.memref_slice %arg7[%add3A_433, %dma_wait3A_434] : memref<125x80xi32, #tpu.memory_space<vmem>> -> memref<1x80xi32, #tpu.memory_space<vmem>>
      %dma_wait3A_436 = tpu.memref_squeeze %dma_wait3A_435 : memref<1x80xi32, #tpu.memory_space<vmem>> -> memref<80xi32, #tpu.memory_space<vmem>>
      %dma_wait3A_437 = arith.constant 0 : i32
      %dma_wait3A_438 = arith.constant 0 : i32
      %dma_wait3A_439 = tpu.memref_slice %arg17[%dma_wait3A_437, %dma_wait3A_438] : memref<10240x16xf32, #tpu.memory_space<vmem_shared>> -> memref<10240x16xf32, #tpu.memory_space<vmem_shared>>
      tpu.wait_indirect_dma semaphore(%arg19 : memref<!tpu.dma_semaphore, #tpu.memory_space<semaphore_mem>>) src(%dma_wait3A_439 : memref<10240x16xf32, #tpu.memory_space<vmem_shared>>) dst(%arg13 : memref<80x16xf32, #tpu.memory_space<vmem>>)
      %add3A_440 = arith.constant 0 : i32
      %add3A_441 = arith.addi %mul3A_431, %add3A_440 : i32
      %dma_start3A_442 = arith.constant 0 : i32
      %dma_start3A_443 = tpu.memref_slice %arg8[%add3A_441, %dma_start3A_442] : memref<125x80xi32, #tpu.memory_space<vmem>> -> memref<1x80xi32, #tpu.memory_space<vmem>>
      %dma_start3A_444 = tpu.memref_squeeze %dma_start3A_443 : memref<1x80xi32, #tpu.memory_space<vmem>> -> memref<80xi32, #tpu.memory_space<vmem>>
      %dma_start3A_445 = arith.constant 0 : i32
      %dma_start3A_446 = arith.constant 0 : i32
      %dma_start3A_447 = tpu.memref_slice %arg18[%dma_start3A_445, %dma_start3A_446] : memref<10240x16xf32, #tpu.memory_space<vmem_shared>> -> memref<10240x16xf32, #tpu.memory_space<vmem_shared>>
      tpu.enqueue_indirect_dma source(%arg13 : memref<80x16xf32, #tpu.memory_space<vmem>>) target(%dma_start3A_447 : memref<10240x16xf32, #tpu.memory_space<vmem_shared>>) offsets(%dma_start3A_444 : memref<80xi32, #tpu.memory_space<vmem>>) semaphore(%arg23 : memref<!tpu.dma_semaphore, #tpu.memory_space<semaphore_mem>>) {add = true}
      %add3A_448 = arith.constant 1 : i32
      %add3A_449 = arith.addi %mul3A_431, %add3A_448 : i32
      %dma_wait3A_450 = arith.constant 0 : i32
      %dma_wait3A_451 = tpu.memref_slice %arg7[%add3A_449, %dma_wait3A_450] : memref<125x80xi32, #tpu.memory_space<vmem>> -> memref<1x80xi32, #tpu.memory_space<vmem>>
      %dma_wait3A_452 = tpu.memref_squeeze %dma_wait3A_451 : memref<1x80xi32, #tpu.memory_space<vmem>> -> memref<80xi32, #tpu.memory_space<vmem>>
      %dma_wait3A_453 = arith.constant 0 : i32
      %dma_wait3A_454 = arith.constant 0 : i32
      %dma_wait3A_455 = tpu.memref_slice %arg17[%dma_wait3A_453, %dma_wait3A_454] : memref<10240x16xf32, #tpu.memory_space<vmem_shared>> -> memref<10240x16xf32, #tpu.memory_space<vmem_shared>>
      tpu.wait_indirect_dma semaphore(%arg20 : memref<!tpu.dma_semaphore, #tpu.memory_space<semaphore_mem>>) src(%dma_wait3A_455 : memref<10240x16xf32, #tpu.memory_space<vmem_shared>>) dst(%arg14 : memref<80x16xf32, #tpu.memory_space<vmem>>)
      %add3A_456 = arith.constant 1 : i32
      %add3A_457 = arith.addi %mul3A_431, %add3A_456 : i32
      %dma_start3A_458 = arith.constant 0 : i32
      %dma_start3A_459 = tpu.memref_slice %arg8[%add3A_457, %dma_start3A_458] : memref<125x80xi32, #tpu.memory_space<vmem>> -> memref<1x80xi32, #tpu.memory_space<vmem>>
      %dma_start3A_460 = tpu.memref_squeeze %dma_start3A_459 : memref<1x80xi32, #tpu.memory_space<vmem>> -> memref<80xi32, #tpu.memory_space<vmem>>
      %dma_start3A_461 = arith.constant 0 : i32
      %dma_start3A_462 = arith.constant 0 : i32
      %dma_start3A_463 = tpu.memref_slice %arg18[%dma_start3A_461, %dma_start3A_462] : memref<10240x16xf32, #tpu.memory_space<vmem_shared>> -> memref<10240x16xf32, #tpu.memory_space<vmem_shared>>
      tpu.enqueue_indirect_dma source(%arg14 : memref<80x16xf32, #tpu.memory_space<vmem>>) target(%dma_start3A_463 : memref<10240x16xf32, #tpu.memory_space<vmem_shared>>) offsets(%dma_start3A_460 : memref<80xi32, #tpu.memory_space<vmem>>) semaphore(%arg24 : memref<!tpu.dma_semaphore, #tpu.memory_space<semaphore_mem>>) {add = true}
      %add3A_464 = arith.constant 2 : i32
      %add3A_465 = arith.addi %mul3A_431, %add3A_464 : i32
      %dma_wait3A_466 = arith.constant 0 : i32
      %dma_wait3A_467 = tpu.memref_slice %arg7[%add3A_465, %dma_wait3A_466] : memref<125x80xi32, #tpu.memory_space<vmem>> -> memref<1x80xi32, #tpu.memory_space<vmem>>
      %dma_wait3A_468 = tpu.memref_squeeze %dma_wait3A_467 : memref<1x80xi32, #tpu.memory_space<vmem>> -> memref<80xi32, #tpu.memory_space<vmem>>
      %dma_wait3A_469 = arith.constant 0 : i32
      %dma_wait3A_470 = arith.constant 0 : i32
      %dma_wait3A_471 = tpu.memref_slice %arg17[%dma_wait3A_469, %dma_wait3A_470] : memref<10240x16xf32, #tpu.memory_space<vmem_shared>> -> memref<10240x16xf32, #tpu.memory_space<vmem_shared>>
      tpu.wait_indirect_dma semaphore(%arg21 : memref<!tpu.dma_semaphore, #tpu.memory_space<semaphore_mem>>) src(%dma_wait3A_471 : memref<10240x16xf32, #tpu.memory_space<vmem_shared>>) dst(%arg15 : memref<80x16xf32, #tpu.memory_space<vmem>>)
      %add3A_472 = arith.constant 2 : i32
      %add3A_473 = arith.addi %mul3A_431, %add3A_472 : i32
      %dma_start3A_474 = arith.constant 0 : i32
      %dma_start3A_475 = tpu.memref_slice %arg8[%add3A_473, %dma_start3A_474] : memref<125x80xi32, #tpu.memory_space<vmem>> -> memref<1x80xi32, #tpu.memory_space<vmem>>
      %dma_start3A_476 = tpu.memref_squeeze %dma_start3A_475 : memref<1x80xi32, #tpu.memory_space<vmem>> -> memref<80xi32, #tpu.memory_space<vmem>>
      %dma_start3A_477 = arith.constant 0 : i32
      %dma_start3A_478 = arith.constant 0 : i32
      %dma_start3A_479 = tpu.memref_slice %arg18[%dma_start3A_477, %dma_start3A_478] : memref<10240x16xf32, #tpu.memory_space<vmem_shared>> -> memref<10240x16xf32, #tpu.memory_space<vmem_shared>>
      tpu.enqueue_indirect_dma source(%arg15 : memref<80x16xf32, #tpu.memory_space<vmem>>) target(%dma_start3A_479 : memref<10240x16xf32, #tpu.memory_space<vmem_shared>>) offsets(%dma_start3A_476 : memref<80xi32, #tpu.memory_space<vmem>>) semaphore(%arg25 : memref<!tpu.dma_semaphore, #tpu.memory_space<semaphore_mem>>) {add = true}
      %add3A_480 = arith.constant 3 : i32
      %add3A_481 = arith.addi %mul3A_431, %add3A_480 : i32
      %dma_wait3A_482 = arith.constant 0 : i32
      %dma_wait3A_483 = tpu.memref_slice %arg7[%add3A_481, %dma_wait3A_482] : memref<125x80xi32, #tpu.memory_space<vmem>> -> memref<1x80xi32, #tpu.memory_space<vmem>>
      %dma_wait3A_484 = tpu.memref_squeeze %dma_wait3A_483 : memref<1x80xi32, #tpu.memory_space<vmem>> -> memref<80xi32, #tpu.memory_space<vmem>>
      %dma_wait3A_485 = arith.constant 0 : i32
      %dma_wait3A_486 = arith.constant 0 : i32
      %dma_wait3A_487 = tpu.memref_slice %arg17[%dma_wait3A_485, %dma_wait3A_486] : memref<10240x16xf32, #tpu.memory_space<vmem_shared>> -> memref<10240x16xf32, #tpu.memory_space<vmem_shared>>
      tpu.wait_indirect_dma semaphore(%arg22 : memref<!tpu.dma_semaphore, #tpu.memory_space<semaphore_mem>>) src(%dma_wait3A_487 : memref<10240x16xf32, #tpu.memory_space<vmem_shared>>) dst(%arg16 : memref<80x16xf32, #tpu.memory_space<vmem>>)
      %add3A_488 = arith.constant 3 : i32
      %add3A_489 = arith.addi %mul3A_431, %add3A_488 : i32
      %dma_start3A_490 = arith.constant 0 : i32
      %dma_start3A_491 = tpu.memref_slice %arg8[%add3A_489, %dma_start3A_490] : memref<125x80xi32, #tpu.memory_space<vmem>> -> memref<1x80xi32, #tpu.memory_space<vmem>>
      %dma_start3A_492 = tpu.memref_squeeze %dma_start3A_491 : memref<1x80xi32, #tpu.memory_space<vmem>> -> memref<80xi32, #tpu.memory_space<vmem>>
      %dma_start3A_493 = arith.constant 0 : i32
      %dma_start3A_494 = arith.constant 0 : i32
      %dma_start3A_495 = tpu.memref_slice %arg18[%dma_start3A_493, %dma_start3A_494] : memref<10240x16xf32, #tpu.memory_space<vmem_shared>> -> memref<10240x16xf32, #tpu.memory_space<vmem_shared>>
      tpu.enqueue_indirect_dma source(%arg16 : memref<80x16xf32, #tpu.memory_space<vmem>>) target(%dma_start3A_495 : memref<10240x16xf32, #tpu.memory_space<vmem_shared>>) offsets(%dma_start3A_492 : memref<80xi32, #tpu.memory_space<vmem>>) semaphore(%arg26 : memref<!tpu.dma_semaphore, #tpu.memory_space<semaphore_mem>>) {add = true}
      %add3A_496 = arith.constant 4 : i32
      %add3A_497 = arith.addi %mul3A_431, %add3A_496 : i32
      %add3A_498 = arith.constant 0 : i32
      %add3A_499 = arith.addi %add3A_497, %add3A_498 : i32
      %lt3A = arith.constant 125 : i32
      %lt3A_500 = arith.cmpi slt, %add3A_499, %lt3A : i32
      %convert_element_type3A = arith.extui %lt3A_500 : i1 to i32
      %cond3A = arith.constant 0 : i32
      %cond3A_501 = arith.cmpi ne, %convert_element_type3A, %cond3A : i32
      scf.if %cond3A_501 {
        %add3A_529 = arith.constant 0 : i32
        %add3A_530 = arith.addi %mul3A_431, %add3A_529 : i32
        %dma_wait3A_531 = arith.constant 0 : i32
        %dma_wait3A_532 = tpu.memref_slice %arg8[%add3A_530, %dma_wait3A_531] : memref<125x80xi32, #tpu.memory_space<vmem>> -> memref<1x80xi32, #tpu.memory_space<vmem>>
        %dma_wait3A_533 = tpu.memref_squeeze %dma_wait3A_532 : memref<1x80xi32, #tpu.memory_space<vmem>> -> memref<80xi32, #tpu.memory_space<vmem>>
        %dma_wait3A_534 = arith.constant 0 : i32
        %dma_wait3A_535 = arith.constant 0 : i32
        %dma_wait3A_536 = tpu.memref_slice %arg18[%dma_wait3A_534, %dma_wait3A_535] : memref<10240x16xf32, #tpu.memory_space<vmem_shared>> -> memref<10240x16xf32, #tpu.memory_space<vmem_shared>>
        tpu.wait_indirect_dma semaphore(%arg23 : memref<!tpu.dma_semaphore, #tpu.memory_space<semaphore_mem>>) src(%arg13 : memref<80x16xf32, #tpu.memory_space<vmem>>) dst(%dma_wait3A_536 : memref<10240x16xf32, #tpu.memory_space<vmem_shared>>)
        %dma_start3A_537 = arith.constant 0 : i32
        %dma_start3A_538 = tpu.memref_slice %arg7[%add3A_499, %dma_start3A_537] : memref<125x80xi32, #tpu.memory_space<vmem>> -> memref<1x80xi32, #tpu.memory_space<vmem>>
        %dma_start3A_539 = tpu.memref_squeeze %dma_start3A_538 : memref<1x80xi32, #tpu.memory_space<vmem>> -> memref<80xi32, #tpu.memory_space<vmem>>
        %dma_start3A_540 = arith.constant 0 : i32
        %dma_start3A_541 = arith.constant 0 : i32
        %dma_start3A_542 = tpu.memref_slice %arg17[%dma_start3A_540, %dma_start3A_541] : memref<10240x16xf32, #tpu.memory_space<vmem_shared>> -> memref<10240x16xf32, #tpu.memory_space<vmem_shared>>
        tpu.enqueue_indirect_dma source(%dma_start3A_542 : memref<10240x16xf32, #tpu.memory_space<vmem_shared>>) target(%arg13 : memref<80x16xf32, #tpu.memory_space<vmem>>) offsets(%dma_start3A_539 : memref<80xi32, #tpu.memory_space<vmem>>) semaphore(%arg19 : memref<!tpu.dma_semaphore, #tpu.memory_space<semaphore_mem>>)
      } else {
      }
      %add3A_502 = arith.constant 4 : i32
      %add3A_503 = arith.addi %mul3A_431, %add3A_502 : i32
      %add3A_504 = arith.constant 1 : i32
      %add3A_505 = arith.addi %add3A_503, %add3A_504 : i32
      %lt3A_506 = arith.constant 125 : i32
      %lt3A_507 = arith.cmpi slt, %add3A_505, %lt3A_506 : i32
      %convert_element_type3A_508 = arith.extui %lt3A_507 : i1 to i32
      %cond3A_509 = arith.constant 0 : i32
      %cond3A_510 = arith.cmpi ne, %convert_element_type3A_508, %cond3A_509 : i32
      scf.if %cond3A_510 {
        %add3A_529 = arith.constant 1 : i32
        %add3A_530 = arith.addi %mul3A_431, %add3A_529 : i32
        %dma_wait3A_531 = arith.constant 0 : i32
        %dma_wait3A_532 = tpu.memref_slice %arg8[%add3A_530, %dma_wait3A_531] : memref<125x80xi32, #tpu.memory_space<vmem>> -> memref<1x80xi32, #tpu.memory_space<vmem>>
        %dma_wait3A_533 = tpu.memref_squeeze %dma_wait3A_532 : memref<1x80xi32, #tpu.memory_space<vmem>> -> memref<80xi32, #tpu.memory_space<vmem>>
        %dma_wait3A_534 = arith.constant 0 : i32
        %dma_wait3A_535 = arith.constant 0 : i32
        %dma_wait3A_536 = tpu.memref_slice %arg18[%dma_wait3A_534, %dma_wait3A_535] : memref<10240x16xf32, #tpu.memory_space<vmem_shared>> -> memref<10240x16xf32, #tpu.memory_space<vmem_shared>>
        tpu.wait_indirect_dma semaphore(%arg24 : memref<!tpu.dma_semaphore, #tpu.memory_space<semaphore_mem>>) src(%arg14 : memref<80x16xf32, #tpu.memory_space<vmem>>) dst(%dma_wait3A_536 : memref<10240x16xf32, #tpu.memory_space<vmem_shared>>)
        %dma_start3A_537 = arith.constant 0 : i32
        %dma_start3A_538 = tpu.memref_slice %arg7[%add3A_505, %dma_start3A_537] : memref<125x80xi32, #tpu.memory_space<vmem>> -> memref<1x80xi32, #tpu.memory_space<vmem>>
        %dma_start3A_539 = tpu.memref_squeeze %dma_start3A_538 : memref<1x80xi32, #tpu.memory_space<vmem>> -> memref<80xi32, #tpu.memory_space<vmem>>
        %dma_start3A_540 = arith.constant 0 : i32
        %dma_start3A_541 = arith.constant 0 : i32
        %dma_start3A_542 = tpu.memref_slice %arg17[%dma_start3A_540, %dma_start3A_541] : memref<10240x16xf32, #tpu.memory_space<vmem_shared>> -> memref<10240x16xf32, #tpu.memory_space<vmem_shared>>
        tpu.enqueue_indirect_dma source(%dma_start3A_542 : memref<10240x16xf32, #tpu.memory_space<vmem_shared>>) target(%arg14 : memref<80x16xf32, #tpu.memory_space<vmem>>) offsets(%dma_start3A_539 : memref<80xi32, #tpu.memory_space<vmem>>) semaphore(%arg20 : memref<!tpu.dma_semaphore, #tpu.memory_space<semaphore_mem>>)
      } else {
      }
      %add3A_511 = arith.constant 4 : i32
      %add3A_512 = arith.addi %mul3A_431, %add3A_511 : i32
      %add3A_513 = arith.constant 2 : i32
      %add3A_514 = arith.addi %add3A_512, %add3A_513 : i32
      %lt3A_515 = arith.constant 125 : i32
      %lt3A_516 = arith.cmpi slt, %add3A_514, %lt3A_515 : i32
      %convert_element_type3A_517 = arith.extui %lt3A_516 : i1 to i32
      %cond3A_518 = arith.constant 0 : i32
      %cond3A_519 = arith.cmpi ne, %convert_element_type3A_517, %cond3A_518 : i32
      scf.if %cond3A_519 {
        %add3A_529 = arith.constant 2 : i32
        %add3A_530 = arith.addi %mul3A_431, %add3A_529 : i32
        %dma_wait3A_531 = arith.constant 0 : i32
        %dma_wait3A_532 = tpu.memref_slice %arg8[%add3A_530, %dma_wait3A_531] : memref<125x80xi32, #tpu.memory_space<vmem>> -> memref<1x80xi32, #tpu.memory_space<vmem>>
        %dma_wait3A_533 = tpu.memref_squeeze %dma_wait3A_532 : memref<1x80xi32, #tpu.memory_space<vmem>> -> memref<80xi32, #tpu.memory_space<vmem>>
        %dma_wait3A_534 = arith.constant 0 : i32
        %dma_wait3A_535 = arith.constant 0 : i32
        %dma_wait3A_536 = tpu.memref_slice %arg18[%dma_wait3A_534, %dma_wait3A_535] : memref<10240x16xf32, #tpu.memory_space<vmem_shared>> -> memref<10240x16xf32, #tpu.memory_space<vmem_shared>>
        tpu.wait_indirect_dma semaphore(%arg25 : memref<!tpu.dma_semaphore, #tpu.memory_space<semaphore_mem>>) src(%arg15 : memref<80x16xf32, #tpu.memory_space<vmem>>) dst(%dma_wait3A_536 : memref<10240x16xf32, #tpu.memory_space<vmem_shared>>)
        %dma_start3A_537 = arith.constant 0 : i32
        %dma_start3A_538 = tpu.memref_slice %arg7[%add3A_514, %dma_start3A_537] : memref<125x80xi32, #tpu.memory_space<vmem>> -> memref<1x80xi32, #tpu.memory_space<vmem>>
        %dma_start3A_539 = tpu.memref_squeeze %dma_start3A_538 : memref<1x80xi32, #tpu.memory_space<vmem>> -> memref<80xi32, #tpu.memory_space<vmem>>
        %dma_start3A_540 = arith.constant 0 : i32
        %dma_start3A_541 = arith.constant 0 : i32
        %dma_start3A_542 = tpu.memref_slice %arg17[%dma_start3A_540, %dma_start3A_541] : memref<10240x16xf32, #tpu.memory_space<vmem_shared>> -> memref<10240x16xf32, #tpu.memory_space<vmem_shared>>
        tpu.enqueue_indirect_dma source(%dma_start3A_542 : memref<10240x16xf32, #tpu.memory_space<vmem_shared>>) target(%arg15 : memref<80x16xf32, #tpu.memory_space<vmem>>) offsets(%dma_start3A_539 : memref<80xi32, #tpu.memory_space<vmem>>) semaphore(%arg21 : memref<!tpu.dma_semaphore, #tpu.memory_space<semaphore_mem>>)
      } else {
      }
      %add3A_520 = arith.constant 4 : i32
      %add3A_521 = arith.addi %mul3A_431, %add3A_520 : i32
      %add3A_522 = arith.constant 3 : i32
      %add3A_523 = arith.addi %add3A_521, %add3A_522 : i32
      %lt3A_524 = arith.constant 125 : i32
      %lt3A_525 = arith.cmpi slt, %add3A_523, %lt3A_524 : i32
      %convert_element_type3A_526 = arith.extui %lt3A_525 : i1 to i32
      %cond3A_527 = arith.constant 0 : i32
      %cond3A_528 = arith.cmpi ne, %convert_element_type3A_526, %cond3A_527 : i32
      scf.if %cond3A_528 {
        %add3A_529 = arith.constant 3 : i32
        %add3A_530 = arith.addi %mul3A_431, %add3A_529 : i32
        %dma_wait3A_531 = arith.constant 0 : i32
        %dma_wait3A_532 = tpu.memref_slice %arg8[%add3A_530, %dma_wait3A_531] : memref<125x80xi32, #tpu.memory_space<vmem>> -> memref<1x80xi32, #tpu.memory_space<vmem>>
        %dma_wait3A_533 = tpu.memref_squeeze %dma_wait3A_532 : memref<1x80xi32, #tpu.memory_space<vmem>> -> memref<80xi32, #tpu.memory_space<vmem>>
        %dma_wait3A_534 = arith.constant 0 : i32
        %dma_wait3A_535 = arith.constant 0 : i32
        %dma_wait3A_536 = tpu.memref_slice %arg18[%dma_wait3A_534, %dma_wait3A_535] : memref<10240x16xf32, #tpu.memory_space<vmem_shared>> -> memref<10240x16xf32, #tpu.memory_space<vmem_shared>>
        tpu.wait_indirect_dma semaphore(%arg26 : memref<!tpu.dma_semaphore, #tpu.memory_space<semaphore_mem>>) src(%arg16 : memref<80x16xf32, #tpu.memory_space<vmem>>) dst(%dma_wait3A_536 : memref<10240x16xf32, #tpu.memory_space<vmem_shared>>)
        %dma_start3A_537 = arith.constant 0 : i32
        %dma_start3A_538 = tpu.memref_slice %arg7[%add3A_523, %dma_start3A_537] : memref<125x80xi32, #tpu.memory_space<vmem>> -> memref<1x80xi32, #tpu.memory_space<vmem>>
        %dma_start3A_539 = tpu.memref_squeeze %dma_start3A_538 : memref<1x80xi32, #tpu.memory_space<vmem>> -> memref<80xi32, #tpu.memory_space<vmem>>
        %dma_start3A_540 = arith.constant 0 : i32
        %dma_start3A_541 = arith.constant 0 : i32
        %dma_start3A_542 = tpu.memref_slice %arg17[%dma_start3A_540, %dma_start3A_541] : memref<10240x16xf32, #tpu.memory_space<vmem_shared>> -> memref<10240x16xf32, #tpu.memory_space<vmem_shared>>
        tpu.enqueue_indirect_dma source(%dma_start3A_542 : memref<10240x16xf32, #tpu.memory_space<vmem_shared>>) target(%arg16 : memref<80x16xf32, #tpu.memory_space<vmem>>) offsets(%dma_start3A_539 : memref<80xi32, #tpu.memory_space<vmem>>) semaphore(%arg22 : memref<!tpu.dma_semaphore, #tpu.memory_space<semaphore_mem>>)
      } else {
      }
    }
    %scan3A_380 = arith.constant 31 : i32
    %dma_wait3A = arith.constant 124 : i32
    %dma_wait3A_381 = arith.constant 0 : i32
    %dma_wait3A_382 = tpu.memref_slice %arg7[%dma_wait3A, %dma_wait3A_381] : memref<125x80xi32, #tpu.memory_space<vmem>> -> memref<1x80xi32, #tpu.memory_space<vmem>>
    %dma_wait3A_383 = tpu.memref_squeeze %dma_wait3A_382 : memref<1x80xi32, #tpu.memory_space<vmem>> -> memref<80xi32, #tpu.memory_space<vmem>>
    %dma_wait3A_384 = arith.constant 0 : i32
    %dma_wait3A_385 = arith.constant 0 : i32
    %dma_wait3A_386 = tpu.memref_slice %arg17[%dma_wait3A_384, %dma_wait3A_385] : memref<10240x16xf32, #tpu.memory_space<vmem_shared>> -> memref<10240x16xf32, #tpu.memory_space<vmem_shared>>
    tpu.wait_indirect_dma semaphore(%arg19 : memref<!tpu.dma_semaphore, #tpu.memory_space<semaphore_mem>>) src(%dma_wait3A_386 : memref<10240x16xf32, #tpu.memory_space<vmem_shared>>) dst(%arg13 : memref<80x16xf32, #tpu.memory_space<vmem>>)
    %dma_start3A_387 = arith.constant 124 : i32
    %dma_start3A_388 = arith.constant 0 : i32
    %dma_start3A_389 = tpu.memref_slice %arg8[%dma_start3A_387, %dma_start3A_388] : memref<125x80xi32, #tpu.memory_space<vmem>> -> memref<1x80xi32, #tpu.memory_space<vmem>>
    %dma_start3A_390 = tpu.memref_squeeze %dma_start3A_389 : memref<1x80xi32, #tpu.memory_space<vmem>> -> memref<80xi32, #tpu.memory_space<vmem>>
    %dma_start3A_391 = arith.constant 0 : i32
    %dma_start3A_392 = arith.constant 0 : i32
    %dma_start3A_393 = tpu.memref_slice %arg18[%dma_start3A_391, %dma_start3A_392] : memref<10240x16xf32, #tpu.memory_space<vmem_shared>> -> memref<10240x16xf32, #tpu.memory_space<vmem_shared>>
    tpu.enqueue_indirect_dma source(%arg13 : memref<80x16xf32, #tpu.memory_space<vmem>>) target(%dma_start3A_393 : memref<10240x16xf32, #tpu.memory_space<vmem_shared>>) offsets(%dma_start3A_390 : memref<80xi32, #tpu.memory_space<vmem>>) semaphore(%arg23 : memref<!tpu.dma_semaphore, #tpu.memory_space<semaphore_mem>>) {add = true}
    %dma_wait3A_394 = arith.constant 124 : i32
    %dma_wait3A_395 = arith.constant 0 : i32
    %dma_wait3A_396 = tpu.memref_slice %arg8[%dma_wait3A_394, %dma_wait3A_395] : memref<125x80xi32, #tpu.memory_space<vmem>> -> memref<1x80xi32, #tpu.memory_space<vmem>>
    %dma_wait3A_397 = tpu.memref_squeeze %dma_wait3A_396 : memref<1x80xi32, #tpu.memory_space<vmem>> -> memref<80xi32, #tpu.memory_space<vmem>>
    %dma_wait3A_398 = arith.constant 0 : i32
    %dma_wait3A_399 = arith.constant 0 : i32
    %dma_wait3A_400 = tpu.memref_slice %arg18[%dma_wait3A_398, %dma_wait3A_399] : memref<10240x16xf32, #tpu.memory_space<vmem_shared>> -> memref<10240x16xf32, #tpu.memory_space<vmem_shared>>
    tpu.wait_indirect_dma semaphore(%arg23 : memref<!tpu.dma_semaphore, #tpu.memory_space<semaphore_mem>>) src(%arg13 : memref<80x16xf32, #tpu.memory_space<vmem>>) dst(%dma_wait3A_400 : memref<10240x16xf32, #tpu.memory_space<vmem_shared>>)
    %dma_wait3A_401 = arith.constant 121 : i32
    %dma_wait3A_402 = arith.constant 0 : i32
    %dma_wait3A_403 = tpu.memref_slice %arg8[%dma_wait3A_401, %dma_wait3A_402] : memref<125x80xi32, #tpu.memory_space<vmem>> -> memref<1x80xi32, #tpu.memory_space<vmem>>
    %dma_wait3A_404 = tpu.memref_squeeze %dma_wait3A_403 : memref<1x80xi32, #tpu.memory_space<vmem>> -> memref<80xi32, #tpu.memory_space<vmem>>
    %dma_wait3A_405 = arith.constant 0 : i32
    %dma_wait3A_406 = arith.constant 0 : i32
    %dma_wait3A_407 = tpu.memref_slice %arg18[%dma_wait3A_405, %dma_wait3A_406] : memref<10240x16xf32, #tpu.memory_space<vmem_shared>> -> memref<10240x16xf32, #tpu.memory_space<vmem_shared>>
    tpu.wait_indirect_dma semaphore(%arg24 : memref<!tpu.dma_semaphore, #tpu.memory_space<semaphore_mem>>) src(%arg14 : memref<80x16xf32, #tpu.memory_space<vmem>>) dst(%dma_wait3A_407 : memref<10240x16xf32, #tpu.memory_space<vmem_shared>>)
    %dma_wait3A_408 = arith.constant 122 : i32
    %dma_wait3A_409 = arith.constant 0 : i32
    %dma_wait3A_410 = tpu.memref_slice %arg8[%dma_wait3A_408, %dma_wait3A_409] : memref<125x80xi32, #tpu.memory_space<vmem>> -> memref<1x80xi32, #tpu.memory_space<vmem>>
    %dma_wait3A_411 = tpu.memref_squeeze %dma_wait3A_410 : memref<1x80xi32, #tpu.memory_space<vmem>> -> memref<80xi32, #tpu.memory_space<vmem>>
    %dma_wait3A_412 = arith.constant 0 : i32
    %dma_wait3A_413 = arith.constant 0 : i32
    %dma_wait3A_414 = tpu.memref_slice %arg18[%dma_wait3A_412, %dma_wait3A_413] : memref<10240x16xf32, #tpu.memory_space<vmem_shared>> -> memref<10240x16xf32, #tpu.memory_space<vmem_shared>>
    tpu.wait_indirect_dma semaphore(%arg25 : memref<!tpu.dma_semaphore, #tpu.memory_space<semaphore_mem>>) src(%arg15 : memref<80x16xf32, #tpu.memory_space<vmem>>) dst(%dma_wait3A_414 : memref<10240x16xf32, #tpu.memory_space<vmem_shared>>)
    %dma_wait3A_415 = arith.constant 123 : i32
    %dma_wait3A_416 = arith.constant 0 : i32
    %dma_wait3A_417 = tpu.memref_slice %arg8[%dma_wait3A_415, %dma_wait3A_416] : memref<125x80xi32, #tpu.memory_space<vmem>> -> memref<1x80xi32, #tpu.memory_space<vmem>>
    %dma_wait3A_418 = tpu.memref_squeeze %dma_wait3A_417 : memref<1x80xi32, #tpu.memory_space<vmem>> -> memref<80xi32, #tpu.memory_space<vmem>>
    %dma_wait3A_419 = arith.constant 0 : i32
    %dma_wait3A_420 = arith.constant 0 : i32
    %dma_wait3A_421 = tpu.memref_slice %arg18[%dma_wait3A_419, %dma_wait3A_420] : memref<10240x16xf32, #tpu.memory_space<vmem_shared>> -> memref<10240x16xf32, #tpu.memory_space<vmem_shared>>
    tpu.wait_indirect_dma semaphore(%arg26 : memref<!tpu.dma_semaphore, #tpu.memory_space<semaphore_mem>>) src(%arg16 : memref<80x16xf32, #tpu.memory_space<vmem>>) dst(%dma_wait3A_421 : memref<10240x16xf32, #tpu.memory_space<vmem_shared>>)
    %barrier3A_422 = arith.constant 0 : index
    tpu.barrier barrier_id(%barrier3A_422)
    "tpu.region"() ({
      %run_scoped3A_429 = tpu.sem_alloc : memref<!tpu.dma_semaphore, #tpu.memory_space<semaphore_mem>>
      %dma_start3A_430 = arith.constant 0 : i32
      %dma_start3A_431 = tpu.memref_slice %arg18[%mul3A_2, %dma_start3A_430] : memref<10240x16xf32, #tpu.memory_space<vmem_shared>> -> memref<640x16xf32, #tpu.memory_space<vmem_shared>>
      %dma_start3A_432 = arith.constant 0 : i32
      %dma_start3A_433 = tpu.memref_slice %arg18[%mul3A_2, %dma_start3A_432] : memref<10240x16xf32, #tpu.memory_space<vmem_shared>> -> memref<640x16xf32, #tpu.memory_space<vmem_shared>>
      tpu.enqueue_dma source(%dma_start3A_433 : memref<640x16xf32, #tpu.memory_space<vmem_shared>>) target(%arg10 : memref<640x16xf32, #tpu.memory_space<vmem>>) target_semaphore(%run_scoped3A_429 : memref<!tpu.dma_semaphore, #tpu.memory_space<semaphore_mem>>)
      %dma_wait3A_434 = arith.constant 0 : i32
      %dma_wait3A_435 = tpu.memref_slice %arg18[%mul3A_2, %dma_wait3A_434] : memref<10240x16xf32, #tpu.memory_space<vmem_shared>> -> memref<640x16xf32, #tpu.memory_space<vmem_shared>>
      %dma_wait3A_436 = arith.constant 0 : i32
      %dma_wait3A_437 = tpu.memref_slice %arg18[%mul3A_2, %dma_wait3A_436] : memref<10240x16xf32, #tpu.memory_space<vmem_shared>> -> memref<640x16xf32, #tpu.memory_space<vmem_shared>>
      tpu.wait_dma2 semaphore(%run_scoped3A_429 : memref<!tpu.dma_semaphore, #tpu.memory_space<semaphore_mem>>) src(%dma_wait3A_437 : memref<640x16xf32, #tpu.memory_space<vmem_shared>>) dst(%arg10 : memref<640x16xf32, #tpu.memory_space<vmem>>)
      tpu.yield
    }) : () -> ()
    %scan3A_423 = arith.constant 0 : i32
    %scan3A_424 = arith.constant 0 : i32
    %scan3A_425 = arith.constant 40 : i32
    %scan3A_426 = arith.addi %scan3A_424, %scan3A_425 : i32
    %scan3A_427 = arith.constant 1 : i32
    scf.for %scan3A_429 = %scan3A_424 to %scan3A_426 step %scan3A_427  : i32 {
      %mul3A_430 = arith.constant 16 : i32
      %mul3A_431 = arith.muli %scan3A_429, %mul3A_430 : i32
      %get3A_432 = arith.index_cast %mul3A_431 : i32 to index
      %get3A_433 = tpu.vector_load %arg9[%get3A_432] {strides = array<i32>} : memref<640xf32, #tpu.memory_space<vmem>>, vector<16xf32>,
      %mul3A_434 = arith.constant 16 : i32
      %mul3A_435 = arith.muli %scan3A_429, %mul3A_434 : i32
      %add3A_436 = arith.constant 0 : i32
      %add3A_437 = arith.addi %mul3A_435, %add3A_436 : i32
      %broadcast_in_dim3A_438 = arith.constant 0 : i32
      %broadcast_in_dim3A_439 = vector.broadcast %broadcast_in_dim3A_438 : i32 to vector<16x1xi32>
      %gather3A = vector.shape_cast %broadcast_in_dim3A_439 : vector<16x1xi32> to vector<16xi32>
      %gather3A_440 = tpu.dynamic_gather %get3A_433[%gather3A] in [0] : vector<16xf32>, vector<16xi32> -> vector<16xf32>
      %get3A_441 = arith.index_cast %add3A_437 : i32 to index
      %get3A_442 = arith.constant 0 : index
      %get3A_443 = tpu.vector_load %arg10[%get3A_441, %get3A_442] {strides = array<i32>} : memref<640x16xf32, #tpu.memory_space<vmem>>, vector<16xf32>,
      %mul3A_444 = arith.mulf %get3A_443, %gather3A_440 : vector<16xf32>
      %swap3A_445 = arith.index_cast %add3A_437 : i32 to index
      %swap3A_446 = arith.constant 0 : index
      %swap3A_447 = tpu.vector_load %arg10[%swap3A_445, %swap3A_446] {strides = array<i32>} : memref<640x16xf32, #tpu.memory_space<vmem>>, vector<16xf32>,
      tpu.vector_store %arg10[%swap3A_445, %swap3A_446], %mul3A_444 {strides = array<i32>} : memref<640x16xf32, #tpu.memory_space<vmem>>, vector<16xf32>,
      %mul3A_448 = arith.constant 16 : i32
      %mul3A_449 = arith.muli %scan3A_429, %mul3A_448 : i32
      %add3A_450 = arith.constant 1 : i32
      %add3A_451 = arith.addi %mul3A_449, %add3A_450 : i32
      %broadcast_in_dim3A_452 = arith.constant 1 : i32
      %broadcast_in_dim3A_453 = vector.broadcast %broadcast_in_dim3A_452 : i32 to vector<16x1xi32>
      %gather3A_454 = vector.shape_cast %broadcast_in_dim3A_453 : vector<16x1xi32> to vector<16xi32>
      %gather3A_455 = tpu.dynamic_gather %get3A_433[%gather3A_454] in [0] : vector<16xf32>, vector<16xi32> -> vector<16xf32>
      %get3A_456 = arith.index_cast %add3A_451 : i32 to index
      %get3A_457 = arith.constant 0 : index
      %get3A_458 = tpu.vector_load %arg10[%get3A_456, %get3A_457] {strides = array<i32>} : memref<640x16xf32, #tpu.memory_space<vmem>>, vector<16xf32>,
      %mul3A_459 = arith.mulf %get3A_458, %gather3A_455 : vector<16xf32>
      %swap3A_460 = arith.index_cast %add3A_451 : i32 to index
      %swap3A_461 = arith.constant 0 : index
      %swap3A_462 = tpu.vector_load %arg10[%swap3A_460, %swap3A_461] {strides = array<i32>} : memref<640x16xf32, #tpu.memory_space<vmem>>, vector<16xf32>,
      tpu.vector_store %arg10[%swap3A_460, %swap3A_461], %mul3A_459 {strides = array<i32>} : memref<640x16xf32, #tpu.memory_space<vmem>>, vector<16xf32>,
      %mul3A_463 = arith.constant 16 : i32
      %mul3A_464 = arith.muli %scan3A_429, %mul3A_463 : i32
      %add3A_465 = arith.constant 2 : i32
      %add3A_466 = arith.addi %mul3A_464, %add3A_465 : i32
      %broadcast_in_dim3A_467 = arith.constant 2 : i32
      %broadcast_in_dim3A_468 = vector.broadcast %broadcast_in_dim3A_467 : i32 to vector<16x1xi32>
      %gather3A_469 = vector.shape_cast %broadcast_in_dim3A_468 : vector<16x1xi32> to vector<16xi32>
      %gather3A_470 = tpu.dynamic_gather %get3A_433[%gather3A_469] in [0] : vector<16xf32>, vector<16xi32> -> vector<16xf32>
      %get3A_471 = arith.index_cast %add3A_466 : i32 to index
      %get3A_472 = arith.constant 0 : index
      %get3A_473 = tpu.vector_load %arg10[%get3A_471, %get3A_472] {strides = array<i32>} : memref<640x16xf32, #tpu.memory_space<vmem>>, vector<16xf32>,
      %mul3A_474 = arith.mulf %get3A_473, %gather3A_470 : vector<16xf32>
      %swap3A_475 = arith.index_cast %add3A_466 : i32 to index
      %swap3A_476 = arith.constant 0 : index
      %swap3A_477 = tpu.vector_load %arg10[%swap3A_475, %swap3A_476] {strides = array<i32>} : memref<640x16xf32, #tpu.memory_space<vmem>>, vector<16xf32>,
      tpu.vector_store %arg10[%swap3A_475, %swap3A_476], %mul3A_474 {strides = array<i32>} : memref<640x16xf32, #tpu.memory_space<vmem>>, vector<16xf32>,
      %mul3A_478 = arith.constant 16 : i32
      %mul3A_479 = arith.muli %scan3A_429, %mul3A_478 : i32
      %add3A_480 = arith.constant 3 : i32
      %add3A_481 = arith.addi %mul3A_479, %add3A_480 : i32
      %broadcast_in_dim3A_482 = arith.constant 3 : i32
      %broadcast_in_dim3A_483 = vector.broadcast %broadcast_in_dim3A_482 : i32 to vector<16x1xi32>
      %gather3A_484 = vector.shape_cast %broadcast_in_dim3A_483 : vector<16x1xi32> to vector<16xi32>
      %gather3A_485 = tpu.dynamic_gather %get3A_433[%gather3A_484] in [0] : vector<16xf32>, vector<16xi32> -> vector<16xf32>
      %get3A_486 = arith.index_cast %add3A_481 : i32 to index
      %get3A_487 = arith.constant 0 : index
      %get3A_488 = tpu.vector_load %arg10[%get3A_486, %get3A_487] {strides = array<i32>} : memref<640x16xf32, #tpu.memory_space<vmem>>, vector<16xf32>,
      %mul3A_489 = arith.mulf %get3A_488, %gather3A_485 : vector<16xf32>
      %swap3A_490 = arith.index_cast %add3A_481 : i32 to index
      %swap3A_491 = arith.constant 0 : index
      %swap3A_492 = tpu.vector_load %arg10[%swap3A_490, %swap3A_491] {strides = array<i32>} : memref<640x16xf32, #tpu.memory_space<vmem>>, vector<16xf32>,
      tpu.vector_store %arg10[%swap3A_490, %swap3A_491], %mul3A_489 {strides = array<i32>} : memref<640x16xf32, #tpu.memory_space<vmem>>, vector<16xf32>,
      %mul3A_493 = arith.constant 16 : i32
      %mul3A_494 = arith.muli %scan3A_429, %mul3A_493 : i32
      %add3A_495 = arith.constant 4 : i32
      %add3A_496 = arith.addi %mul3A_494, %add3A_495 : i32
      %broadcast_in_dim3A_497 = arith.constant 4 : i32
      %broadcast_in_dim3A_498 = vector.broadcast %broadcast_in_dim3A_497 : i32 to vector<16x1xi32>
      %gather3A_499 = vector.shape_cast %broadcast_in_dim3A_498 : vector<16x1xi32> to vector<16xi32>
      %gather3A_500 = tpu.dynamic_gather %get3A_433[%gather3A_499] in [0] : vector<16xf32>, vector<16xi32> -> vector<16xf32>
      %get3A_501 = arith.index_cast %add3A_496 : i32 to index
      %get3A_502 = arith.constant 0 : index
      %get3A_503 = tpu.vector_load %arg10[%get3A_501, %get3A_502] {strides = array<i32>} : memref<640x16xf32, #tpu.memory_space<vmem>>, vector<16xf32>,
      %mul3A_504 = arith.mulf %get3A_503, %gather3A_500 : vector<16xf32>
      %swap3A_505 = arith.index_cast %add3A_496 : i32 to index
      %swap3A_506 = arith.constant 0 : index
      %swap3A_507 = tpu.vector_load %arg10[%swap3A_505, %swap3A_506] {strides = array<i32>} : memref<640x16xf32, #tpu.memory_space<vmem>>, vector<16xf32>,
      tpu.vector_store %arg10[%swap3A_505, %swap3A_506], %mul3A_504 {strides = array<i32>} : memref<640x16xf32, #tpu.memory_space<vmem>>, vector<16xf32>,
      %mul3A_508 = arith.constant 16 : i32
      %mul3A_509 = arith.muli %scan3A_429, %mul3A_508 : i32
      %add3A_510 = arith.constant 5 : i32
      %add3A_511 = arith.addi %mul3A_509, %add3A_510 : i32
      %broadcast_in_dim3A_512 = arith.constant 5 : i32
      %broadcast_in_dim3A_513 = vector.broadcast %broadcast_in_dim3A_512 : i32 to vector<16x1xi32>
      %gather3A_514 = vector.shape_cast %broadcast_in_dim3A_513 : vector<16x1xi32> to vector<16xi32>
      %gather3A_515 = tpu.dynamic_gather %get3A_433[%gather3A_514] in [0] : vector<16xf32>, vector<16xi32> -> vector<16xf32>
      %get3A_516 = arith.index_cast %add3A_511 : i32 to index
      %get3A_517 = arith.constant 0 : index
      %get3A_518 = tpu.vector_load %arg10[%get3A_516, %get3A_517] {strides = array<i32>} : memref<640x16xf32, #tpu.memory_space<vmem>>, vector<16xf32>,
      %mul3A_519 = arith.mulf %get3A_518, %gather3A_515 : vector<16xf32>
      %swap3A_520 = arith.index_cast %add3A_511 : i32 to index
      %swap3A_521 = arith.constant 0 : index
      %swap3A_522 = tpu.vector_load %arg10[%swap3A_520, %swap3A_521] {strides = array<i32>} : memref<640x16xf32, #tpu.memory_space<vmem>>, vector<16xf32>,
      tpu.vector_store %arg10[%swap3A_520, %swap3A_521], %mul3A_519 {strides = array<i32>} : memref<640x16xf32, #tpu.memory_space<vmem>>, vector<16xf32>,
      %mul3A_523 = arith.constant 16 : i32
      %mul3A_524 = arith.muli %scan3A_429, %mul3A_523 : i32
      %add3A_525 = arith.constant 6 : i32
      %add3A_526 = arith.addi %mul3A_524, %add3A_525 : i32
      %broadcast_in_dim3A_527 = arith.constant 6 : i32
      %broadcast_in_dim3A_528 = vector.broadcast %broadcast_in_dim3A_527 : i32 to vector<16x1xi32>
      %gather3A_529 = vector.shape_cast %broadcast_in_dim3A_528 : vector<16x1xi32> to vector<16xi32>
      %gather3A_530 = tpu.dynamic_gather %get3A_433[%gather3A_529] in [0] : vector<16xf32>, vector<16xi32> -> vector<16xf32>
      %get3A_531 = arith.index_cast %add3A_526 : i32 to index
      %get3A_532 = arith.constant 0 : index
      %get3A_533 = tpu.vector_load %arg10[%get3A_531, %get3A_532] {strides = array<i32>} : memref<640x16xf32, #tpu.memory_space<vmem>>, vector<16xf32>,
      %mul3A_534 = arith.mulf %get3A_533, %gather3A_530 : vector<16xf32>
      %swap3A_535 = arith.index_cast %add3A_526 : i32 to index
      %swap3A_536 = arith.constant 0 : index
      %swap3A_537 = tpu.vector_load %arg10[%swap3A_535, %swap3A_536] {strides = array<i32>} : memref<640x16xf32, #tpu.memory_space<vmem>>, vector<16xf32>,
      tpu.vector_store %arg10[%swap3A_535, %swap3A_536], %mul3A_534 {strides = array<i32>} : memref<640x16xf32, #tpu.memory_space<vmem>>, vector<16xf32>,
      %mul3A_538 = arith.constant 16 : i32
      %mul3A_539 = arith.muli %scan3A_429, %mul3A_538 : i32
      %add3A_540 = arith.constant 7 : i32
      %add3A_541 = arith.addi %mul3A_539, %add3A_540 : i32
      %broadcast_in_dim3A_542 = arith.constant 7 : i32
      %broadcast_in_dim3A_543 = vector.broadcast %broadcast_in_dim3A_542 : i32 to vector<16x1xi32>
      %gather3A_544 = vector.shape_cast %broadcast_in_dim3A_543 : vector<16x1xi32> to vector<16xi32>
      %gather3A_545 = tpu.dynamic_gather %get3A_433[%gather3A_544] in [0] : vector<16xf32>, vector<16xi32> -> vector<16xf32>
      %get3A_546 = arith.index_cast %add3A_541 : i32 to index
      %get3A_547 = arith.constant 0 : index
      %get3A_548 = tpu.vector_load %arg10[%get3A_546, %get3A_547] {strides = array<i32>} : memref<640x16xf32, #tpu.memory_space<vmem>>, vector<16xf32>,
      %mul3A_549 = arith.mulf %get3A_548, %gather3A_545 : vector<16xf32>
      %swap3A_550 = arith.index_cast %add3A_541 : i32 to index
      %swap3A_551 = arith.constant 0 : index
      %swap3A_552 = tpu.vector_load %arg10[%swap3A_550, %swap3A_551] {strides = array<i32>} : memref<640x16xf32, #tpu.memory_space<vmem>>, vector<16xf32>,
      tpu.vector_store %arg10[%swap3A_550, %swap3A_551], %mul3A_549 {strides = array<i32>} : memref<640x16xf32, #tpu.memory_space<vmem>>, vector<16xf32>,
      %mul3A_553 = arith.constant 16 : i32
      %mul3A_554 = arith.muli %scan3A_429, %mul3A_553 : i32
      %add3A_555 = arith.constant 8 : i32
      %add3A_556 = arith.addi %mul3A_554, %add3A_555 : i32
      %broadcast_in_dim3A_557 = arith.constant 8 : i32
      %broadcast_in_dim3A_558 = vector.broadcast %broadcast_in_dim3A_557 : i32 to vector<16x1xi32>
      %gather3A_559 = vector.shape_cast %broadcast_in_dim3A_558 : vector<16x1xi32> to vector<16xi32>
      %gather3A_560 = tpu.dynamic_gather %get3A_433[%gather3A_559] in [0] : vector<16xf32>, vector<16xi32> -> vector<16xf32>
      %get3A_561 = arith.index_cast %add3A_556 : i32 to index
      %get3A_562 = arith.constant 0 : index
      %get3A_563 = tpu.vector_load %arg10[%get3A_561, %get3A_562] {strides = array<i32>} : memref<640x16xf32, #tpu.memory_space<vmem>>, vector<16xf32>,
      %mul3A_564 = arith.mulf %get3A_563, %gather3A_560 : vector<16xf32>
      %swap3A_565 = arith.index_cast %add3A_556 : i32 to index
      %swap3A_566 = arith.constant 0 : index
      %swap3A_567 = tpu.vector_load %arg10[%swap3A_565, %swap3A_566] {strides = array<i32>} : memref<640x16xf32, #tpu.memory_space<vmem>>, vector<16xf32>,
      tpu.vector_store %arg10[%swap3A_565, %swap3A_566], %mul3A_564 {strides = array<i32>} : memref<640x16xf32, #tpu.memory_space<vmem>>, vector<16xf32>,
      %mul3A_568 = arith.constant 16 : i32
      %mul3A_569 = arith.muli %scan3A_429, %mul3A_568 : i32
      %add3A_570 = arith.constant 9 : i32
      %add3A_571 = arith.addi %mul3A_569, %add3A_570 : i32
      %broadcast_in_dim3A_572 = arith.constant 9 : i32
      %broadcast_in_dim3A_573 = vector.broadcast %broadcast_in_dim3A_572 : i32 to vector<16x1xi32>
      %gather3A_574 = vector.shape_cast %broadcast_in_dim3A_573 : vector<16x1xi32> to vector<16xi32>
      %gather3A_575 = tpu.dynamic_gather %get3A_433[%gather3A_574] in [0] : vector<16xf32>, vector<16xi32> -> vector<16xf32>
      %get3A_576 = arith.index_cast %add3A_571 : i32 to index
      %get3A_577 = arith.constant 0 : index
      %get3A_578 = tpu.vector_load %arg10[%get3A_576, %get3A_577] {strides = array<i32>} : memref<640x16xf32, #tpu.memory_space<vmem>>, vector<16xf32>,
      %mul3A_579 = arith.mulf %get3A_578, %gather3A_575 : vector<16xf32>
      %swap3A_580 = arith.index_cast %add3A_571 : i32 to index
      %swap3A_581 = arith.constant 0 : index
      %swap3A_582 = tpu.vector_load %arg10[%swap3A_580, %swap3A_581] {strides = array<i32>} : memref<640x16xf32, #tpu.memory_space<vmem>>, vector<16xf32>,
      tpu.vector_store %arg10[%swap3A_580, %swap3A_581], %mul3A_579 {strides = array<i32>} : memref<640x16xf32, #tpu.memory_space<vmem>>, vector<16xf32>,
      %mul3A_583 = arith.constant 16 : i32
      %mul3A_584 = arith.muli %scan3A_429, %mul3A_583 : i32
      %add3A_585 = arith.constant 10 : i32
      %add3A_586 = arith.addi %mul3A_584, %add3A_585 : i32
      %broadcast_in_dim3A_587 = arith.constant 10 : i32
      %broadcast_in_dim3A_588 = vector.broadcast %broadcast_in_dim3A_587 : i32 to vector<16x1xi32>
      %gather3A_589 = vector.shape_cast %broadcast_in_dim3A_588 : vector<16x1xi32> to vector<16xi32>
      %gather3A_590 = tpu.dynamic_gather %get3A_433[%gather3A_589] in [0] : vector<16xf32>, vector<16xi32> -> vector<16xf32>
      %get3A_591 = arith.index_cast %add3A_586 : i32 to index
      %get3A_592 = arith.constant 0 : index
      %get3A_593 = tpu.vector_load %arg10[%get3A_591, %get3A_592] {strides = array<i32>} : memref<640x16xf32, #tpu.memory_space<vmem>>, vector<16xf32>,
      %mul3A_594 = arith.mulf %get3A_593, %gather3A_590 : vector<16xf32>
      %swap3A_595 = arith.index_cast %add3A_586 : i32 to index
      %swap3A_596 = arith.constant 0 : index
      %swap3A_597 = tpu.vector_load %arg10[%swap3A_595, %swap3A_596] {strides = array<i32>} : memref<640x16xf32, #tpu.memory_space<vmem>>, vector<16xf32>,
      tpu.vector_store %arg10[%swap3A_595, %swap3A_596], %mul3A_594 {strides = array<i32>} : memref<640x16xf32, #tpu.memory_space<vmem>>, vector<16xf32>,
      %mul3A_598 = arith.constant 16 : i32
      %mul3A_599 = arith.muli %scan3A_429, %mul3A_598 : i32
      %add3A_600 = arith.constant 11 : i32
      %add3A_601 = arith.addi %mul3A_599, %add3A_600 : i32
      %broadcast_in_dim3A_602 = arith.constant 11 : i32
      %broadcast_in_dim3A_603 = vector.broadcast %broadcast_in_dim3A_602 : i32 to vector<16x1xi32>
      %gather3A_604 = vector.shape_cast %broadcast_in_dim3A_603 : vector<16x1xi32> to vector<16xi32>
      %gather3A_605 = tpu.dynamic_gather %get3A_433[%gather3A_604] in [0] : vector<16xf32>, vector<16xi32> -> vector<16xf32>
      %get3A_606 = arith.index_cast %add3A_601 : i32 to index
      %get3A_607 = arith.constant 0 : index
      %get3A_608 = tpu.vector_load %arg10[%get3A_606, %get3A_607] {strides = array<i32>} : memref<640x16xf32, #tpu.memory_space<vmem>>, vector<16xf32>,
      %mul3A_609 = arith.mulf %get3A_608, %gather3A_605 : vector<16xf32>
      %swap3A_610 = arith.index_cast %add3A_601 : i32 to index
      %swap3A_611 = arith.constant 0 : index
      %swap3A_612 = tpu.vector_load %arg10[%swap3A_610, %swap3A_611] {strides = array<i32>} : memref<640x16xf32, #tpu.memory_space<vmem>>, vector<16xf32>,
      tpu.vector_store %arg10[%swap3A_610, %swap3A_611], %mul3A_609 {strides = array<i32>} : memref<640x16xf32, #tpu.memory_space<vmem>>, vector<16xf32>,
      %mul3A_613 = arith.constant 16 : i32
      %mul3A_614 = arith.muli %scan3A_429, %mul3A_613 : i32
      %add3A_615 = arith.constant 12 : i32
      %add3A_616 = arith.addi %mul3A_614, %add3A_615 : i32
      %broadcast_in_dim3A_617 = arith.constant 12 : i32
      %broadcast_in_dim3A_618 = vector.broadcast %broadcast_in_dim3A_617 : i32 to vector<16x1xi32>
      %gather3A_619 = vector.shape_cast %broadcast_in_dim3A_618 : vector<16x1xi32> to vector<16xi32>
      %gather3A_620 = tpu.dynamic_gather %get3A_433[%gather3A_619] in [0] : vector<16xf32>, vector<16xi32> -> vector<16xf32>
      %get3A_621 = arith.index_cast %add3A_616 : i32 to index
      %get3A_622 = arith.constant 0 : index
      %get3A_623 = tpu.vector_load %arg10[%get3A_621, %get3A_622] {strides = array<i32>} : memref<640x16xf32, #tpu.memory_space<vmem>>, vector<16xf32>,
      %mul3A_624 = arith.mulf %get3A_623, %gather3A_620 : vector<16xf32>
      %swap3A_625 = arith.index_cast %add3A_616 : i32 to index
      %swap3A_626 = arith.constant 0 : index
      %swap3A_627 = tpu.vector_load %arg10[%swap3A_625, %swap3A_626] {strides = array<i32>} : memref<640x16xf32, #tpu.memory_space<vmem>>, vector<16xf32>,
      tpu.vector_store %arg10[%swap3A_625, %swap3A_626], %mul3A_624 {strides = array<i32>} : memref<640x16xf32, #tpu.memory_space<vmem>>, vector<16xf32>,
      %mul3A_628 = arith.constant 16 : i32
      %mul3A_629 = arith.muli %scan3A_429, %mul3A_628 : i32
      %add3A_630 = arith.constant 13 : i32
      %add3A_631 = arith.addi %mul3A_629, %add3A_630 : i32
      %broadcast_in_dim3A_632 = arith.constant 13 : i32
      %broadcast_in_dim3A_633 = vector.broadcast %broadcast_in_dim3A_632 : i32 to vector<16x1xi32>
      %gather3A_634 = vector.shape_cast %broadcast_in_dim3A_633 : vector<16x1xi32> to vector<16xi32>
      %gather3A_635 = tpu.dynamic_gather %get3A_433[%gather3A_634] in [0] : vector<16xf32>, vector<16xi32> -> vector<16xf32>
      %get3A_636 = arith.index_cast %add3A_631 : i32 to index
      %get3A_637 = arith.constant 0 : index
      %get3A_638 = tpu.vector_load %arg10[%get3A_636, %get3A_637] {strides = array<i32>} : memref<640x16xf32, #tpu.memory_space<vmem>>, vector<16xf32>,
      %mul3A_639 = arith.mulf %get3A_638, %gather3A_635 : vector<16xf32>
      %swap3A_640 = arith.index_cast %add3A_631 : i32 to index
      %swap3A_641 = arith.constant 0 : index
      %swap3A_642 = tpu.vector_load %arg10[%swap3A_640, %swap3A_641] {strides = array<i32>} : memref<640x16xf32, #tpu.memory_space<vmem>>, vector<16xf32>,
      tpu.vector_store %arg10[%swap3A_640, %swap3A_641], %mul3A_639 {strides = array<i32>} : memref<640x16xf32, #tpu.memory_space<vmem>>, vector<16xf32>,
      %mul3A_643 = arith.constant 16 : i32
      %mul3A_644 = arith.muli %scan3A_429, %mul3A_643 : i32
      %add3A_645 = arith.constant 14 : i32
      %add3A_646 = arith.addi %mul3A_644, %add3A_645 : i32
      %broadcast_in_dim3A_647 = arith.constant 14 : i32
      %broadcast_in_dim3A_648 = vector.broadcast %broadcast_in_dim3A_647 : i32 to vector<16x1xi32>
      %gather3A_649 = vector.shape_cast %broadcast_in_dim3A_648 : vector<16x1xi32> to vector<16xi32>
      %gather3A_650 = tpu.dynamic_gather %get3A_433[%gather3A_649] in [0] : vector<16xf32>, vector<16xi32> -> vector<16xf32>
      %get3A_651 = arith.index_cast %add3A_646 : i32 to index
      %get3A_652 = arith.constant 0 : index
      %get3A_653 = tpu.vector_load %arg10[%get3A_651, %get3A_652] {strides = array<i32>} : memref<640x16xf32, #tpu.memory_space<vmem>>, vector<16xf32>,
      %mul3A_654 = arith.mulf %get3A_653, %gather3A_650 : vector<16xf32>
      %swap3A_655 = arith.index_cast %add3A_646 : i32 to index
      %swap3A_656 = arith.constant 0 : index
      %swap3A_657 = tpu.vector_load %arg10[%swap3A_655, %swap3A_656] {strides = array<i32>} : memref<640x16xf32, #tpu.memory_space<vmem>>, vector<16xf32>,
      tpu.vector_store %arg10[%swap3A_655, %swap3A_656], %mul3A_654 {strides = array<i32>} : memref<640x16xf32, #tpu.memory_space<vmem>>, vector<16xf32>,
      %mul3A_658 = arith.constant 16 : i32
      %mul3A_659 = arith.muli %scan3A_429, %mul3A_658 : i32
      %add3A_660 = arith.constant 15 : i32
      %add3A_661 = arith.addi %mul3A_659, %add3A_660 : i32
      %broadcast_in_dim3A_662 = arith.constant 15 : i32
      %broadcast_in_dim3A_663 = vector.broadcast %broadcast_in_dim3A_662 : i32 to vector<16x1xi32>
      %gather3A_664 = vector.shape_cast %broadcast_in_dim3A_663 : vector<16x1xi32> to vector<16xi32>
      %gather3A_665 = tpu.dynamic_gather %get3A_433[%gather3A_664] in [0] : vector<16xf32>, vector<16xi32> -> vector<16xf32>
      %get3A_666 = arith.index_cast %add3A_661 : i32 to index
      %get3A_667 = arith.constant 0 : index
      %get3A_668 = tpu.vector_load %arg10[%get3A_666, %get3A_667] {strides = array<i32>} : memref<640x16xf32, #tpu.memory_space<vmem>>, vector<16xf32>,
      %mul3A_669 = arith.mulf %get3A_668, %gather3A_665 : vector<16xf32>
      %swap3A_670 = arith.index_cast %add3A_661 : i32 to index
      %swap3A_671 = arith.constant 0 : index
      %swap3A_672 = tpu.vector_load %arg10[%swap3A_670, %swap3A_671] {strides = array<i32>} : memref<640x16xf32, #tpu.memory_space<vmem>>, vector<16xf32>,
      tpu.vector_store %arg10[%swap3A_670, %swap3A_671], %mul3A_669 {strides = array<i32>} : memref<640x16xf32, #tpu.memory_space<vmem>>, vector<16xf32>,
    }
    %scan3A_428 = arith.constant 40 : i32
    "tpu.region"() ({
      %run_scoped3A_429 = tpu.sem_alloc : memref<!tpu.dma_semaphore, #tpu.memory_space<semaphore_mem>>
      %dma_start3A_430 = arith.constant 0 : i32
      %dma_start3A_431 = tpu.memref_slice %arg6[%arg0, %mul3A_2, %dma_start3A_430] : memref<2x10240x16xf32, #tpu.memory_space<hbm>> -> memref<1x640x16xf32, #tpu.memory_space<hbm>>
      %dma_start3A_432 = tpu.memref_squeeze %dma_start3A_431 : memref<1x640x16xf32, #tpu.memory_space<hbm>> -> memref<640x16xf32, #tpu.memory_space<hbm>>
      %dma_start3A_433 = arith.constant 0 : i32
      %dma_start3A_434 = tpu.memref_slice %arg6[%arg0, %mul3A_2, %dma_start3A_433] : memref<2x10240x16xf32, #tpu.memory_space<hbm>> -> memref<1x640x16xf32, #tpu.memory_space<hbm>>
      %dma_start3A_435 = tpu.memref_squeeze %dma_start3A_434 : memref<1x640x16xf32, #tpu.memory_space<hbm>> -> memref<640x16xf32, #tpu.memory_space<hbm>>
      tpu.enqueue_dma source(%arg10 : memref<640x16xf32, #tpu.memory_space<vmem>>) target(%dma_start3A_435 : memref<640x16xf32, #tpu.memory_space<hbm>>) target_semaphore(%run_scoped3A_429 : memref<!tpu.dma_semaphore, #tpu.memory_space<semaphore_mem>>)
      %dma_wait3A_436 = arith.constant 0 : i32
      %dma_wait3A_437 = tpu.memref_slice %arg6[%arg0, %mul3A_2, %dma_wait3A_436] : memref<2x10240x16xf32, #tpu.memory_space<hbm>> -> memref<1x640x16xf32, #tpu.memory_space<hbm>>
      %dma_wait3A_438 = tpu.memref_squeeze %dma_wait3A_437 : memref<1x640x16xf32, #tpu.memory_space<hbm>> -> memref<640x16xf32, #tpu.memory_space<hbm>>
      %dma_wait3A_439 = arith.constant 0 : i32
      %dma_wait3A_440 = tpu.memref_slice %arg6[%arg0, %mul3A_2, %dma_wait3A_439] : memref<2x10240x16xf32, #tpu.memory_space<hbm>> -> memref<1x640x16xf32, #tpu.memory_space<hbm>>
      %dma_wait3A_441 = tpu.memref_squeeze %dma_wait3A_440 : memref<1x640x16xf32, #tpu.memory_space<hbm>> -> memref<640x16xf32, #tpu.memory_space<hbm>>
      tpu.wait_dma2 semaphore(%run_scoped3A_429 : memref<!tpu.dma_semaphore, #tpu.memory_space<semaphore_mem>>) src(%arg10 : memref<640x16xf32, #tpu.memory_space<vmem>>) dst(%dma_wait3A_441 : memref<640x16xf32, #tpu.memory_space<hbm>>)
      tpu.yield
    }) : () -> ()
    return
  }
}

#map = affine_map<(d0, d1) -> (0, 0)>
#map1 = affine_map<(d0, d1) -> (0, 0, 0, 0)>
#map2 = affine_map<(d0, d1) -> (0)>
#map3 = affine_map<(d0, d1) -> (0, 0, 0)>
module attributes {stable_mosaic.version = 14 : i64} {
  func.func @_seg(%arg0: i32, %arg1: i32, %arg2: memref<10240x16xf32, #tpu.memory_space<hbm>>, %arg3: memref<2x32x125x80xi32, #tpu.memory_space<hbm>>, %arg4: memref<10240xf32, #tpu.memory_space<hbm>>, %arg5: memref<16xf32, #tpu.memory_space<hbm>>, %arg6: memref<2x10240x16xf32, #tpu.memory_space<hbm>>, %arg7: memref<125x80xi32, #tpu.memory_space<vmem>>, %arg8: memref<125x80xi32, #tpu.memory_space<vmem>>, %arg9: memref<640xf32, #tpu.memory_space<vmem>>, %arg10: memref<640x16xf32, #tpu.memory_space<vmem>>, %arg11: memref<640x16xf32, #tpu.memory_space<vmem>>, %arg12: memref<16xf32, #tpu.memory_space<vmem>>, %arg13: memref<80x16xf32, #tpu.memory_space<vmem>>, %arg14: memref<80x16xf32, #tpu.memory_space<vmem>>, %arg15: memref<80x16xf32, #tpu.memory_space<vmem>>, %arg16: memref<80x16xf32, #tpu.memory_space<vmem>>, %arg17: memref<10240x16xf32, #tpu.memory_space<vmem_shared>>, %arg18: memref<10240x16xf32, #tpu.memory_space<vmem_shared>>, %arg19: memref<!tpu.dma_semaphore, #tpu.memory_space<semaphore_mem>>, %arg20: memref<!tpu.dma_semaphore, #tpu.memory_space<semaphore_mem>>, %arg21: memref<!tpu.dma_semaphore, #tpu.memory_space<semaphore_mem>>, %arg22: memref<!tpu.dma_semaphore, #tpu.memory_space<semaphore_mem>>, %arg23: memref<!tpu.dma_semaphore, #tpu.memory_space<semaphore_mem>>, %arg24: memref<!tpu.dma_semaphore, #tpu.memory_space<semaphore_mem>>, %arg25: memref<!tpu.dma_semaphore, #tpu.memory_space<semaphore_mem>>, %arg26: memref<!tpu.dma_semaphore, #tpu.memory_space<semaphore_mem>>) attributes {dimension_semantics = [#tpu.dimension_semantics<core_parallel>, #tpu.dimension_semantics<subcore_parallel>], iteration_bounds = array<i64: 2, 16>, scalar_prefetch = 0 : i64, scratch_operands = 20 : i64, tpu.core_type = #tpu.core_type<sc_vector_subcore>, window_params = [{transform_indices = #map}, {transform_indices = #map1}, {transform_indices = #map2}, {transform_indices = #map2}, {transform_indices = #map3}]} {
    %mul3A = arith.constant 2 : i32
    %mul3A_0 = arith.muli %arg1, %mul3A : i32
    %add3A = arith.addi %mul3A_0, %arg0 : i32
    %mul3A_1 = arith.constant 640 : i32
    %mul3A_2 = arith.muli %arg1, %mul3A_1 : i32
    %broadcast_in_dim3A = arith.constant 0.000000e+00 : f32
    %broadcast_in_dim3A_3 = vector.broadcast %broadcast_in_dim3A : f32 to vector<16xf32>
    %swap3A = arith.constant 0 : i32
    %swap3A_4 = arith.index_cast %swap3A : i32 to index
    %swap3A_5 = arith.constant 0 : index
    %swap3A_6 = tpu.vector_load %arg13[%swap3A_4, %swap3A_5] {strides = array<i32>} : memref<80x16xf32, #tpu.memory_space<vmem>>, vector<16xf32>,
    tpu.vector_store %arg13[%swap3A_4, %swap3A_5], %broadcast_in_dim3A_3 {strides = array<i32>} : memref<80x16xf32, #tpu.memory_space<vmem>>, vector<16xf32>,
    %swap3A_7 = arith.constant 1 : i32
    %swap3A_8 = arith.index_cast %swap3A_7 : i32 to index
    %swap3A_9 = arith.constant 0 : index
    %swap3A_10 = tpu.vector_load %arg13[%swap3A_8, %swap3A_9] {strides = array<i32>} : memref<80x16xf32, #tpu.memory_space<vmem>>, vector<16xf32>,
    tpu.vector_store %arg13[%swap3A_8, %swap3A_9], %broadcast_in_dim3A_3 {strides = array<i32>} : memref<80x16xf32, #tpu.memory_space<vmem>>, vector<16xf32>,
    %swap3A_11 = arith.constant 2 : i32
    %swap3A_12 = arith.index_cast %swap3A_11 : i32 to index
    %swap3A_13 = arith.constant 0 : index
    %swap3A_14 = tpu.vector_load %arg13[%swap3A_12, %swap3A_13] {strides = array<i32>} : memref<80x16xf32, #tpu.memory_space<vmem>>, vector<16xf32>,
    tpu.vector_store %arg13[%swap3A_12, %swap3A_13], %broadcast_in_dim3A_3 {strides = array<i32>} : memref<80x16xf32, #tpu.memory_space<vmem>>, vector<16xf32>,
    %swap3A_15 = arith.constant 3 : i32
    %swap3A_16 = arith.index_cast %swap3A_15 : i32 to index
    %swap3A_17 = arith.constant 0 : index
    %swap3A_18 = tpu.vector_load %arg13[%swap3A_16, %swap3A_17] {strides = array<i32>} : memref<80x16xf32, #tpu.memory_space<vmem>>, vector<16xf32>,
    tpu.vector_store %arg13[%swap3A_16, %swap3A_17], %broadcast_in_dim3A_3 {strides = array<i32>} : memref<80x16xf32, #tpu.memory_space<vmem>>, vector<16xf32>,
    %swap3A_19 = arith.constant 4 : i32
    %swap3A_20 = arith.index_cast %swap3A_19 : i32 to index
    %swap3A_21 = arith.constant 0 : index
    %swap3A_22 = tpu.vector_load %arg13[%swap3A_20, %swap3A_21] {strides = array<i32>} : memref<80x16xf32, #tpu.memory_space<vmem>>, vector<16xf32>,
    tpu.vector_store %arg13[%swap3A_20, %swap3A_21], %broadcast_in_dim3A_3 {strides = array<i32>} : memref<80x16xf32, #tpu.memory_space<vmem>>, vector<16xf32>,
    %swap3A_23 = arith.constant 5 : i32
    %swap3A_24 = arith.index_cast %swap3A_23 : i32 to index
    %swap3A_25 = arith.constant 0 : index
    %swap3A_26 = tpu.vector_load %arg13[%swap3A_24, %swap3A_25] {strides = array<i32>} : memref<80x16xf32, #tpu.memory_space<vmem>>, vector<16xf32>,
    tpu.vector_store %arg13[%swap3A_24, %swap3A_25], %broadcast_in_dim3A_3 {strides = array<i32>} : memref<80x16xf32, #tpu.memory_space<vmem>>, vector<16xf32>,
    %swap3A_27 = arith.constant 6 : i32
    %swap3A_28 = arith.index_cast %swap3A_27 : i32 to index
    %swap3A_29 = arith.constant 0 : index
    %swap3A_30 = tpu.vector_load %arg13[%swap3A_28, %swap3A_29] {strides = array<i32>} : memref<80x16xf32, #tpu.memory_space<vmem>>, vector<16xf32>,
    tpu.vector_store %arg13[%swap3A_28, %swap3A_29], %broadcast_in_dim3A_3 {strides = array<i32>} : memref<80x16xf32, #tpu.memory_space<vmem>>, vector<16xf32>,
    %swap3A_31 = arith.constant 7 : i32
    %swap3A_32 = arith.index_cast %swap3A_31 : i32 to index
    %swap3A_33 = arith.constant 0 : index
    %swap3A_34 = tpu.vector_load %arg13[%swap3A_32, %swap3A_33] {strides = array<i32>} : memref<80x16xf32, #tpu.memory_space<vmem>>, vector<16xf32>,
    tpu.vector_store %arg13[%swap3A_32, %swap3A_33], %broadcast_in_dim3A_3 {strides = array<i32>} : memref<80x16xf32, #tpu.memory_space<vmem>>, vector<16xf32>,
    %swap3A_35 = arith.constant 8 : i32
    %swap3A_36 = arith.index_cast %swap3A_35 : i32 to index
    %swap3A_37 = arith.constant 0 : index
    %swap3A_38 = tpu.vector_load %arg13[%swap3A_36, %swap3A_37] {strides = array<i32>} : memref<80x16xf32, #tpu.memory_space<vmem>>, vector<16xf32>,
    tpu.vector_store %arg13[%swap3A_36, %swap3A_37], %broadcast_in_dim3A_3 {strides = array<i32>} : memref<80x16xf32, #tpu.memory_space<vmem>>, vector<16xf32>,
    %swap3A_39 = arith.constant 9 : i32
    %swap3A_40 = arith.index_cast %swap3A_39 : i32 to index
    %swap3A_41 = arith.constant 0 : index
    %swap3A_42 = tpu.vector_load %arg13[%swap3A_40, %swap3A_41] {strides = array<i32>} : memref<80x16xf32, #tpu.memory_space<vmem>>, vector<16xf32>,
    tpu.vector_store %arg13[%swap3A_40, %swap3A_41], %broadcast_in_dim3A_3 {strides = array<i32>} : memref<80x16xf32, #tpu.memory_space<vmem>>, vector<16xf32>,
    %swap3A_43 = arith.constant 10 : i32
    %swap3A_44 = arith.index_cast %swap3A_43 : i32 to index
    %swap3A_45 = arith.constant 0 : index
    %swap3A_46 = tpu.vector_load %arg13[%swap3A_44, %swap3A_45] {strides = array<i32>} : memref<80x16xf32, #tpu.memory_space<vmem>>, vector<16xf32>,
    tpu.vector_store %arg13[%swap3A_44, %swap3A_45], %broadcast_in_dim3A_3 {strides = array<i32>} : memref<80x16xf32, #tpu.memory_space<vmem>>, vector<16xf32>,
    %swap3A_47 = arith.constant 11 : i32
    %swap3A_48 = arith.index_cast %swap3A_47 : i32 to index
    %swap3A_49 = arith.constant 0 : index
    %swap3A_50 = tpu.vector_load %arg13[%swap3A_48, %swap3A_49] {strides = array<i32>} : memref<80x16xf32, #tpu.memory_space<vmem>>, vector<16xf32>,
    tpu.vector_store %arg13[%swap3A_48, %swap3A_49], %broadcast_in_dim3A_3 {strides = array<i32>} : memref<80x16xf32, #tpu.memory_space<vmem>>, vector<16xf32>,
    %swap3A_51 = arith.constant 12 : i32
    %swap3A_52 = arith.index_cast %swap3A_51 : i32 to index
    %swap3A_53 = arith.constant 0 : index
    %swap3A_54 = tpu.vector_load %arg13[%swap3A_52, %swap3A_53] {strides = array<i32>} : memref<80x16xf32, #tpu.memory_space<vmem>>, vector<16xf32>,
    tpu.vector_store %arg13[%swap3A_52, %swap3A_53], %broadcast_in_dim3A_3 {strides = array<i32>} : memref<80x16xf32, #tpu.memory_space<vmem>>, vector<16xf32>,
    %swap3A_55 = arith.constant 13 : i32
    %swap3A_56 = arith.index_cast %swap3A_55 : i32 to index
    %swap3A_57 = arith.constant 0 : index
    %swap3A_58 = tpu.vector_load %arg13[%swap3A_56, %swap3A_57] {strides = array<i32>} : memref<80x16xf32, #tpu.memory_space<vmem>>, vector<16xf32>,
    tpu.vector_store %arg13[%swap3A_56, %swap3A_57], %broadcast_in_dim3A_3 {strides = array<i32>} : memref<80x16xf32, #tpu.memory_space<vmem>>, vector<16xf32>,
    %swap3A_59 = arith.constant 14 : i32
    %swap3A_60 = arith.index_cast %swap3A_59 : i32 to index
    %swap3A_61 = arith.constant 0 : index
    %swap3A_62 = tpu.vector_load %arg13[%swap3A_60, %swap3A_61] {strides = array<i32>} : memref<80x16xf32, #tpu.memory_space<vmem>>, vector<16xf32>,
    tpu.vector_store %arg13[%swap3A_60, %swap3A_61], %broadcast_in_dim3A_3 {strides = array<i32>} : memref<80x16xf32, #tpu.memory_space<vmem>>, vector<16xf32>,
    %swap3A_63 = arith.constant 15 : i32
    %swap3A_64 = arith.index_cast %swap3A_63 : i32 to index
    %swap3A_65 = arith.constant 0 : index
    %swap3A_66 = tpu.vector_load %arg13[%swap3A_64, %swap3A_65] {strides = array<i32>} : memref<80x16xf32, #tpu.memory_space<vmem>>, vector<16xf32>,
    tpu.vector_store %arg13[%swap3A_64, %swap3A_65], %broadcast_in_dim3A_3 {strides = array<i32>} : memref<80x16xf32, #tpu.memory_space<vmem>>, vector<16xf32>,
    %swap3A_67 = arith.constant 16 : i32
    %swap3A_68 = arith.index_cast %swap3A_67 : i32 to index
    %swap3A_69 = arith.constant 0 : index
    %swap3A_70 = tpu.vector_load %arg13[%swap3A_68, %swap3A_69] {strides = array<i32>} : memref<80x16xf32, #tpu.memory_space<vmem>>, vector<16xf32>,
    tpu.vector_store %arg13[%swap3A_68, %swap3A_69], %broadcast_in_dim3A_3 {strides = array<i32>} : memref<80x16xf32, #tpu.memory_space<vmem>>, vector<16xf32>,
    %swap3A_71 = arith.constant 17 : i32
    %swap3A_72 = arith.index_cast %swap3A_71 : i32 to index
    %swap3A_73 = arith.constant 0 : index
    %swap3A_74 = tpu.vector_load %arg13[%swap3A_72, %swap3A_73] {strides = array<i32>} : memref<80x16xf32, #tpu.memory_space<vmem>>, vector<16xf32>,
    tpu.vector_store %arg13[%swap3A_72, %swap3A_73], %broadcast_in_dim3A_3 {strides = array<i32>} : memref<80x16xf32, #tpu.memory_space<vmem>>, vector<16xf32>,
    %swap3A_75 = arith.constant 18 : i32
    %swap3A_76 = arith.index_cast %swap3A_75 : i32 to index
    %swap3A_77 = arith.constant 0 : index
    %swap3A_78 = tpu.vector_load %arg13[%swap3A_76, %swap3A_77] {strides = array<i32>} : memref<80x16xf32, #tpu.memory_space<vmem>>, vector<16xf32>,
    tpu.vector_store %arg13[%swap3A_76, %swap3A_77], %broadcast_in_dim3A_3 {strides = array<i32>} : memref<80x16xf32, #tpu.memory_space<vmem>>, vector<16xf32>,
    %swap3A_79 = arith.constant 19 : i32
    %swap3A_80 = arith.index_cast %swap3A_79 : i32 to index
    %swap3A_81 = arith.constant 0 : index
    %swap3A_82 = tpu.vector_load %arg13[%swap3A_80, %swap3A_81] {strides = array<i32>} : memref<80x16xf32, #tpu.memory_space<vmem>>, vector<16xf32>,
    tpu.vector_store %arg13[%swap3A_80, %swap3A_81], %broadcast_in_dim3A_3 {strides = array<i32>} : memref<80x16xf32, #tpu.memory_space<vmem>>, vector<16xf32>,
    %swap3A_83 = arith.constant 20 : i32
    %swap3A_84 = arith.index_cast %swap3A_83 : i32 to index
    %swap3A_85 = arith.constant 0 : index
    %swap3A_86 = tpu.vector_load %arg13[%swap3A_84, %swap3A_85] {strides = array<i32>} : memref<80x16xf32, #tpu.memory_space<vmem>>, vector<16xf32>,
    tpu.vector_store %arg13[%swap3A_84, %swap3A_85], %broadcast_in_dim3A_3 {strides = array<i32>} : memref<80x16xf32, #tpu.memory_space<vmem>>, vector<16xf32>,
    %swap3A_87 = arith.constant 21 : i32
    %swap3A_88 = arith.index_cast %swap3A_87 : i32 to index
    %swap3A_89 = arith.constant 0 : index
    %swap3A_90 = tpu.vector_load %arg13[%swap3A_88, %swap3A_89] {strides = array<i32>} : memref<80x16xf32, #tpu.memory_space<vmem>>, vector<16xf32>,
    tpu.vector_store %arg13[%swap3A_88, %swap3A_89], %broadcast_in_dim3A_3 {strides = array<i32>} : memref<80x16xf32, #tpu.memory_space<vmem>>, vector<16xf32>,
    %swap3A_91 = arith.constant 22 : i32
    %swap3A_92 = arith.index_cast %swap3A_91 : i32 to index
    %swap3A_93 = arith.constant 0 : index
    %swap3A_94 = tpu.vector_load %arg13[%swap3A_92, %swap3A_93] {strides = array<i32>} : memref<80x16xf32, #tpu.memory_space<vmem>>, vector<16xf32>,
    tpu.vector_store %arg13[%swap3A_92, %swap3A_93], %broadcast_in_dim3A_3 {strides = array<i32>} : memref<80x16xf32, #tpu.memory_space<vmem>>, vector<16xf32>,
    %swap3A_95 = arith.constant 23 : i32
    %swap3A_96 = arith.index_cast %swap3A_95 : i32 to index
    %swap3A_97 = arith.constant 0 : index
    %swap3A_98 = tpu.vector_load %arg13[%swap3A_96, %swap3A_97] {strides = array<i32>} : memref<80x16xf32, #tpu.memory_space<vmem>>, vector<16xf32>,
    tpu.vector_store %arg13[%swap3A_96, %swap3A_97], %broadcast_in_dim3A_3 {strides = array<i32>} : memref<80x16xf32, #tpu.memory_space<vmem>>, vector<16xf32>,
    %swap3A_99 = arith.constant 24 : i32
    %swap3A_100 = arith.index_cast %swap3A_99 : i32 to index
    %swap3A_101 = arith.constant 0 : index
    %swap3A_102 = tpu.vector_load %arg13[%swap3A_100, %swap3A_101] {strides = array<i32>} : memref<80x16xf32, #tpu.memory_space<vmem>>, vector<16xf32>,
    tpu.vector_store %arg13[%swap3A_100, %swap3A_101], %broadcast_in_dim3A_3 {strides = array<i32>} : memref<80x16xf32, #tpu.memory_space<vmem>>, vector<16xf32>,
    %swap3A_103 = arith.constant 25 : i32
    %swap3A_104 = arith.index_cast %swap3A_103 : i32 to index
    %swap3A_105 = arith.constant 0 : index
    %swap3A_106 = tpu.vector_load %arg13[%swap3A_104, %swap3A_105] {strides = array<i32>} : memref<80x16xf32, #tpu.memory_space<vmem>>, vector<16xf32>,
    tpu.vector_store %arg13[%swap3A_104, %swap3A_105], %broadcast_in_dim3A_3 {strides = array<i32>} : memref<80x16xf32, #tpu.memory_space<vmem>>, vector<16xf32>,
    %swap3A_107 = arith.constant 26 : i32
    %swap3A_108 = arith.index_cast %swap3A_107 : i32 to index
    %swap3A_109 = arith.constant 0 : index
    %swap3A_110 = tpu.vector_load %arg13[%swap3A_108, %swap3A_109] {strides = array<i32>} : memref<80x16xf32, #tpu.memory_space<vmem>>, vector<16xf32>,
    tpu.vector_store %arg13[%swap3A_108, %swap3A_109], %broadcast_in_dim3A_3 {strides = array<i32>} : memref<80x16xf32, #tpu.memory_space<vmem>>, vector<16xf32>,
    %swap3A_111 = arith.constant 27 : i32
    %swap3A_112 = arith.index_cast %swap3A_111 : i32 to index
    %swap3A_113 = arith.constant 0 : index
    %swap3A_114 = tpu.vector_load %arg13[%swap3A_112, %swap3A_113] {strides = array<i32>} : memref<80x16xf32, #tpu.memory_space<vmem>>, vector<16xf32>,
    tpu.vector_store %arg13[%swap3A_112, %swap3A_113], %broadcast_in_dim3A_3 {strides = array<i32>} : memref<80x16xf32, #tpu.memory_space<vmem>>, vector<16xf32>,
    %swap3A_115 = arith.constant 28 : i32
    %swap3A_116 = arith.index_cast %swap3A_115 : i32 to index
    %swap3A_117 = arith.constant 0 : index
    %swap3A_118 = tpu.vector_load %arg13[%swap3A_116, %swap3A_117] {strides = array<i32>} : memref<80x16xf32, #tpu.memory_space<vmem>>, vector<16xf32>,
    tpu.vector_store %arg13[%swap3A_116, %swap3A_117], %broadcast_in_dim3A_3 {strides = array<i32>} : memref<80x16xf32, #tpu.memory_space<vmem>>, vector<16xf32>,
    %swap3A_119 = arith.constant 29 : i32
    %swap3A_120 = arith.index_cast %swap3A_119 : i32 to index
    %swap3A_121 = arith.constant 0 : index
    %swap3A_122 = tpu.vector_load %arg13[%swap3A_120, %swap3A_121] {strides = array<i32>} : memref<80x16xf32, #tpu.memory_space<vmem>>, vector<16xf32>,
    tpu.vector_store %arg13[%swap3A_120, %swap3A_121], %broadcast_in_dim3A_3 {strides = array<i32>} : memref<80x16xf32, #tpu.memory_space<vmem>>, vector<16xf32>,
    %swap3A_123 = arith.constant 30 : i32
    %swap3A_124 = arith.index_cast %swap3A_123 : i32 to index
    %swap3A_125 = arith.constant 0 : index
    %swap3A_126 = tpu.vector_load %arg13[%swap3A_124, %swap3A_125] {strides = array<i32>} : memref<80x16xf32, #tpu.memory_space<vmem>>, vector<16xf32>,
    tpu.vector_store %arg13[%swap3A_124, %swap3A_125], %broadcast_in_dim3A_3 {strides = array<i32>} : memref<80x16xf32, #tpu.memory_space<vmem>>, vector<16xf32>,
    %swap3A_127 = arith.constant 31 : i32
    %swap3A_128 = arith.index_cast %swap3A_127 : i32 to index
    %swap3A_129 = arith.constant 0 : index
    %swap3A_130 = tpu.vector_load %arg13[%swap3A_128, %swap3A_129] {strides = array<i32>} : memref<80x16xf32, #tpu.memory_space<vmem>>, vector<16xf32>,
    tpu.vector_store %arg13[%swap3A_128, %swap3A_129], %broadcast_in_dim3A_3 {strides = array<i32>} : memref<80x16xf32, #tpu.memory_space<vmem>>, vector<16xf32>,
    %swap3A_131 = arith.constant 32 : i32
    %swap3A_132 = arith.index_cast %swap3A_131 : i32 to index
    %swap3A_133 = arith.constant 0 : index
    %swap3A_134 = tpu.vector_load %arg13[%swap3A_132, %swap3A_133] {strides = array<i32>} : memref<80x16xf32, #tpu.memory_space<vmem>>, vector<16xf32>,
    tpu.vector_store %arg13[%swap3A_132, %swap3A_133], %broadcast_in_dim3A_3 {strides = array<i32>} : memref<80x16xf32, #tpu.memory_space<vmem>>, vector<16xf32>,
    %swap3A_135 = arith.constant 33 : i32
    %swap3A_136 = arith.index_cast %swap3A_135 : i32 to index
    %swap3A_137 = arith.constant 0 : index
    %swap3A_138 = tpu.vector_load %arg13[%swap3A_136, %swap3A_137] {strides = array<i32>} : memref<80x16xf32, #tpu.memory_space<vmem>>, vector<16xf32>,
    tpu.vector_store %arg13[%swap3A_136, %swap3A_137], %broadcast_in_dim3A_3 {strides = array<i32>} : memref<80x16xf32, #tpu.memory_space<vmem>>, vector<16xf32>,
    %swap3A_139 = arith.constant 34 : i32
    %swap3A_140 = arith.index_cast %swap3A_139 : i32 to index
    %swap3A_141 = arith.constant 0 : index
    %swap3A_142 = tpu.vector_load %arg13[%swap3A_140, %swap3A_141] {strides = array<i32>} : memref<80x16xf32, #tpu.memory_space<vmem>>, vector<16xf32>,
    tpu.vector_store %arg13[%swap3A_140, %swap3A_141], %broadcast_in_dim3A_3 {strides = array<i32>} : memref<80x16xf32, #tpu.memory_space<vmem>>, vector<16xf32>,
    %swap3A_143 = arith.constant 35 : i32
    %swap3A_144 = arith.index_cast %swap3A_143 : i32 to index
    %swap3A_145 = arith.constant 0 : index
    %swap3A_146 = tpu.vector_load %arg13[%swap3A_144, %swap3A_145] {strides = array<i32>} : memref<80x16xf32, #tpu.memory_space<vmem>>, vector<16xf32>,
    tpu.vector_store %arg13[%swap3A_144, %swap3A_145], %broadcast_in_dim3A_3 {strides = array<i32>} : memref<80x16xf32, #tpu.memory_space<vmem>>, vector<16xf32>,
    %swap3A_147 = arith.constant 36 : i32
    %swap3A_148 = arith.index_cast %swap3A_147 : i32 to index
    %swap3A_149 = arith.constant 0 : index
    %swap3A_150 = tpu.vector_load %arg13[%swap3A_148, %swap3A_149] {strides = array<i32>} : memref<80x16xf32, #tpu.memory_space<vmem>>, vector<16xf32>,
    tpu.vector_store %arg13[%swap3A_148, %swap3A_149], %broadcast_in_dim3A_3 {strides = array<i32>} : memref<80x16xf32, #tpu.memory_space<vmem>>, vector<16xf32>,
    %swap3A_151 = arith.constant 37 : i32
    %swap3A_152 = arith.index_cast %swap3A_151 : i32 to index
    %swap3A_153 = arith.constant 0 : index
    %swap3A_154 = tpu.vector_load %arg13[%swap3A_152, %swap3A_153] {strides = array<i32>} : memref<80x16xf32, #tpu.memory_space<vmem>>, vector<16xf32>,
    tpu.vector_store %arg13[%swap3A_152, %swap3A_153], %broadcast_in_dim3A_3 {strides = array<i32>} : memref<80x16xf32, #tpu.memory_space<vmem>>, vector<16xf32>,
    %swap3A_155 = arith.constant 38 : i32
    %swap3A_156 = arith.index_cast %swap3A_155 : i32 to index
    %swap3A_157 = arith.constant 0 : index
    %swap3A_158 = tpu.vector_load %arg13[%swap3A_156, %swap3A_157] {strides = array<i32>} : memref<80x16xf32, #tpu.memory_space<vmem>>, vector<16xf32>,
    tpu.vector_store %arg13[%swap3A_156, %swap3A_157], %broadcast_in_dim3A_3 {strides = array<i32>} : memref<80x16xf32, #tpu.memory_space<vmem>>, vector<16xf32>,
    %swap3A_159 = arith.constant 39 : i32
    %swap3A_160 = arith.index_cast %swap3A_159 : i32 to index
    %swap3A_161 = arith.constant 0 : index
    %swap3A_162 = tpu.vector_load %arg13[%swap3A_160, %swap3A_161] {strides = array<i32>} : memref<80x16xf32, #tpu.memory_space<vmem>>, vector<16xf32>,
    tpu.vector_store %arg13[%swap3A_160, %swap3A_161], %broadcast_in_dim3A_3 {strides = array<i32>} : memref<80x16xf32, #tpu.memory_space<vmem>>, vector<16xf32>,
    %swap3A_163 = arith.constant 40 : i32
    %swap3A_164 = arith.index_cast %swap3A_163 : i32 to index
    %swap3A_165 = arith.constant 0 : index
    %swap3A_166 = tpu.vector_load %arg13[%swap3A_164, %swap3A_165] {strides = array<i32>} : memref<80x16xf32, #tpu.memory_space<vmem>>, vector<16xf32>,
    tpu.vector_store %arg13[%swap3A_164, %swap3A_165], %broadcast_in_dim3A_3 {strides = array<i32>} : memref<80x16xf32, #tpu.memory_space<vmem>>, vector<16xf32>,
    %swap3A_167 = arith.constant 41 : i32
    %swap3A_168 = arith.index_cast %swap3A_167 : i32 to index
    %swap3A_169 = arith.constant 0 : index
    %swap3A_170 = tpu.vector_load %arg13[%swap3A_168, %swap3A_169] {strides = array<i32>} : memref<80x16xf32, #tpu.memory_space<vmem>>, vector<16xf32>,
    tpu.vector_store %arg13[%swap3A_168, %swap3A_169], %broadcast_in_dim3A_3 {strides = array<i32>} : memref<80x16xf32, #tpu.memory_space<vmem>>, vector<16xf32>,
    %swap3A_171 = arith.constant 42 : i32
    %swap3A_172 = arith.index_cast %swap3A_171 : i32 to index
    %swap3A_173 = arith.constant 0 : index
    %swap3A_174 = tpu.vector_load %arg13[%swap3A_172, %swap3A_173] {strides = array<i32>} : memref<80x16xf32, #tpu.memory_space<vmem>>, vector<16xf32>,
    tpu.vector_store %arg13[%swap3A_172, %swap3A_173], %broadcast_in_dim3A_3 {strides = array<i32>} : memref<80x16xf32, #tpu.memory_space<vmem>>, vector<16xf32>,
    %swap3A_175 = arith.constant 43 : i32
    %swap3A_176 = arith.index_cast %swap3A_175 : i32 to index
    %swap3A_177 = arith.constant 0 : index
    %swap3A_178 = tpu.vector_load %arg13[%swap3A_176, %swap3A_177] {strides = array<i32>} : memref<80x16xf32, #tpu.memory_space<vmem>>, vector<16xf32>,
    tpu.vector_store %arg13[%swap3A_176, %swap3A_177], %broadcast_in_dim3A_3 {strides = array<i32>} : memref<80x16xf32, #tpu.memory_space<vmem>>, vector<16xf32>,
    %swap3A_179 = arith.constant 44 : i32
    %swap3A_180 = arith.index_cast %swap3A_179 : i32 to index
    %swap3A_181 = arith.constant 0 : index
    %swap3A_182 = tpu.vector_load %arg13[%swap3A_180, %swap3A_181] {strides = array<i32>} : memref<80x16xf32, #tpu.memory_space<vmem>>, vector<16xf32>,
    tpu.vector_store %arg13[%swap3A_180, %swap3A_181], %broadcast_in_dim3A_3 {strides = array<i32>} : memref<80x16xf32, #tpu.memory_space<vmem>>, vector<16xf32>,
    %swap3A_183 = arith.constant 45 : i32
    %swap3A_184 = arith.index_cast %swap3A_183 : i32 to index
    %swap3A_185 = arith.constant 0 : index
    %swap3A_186 = tpu.vector_load %arg13[%swap3A_184, %swap3A_185] {strides = array<i32>} : memref<80x16xf32, #tpu.memory_space<vmem>>, vector<16xf32>,
    tpu.vector_store %arg13[%swap3A_184, %swap3A_185], %broadcast_in_dim3A_3 {strides = array<i32>} : memref<80x16xf32, #tpu.memory_space<vmem>>, vector<16xf32>,
    %swap3A_187 = arith.constant 46 : i32
    %swap3A_188 = arith.index_cast %swap3A_187 : i32 to index
    %swap3A_189 = arith.constant 0 : index
    %swap3A_190 = tpu.vector_load %arg13[%swap3A_188, %swap3A_189] {strides = array<i32>} : memref<80x16xf32, #tpu.memory_space<vmem>>, vector<16xf32>,
    tpu.vector_store %arg13[%swap3A_188, %swap3A_189], %broadcast_in_dim3A_3 {strides = array<i32>} : memref<80x16xf32, #tpu.memory_space<vmem>>, vector<16xf32>,
    %swap3A_191 = arith.constant 47 : i32
    %swap3A_192 = arith.index_cast %swap3A_191 : i32 to index
    %swap3A_193 = arith.constant 0 : index
    %swap3A_194 = tpu.vector_load %arg13[%swap3A_192, %swap3A_193] {strides = array<i32>} : memref<80x16xf32, #tpu.memory_space<vmem>>, vector<16xf32>,
    tpu.vector_store %arg13[%swap3A_192, %swap3A_193], %broadcast_in_dim3A_3 {strides = array<i32>} : memref<80x16xf32, #tpu.memory_space<vmem>>, vector<16xf32>,
    %swap3A_195 = arith.constant 48 : i32
    %swap3A_196 = arith.index_cast %swap3A_195 : i32 to index
    %swap3A_197 = arith.constant 0 : index
    %swap3A_198 = tpu.vector_load %arg13[%swap3A_196, %swap3A_197] {strides = array<i32>} : memref<80x16xf32, #tpu.memory_space<vmem>>, vector<16xf32>,
    tpu.vector_store %arg13[%swap3A_196, %swap3A_197], %broadcast_in_dim3A_3 {strides = array<i32>} : memref<80x16xf32, #tpu.memory_space<vmem>>, vector<16xf32>,
    %swap3A_199 = arith.constant 49 : i32
    %swap3A_200 = arith.index_cast %swap3A_199 : i32 to index
    %swap3A_201 = arith.constant 0 : index
    %swap3A_202 = tpu.vector_load %arg13[%swap3A_200, %swap3A_201] {strides = array<i32>} : memref<80x16xf32, #tpu.memory_space<vmem>>, vector<16xf32>,
    tpu.vector_store %arg13[%swap3A_200, %swap3A_201], %broadcast_in_dim3A_3 {strides = array<i32>} : memref<80x16xf32, #tpu.memory_space<vmem>>, vector<16xf32>,
    %swap3A_203 = arith.constant 50 : i32
    %swap3A_204 = arith.index_cast %swap3A_203 : i32 to index
    %swap3A_205 = arith.constant 0 : index
    %swap3A_206 = tpu.vector_load %arg13[%swap3A_204, %swap3A_205] {strides = array<i32>} : memref<80x16xf32, #tpu.memory_space<vmem>>, vector<16xf32>,
    tpu.vector_store %arg13[%swap3A_204, %swap3A_205], %broadcast_in_dim3A_3 {strides = array<i32>} : memref<80x16xf32, #tpu.memory_space<vmem>>, vector<16xf32>,
    %swap3A_207 = arith.constant 51 : i32
    %swap3A_208 = arith.index_cast %swap3A_207 : i32 to index
    %swap3A_209 = arith.constant 0 : index
    %swap3A_210 = tpu.vector_load %arg13[%swap3A_208, %swap3A_209] {strides = array<i32>} : memref<80x16xf32, #tpu.memory_space<vmem>>, vector<16xf32>,
    tpu.vector_store %arg13[%swap3A_208, %swap3A_209], %broadcast_in_dim3A_3 {strides = array<i32>} : memref<80x16xf32, #tpu.memory_space<vmem>>, vector<16xf32>,
    %swap3A_211 = arith.constant 52 : i32
    %swap3A_212 = arith.index_cast %swap3A_211 : i32 to index
    %swap3A_213 = arith.constant 0 : index
    %swap3A_214 = tpu.vector_load %arg13[%swap3A_212, %swap3A_213] {strides = array<i32>} : memref<80x16xf32, #tpu.memory_space<vmem>>, vector<16xf32>,
    tpu.vector_store %arg13[%swap3A_212, %swap3A_213], %broadcast_in_dim3A_3 {strides = array<i32>} : memref<80x16xf32, #tpu.memory_space<vmem>>, vector<16xf32>,
    %swap3A_215 = arith.constant 53 : i32
    %swap3A_216 = arith.index_cast %swap3A_215 : i32 to index
    %swap3A_217 = arith.constant 0 : index
    %swap3A_218 = tpu.vector_load %arg13[%swap3A_216, %swap3A_217] {strides = array<i32>} : memref<80x16xf32, #tpu.memory_space<vmem>>, vector<16xf32>,
    tpu.vector_store %arg13[%swap3A_216, %swap3A_217], %broadcast_in_dim3A_3 {strides = array<i32>} : memref<80x16xf32, #tpu.memory_space<vmem>>, vector<16xf32>,
    %swap3A_219 = arith.constant 54 : i32
    %swap3A_220 = arith.index_cast %swap3A_219 : i32 to index
    %swap3A_221 = arith.constant 0 : index
    %swap3A_222 = tpu.vector_load %arg13[%swap3A_220, %swap3A_221] {strides = array<i32>} : memref<80x16xf32, #tpu.memory_space<vmem>>, vector<16xf32>,
    tpu.vector_store %arg13[%swap3A_220, %swap3A_221], %broadcast_in_dim3A_3 {strides = array<i32>} : memref<80x16xf32, #tpu.memory_space<vmem>>, vector<16xf32>,
    %swap3A_223 = arith.constant 55 : i32
    %swap3A_224 = arith.index_cast %swap3A_223 : i32 to index
    %swap3A_225 = arith.constant 0 : index
    %swap3A_226 = tpu.vector_load %arg13[%swap3A_224, %swap3A_225] {strides = array<i32>} : memref<80x16xf32, #tpu.memory_space<vmem>>, vector<16xf32>,
    tpu.vector_store %arg13[%swap3A_224, %swap3A_225], %broadcast_in_dim3A_3 {strides = array<i32>} : memref<80x16xf32, #tpu.memory_space<vmem>>, vector<16xf32>,
    %swap3A_227 = arith.constant 56 : i32
    %swap3A_228 = arith.index_cast %swap3A_227 : i32 to index
    %swap3A_229 = arith.constant 0 : index
    %swap3A_230 = tpu.vector_load %arg13[%swap3A_228, %swap3A_229] {strides = array<i32>} : memref<80x16xf32, #tpu.memory_space<vmem>>, vector<16xf32>,
    tpu.vector_store %arg13[%swap3A_228, %swap3A_229], %broadcast_in_dim3A_3 {strides = array<i32>} : memref<80x16xf32, #tpu.memory_space<vmem>>, vector<16xf32>,
    %swap3A_231 = arith.constant 57 : i32
    %swap3A_232 = arith.index_cast %swap3A_231 : i32 to index
    %swap3A_233 = arith.constant 0 : index
    %swap3A_234 = tpu.vector_load %arg13[%swap3A_232, %swap3A_233] {strides = array<i32>} : memref<80x16xf32, #tpu.memory_space<vmem>>, vector<16xf32>,
    tpu.vector_store %arg13[%swap3A_232, %swap3A_233], %broadcast_in_dim3A_3 {strides = array<i32>} : memref<80x16xf32, #tpu.memory_space<vmem>>, vector<16xf32>,
    %swap3A_235 = arith.constant 58 : i32
    %swap3A_236 = arith.index_cast %swap3A_235 : i32 to index
    %swap3A_237 = arith.constant 0 : index
    %swap3A_238 = tpu.vector_load %arg13[%swap3A_236, %swap3A_237] {strides = array<i32>} : memref<80x16xf32, #tpu.memory_space<vmem>>, vector<16xf32>,
    tpu.vector_store %arg13[%swap3A_236, %swap3A_237], %broadcast_in_dim3A_3 {strides = array<i32>} : memref<80x16xf32, #tpu.memory_space<vmem>>, vector<16xf32>,
    %swap3A_239 = arith.constant 59 : i32
    %swap3A_240 = arith.index_cast %swap3A_239 : i32 to index
    %swap3A_241 = arith.constant 0 : index
    %swap3A_242 = tpu.vector_load %arg13[%swap3A_240, %swap3A_241] {strides = array<i32>} : memref<80x16xf32, #tpu.memory_space<vmem>>, vector<16xf32>,
    tpu.vector_store %arg13[%swap3A_240, %swap3A_241], %broadcast_in_dim3A_3 {strides = array<i32>} : memref<80x16xf32, #tpu.memory_space<vmem>>, vector<16xf32>,
    %swap3A_243 = arith.constant 60 : i32
    %swap3A_244 = arith.index_cast %swap3A_243 : i32 to index
    %swap3A_245 = arith.constant 0 : index
    %swap3A_246 = tpu.vector_load %arg13[%swap3A_244, %swap3A_245] {strides = array<i32>} : memref<80x16xf32, #tpu.memory_space<vmem>>, vector<16xf32>,
    tpu.vector_store %arg13[%swap3A_244, %swap3A_245], %broadcast_in_dim3A_3 {strides = array<i32>} : memref<80x16xf32, #tpu.memory_space<vmem>>, vector<16xf32>,
    %swap3A_247 = arith.constant 61 : i32
    %swap3A_248 = arith.index_cast %swap3A_247 : i32 to index
    %swap3A_249 = arith.constant 0 : index
    %swap3A_250 = tpu.vector_load %arg13[%swap3A_248, %swap3A_249] {strides = array<i32>} : memref<80x16xf32, #tpu.memory_space<vmem>>, vector<16xf32>,
    tpu.vector_store %arg13[%swap3A_248, %swap3A_249], %broadcast_in_dim3A_3 {strides = array<i32>} : memref<80x16xf32, #tpu.memory_space<vmem>>, vector<16xf32>,
    %swap3A_251 = arith.constant 62 : i32
    %swap3A_252 = arith.index_cast %swap3A_251 : i32 to index
    %swap3A_253 = arith.constant 0 : index
    %swap3A_254 = tpu.vector_load %arg13[%swap3A_252, %swap3A_253] {strides = array<i32>} : memref<80x16xf32, #tpu.memory_space<vmem>>, vector<16xf32>,
    tpu.vector_store %arg13[%swap3A_252, %swap3A_253], %broadcast_in_dim3A_3 {strides = array<i32>} : memref<80x16xf32, #tpu.memory_space<vmem>>, vector<16xf32>,
    %swap3A_255 = arith.constant 63 : i32
    %swap3A_256 = arith.index_cast %swap3A_255 : i32 to index
    %swap3A_257 = arith.constant 0 : index
    %swap3A_258 = tpu.vector_load %arg13[%swap3A_256, %swap3A_257] {strides = array<i32>} : memref<80x16xf32, #tpu.memory_space<vmem>>, vector<16xf32>,
    tpu.vector_store %arg13[%swap3A_256, %swap3A_257], %broadcast_in_dim3A_3 {strides = array<i32>} : memref<80x16xf32, #tpu.memory_space<vmem>>, vector<16xf32>,
    %swap3A_259 = arith.constant 64 : i32
    %swap3A_260 = arith.index_cast %swap3A_259 : i32 to index
    %swap3A_261 = arith.constant 0 : index
    %swap3A_262 = tpu.vector_load %arg13[%swap3A_260, %swap3A_261] {strides = array<i32>} : memref<80x16xf32, #tpu.memory_space<vmem>>, vector<16xf32>,
    tpu.vector_store %arg13[%swap3A_260, %swap3A_261], %broadcast_in_dim3A_3 {strides = array<i32>} : memref<80x16xf32, #tpu.memory_space<vmem>>, vector<16xf32>,
    %swap3A_263 = arith.constant 65 : i32
    %swap3A_264 = arith.index_cast %swap3A_263 : i32 to index
    %swap3A_265 = arith.constant 0 : index
    %swap3A_266 = tpu.vector_load %arg13[%swap3A_264, %swap3A_265] {strides = array<i32>} : memref<80x16xf32, #tpu.memory_space<vmem>>, vector<16xf32>,
    tpu.vector_store %arg13[%swap3A_264, %swap3A_265], %broadcast_in_dim3A_3 {strides = array<i32>} : memref<80x16xf32, #tpu.memory_space<vmem>>, vector<16xf32>,
    %swap3A_267 = arith.constant 66 : i32
    %swap3A_268 = arith.index_cast %swap3A_267 : i32 to index
    %swap3A_269 = arith.constant 0 : index
    %swap3A_270 = tpu.vector_load %arg13[%swap3A_268, %swap3A_269] {strides = array<i32>} : memref<80x16xf32, #tpu.memory_space<vmem>>, vector<16xf32>,
    tpu.vector_store %arg13[%swap3A_268, %swap3A_269], %broadcast_in_dim3A_3 {strides = array<i32>} : memref<80x16xf32, #tpu.memory_space<vmem>>, vector<16xf32>,
    %swap3A_271 = arith.constant 67 : i32
    %swap3A_272 = arith.index_cast %swap3A_271 : i32 to index
    %swap3A_273 = arith.constant 0 : index
    %swap3A_274 = tpu.vector_load %arg13[%swap3A_272, %swap3A_273] {strides = array<i32>} : memref<80x16xf32, #tpu.memory_space<vmem>>, vector<16xf32>,
    tpu.vector_store %arg13[%swap3A_272, %swap3A_273], %broadcast_in_dim3A_3 {strides = array<i32>} : memref<80x16xf32, #tpu.memory_space<vmem>>, vector<16xf32>,
    %swap3A_275 = arith.constant 68 : i32
    %swap3A_276 = arith.index_cast %swap3A_275 : i32 to index
    %swap3A_277 = arith.constant 0 : index
    %swap3A_278 = tpu.vector_load %arg13[%swap3A_276, %swap3A_277] {strides = array<i32>} : memref<80x16xf32, #tpu.memory_space<vmem>>, vector<16xf32>,
    tpu.vector_store %arg13[%swap3A_276, %swap3A_277], %broadcast_in_dim3A_3 {strides = array<i32>} : memref<80x16xf32, #tpu.memory_space<vmem>>, vector<16xf32>,
    %swap3A_279 = arith.constant 69 : i32
    %swap3A_280 = arith.index_cast %swap3A_279 : i32 to index
    %swap3A_281 = arith.constant 0 : index
    %swap3A_282 = tpu.vector_load %arg13[%swap3A_280, %swap3A_281] {strides = array<i32>} : memref<80x16xf32, #tpu.memory_space<vmem>>, vector<16xf32>,
    tpu.vector_store %arg13[%swap3A_280, %swap3A_281], %broadcast_in_dim3A_3 {strides = array<i32>} : memref<80x16xf32, #tpu.memory_space<vmem>>, vector<16xf32>,
    %swap3A_283 = arith.constant 70 : i32
    %swap3A_284 = arith.index_cast %swap3A_283 : i32 to index
    %swap3A_285 = arith.constant 0 : index
    %swap3A_286 = tpu.vector_load %arg13[%swap3A_284, %swap3A_285] {strides = array<i32>} : memref<80x16xf32, #tpu.memory_space<vmem>>, vector<16xf32>,
    tpu.vector_store %arg13[%swap3A_284, %swap3A_285], %broadcast_in_dim3A_3 {strides = array<i32>} : memref<80x16xf32, #tpu.memory_space<vmem>>, vector<16xf32>,
    %swap3A_287 = arith.constant 71 : i32
    %swap3A_288 = arith.index_cast %swap3A_287 : i32 to index
    %swap3A_289 = arith.constant 0 : index
    %swap3A_290 = tpu.vector_load %arg13[%swap3A_288, %swap3A_289] {strides = array<i32>} : memref<80x16xf32, #tpu.memory_space<vmem>>, vector<16xf32>,
    tpu.vector_store %arg13[%swap3A_288, %swap3A_289], %broadcast_in_dim3A_3 {strides = array<i32>} : memref<80x16xf32, #tpu.memory_space<vmem>>, vector<16xf32>,
    %swap3A_291 = arith.constant 72 : i32
    %swap3A_292 = arith.index_cast %swap3A_291 : i32 to index
    %swap3A_293 = arith.constant 0 : index
    %swap3A_294 = tpu.vector_load %arg13[%swap3A_292, %swap3A_293] {strides = array<i32>} : memref<80x16xf32, #tpu.memory_space<vmem>>, vector<16xf32>,
    tpu.vector_store %arg13[%swap3A_292, %swap3A_293], %broadcast_in_dim3A_3 {strides = array<i32>} : memref<80x16xf32, #tpu.memory_space<vmem>>, vector<16xf32>,
    %swap3A_295 = arith.constant 73 : i32
    %swap3A_296 = arith.index_cast %swap3A_295 : i32 to index
    %swap3A_297 = arith.constant 0 : index
    %swap3A_298 = tpu.vector_load %arg13[%swap3A_296, %swap3A_297] {strides = array<i32>} : memref<80x16xf32, #tpu.memory_space<vmem>>, vector<16xf32>,
    tpu.vector_store %arg13[%swap3A_296, %swap3A_297], %broadcast_in_dim3A_3 {strides = array<i32>} : memref<80x16xf32, #tpu.memory_space<vmem>>, vector<16xf32>,
    %swap3A_299 = arith.constant 74 : i32
    %swap3A_300 = arith.index_cast %swap3A_299 : i32 to index
    %swap3A_301 = arith.constant 0 : index
    %swap3A_302 = tpu.vector_load %arg13[%swap3A_300, %swap3A_301] {strides = array<i32>} : memref<80x16xf32, #tpu.memory_space<vmem>>, vector<16xf32>,
    tpu.vector_store %arg13[%swap3A_300, %swap3A_301], %broadcast_in_dim3A_3 {strides = array<i32>} : memref<80x16xf32, #tpu.memory_space<vmem>>, vector<16xf32>,
    %swap3A_303 = arith.constant 75 : i32
    %swap3A_304 = arith.index_cast %swap3A_303 : i32 to index
    %swap3A_305 = arith.constant 0 : index
    %swap3A_306 = tpu.vector_load %arg13[%swap3A_304, %swap3A_305] {strides = array<i32>} : memref<80x16xf32, #tpu.memory_space<vmem>>, vector<16xf32>,
    tpu.vector_store %arg13[%swap3A_304, %swap3A_305], %broadcast_in_dim3A_3 {strides = array<i32>} : memref<80x16xf32, #tpu.memory_space<vmem>>, vector<16xf32>,
    %swap3A_307 = arith.constant 76 : i32
    %swap3A_308 = arith.index_cast %swap3A_307 : i32 to index
    %swap3A_309 = arith.constant 0 : index
    %swap3A_310 = tpu.vector_load %arg13[%swap3A_308, %swap3A_309] {strides = array<i32>} : memref<80x16xf32, #tpu.memory_space<vmem>>, vector<16xf32>,
    tpu.vector_store %arg13[%swap3A_308, %swap3A_309], %broadcast_in_dim3A_3 {strides = array<i32>} : memref<80x16xf32, #tpu.memory_space<vmem>>, vector<16xf32>,
    %swap3A_311 = arith.constant 77 : i32
    %swap3A_312 = arith.index_cast %swap3A_311 : i32 to index
    %swap3A_313 = arith.constant 0 : index
    %swap3A_314 = tpu.vector_load %arg13[%swap3A_312, %swap3A_313] {strides = array<i32>} : memref<80x16xf32, #tpu.memory_space<vmem>>, vector<16xf32>,
    tpu.vector_store %arg13[%swap3A_312, %swap3A_313], %broadcast_in_dim3A_3 {strides = array<i32>} : memref<80x16xf32, #tpu.memory_space<vmem>>, vector<16xf32>,
    %swap3A_315 = arith.constant 78 : i32
    %swap3A_316 = arith.index_cast %swap3A_315 : i32 to index
    %swap3A_317 = arith.constant 0 : index
    %swap3A_318 = tpu.vector_load %arg13[%swap3A_316, %swap3A_317] {strides = array<i32>} : memref<80x16xf32, #tpu.memory_space<vmem>>, vector<16xf32>,
    tpu.vector_store %arg13[%swap3A_316, %swap3A_317], %broadcast_in_dim3A_3 {strides = array<i32>} : memref<80x16xf32, #tpu.memory_space<vmem>>, vector<16xf32>,
    %swap3A_319 = arith.constant 79 : i32
    %swap3A_320 = arith.index_cast %swap3A_319 : i32 to index
    %swap3A_321 = arith.constant 0 : index
    %swap3A_322 = tpu.vector_load %arg13[%swap3A_320, %swap3A_321] {strides = array<i32>} : memref<80x16xf32, #tpu.memory_space<vmem>>, vector<16xf32>,
    tpu.vector_store %arg13[%swap3A_320, %swap3A_321], %broadcast_in_dim3A_3 {strides = array<i32>} : memref<80x16xf32, #tpu.memory_space<vmem>>, vector<16xf32>,
    %add3A_323 = arith.constant 0 : i32
    %add3A_324 = arith.addi %mul3A_2, %add3A_323 : i32
    "tpu.region"() ({
      %run_scoped3A_421 = tpu.sem_alloc : memref<!tpu.dma_semaphore, #tpu.memory_space<semaphore_mem>>
      %dma_start3A_422 = arith.constant 0 : i32
      %dma_start3A_423 = tpu.memref_slice %arg18[%add3A_324, %dma_start3A_422] : memref<10240x16xf32, #tpu.memory_space<vmem_shared>> -> memref<80x16xf32, #tpu.memory_space<vmem_shared>>
      %dma_start3A_424 = arith.constant 0 : i32
      %dma_start3A_425 = tpu.memref_slice %arg18[%add3A_324, %dma_start3A_424] : memref<10240x16xf32, #tpu.memory_space<vmem_shared>> -> memref<80x16xf32, #tpu.memory_space<vmem_shared>>
      tpu.enqueue_dma source(%arg13 : memref<80x16xf32, #tpu.memory_space<vmem>>) target(%dma_start3A_425 : memref<80x16xf32, #tpu.memory_space<vmem_shared>>) target_semaphore(%run_scoped3A_421 : memref<!tpu.dma_semaphore, #tpu.memory_space<semaphore_mem>>)
      %dma_wait3A_426 = arith.constant 0 : i32
      %dma_wait3A_427 = tpu.memref_slice %arg18[%add3A_324, %dma_wait3A_426] : memref<10240x16xf32, #tpu.memory_space<vmem_shared>> -> memref<80x16xf32, #tpu.memory_space<vmem_shared>>
      %dma_wait3A_428 = arith.constant 0 : i32
      %dma_wait3A_429 = tpu.memref_slice %arg18[%add3A_324, %dma_wait3A_428] : memref<10240x16xf32, #tpu.memory_space<vmem_shared>> -> memref<80x16xf32, #tpu.memory_space<vmem_shared>>
      tpu.wait_dma2 semaphore(%run_scoped3A_421 : memref<!tpu.dma_semaphore, #tpu.memory_space<semaphore_mem>>) src(%arg13 : memref<80x16xf32, #tpu.memory_space<vmem>>) dst(%dma_wait3A_429 : memref<80x16xf32, #tpu.memory_space<vmem_shared>>)
      tpu.yield
    }) : () -> ()
    %add3A_325 = arith.constant 80 : i32
    %add3A_326 = arith.addi %mul3A_2, %add3A_325 : i32
    "tpu.region"() ({
      %run_scoped3A_421 = tpu.sem_alloc : memref<!tpu.dma_semaphore, #tpu.memory_space<semaphore_mem>>
      %dma_start3A_422 = arith.constant 0 : i32
      %dma_start3A_423 = tpu.memref_slice %arg18[%add3A_326, %dma_start3A_422] : memref<10240x16xf32, #tpu.memory_space<vmem_shared>> -> memref<80x16xf32, #tpu.memory_space<vmem_shared>>
      %dma_start3A_424 = arith.constant 0 : i32
      %dma_start3A_425 = tpu.memref_slice %arg18[%add3A_326, %dma_start3A_424] : memref<10240x16xf32, #tpu.memory_space<vmem_shared>> -> memref<80x16xf32, #tpu.memory_space<vmem_shared>>
      tpu.enqueue_dma source(%arg13 : memref<80x16xf32, #tpu.memory_space<vmem>>) target(%dma_start3A_425 : memref<80x16xf32, #tpu.memory_space<vmem_shared>>) target_semaphore(%run_scoped3A_421 : memref<!tpu.dma_semaphore, #tpu.memory_space<semaphore_mem>>)
      %dma_wait3A_426 = arith.constant 0 : i32
      %dma_wait3A_427 = tpu.memref_slice %arg18[%add3A_326, %dma_wait3A_426] : memref<10240x16xf32, #tpu.memory_space<vmem_shared>> -> memref<80x16xf32, #tpu.memory_space<vmem_shared>>
      %dma_wait3A_428 = arith.constant 0 : i32
      %dma_wait3A_429 = tpu.memref_slice %arg18[%add3A_326, %dma_wait3A_428] : memref<10240x16xf32, #tpu.memory_space<vmem_shared>> -> memref<80x16xf32, #tpu.memory_space<vmem_shared>>
      tpu.wait_dma2 semaphore(%run_scoped3A_421 : memref<!tpu.dma_semaphore, #tpu.memory_space<semaphore_mem>>) src(%arg13 : memref<80x16xf32, #tpu.memory_space<vmem>>) dst(%dma_wait3A_429 : memref<80x16xf32, #tpu.memory_space<vmem_shared>>)
      tpu.yield
    }) : () -> ()
    %add3A_327 = arith.constant 160 : i32
    %add3A_328 = arith.addi %mul3A_2, %add3A_327 : i32
    "tpu.region"() ({
      %run_scoped3A_421 = tpu.sem_alloc : memref<!tpu.dma_semaphore, #tpu.memory_space<semaphore_mem>>
      %dma_start3A_422 = arith.constant 0 : i32
      %dma_start3A_423 = tpu.memref_slice %arg18[%add3A_328, %dma_start3A_422] : memref<10240x16xf32, #tpu.memory_space<vmem_shared>> -> memref<80x16xf32, #tpu.memory_space<vmem_shared>>
      %dma_start3A_424 = arith.constant 0 : i32
      %dma_start3A_425 = tpu.memref_slice %arg18[%add3A_328, %dma_start3A_424] : memref<10240x16xf32, #tpu.memory_space<vmem_shared>> -> memref<80x16xf32, #tpu.memory_space<vmem_shared>>
      tpu.enqueue_dma source(%arg13 : memref<80x16xf32, #tpu.memory_space<vmem>>) target(%dma_start3A_425 : memref<80x16xf32, #tpu.memory_space<vmem_shared>>) target_semaphore(%run_scoped3A_421 : memref<!tpu.dma_semaphore, #tpu.memory_space<semaphore_mem>>)
      %dma_wait3A_426 = arith.constant 0 : i32
      %dma_wait3A_427 = tpu.memref_slice %arg18[%add3A_328, %dma_wait3A_426] : memref<10240x16xf32, #tpu.memory_space<vmem_shared>> -> memref<80x16xf32, #tpu.memory_space<vmem_shared>>
      %dma_wait3A_428 = arith.constant 0 : i32
      %dma_wait3A_429 = tpu.memref_slice %arg18[%add3A_328, %dma_wait3A_428] : memref<10240x16xf32, #tpu.memory_space<vmem_shared>> -> memref<80x16xf32, #tpu.memory_space<vmem_shared>>
      tpu.wait_dma2 semaphore(%run_scoped3A_421 : memref<!tpu.dma_semaphore, #tpu.memory_space<semaphore_mem>>) src(%arg13 : memref<80x16xf32, #tpu.memory_space<vmem>>) dst(%dma_wait3A_429 : memref<80x16xf32, #tpu.memory_space<vmem_shared>>)
      tpu.yield
    }) : () -> ()
    %add3A_329 = arith.constant 240 : i32
    %add3A_330 = arith.addi %mul3A_2, %add3A_329 : i32
    "tpu.region"() ({
      %run_scoped3A_421 = tpu.sem_alloc : memref<!tpu.dma_semaphore, #tpu.memory_space<semaphore_mem>>
      %dma_start3A_422 = arith.constant 0 : i32
      %dma_start3A_423 = tpu.memref_slice %arg18[%add3A_330, %dma_start3A_422] : memref<10240x16xf32, #tpu.memory_space<vmem_shared>> -> memref<80x16xf32, #tpu.memory_space<vmem_shared>>
      %dma_start3A_424 = arith.constant 0 : i32
      %dma_start3A_425 = tpu.memref_slice %arg18[%add3A_330, %dma_start3A_424] : memref<10240x16xf32, #tpu.memory_space<vmem_shared>> -> memref<80x16xf32, #tpu.memory_space<vmem_shared>>
      tpu.enqueue_dma source(%arg13 : memref<80x16xf32, #tpu.memory_space<vmem>>) target(%dma_start3A_425 : memref<80x16xf32, #tpu.memory_space<vmem_shared>>) target_semaphore(%run_scoped3A_421 : memref<!tpu.dma_semaphore, #tpu.memory_space<semaphore_mem>>)
      %dma_wait3A_426 = arith.constant 0 : i32
      %dma_wait3A_427 = tpu.memref_slice %arg18[%add3A_330, %dma_wait3A_426] : memref<10240x16xf32, #tpu.memory_space<vmem_shared>> -> memref<80x16xf32, #tpu.memory_space<vmem_shared>>
      %dma_wait3A_428 = arith.constant 0 : i32
      %dma_wait3A_429 = tpu.memref_slice %arg18[%add3A_330, %dma_wait3A_428] : memref<10240x16xf32, #tpu.memory_space<vmem_shared>> -> memref<80x16xf32, #tpu.memory_space<vmem_shared>>
      tpu.wait_dma2 semaphore(%run_scoped3A_421 : memref<!tpu.dma_semaphore, #tpu.memory_space<semaphore_mem>>) src(%arg13 : memref<80x16xf32, #tpu.memory_space<vmem>>) dst(%dma_wait3A_429 : memref<80x16xf32, #tpu.memory_space<vmem_shared>>)
      tpu.yield
    }) : () -> ()
    %add3A_331 = arith.constant 320 : i32
    %add3A_332 = arith.addi %mul3A_2, %add3A_331 : i32
    "tpu.region"() ({
      %run_scoped3A_421 = tpu.sem_alloc : memref<!tpu.dma_semaphore, #tpu.memory_space<semaphore_mem>>
      %dma_start3A_422 = arith.constant 0 : i32
      %dma_start3A_423 = tpu.memref_slice %arg18[%add3A_332, %dma_start3A_422] : memref<10240x16xf32, #tpu.memory_space<vmem_shared>> -> memref<80x16xf32, #tpu.memory_space<vmem_shared>>
      %dma_start3A_424 = arith.constant 0 : i32
      %dma_start3A_425 = tpu.memref_slice %arg18[%add3A_332, %dma_start3A_424] : memref<10240x16xf32, #tpu.memory_space<vmem_shared>> -> memref<80x16xf32, #tpu.memory_space<vmem_shared>>
      tpu.enqueue_dma source(%arg13 : memref<80x16xf32, #tpu.memory_space<vmem>>) target(%dma_start3A_425 : memref<80x16xf32, #tpu.memory_space<vmem_shared>>) target_semaphore(%run_scoped3A_421 : memref<!tpu.dma_semaphore, #tpu.memory_space<semaphore_mem>>)
      %dma_wait3A_426 = arith.constant 0 : i32
      %dma_wait3A_427 = tpu.memref_slice %arg18[%add3A_332, %dma_wait3A_426] : memref<10240x16xf32, #tpu.memory_space<vmem_shared>> -> memref<80x16xf32, #tpu.memory_space<vmem_shared>>
      %dma_wait3A_428 = arith.constant 0 : i32
      %dma_wait3A_429 = tpu.memref_slice %arg18[%add3A_332, %dma_wait3A_428] : memref<10240x16xf32, #tpu.memory_space<vmem_shared>> -> memref<80x16xf32, #tpu.memory_space<vmem_shared>>
      tpu.wait_dma2 semaphore(%run_scoped3A_421 : memref<!tpu.dma_semaphore, #tpu.memory_space<semaphore_mem>>) src(%arg13 : memref<80x16xf32, #tpu.memory_space<vmem>>) dst(%dma_wait3A_429 : memref<80x16xf32, #tpu.memory_space<vmem_shared>>)
      tpu.yield
    }) : () -> ()
    %add3A_333 = arith.constant 400 : i32
    %add3A_334 = arith.addi %mul3A_2, %add3A_333 : i32
    "tpu.region"() ({
      %run_scoped3A_421 = tpu.sem_alloc : memref<!tpu.dma_semaphore, #tpu.memory_space<semaphore_mem>>
      %dma_start3A_422 = arith.constant 0 : i32
      %dma_start3A_423 = tpu.memref_slice %arg18[%add3A_334, %dma_start3A_422] : memref<10240x16xf32, #tpu.memory_space<vmem_shared>> -> memref<80x16xf32, #tpu.memory_space<vmem_shared>>
      %dma_start3A_424 = arith.constant 0 : i32
      %dma_start3A_425 = tpu.memref_slice %arg18[%add3A_334, %dma_start3A_424] : memref<10240x16xf32, #tpu.memory_space<vmem_shared>> -> memref<80x16xf32, #tpu.memory_space<vmem_shared>>
      tpu.enqueue_dma source(%arg13 : memref<80x16xf32, #tpu.memory_space<vmem>>) target(%dma_start3A_425 : memref<80x16xf32, #tpu.memory_space<vmem_shared>>) target_semaphore(%run_scoped3A_421 : memref<!tpu.dma_semaphore, #tpu.memory_space<semaphore_mem>>)
      %dma_wait3A_426 = arith.constant 0 : i32
      %dma_wait3A_427 = tpu.memref_slice %arg18[%add3A_334, %dma_wait3A_426] : memref<10240x16xf32, #tpu.memory_space<vmem_shared>> -> memref<80x16xf32, #tpu.memory_space<vmem_shared>>
      %dma_wait3A_428 = arith.constant 0 : i32
      %dma_wait3A_429 = tpu.memref_slice %arg18[%add3A_334, %dma_wait3A_428] : memref<10240x16xf32, #tpu.memory_space<vmem_shared>> -> memref<80x16xf32, #tpu.memory_space<vmem_shared>>
      tpu.wait_dma2 semaphore(%run_scoped3A_421 : memref<!tpu.dma_semaphore, #tpu.memory_space<semaphore_mem>>) src(%arg13 : memref<80x16xf32, #tpu.memory_space<vmem>>) dst(%dma_wait3A_429 : memref<80x16xf32, #tpu.memory_space<vmem_shared>>)
      tpu.yield
    }) : () -> ()
    %add3A_335 = arith.constant 480 : i32
    %add3A_336 = arith.addi %mul3A_2, %add3A_335 : i32
    "tpu.region"() ({
      %run_scoped3A_421 = tpu.sem_alloc : memref<!tpu.dma_semaphore, #tpu.memory_space<semaphore_mem>>
      %dma_start3A_422 = arith.constant 0 : i32
      %dma_start3A_423 = tpu.memref_slice %arg18[%add3A_336, %dma_start3A_422] : memref<10240x16xf32, #tpu.memory_space<vmem_shared>> -> memref<80x16xf32, #tpu.memory_space<vmem_shared>>
      %dma_start3A_424 = arith.constant 0 : i32
      %dma_start3A_425 = tpu.memref_slice %arg18[%add3A_336, %dma_start3A_424] : memref<10240x16xf32, #tpu.memory_space<vmem_shared>> -> memref<80x16xf32, #tpu.memory_space<vmem_shared>>
      tpu.enqueue_dma source(%arg13 : memref<80x16xf32, #tpu.memory_space<vmem>>) target(%dma_start3A_425 : memref<80x16xf32, #tpu.memory_space<vmem_shared>>) target_semaphore(%run_scoped3A_421 : memref<!tpu.dma_semaphore, #tpu.memory_space<semaphore_mem>>)
      %dma_wait3A_426 = arith.constant 0 : i32
      %dma_wait3A_427 = tpu.memref_slice %arg18[%add3A_336, %dma_wait3A_426] : memref<10240x16xf32, #tpu.memory_space<vmem_shared>> -> memref<80x16xf32, #tpu.memory_space<vmem_shared>>
      %dma_wait3A_428 = arith.constant 0 : i32
      %dma_wait3A_429 = tpu.memref_slice %arg18[%add3A_336, %dma_wait3A_428] : memref<10240x16xf32, #tpu.memory_space<vmem_shared>> -> memref<80x16xf32, #tpu.memory_space<vmem_shared>>
      tpu.wait_dma2 semaphore(%run_scoped3A_421 : memref<!tpu.dma_semaphore, #tpu.memory_space<semaphore_mem>>) src(%arg13 : memref<80x16xf32, #tpu.memory_space<vmem>>) dst(%dma_wait3A_429 : memref<80x16xf32, #tpu.memory_space<vmem_shared>>)
      tpu.yield
    }) : () -> ()
    %add3A_337 = arith.constant 560 : i32
    %add3A_338 = arith.addi %mul3A_2, %add3A_337 : i32
    "tpu.region"() ({
      %run_scoped3A_421 = tpu.sem_alloc : memref<!tpu.dma_semaphore, #tpu.memory_space<semaphore_mem>>
      %dma_start3A_422 = arith.constant 0 : i32
      %dma_start3A_423 = tpu.memref_slice %arg18[%add3A_338, %dma_start3A_422] : memref<10240x16xf32, #tpu.memory_space<vmem_shared>> -> memref<80x16xf32, #tpu.memory_space<vmem_shared>>
      %dma_start3A_424 = arith.constant 0 : i32
      %dma_start3A_425 = tpu.memref_slice %arg18[%add3A_338, %dma_start3A_424] : memref<10240x16xf32, #tpu.memory_space<vmem_shared>> -> memref<80x16xf32, #tpu.memory_space<vmem_shared>>
      tpu.enqueue_dma source(%arg13 : memref<80x16xf32, #tpu.memory_space<vmem>>) target(%dma_start3A_425 : memref<80x16xf32, #tpu.memory_space<vmem_shared>>) target_semaphore(%run_scoped3A_421 : memref<!tpu.dma_semaphore, #tpu.memory_space<semaphore_mem>>)
      %dma_wait3A_426 = arith.constant 0 : i32
      %dma_wait3A_427 = tpu.memref_slice %arg18[%add3A_338, %dma_wait3A_426] : memref<10240x16xf32, #tpu.memory_space<vmem_shared>> -> memref<80x16xf32, #tpu.memory_space<vmem_shared>>
      %dma_wait3A_428 = arith.constant 0 : i32
      %dma_wait3A_429 = tpu.memref_slice %arg18[%add3A_338, %dma_wait3A_428] : memref<10240x16xf32, #tpu.memory_space<vmem_shared>> -> memref<80x16xf32, #tpu.memory_space<vmem_shared>>
      tpu.wait_dma2 semaphore(%run_scoped3A_421 : memref<!tpu.dma_semaphore, #tpu.memory_space<semaphore_mem>>) src(%arg13 : memref<80x16xf32, #tpu.memory_space<vmem>>) dst(%dma_wait3A_429 : memref<80x16xf32, #tpu.memory_space<vmem_shared>>)
      tpu.yield
    }) : () -> ()
    "tpu.region"() ({
      %run_scoped3A_421 = tpu.sem_alloc : memref<!tpu.dma_semaphore, #tpu.memory_space<semaphore_mem>>
      %dma_start3A_422 = tpu.memref_slice %arg4[%mul3A_2] : memref<10240xf32, #tpu.memory_space<hbm>> -> memref<640xf32, #tpu.memory_space<hbm>>
      %dma_start3A_423 = tpu.memref_slice %arg4[%mul3A_2] : memref<10240xf32, #tpu.memory_space<hbm>> -> memref<640xf32, #tpu.memory_space<hbm>>
      tpu.enqueue_dma source(%dma_start3A_423 : memref<640xf32, #tpu.memory_space<hbm>>) target(%arg9 : memref<640xf32, #tpu.memory_space<vmem>>) target_semaphore(%run_scoped3A_421 : memref<!tpu.dma_semaphore, #tpu.memory_space<semaphore_mem>>)
      %dma_wait3A_424 = tpu.memref_slice %arg4[%mul3A_2] : memref<10240xf32, #tpu.memory_space<hbm>> -> memref<640xf32, #tpu.memory_space<hbm>>
      %dma_wait3A_425 = tpu.memref_slice %arg4[%mul3A_2] : memref<10240xf32, #tpu.memory_space<hbm>> -> memref<640xf32, #tpu.memory_space<hbm>>
      tpu.wait_dma2 semaphore(%run_scoped3A_421 : memref<!tpu.dma_semaphore, #tpu.memory_space<semaphore_mem>>) src(%dma_wait3A_425 : memref<640xf32, #tpu.memory_space<hbm>>) dst(%arg9 : memref<640xf32, #tpu.memory_space<vmem>>)
      tpu.yield
    }) : () -> ()
    "tpu.region"() ({
      %run_scoped3A_421 = tpu.sem_alloc : memref<!tpu.dma_semaphore, #tpu.memory_space<semaphore_mem>>
      tpu.enqueue_dma source(%arg5 : memref<16xf32, #tpu.memory_space<hbm>>) target(%arg12 : memref<16xf32, #tpu.memory_space<vmem>>) target_semaphore(%run_scoped3A_421 : memref<!tpu.dma_semaphore, #tpu.memory_space<semaphore_mem>>)
      tpu.wait_dma2 semaphore(%run_scoped3A_421 : memref<!tpu.dma_semaphore, #tpu.memory_space<semaphore_mem>>) src(%arg5 : memref<16xf32, #tpu.memory_space<hbm>>) dst(%arg12 : memref<16xf32, #tpu.memory_space<vmem>>)
      tpu.yield
    }) : () -> ()
    "tpu.region"() ({
      %run_scoped3A_421 = tpu.sem_alloc : memref<!tpu.dma_semaphore, #tpu.memory_space<semaphore_mem>>
      %dma_start3A_422 = arith.constant 0 : i32
      %dma_start3A_423 = tpu.memref_slice %arg2[%mul3A_2, %dma_start3A_422] : memref<10240x16xf32, #tpu.memory_space<hbm>> -> memref<640x16xf32, #tpu.memory_space<hbm>>
      %dma_start3A_424 = arith.constant 0 : i32
      %dma_start3A_425 = tpu.memref_slice %arg2[%mul3A_2, %dma_start3A_424] : memref<10240x16xf32, #tpu.memory_space<hbm>> -> memref<640x16xf32, #tpu.memory_space<hbm>>
      tpu.enqueue_dma source(%dma_start3A_425 : memref<640x16xf32, #tpu.memory_space<hbm>>) target(%arg10 : memref<640x16xf32, #tpu.memory_space<vmem>>) target_semaphore(%run_scoped3A_421 : memref<!tpu.dma_semaphore, #tpu.memory_space<semaphore_mem>>)
      %dma_wait3A_426 = arith.constant 0 : i32
      %dma_wait3A_427 = tpu.memref_slice %arg2[%mul3A_2, %dma_wait3A_426] : memref<10240x16xf32, #tpu.memory_space<hbm>> -> memref<640x16xf32, #tpu.memory_space<hbm>>
      %dma_wait3A_428 = arith.constant 0 : i32
      %dma_wait3A_429 = tpu.memref_slice %arg2[%mul3A_2, %dma_wait3A_428] : memref<10240x16xf32, #tpu.memory_space<hbm>> -> memref<640x16xf32, #tpu.memory_space<hbm>>
      tpu.wait_dma2 semaphore(%run_scoped3A_421 : memref<!tpu.dma_semaphore, #tpu.memory_space<semaphore_mem>>) src(%dma_wait3A_429 : memref<640x16xf32, #tpu.memory_space<hbm>>) dst(%arg10 : memref<640x16xf32, #tpu.memory_space<vmem>>)
      tpu.yield
    }) : () -> ()
    %get3A = arith.constant 0 : index
    %get3A_339 = tpu.vector_load %arg12[%get3A] {strides = array<i32>} : memref<16xf32, #tpu.memory_space<vmem>>, vector<16xf32>,
    %scan3A = arith.constant 0 : i32
    %scan3A_340 = arith.constant 0 : i32
    %scan3A_341 = arith.constant 40 : i32
    %scan3A_342 = arith.addi %scan3A_340, %scan3A_341 : i32
    %scan3A_343 = arith.constant 1 : i32
    scf.for %scan3A_421 = %scan3A_340 to %scan3A_342 step %scan3A_343  : i32 {
      %mul3A_422 = arith.constant 16 : i32
      %mul3A_423 = arith.muli %scan3A_421, %mul3A_422 : i32
      %get3A_424 = arith.index_cast %mul3A_423 : i32 to index
      %get3A_425 = tpu.vector_load %arg9[%get3A_424] {strides = array<i32>} : memref<640xf32, #tpu.memory_space<vmem>>, vector<16xf32>,
      %mul3A_426 = arith.constant 16 : i32
      %mul3A_427 = arith.muli %scan3A_421, %mul3A_426 : i32
      %add3A_428 = arith.constant 0 : i32
      %add3A_429 = arith.addi %mul3A_427, %add3A_428 : i32
      %broadcast_in_dim3A_430 = arith.constant 0 : i32
      %broadcast_in_dim3A_431 = vector.broadcast %broadcast_in_dim3A_430 : i32 to vector<16x1xi32>
      %gather3A = vector.shape_cast %broadcast_in_dim3A_431 : vector<16x1xi32> to vector<16xi32>
      %gather3A_432 = tpu.dynamic_gather %get3A_425[%gather3A] in [0] : vector<16xf32>, vector<16xi32> -> vector<16xf32>
      %get3A_433 = arith.index_cast %add3A_429 : i32 to index
      %get3A_434 = arith.constant 0 : index
      %get3A_435 = tpu.vector_load %arg10[%get3A_433, %get3A_434] {strides = array<i32>} : memref<640x16xf32, #tpu.memory_space<vmem>>, vector<16xf32>,
      %mul3A_436 = arith.mulf %get3A_435, %gather3A_432 : vector<16xf32>
      %swap3A_437 = arith.index_cast %add3A_429 : i32 to index
      %swap3A_438 = arith.constant 0 : index
      %swap3A_439 = tpu.vector_load %arg10[%swap3A_437, %swap3A_438] {strides = array<i32>} : memref<640x16xf32, #tpu.memory_space<vmem>>, vector<16xf32>,
      tpu.vector_store %arg10[%swap3A_437, %swap3A_438], %mul3A_436 {strides = array<i32>} : memref<640x16xf32, #tpu.memory_space<vmem>>, vector<16xf32>,
      %mul3A_440 = arith.constant 16 : i32
      %mul3A_441 = arith.muli %scan3A_421, %mul3A_440 : i32
      %add3A_442 = arith.constant 1 : i32
      %add3A_443 = arith.addi %mul3A_441, %add3A_442 : i32
      %broadcast_in_dim3A_444 = arith.constant 1 : i32
      %broadcast_in_dim3A_445 = vector.broadcast %broadcast_in_dim3A_444 : i32 to vector<16x1xi32>
      %gather3A_446 = vector.shape_cast %broadcast_in_dim3A_445 : vector<16x1xi32> to vector<16xi32>
      %gather3A_447 = tpu.dynamic_gather %get3A_425[%gather3A_446] in [0] : vector<16xf32>, vector<16xi32> -> vector<16xf32>
      %get3A_448 = arith.index_cast %add3A_443 : i32 to index
      %get3A_449 = arith.constant 0 : index
      %get3A_450 = tpu.vector_load %arg10[%get3A_448, %get3A_449] {strides = array<i32>} : memref<640x16xf32, #tpu.memory_space<vmem>>, vector<16xf32>,
      %mul3A_451 = arith.mulf %get3A_450, %gather3A_447 : vector<16xf32>
      %swap3A_452 = arith.index_cast %add3A_443 : i32 to index
      %swap3A_453 = arith.constant 0 : index
      %swap3A_454 = tpu.vector_load %arg10[%swap3A_452, %swap3A_453] {strides = array<i32>} : memref<640x16xf32, #tpu.memory_space<vmem>>, vector<16xf32>,
      tpu.vector_store %arg10[%swap3A_452, %swap3A_453], %mul3A_451 {strides = array<i32>} : memref<640x16xf32, #tpu.memory_space<vmem>>, vector<16xf32>,
      %mul3A_455 = arith.constant 16 : i32
      %mul3A_456 = arith.muli %scan3A_421, %mul3A_455 : i32
      %add3A_457 = arith.constant 2 : i32
      %add3A_458 = arith.addi %mul3A_456, %add3A_457 : i32
      %broadcast_in_dim3A_459 = arith.constant 2 : i32
      %broadcast_in_dim3A_460 = vector.broadcast %broadcast_in_dim3A_459 : i32 to vector<16x1xi32>
      %gather3A_461 = vector.shape_cast %broadcast_in_dim3A_460 : vector<16x1xi32> to vector<16xi32>
      %gather3A_462 = tpu.dynamic_gather %get3A_425[%gather3A_461] in [0] : vector<16xf32>, vector<16xi32> -> vector<16xf32>
      %get3A_463 = arith.index_cast %add3A_458 : i32 to index
      %get3A_464 = arith.constant 0 : index
      %get3A_465 = tpu.vector_load %arg10[%get3A_463, %get3A_464] {strides = array<i32>} : memref<640x16xf32, #tpu.memory_space<vmem>>, vector<16xf32>,
      %mul3A_466 = arith.mulf %get3A_465, %gather3A_462 : vector<16xf32>
      %swap3A_467 = arith.index_cast %add3A_458 : i32 to index
      %swap3A_468 = arith.constant 0 : index
      %swap3A_469 = tpu.vector_load %arg10[%swap3A_467, %swap3A_468] {strides = array<i32>} : memref<640x16xf32, #tpu.memory_space<vmem>>, vector<16xf32>,
      tpu.vector_store %arg10[%swap3A_467, %swap3A_468], %mul3A_466 {strides = array<i32>} : memref<640x16xf32, #tpu.memory_space<vmem>>, vector<16xf32>,
      %mul3A_470 = arith.constant 16 : i32
      %mul3A_471 = arith.muli %scan3A_421, %mul3A_470 : i32
      %add3A_472 = arith.constant 3 : i32
      %add3A_473 = arith.addi %mul3A_471, %add3A_472 : i32
      %broadcast_in_dim3A_474 = arith.constant 3 : i32
      %broadcast_in_dim3A_475 = vector.broadcast %broadcast_in_dim3A_474 : i32 to vector<16x1xi32>
      %gather3A_476 = vector.shape_cast %broadcast_in_dim3A_475 : vector<16x1xi32> to vector<16xi32>
      %gather3A_477 = tpu.dynamic_gather %get3A_425[%gather3A_476] in [0] : vector<16xf32>, vector<16xi32> -> vector<16xf32>
      %get3A_478 = arith.index_cast %add3A_473 : i32 to index
      %get3A_479 = arith.constant 0 : index
      %get3A_480 = tpu.vector_load %arg10[%get3A_478, %get3A_479] {strides = array<i32>} : memref<640x16xf32, #tpu.memory_space<vmem>>, vector<16xf32>,
      %mul3A_481 = arith.mulf %get3A_480, %gather3A_477 : vector<16xf32>
      %swap3A_482 = arith.index_cast %add3A_473 : i32 to index
      %swap3A_483 = arith.constant 0 : index
      %swap3A_484 = tpu.vector_load %arg10[%swap3A_482, %swap3A_483] {strides = array<i32>} : memref<640x16xf32, #tpu.memory_space<vmem>>, vector<16xf32>,
      tpu.vector_store %arg10[%swap3A_482, %swap3A_483], %mul3A_481 {strides = array<i32>} : memref<640x16xf32, #tpu.memory_space<vmem>>, vector<16xf32>,
      %mul3A_485 = arith.constant 16 : i32
      %mul3A_486 = arith.muli %scan3A_421, %mul3A_485 : i32
      %add3A_487 = arith.constant 4 : i32
      %add3A_488 = arith.addi %mul3A_486, %add3A_487 : i32
      %broadcast_in_dim3A_489 = arith.constant 4 : i32
      %broadcast_in_dim3A_490 = vector.broadcast %broadcast_in_dim3A_489 : i32 to vector<16x1xi32>
      %gather3A_491 = vector.shape_cast %broadcast_in_dim3A_490 : vector<16x1xi32> to vector<16xi32>
      %gather3A_492 = tpu.dynamic_gather %get3A_425[%gather3A_491] in [0] : vector<16xf32>, vector<16xi32> -> vector<16xf32>
      %get3A_493 = arith.index_cast %add3A_488 : i32 to index
      %get3A_494 = arith.constant 0 : index
      %get3A_495 = tpu.vector_load %arg10[%get3A_493, %get3A_494] {strides = array<i32>} : memref<640x16xf32, #tpu.memory_space<vmem>>, vector<16xf32>,
      %mul3A_496 = arith.mulf %get3A_495, %gather3A_492 : vector<16xf32>
      %swap3A_497 = arith.index_cast %add3A_488 : i32 to index
      %swap3A_498 = arith.constant 0 : index
      %swap3A_499 = tpu.vector_load %arg10[%swap3A_497, %swap3A_498] {strides = array<i32>} : memref<640x16xf32, #tpu.memory_space<vmem>>, vector<16xf32>,
      tpu.vector_store %arg10[%swap3A_497, %swap3A_498], %mul3A_496 {strides = array<i32>} : memref<640x16xf32, #tpu.memory_space<vmem>>, vector<16xf32>,
      %mul3A_500 = arith.constant 16 : i32
      %mul3A_501 = arith.muli %scan3A_421, %mul3A_500 : i32
      %add3A_502 = arith.constant 5 : i32
      %add3A_503 = arith.addi %mul3A_501, %add3A_502 : i32
      %broadcast_in_dim3A_504 = arith.constant 5 : i32
      %broadcast_in_dim3A_505 = vector.broadcast %broadcast_in_dim3A_504 : i32 to vector<16x1xi32>
      %gather3A_506 = vector.shape_cast %broadcast_in_dim3A_505 : vector<16x1xi32> to vector<16xi32>
      %gather3A_507 = tpu.dynamic_gather %get3A_425[%gather3A_506] in [0] : vector<16xf32>, vector<16xi32> -> vector<16xf32>
      %get3A_508 = arith.index_cast %add3A_503 : i32 to index
      %get3A_509 = arith.constant 0 : index
      %get3A_510 = tpu.vector_load %arg10[%get3A_508, %get3A_509] {strides = array<i32>} : memref<640x16xf32, #tpu.memory_space<vmem>>, vector<16xf32>,
      %mul3A_511 = arith.mulf %get3A_510, %gather3A_507 : vector<16xf32>
      %swap3A_512 = arith.index_cast %add3A_503 : i32 to index
      %swap3A_513 = arith.constant 0 : index
      %swap3A_514 = tpu.vector_load %arg10[%swap3A_512, %swap3A_513] {strides = array<i32>} : memref<640x16xf32, #tpu.memory_space<vmem>>, vector<16xf32>,
      tpu.vector_store %arg10[%swap3A_512, %swap3A_513], %mul3A_511 {strides = array<i32>} : memref<640x16xf32, #tpu.memory_space<vmem>>, vector<16xf32>,
      %mul3A_515 = arith.constant 16 : i32
      %mul3A_516 = arith.muli %scan3A_421, %mul3A_515 : i32
      %add3A_517 = arith.constant 6 : i32
      %add3A_518 = arith.addi %mul3A_516, %add3A_517 : i32
      %broadcast_in_dim3A_519 = arith.constant 6 : i32
      %broadcast_in_dim3A_520 = vector.broadcast %broadcast_in_dim3A_519 : i32 to vector<16x1xi32>
      %gather3A_521 = vector.shape_cast %broadcast_in_dim3A_520 : vector<16x1xi32> to vector<16xi32>
      %gather3A_522 = tpu.dynamic_gather %get3A_425[%gather3A_521] in [0] : vector<16xf32>, vector<16xi32> -> vector<16xf32>
      %get3A_523 = arith.index_cast %add3A_518 : i32 to index
      %get3A_524 = arith.constant 0 : index
      %get3A_525 = tpu.vector_load %arg10[%get3A_523, %get3A_524] {strides = array<i32>} : memref<640x16xf32, #tpu.memory_space<vmem>>, vector<16xf32>,
      %mul3A_526 = arith.mulf %get3A_525, %gather3A_522 : vector<16xf32>
      %swap3A_527 = arith.index_cast %add3A_518 : i32 to index
      %swap3A_528 = arith.constant 0 : index
      %swap3A_529 = tpu.vector_load %arg10[%swap3A_527, %swap3A_528] {strides = array<i32>} : memref<640x16xf32, #tpu.memory_space<vmem>>, vector<16xf32>,
      tpu.vector_store %arg10[%swap3A_527, %swap3A_528], %mul3A_526 {strides = array<i32>} : memref<640x16xf32, #tpu.memory_space<vmem>>, vector<16xf32>,
      %mul3A_530 = arith.constant 16 : i32
      %mul3A_531 = arith.muli %scan3A_421, %mul3A_530 : i32
      %add3A_532 = arith.constant 7 : i32
      %add3A_533 = arith.addi %mul3A_531, %add3A_532 : i32
      %broadcast_in_dim3A_534 = arith.constant 7 : i32
      %broadcast_in_dim3A_535 = vector.broadcast %broadcast_in_dim3A_534 : i32 to vector<16x1xi32>
      %gather3A_536 = vector.shape_cast %broadcast_in_dim3A_535 : vector<16x1xi32> to vector<16xi32>
      %gather3A_537 = tpu.dynamic_gather %get3A_425[%gather3A_536] in [0] : vector<16xf32>, vector<16xi32> -> vector<16xf32>
      %get3A_538 = arith.index_cast %add3A_533 : i32 to index
      %get3A_539 = arith.constant 0 : index
      %get3A_540 = tpu.vector_load %arg10[%get3A_538, %get3A_539] {strides = array<i32>} : memref<640x16xf32, #tpu.memory_space<vmem>>, vector<16xf32>,
      %mul3A_541 = arith.mulf %get3A_540, %gather3A_537 : vector<16xf32>
      %swap3A_542 = arith.index_cast %add3A_533 : i32 to index
      %swap3A_543 = arith.constant 0 : index
      %swap3A_544 = tpu.vector_load %arg10[%swap3A_542, %swap3A_543] {strides = array<i32>} : memref<640x16xf32, #tpu.memory_space<vmem>>, vector<16xf32>,
      tpu.vector_store %arg10[%swap3A_542, %swap3A_543], %mul3A_541 {strides = array<i32>} : memref<640x16xf32, #tpu.memory_space<vmem>>, vector<16xf32>,
      %mul3A_545 = arith.constant 16 : i32
      %mul3A_546 = arith.muli %scan3A_421, %mul3A_545 : i32
      %add3A_547 = arith.constant 8 : i32
      %add3A_548 = arith.addi %mul3A_546, %add3A_547 : i32
      %broadcast_in_dim3A_549 = arith.constant 8 : i32
      %broadcast_in_dim3A_550 = vector.broadcast %broadcast_in_dim3A_549 : i32 to vector<16x1xi32>
      %gather3A_551 = vector.shape_cast %broadcast_in_dim3A_550 : vector<16x1xi32> to vector<16xi32>
      %gather3A_552 = tpu.dynamic_gather %get3A_425[%gather3A_551] in [0] : vector<16xf32>, vector<16xi32> -> vector<16xf32>
      %get3A_553 = arith.index_cast %add3A_548 : i32 to index
      %get3A_554 = arith.constant 0 : index
      %get3A_555 = tpu.vector_load %arg10[%get3A_553, %get3A_554] {strides = array<i32>} : memref<640x16xf32, #tpu.memory_space<vmem>>, vector<16xf32>,
      %mul3A_556 = arith.mulf %get3A_555, %gather3A_552 : vector<16xf32>
      %swap3A_557 = arith.index_cast %add3A_548 : i32 to index
      %swap3A_558 = arith.constant 0 : index
      %swap3A_559 = tpu.vector_load %arg10[%swap3A_557, %swap3A_558] {strides = array<i32>} : memref<640x16xf32, #tpu.memory_space<vmem>>, vector<16xf32>,
      tpu.vector_store %arg10[%swap3A_557, %swap3A_558], %mul3A_556 {strides = array<i32>} : memref<640x16xf32, #tpu.memory_space<vmem>>, vector<16xf32>,
      %mul3A_560 = arith.constant 16 : i32
      %mul3A_561 = arith.muli %scan3A_421, %mul3A_560 : i32
      %add3A_562 = arith.constant 9 : i32
      %add3A_563 = arith.addi %mul3A_561, %add3A_562 : i32
      %broadcast_in_dim3A_564 = arith.constant 9 : i32
      %broadcast_in_dim3A_565 = vector.broadcast %broadcast_in_dim3A_564 : i32 to vector<16x1xi32>
      %gather3A_566 = vector.shape_cast %broadcast_in_dim3A_565 : vector<16x1xi32> to vector<16xi32>
      %gather3A_567 = tpu.dynamic_gather %get3A_425[%gather3A_566] in [0] : vector<16xf32>, vector<16xi32> -> vector<16xf32>
      %get3A_568 = arith.index_cast %add3A_563 : i32 to index
      %get3A_569 = arith.constant 0 : index
      %get3A_570 = tpu.vector_load %arg10[%get3A_568, %get3A_569] {strides = array<i32>} : memref<640x16xf32, #tpu.memory_space<vmem>>, vector<16xf32>,
      %mul3A_571 = arith.mulf %get3A_570, %gather3A_567 : vector<16xf32>
      %swap3A_572 = arith.index_cast %add3A_563 : i32 to index
      %swap3A_573 = arith.constant 0 : index
      %swap3A_574 = tpu.vector_load %arg10[%swap3A_572, %swap3A_573] {strides = array<i32>} : memref<640x16xf32, #tpu.memory_space<vmem>>, vector<16xf32>,
      tpu.vector_store %arg10[%swap3A_572, %swap3A_573], %mul3A_571 {strides = array<i32>} : memref<640x16xf32, #tpu.memory_space<vmem>>, vector<16xf32>,
      %mul3A_575 = arith.constant 16 : i32
      %mul3A_576 = arith.muli %scan3A_421, %mul3A_575 : i32
      %add3A_577 = arith.constant 10 : i32
      %add3A_578 = arith.addi %mul3A_576, %add3A_577 : i32
      %broadcast_in_dim3A_579 = arith.constant 10 : i32
      %broadcast_in_dim3A_580 = vector.broadcast %broadcast_in_dim3A_579 : i32 to vector<16x1xi32>
      %gather3A_581 = vector.shape_cast %broadcast_in_dim3A_580 : vector<16x1xi32> to vector<16xi32>
      %gather3A_582 = tpu.dynamic_gather %get3A_425[%gather3A_581] in [0] : vector<16xf32>, vector<16xi32> -> vector<16xf32>
      %get3A_583 = arith.index_cast %add3A_578 : i32 to index
      %get3A_584 = arith.constant 0 : index
      %get3A_585 = tpu.vector_load %arg10[%get3A_583, %get3A_584] {strides = array<i32>} : memref<640x16xf32, #tpu.memory_space<vmem>>, vector<16xf32>,
      %mul3A_586 = arith.mulf %get3A_585, %gather3A_582 : vector<16xf32>
      %swap3A_587 = arith.index_cast %add3A_578 : i32 to index
      %swap3A_588 = arith.constant 0 : index
      %swap3A_589 = tpu.vector_load %arg10[%swap3A_587, %swap3A_588] {strides = array<i32>} : memref<640x16xf32, #tpu.memory_space<vmem>>, vector<16xf32>,
      tpu.vector_store %arg10[%swap3A_587, %swap3A_588], %mul3A_586 {strides = array<i32>} : memref<640x16xf32, #tpu.memory_space<vmem>>, vector<16xf32>,
      %mul3A_590 = arith.constant 16 : i32
      %mul3A_591 = arith.muli %scan3A_421, %mul3A_590 : i32
      %add3A_592 = arith.constant 11 : i32
      %add3A_593 = arith.addi %mul3A_591, %add3A_592 : i32
      %broadcast_in_dim3A_594 = arith.constant 11 : i32
      %broadcast_in_dim3A_595 = vector.broadcast %broadcast_in_dim3A_594 : i32 to vector<16x1xi32>
      %gather3A_596 = vector.shape_cast %broadcast_in_dim3A_595 : vector<16x1xi32> to vector<16xi32>
      %gather3A_597 = tpu.dynamic_gather %get3A_425[%gather3A_596] in [0] : vector<16xf32>, vector<16xi32> -> vector<16xf32>
      %get3A_598 = arith.index_cast %add3A_593 : i32 to index
      %get3A_599 = arith.constant 0 : index
      %get3A_600 = tpu.vector_load %arg10[%get3A_598, %get3A_599] {strides = array<i32>} : memref<640x16xf32, #tpu.memory_space<vmem>>, vector<16xf32>,
      %mul3A_601 = arith.mulf %get3A_600, %gather3A_597 : vector<16xf32>
      %swap3A_602 = arith.index_cast %add3A_593 : i32 to index
      %swap3A_603 = arith.constant 0 : index
      %swap3A_604 = tpu.vector_load %arg10[%swap3A_602, %swap3A_603] {strides = array<i32>} : memref<640x16xf32, #tpu.memory_space<vmem>>, vector<16xf32>,
      tpu.vector_store %arg10[%swap3A_602, %swap3A_603], %mul3A_601 {strides = array<i32>} : memref<640x16xf32, #tpu.memory_space<vmem>>, vector<16xf32>,
      %mul3A_605 = arith.constant 16 : i32
      %mul3A_606 = arith.muli %scan3A_421, %mul3A_605 : i32
      %add3A_607 = arith.constant 12 : i32
      %add3A_608 = arith.addi %mul3A_606, %add3A_607 : i32
      %broadcast_in_dim3A_609 = arith.constant 12 : i32
      %broadcast_in_dim3A_610 = vector.broadcast %broadcast_in_dim3A_609 : i32 to vector<16x1xi32>
      %gather3A_611 = vector.shape_cast %broadcast_in_dim3A_610 : vector<16x1xi32> to vector<16xi32>
      %gather3A_612 = tpu.dynamic_gather %get3A_425[%gather3A_611] in [0] : vector<16xf32>, vector<16xi32> -> vector<16xf32>
      %get3A_613 = arith.index_cast %add3A_608 : i32 to index
      %get3A_614 = arith.constant 0 : index
      %get3A_615 = tpu.vector_load %arg10[%get3A_613, %get3A_614] {strides = array<i32>} : memref<640x16xf32, #tpu.memory_space<vmem>>, vector<16xf32>,
      %mul3A_616 = arith.mulf %get3A_615, %gather3A_612 : vector<16xf32>
      %swap3A_617 = arith.index_cast %add3A_608 : i32 to index
      %swap3A_618 = arith.constant 0 : index
      %swap3A_619 = tpu.vector_load %arg10[%swap3A_617, %swap3A_618] {strides = array<i32>} : memref<640x16xf32, #tpu.memory_space<vmem>>, vector<16xf32>,
      tpu.vector_store %arg10[%swap3A_617, %swap3A_618], %mul3A_616 {strides = array<i32>} : memref<640x16xf32, #tpu.memory_space<vmem>>, vector<16xf32>,
      %mul3A_620 = arith.constant 16 : i32
      %mul3A_621 = arith.muli %scan3A_421, %mul3A_620 : i32
      %add3A_622 = arith.constant 13 : i32
      %add3A_623 = arith.addi %mul3A_621, %add3A_622 : i32
      %broadcast_in_dim3A_624 = arith.constant 13 : i32
      %broadcast_in_dim3A_625 = vector.broadcast %broadcast_in_dim3A_624 : i32 to vector<16x1xi32>
      %gather3A_626 = vector.shape_cast %broadcast_in_dim3A_625 : vector<16x1xi32> to vector<16xi32>
      %gather3A_627 = tpu.dynamic_gather %get3A_425[%gather3A_626] in [0] : vector<16xf32>, vector<16xi32> -> vector<16xf32>
      %get3A_628 = arith.index_cast %add3A_623 : i32 to index
      %get3A_629 = arith.constant 0 : index
      %get3A_630 = tpu.vector_load %arg10[%get3A_628, %get3A_629] {strides = array<i32>} : memref<640x16xf32, #tpu.memory_space<vmem>>, vector<16xf32>,
      %mul3A_631 = arith.mulf %get3A_630, %gather3A_627 : vector<16xf32>
      %swap3A_632 = arith.index_cast %add3A_623 : i32 to index
      %swap3A_633 = arith.constant 0 : index
      %swap3A_634 = tpu.vector_load %arg10[%swap3A_632, %swap3A_633] {strides = array<i32>} : memref<640x16xf32, #tpu.memory_space<vmem>>, vector<16xf32>,
      tpu.vector_store %arg10[%swap3A_632, %swap3A_633], %mul3A_631 {strides = array<i32>} : memref<640x16xf32, #tpu.memory_space<vmem>>, vector<16xf32>,
      %mul3A_635 = arith.constant 16 : i32
      %mul3A_636 = arith.muli %scan3A_421, %mul3A_635 : i32
      %add3A_637 = arith.constant 14 : i32
      %add3A_638 = arith.addi %mul3A_636, %add3A_637 : i32
      %broadcast_in_dim3A_639 = arith.constant 14 : i32
      %broadcast_in_dim3A_640 = vector.broadcast %broadcast_in_dim3A_639 : i32 to vector<16x1xi32>
      %gather3A_641 = vector.shape_cast %broadcast_in_dim3A_640 : vector<16x1xi32> to vector<16xi32>
      %gather3A_642 = tpu.dynamic_gather %get3A_425[%gather3A_641] in [0] : vector<16xf32>, vector<16xi32> -> vector<16xf32>
      %get3A_643 = arith.index_cast %add3A_638 : i32 to index
      %get3A_644 = arith.constant 0 : index
      %get3A_645 = tpu.vector_load %arg10[%get3A_643, %get3A_644] {strides = array<i32>} : memref<640x16xf32, #tpu.memory_space<vmem>>, vector<16xf32>,
      %mul3A_646 = arith.mulf %get3A_645, %gather3A_642 : vector<16xf32>
      %swap3A_647 = arith.index_cast %add3A_638 : i32 to index
      %swap3A_648 = arith.constant 0 : index
      %swap3A_649 = tpu.vector_load %arg10[%swap3A_647, %swap3A_648] {strides = array<i32>} : memref<640x16xf32, #tpu.memory_space<vmem>>, vector<16xf32>,
      tpu.vector_store %arg10[%swap3A_647, %swap3A_648], %mul3A_646 {strides = array<i32>} : memref<640x16xf32, #tpu.memory_space<vmem>>, vector<16xf32>,
      %mul3A_650 = arith.constant 16 : i32
      %mul3A_651 = arith.muli %scan3A_421, %mul3A_650 : i32
      %add3A_652 = arith.constant 15 : i32
      %add3A_653 = arith.addi %mul3A_651, %add3A_652 : i32
      %broadcast_in_dim3A_654 = arith.constant 15 : i32
      %broadcast_in_dim3A_655 = vector.broadcast %broadcast_in_dim3A_654 : i32 to vector<16x1xi32>
      %gather3A_656 = vector.shape_cast %broadcast_in_dim3A_655 : vector<16x1xi32> to vector<16xi32>
      %gather3A_657 = tpu.dynamic_gather %get3A_425[%gather3A_656] in [0] : vector<16xf32>, vector<16xi32> -> vector<16xf32>
      %get3A_658 = arith.index_cast %add3A_653 : i32 to index
      %get3A_659 = arith.constant 0 : index
      %get3A_660 = tpu.vector_load %arg10[%get3A_658, %get3A_659] {strides = array<i32>} : memref<640x16xf32, #tpu.memory_space<vmem>>, vector<16xf32>,
      %mul3A_661 = arith.mulf %get3A_660, %gather3A_657 : vector<16xf32>
      %swap3A_662 = arith.index_cast %add3A_653 : i32 to index
      %swap3A_663 = arith.constant 0 : index
      %swap3A_664 = tpu.vector_load %arg10[%swap3A_662, %swap3A_663] {strides = array<i32>} : memref<640x16xf32, #tpu.memory_space<vmem>>, vector<16xf32>,
      tpu.vector_store %arg10[%swap3A_662, %swap3A_663], %mul3A_661 {strides = array<i32>} : memref<640x16xf32, #tpu.memory_space<vmem>>, vector<16xf32>,
    }
    %scan3A_344 = arith.constant 40 : i32
    "tpu.region"() ({
      %run_scoped3A_421 = tpu.sem_alloc : memref<!tpu.dma_semaphore, #tpu.memory_space<semaphore_mem>>
      %dma_start3A_422 = arith.constant 0 : i32
      %dma_start3A_423 = tpu.memref_slice %arg17[%mul3A_2, %dma_start3A_422] : memref<10240x16xf32, #tpu.memory_space<vmem_shared>> -> memref<640x16xf32, #tpu.memory_space<vmem_shared>>
      %dma_start3A_424 = arith.constant 0 : i32
      %dma_start3A_425 = tpu.memref_slice %arg17[%mul3A_2, %dma_start3A_424] : memref<10240x16xf32, #tpu.memory_space<vmem_shared>> -> memref<640x16xf32, #tpu.memory_space<vmem_shared>>
      tpu.enqueue_dma source(%arg10 : memref<640x16xf32, #tpu.memory_space<vmem>>) target(%dma_start3A_425 : memref<640x16xf32, #tpu.memory_space<vmem_shared>>) target_semaphore(%run_scoped3A_421 : memref<!tpu.dma_semaphore, #tpu.memory_space<semaphore_mem>>)
      %dma_wait3A_426 = arith.constant 0 : i32
      %dma_wait3A_427 = tpu.memref_slice %arg17[%mul3A_2, %dma_wait3A_426] : memref<10240x16xf32, #tpu.memory_space<vmem_shared>> -> memref<640x16xf32, #tpu.memory_space<vmem_shared>>
      %dma_wait3A_428 = arith.constant 0 : i32
      %dma_wait3A_429 = tpu.memref_slice %arg17[%mul3A_2, %dma_wait3A_428] : memref<10240x16xf32, #tpu.memory_space<vmem_shared>> -> memref<640x16xf32, #tpu.memory_space<vmem_shared>>
      tpu.wait_dma2 semaphore(%run_scoped3A_421 : memref<!tpu.dma_semaphore, #tpu.memory_space<semaphore_mem>>) src(%arg10 : memref<640x16xf32, #tpu.memory_space<vmem>>) dst(%dma_wait3A_429 : memref<640x16xf32, #tpu.memory_space<vmem_shared>>)
      tpu.yield
    }) : () -> ()
    %run_scoped3A = arith.constant 0 : i32
    "tpu.region"() ({
      %run_scoped3A_421 = tpu.sem_alloc : memref<!tpu.dma_semaphore, #tpu.memory_space<semaphore_mem>>
      %dma_start3A_422 = arith.constant 0 : i32
      %dma_start3A_423 = arith.constant 0 : i32
      %dma_start3A_424 = tpu.memref_slice %arg3[%run_scoped3A, %add3A, %dma_start3A_422, %dma_start3A_423] : memref<2x32x125x80xi32, #tpu.memory_space<hbm>> -> memref<1x1x125x80xi32, #tpu.memory_space<hbm>>
      %dma_start3A_425 = tpu.memref_squeeze %dma_start3A_424 : memref<1x1x125x80xi32, #tpu.memory_space<hbm>> -> memref<125x80xi32, #tpu.memory_space<hbm>>
      %dma_start3A_426 = arith.constant 0 : i32
      %dma_start3A_427 = arith.constant 0 : i32
      %dma_start3A_428 = tpu.memref_slice %arg3[%run_scoped3A, %add3A, %dma_start3A_426, %dma_start3A_427] : memref<2x32x125x80xi32, #tpu.memory_space<hbm>> -> memref<1x1x125x80xi32, #tpu.memory_space<hbm>>
      %dma_start3A_429 = tpu.memref_squeeze %dma_start3A_428 : memref<1x1x125x80xi32, #tpu.memory_space<hbm>> -> memref<125x80xi32, #tpu.memory_space<hbm>>
      tpu.enqueue_dma source(%dma_start3A_429 : memref<125x80xi32, #tpu.memory_space<hbm>>) target(%arg7 : memref<125x80xi32, #tpu.memory_space<vmem>>) target_semaphore(%run_scoped3A_421 : memref<!tpu.dma_semaphore, #tpu.memory_space<semaphore_mem>>)
      %dma_wait3A_430 = arith.constant 0 : i32
      %dma_wait3A_431 = arith.constant 0 : i32
      %dma_wait3A_432 = tpu.memref_slice %arg3[%run_scoped3A, %add3A, %dma_wait3A_430, %dma_wait3A_431] : memref<2x32x125x80xi32, #tpu.memory_space<hbm>> -> memref<1x1x125x80xi32, #tpu.memory_space<hbm>>
      %dma_wait3A_433 = tpu.memref_squeeze %dma_wait3A_432 : memref<1x1x125x80xi32, #tpu.memory_space<hbm>> -> memref<125x80xi32, #tpu.memory_space<hbm>>
      %dma_wait3A_434 = arith.constant 0 : i32
      %dma_wait3A_435 = arith.constant 0 : i32
      %dma_wait3A_436 = tpu.memref_slice %arg3[%run_scoped3A, %add3A, %dma_wait3A_434, %dma_wait3A_435] : memref<2x32x125x80xi32, #tpu.memory_space<hbm>> -> memref<1x1x125x80xi32, #tpu.memory_space<hbm>>
      %dma_wait3A_437 = tpu.memref_squeeze %dma_wait3A_436 : memref<1x1x125x80xi32, #tpu.memory_space<hbm>> -> memref<125x80xi32, #tpu.memory_space<hbm>>
      tpu.wait_dma2 semaphore(%run_scoped3A_421 : memref<!tpu.dma_semaphore, #tpu.memory_space<semaphore_mem>>) src(%dma_wait3A_437 : memref<125x80xi32, #tpu.memory_space<hbm>>) dst(%arg7 : memref<125x80xi32, #tpu.memory_space<vmem>>)
      tpu.yield
    }) : () -> ()
    %run_scoped3A_345 = arith.constant 1 : i32
    "tpu.region"() ({
      %run_scoped3A_421 = tpu.sem_alloc : memref<!tpu.dma_semaphore, #tpu.memory_space<semaphore_mem>>
      %dma_start3A_422 = arith.constant 0 : i32
      %dma_start3A_423 = arith.constant 0 : i32
      %dma_start3A_424 = tpu.memref_slice %arg3[%run_scoped3A_345, %add3A, %dma_start3A_422, %dma_start3A_423] : memref<2x32x125x80xi32, #tpu.memory_space<hbm>> -> memref<1x1x125x80xi32, #tpu.memory_space<hbm>>
      %dma_start3A_425 = tpu.memref_squeeze %dma_start3A_424 : memref<1x1x125x80xi32, #tpu.memory_space<hbm>> -> memref<125x80xi32, #tpu.memory_space<hbm>>
      %dma_start3A_426 = arith.constant 0 : i32
      %dma_start3A_427 = arith.constant 0 : i32
      %dma_start3A_428 = tpu.memref_slice %arg3[%run_scoped3A_345, %add3A, %dma_start3A_426, %dma_start3A_427] : memref<2x32x125x80xi32, #tpu.memory_space<hbm>> -> memref<1x1x125x80xi32, #tpu.memory_space<hbm>>
      %dma_start3A_429 = tpu.memref_squeeze %dma_start3A_428 : memref<1x1x125x80xi32, #tpu.memory_space<hbm>> -> memref<125x80xi32, #tpu.memory_space<hbm>>
      tpu.enqueue_dma source(%dma_start3A_429 : memref<125x80xi32, #tpu.memory_space<hbm>>) target(%arg8 : memref<125x80xi32, #tpu.memory_space<vmem>>) target_semaphore(%run_scoped3A_421 : memref<!tpu.dma_semaphore, #tpu.memory_space<semaphore_mem>>)
      %dma_wait3A_430 = arith.constant 0 : i32
      %dma_wait3A_431 = arith.constant 0 : i32
      %dma_wait3A_432 = tpu.memref_slice %arg3[%run_scoped3A_345, %add3A, %dma_wait3A_430, %dma_wait3A_431] : memref<2x32x125x80xi32, #tpu.memory_space<hbm>> -> memref<1x1x125x80xi32, #tpu.memory_space<hbm>>
      %dma_wait3A_433 = tpu.memref_squeeze %dma_wait3A_432 : memref<1x1x125x80xi32, #tpu.memory_space<hbm>> -> memref<125x80xi32, #tpu.memory_space<hbm>>
      %dma_wait3A_434 = arith.constant 0 : i32
      %dma_wait3A_435 = arith.constant 0 : i32
      %dma_wait3A_436 = tpu.memref_slice %arg3[%run_scoped3A_345, %add3A, %dma_wait3A_434, %dma_wait3A_435] : memref<2x32x125x80xi32, #tpu.memory_space<hbm>> -> memref<1x1x125x80xi32, #tpu.memory_space<hbm>>
      %dma_wait3A_437 = tpu.memref_squeeze %dma_wait3A_436 : memref<1x1x125x80xi32, #tpu.memory_space<hbm>> -> memref<125x80xi32, #tpu.memory_space<hbm>>
      tpu.wait_dma2 semaphore(%run_scoped3A_421 : memref<!tpu.dma_semaphore, #tpu.memory_space<semaphore_mem>>) src(%dma_wait3A_437 : memref<125x80xi32, #tpu.memory_space<hbm>>) dst(%arg8 : memref<125x80xi32, #tpu.memory_space<vmem>>)
      tpu.yield
    }) : () -> ()
    %barrier3A = arith.constant 0 : index
    tpu.barrier barrier_id(%barrier3A)
    %dma_start3A = arith.constant 0 : i32
    %dma_start3A_346 = arith.constant 0 : i32
    %dma_start3A_347 = tpu.memref_slice %arg7[%dma_start3A, %dma_start3A_346] : memref<125x80xi32, #tpu.memory_space<vmem>> -> memref<1x80xi32, #tpu.memory_space<vmem>>
    %dma_start3A_348 = tpu.memref_squeeze %dma_start3A_347 : memref<1x80xi32, #tpu.memory_space<vmem>> -> memref<80xi32, #tpu.memory_space<vmem>>
    %dma_start3A_349 = arith.constant 0 : i32
    %dma_start3A_350 = arith.constant 0 : i32
    %dma_start3A_351 = tpu.memref_slice %arg17[%dma_start3A_349, %dma_start3A_350] : memref<10240x16xf32, #tpu.memory_space<vmem_shared>> -> memref<10240x16xf32, #tpu.memory_space<vmem_shared>>
    tpu.enqueue_indirect_dma source(%dma_start3A_351 : memref<10240x16xf32, #tpu.memory_space<vmem_shared>>) target(%arg13 : memref<80x16xf32, #tpu.memory_space<vmem>>) offsets(%dma_start3A_348 : memref<80xi32, #tpu.memory_space<vmem>>) semaphore(%arg19 : memref<!tpu.dma_semaphore, #tpu.memory_space<semaphore_mem>>)
    %dma_start3A_352 = arith.constant 1 : i32
    %dma_start3A_353 = arith.constant 0 : i32
    %dma_start3A_354 = tpu.memref_slice %arg7[%dma_start3A_352, %dma_start3A_353] : memref<125x80xi32, #tpu.memory_space<vmem>> -> memref<1x80xi32, #tpu.memory_space<vmem>>
    %dma_start3A_355 = tpu.memref_squeeze %dma_start3A_354 : memref<1x80xi32, #tpu.memory_space<vmem>> -> memref<80xi32, #tpu.memory_space<vmem>>
    %dma_start3A_356 = arith.constant 0 : i32
    %dma_start3A_357 = arith.constant 0 : i32
    %dma_start3A_358 = tpu.memref_slice %arg17[%dma_start3A_356, %dma_start3A_357] : memref<10240x16xf32, #tpu.memory_space<vmem_shared>> -> memref<10240x16xf32, #tpu.memory_space<vmem_shared>>
    tpu.enqueue_indirect_dma source(%dma_start3A_358 : memref<10240x16xf32, #tpu.memory_space<vmem_shared>>) target(%arg14 : memref<80x16xf32, #tpu.memory_space<vmem>>) offsets(%dma_start3A_355 : memref<80xi32, #tpu.memory_space<vmem>>) semaphore(%arg20 : memref<!tpu.dma_semaphore, #tpu.memory_space<semaphore_mem>>)
    %dma_start3A_359 = arith.constant 2 : i32
    %dma_start3A_360 = arith.constant 0 : i32
    %dma_start3A_361 = tpu.memref_slice %arg7[%dma_start3A_359, %dma_start3A_360] : memref<125x80xi32, #tpu.memory_space<vmem>> -> memref<1x80xi32, #tpu.memory_space<vmem>>
    %dma_start3A_362 = tpu.memref_squeeze %dma_start3A_361 : memref<1x80xi32, #tpu.memory_space<vmem>> -> memref<80xi32, #tpu.memory_space<vmem>>
    %dma_start3A_363 = arith.constant 0 : i32
    %dma_start3A_364 = arith.constant 0 : i32
    %dma_start3A_365 = tpu.memref_slice %arg17[%dma_start3A_363, %dma_start3A_364] : memref<10240x16xf32, #tpu.memory_space<vmem_shared>> -> memref<10240x16xf32, #tpu.memory_space<vmem_shared>>
    tpu.enqueue_indirect_dma source(%dma_start3A_365 : memref<10240x16xf32, #tpu.memory_space<vmem_shared>>) target(%arg15 : memref<80x16xf32, #tpu.memory_space<vmem>>) offsets(%dma_start3A_362 : memref<80xi32, #tpu.memory_space<vmem>>) semaphore(%arg21 : memref<!tpu.dma_semaphore, #tpu.memory_space<semaphore_mem>>)
    %dma_start3A_366 = arith.constant 3 : i32
    %dma_start3A_367 = arith.constant 0 : i32
    %dma_start3A_368 = tpu.memref_slice %arg7[%dma_start3A_366, %dma_start3A_367] : memref<125x80xi32, #tpu.memory_space<vmem>> -> memref<1x80xi32, #tpu.memory_space<vmem>>
    %dma_start3A_369 = tpu.memref_squeeze %dma_start3A_368 : memref<1x80xi32, #tpu.memory_space<vmem>> -> memref<80xi32, #tpu.memory_space<vmem>>
    %dma_start3A_370 = arith.constant 0 : i32
    %dma_start3A_371 = arith.constant 0 : i32
    %dma_start3A_372 = tpu.memref_slice %arg17[%dma_start3A_370, %dma_start3A_371] : memref<10240x16xf32, #tpu.memory_space<vmem_shared>> -> memref<10240x16xf32, #tpu.memory_space<vmem_shared>>
    tpu.enqueue_indirect_dma source(%dma_start3A_372 : memref<10240x16xf32, #tpu.memory_space<vmem_shared>>) target(%arg16 : memref<80x16xf32, #tpu.memory_space<vmem>>) offsets(%dma_start3A_369 : memref<80xi32, #tpu.memory_space<vmem>>) semaphore(%arg22 : memref<!tpu.dma_semaphore, #tpu.memory_space<semaphore_mem>>)
    %scan3A_373 = arith.constant 0 : i32
    %scan3A_374 = arith.constant 0 : i32
    %scan3A_375 = arith.constant 31 : i32
    %scan3A_376 = arith.addi %scan3A_374, %scan3A_375 : i32
    %scan3A_377 = arith.constant 1 : i32
    scf.for %scan3A_421 = %scan3A_374 to %scan3A_376 step %scan3A_377  : i32 {
      %mul3A_422 = arith.constant 4 : i32
      %mul3A_423 = arith.muli %mul3A_422, %scan3A_421 : i32
      %add3A_424 = arith.constant 0 : i32
      %add3A_425 = arith.addi %mul3A_423, %add3A_424 : i32
      %dma_wait3A_426 = arith.constant 0 : i32
      %dma_wait3A_427 = tpu.memref_slice %arg7[%add3A_425, %dma_wait3A_426] : memref<125x80xi32, #tpu.memory_space<vmem>> -> memref<1x80xi32, #tpu.memory_space<vmem>>
      %dma_wait3A_428 = tpu.memref_squeeze %dma_wait3A_427 : memref<1x80xi32, #tpu.memory_space<vmem>> -> memref<80xi32, #tpu.memory_space<vmem>>
      %dma_wait3A_429 = arith.constant 0 : i32
      %dma_wait3A_430 = arith.constant 0 : i32
      %dma_wait3A_431 = tpu.memref_slice %arg17[%dma_wait3A_429, %dma_wait3A_430] : memref<10240x16xf32, #tpu.memory_space<vmem_shared>> -> memref<10240x16xf32, #tpu.memory_space<vmem_shared>>
      tpu.wait_indirect_dma semaphore(%arg19 : memref<!tpu.dma_semaphore, #tpu.memory_space<semaphore_mem>>) src(%dma_wait3A_431 : memref<10240x16xf32, #tpu.memory_space<vmem_shared>>) dst(%arg13 : memref<80x16xf32, #tpu.memory_space<vmem>>)
      %add3A_432 = arith.constant 0 : i32
      %add3A_433 = arith.addi %mul3A_423, %add3A_432 : i32
      %dma_start3A_434 = arith.constant 0 : i32
      %dma_start3A_435 = tpu.memref_slice %arg8[%add3A_433, %dma_start3A_434] : memref<125x80xi32, #tpu.memory_space<vmem>> -> memref<1x80xi32, #tpu.memory_space<vmem>>
      %dma_start3A_436 = tpu.memref_squeeze %dma_start3A_435 : memref<1x80xi32, #tpu.memory_space<vmem>> -> memref<80xi32, #tpu.memory_space<vmem>>
      %dma_start3A_437 = arith.constant 0 : i32
      %dma_start3A_438 = arith.constant 0 : i32
      %dma_start3A_439 = tpu.memref_slice %arg18[%dma_start3A_437, %dma_start3A_438] : memref<10240x16xf32, #tpu.memory_space<vmem_shared>> -> memref<10240x16xf32, #tpu.memory_space<vmem_shared>>
      tpu.enqueue_indirect_dma source(%arg13 : memref<80x16xf32, #tpu.memory_space<vmem>>) target(%dma_start3A_439 : memref<10240x16xf32, #tpu.memory_space<vmem_shared>>) offsets(%dma_start3A_436 : memref<80xi32, #tpu.memory_space<vmem>>) semaphore(%arg23 : memref<!tpu.dma_semaphore, #tpu.memory_space<semaphore_mem>>) {add = true}
      %add3A_440 = arith.constant 1 : i32
      %add3A_441 = arith.addi %mul3A_423, %add3A_440 : i32
      %dma_wait3A_442 = arith.constant 0 : i32
      %dma_wait3A_443 = tpu.memref_slice %arg7[%add3A_441, %dma_wait3A_442] : memref<125x80xi32, #tpu.memory_space<vmem>> -> memref<1x80xi32, #tpu.memory_space<vmem>>
      %dma_wait3A_444 = tpu.memref_squeeze %dma_wait3A_443 : memref<1x80xi32, #tpu.memory_space<vmem>> -> memref<80xi32, #tpu.memory_space<vmem>>
      %dma_wait3A_445 = arith.constant 0 : i32
      %dma_wait3A_446 = arith.constant 0 : i32
      %dma_wait3A_447 = tpu.memref_slice %arg17[%dma_wait3A_445, %dma_wait3A_446] : memref<10240x16xf32, #tpu.memory_space<vmem_shared>> -> memref<10240x16xf32, #tpu.memory_space<vmem_shared>>
      tpu.wait_indirect_dma semaphore(%arg20 : memref<!tpu.dma_semaphore, #tpu.memory_space<semaphore_mem>>) src(%dma_wait3A_447 : memref<10240x16xf32, #tpu.memory_space<vmem_shared>>) dst(%arg14 : memref<80x16xf32, #tpu.memory_space<vmem>>)
      %add3A_448 = arith.constant 1 : i32
      %add3A_449 = arith.addi %mul3A_423, %add3A_448 : i32
      %dma_start3A_450 = arith.constant 0 : i32
      %dma_start3A_451 = tpu.memref_slice %arg8[%add3A_449, %dma_start3A_450] : memref<125x80xi32, #tpu.memory_space<vmem>> -> memref<1x80xi32, #tpu.memory_space<vmem>>
      %dma_start3A_452 = tpu.memref_squeeze %dma_start3A_451 : memref<1x80xi32, #tpu.memory_space<vmem>> -> memref<80xi32, #tpu.memory_space<vmem>>
      %dma_start3A_453 = arith.constant 0 : i32
      %dma_start3A_454 = arith.constant 0 : i32
      %dma_start3A_455 = tpu.memref_slice %arg18[%dma_start3A_453, %dma_start3A_454] : memref<10240x16xf32, #tpu.memory_space<vmem_shared>> -> memref<10240x16xf32, #tpu.memory_space<vmem_shared>>
      tpu.enqueue_indirect_dma source(%arg14 : memref<80x16xf32, #tpu.memory_space<vmem>>) target(%dma_start3A_455 : memref<10240x16xf32, #tpu.memory_space<vmem_shared>>) offsets(%dma_start3A_452 : memref<80xi32, #tpu.memory_space<vmem>>) semaphore(%arg24 : memref<!tpu.dma_semaphore, #tpu.memory_space<semaphore_mem>>) {add = true}
      %add3A_456 = arith.constant 2 : i32
      %add3A_457 = arith.addi %mul3A_423, %add3A_456 : i32
      %dma_wait3A_458 = arith.constant 0 : i32
      %dma_wait3A_459 = tpu.memref_slice %arg7[%add3A_457, %dma_wait3A_458] : memref<125x80xi32, #tpu.memory_space<vmem>> -> memref<1x80xi32, #tpu.memory_space<vmem>>
      %dma_wait3A_460 = tpu.memref_squeeze %dma_wait3A_459 : memref<1x80xi32, #tpu.memory_space<vmem>> -> memref<80xi32, #tpu.memory_space<vmem>>
      %dma_wait3A_461 = arith.constant 0 : i32
      %dma_wait3A_462 = arith.constant 0 : i32
      %dma_wait3A_463 = tpu.memref_slice %arg17[%dma_wait3A_461, %dma_wait3A_462] : memref<10240x16xf32, #tpu.memory_space<vmem_shared>> -> memref<10240x16xf32, #tpu.memory_space<vmem_shared>>
      tpu.wait_indirect_dma semaphore(%arg21 : memref<!tpu.dma_semaphore, #tpu.memory_space<semaphore_mem>>) src(%dma_wait3A_463 : memref<10240x16xf32, #tpu.memory_space<vmem_shared>>) dst(%arg15 : memref<80x16xf32, #tpu.memory_space<vmem>>)
      %add3A_464 = arith.constant 2 : i32
      %add3A_465 = arith.addi %mul3A_423, %add3A_464 : i32
      %dma_start3A_466 = arith.constant 0 : i32
      %dma_start3A_467 = tpu.memref_slice %arg8[%add3A_465, %dma_start3A_466] : memref<125x80xi32, #tpu.memory_space<vmem>> -> memref<1x80xi32, #tpu.memory_space<vmem>>
      %dma_start3A_468 = tpu.memref_squeeze %dma_start3A_467 : memref<1x80xi32, #tpu.memory_space<vmem>> -> memref<80xi32, #tpu.memory_space<vmem>>
      %dma_start3A_469 = arith.constant 0 : i32
      %dma_start3A_470 = arith.constant 0 : i32
      %dma_start3A_471 = tpu.memref_slice %arg18[%dma_start3A_469, %dma_start3A_470] : memref<10240x16xf32, #tpu.memory_space<vmem_shared>> -> memref<10240x16xf32, #tpu.memory_space<vmem_shared>>
      tpu.enqueue_indirect_dma source(%arg15 : memref<80x16xf32, #tpu.memory_space<vmem>>) target(%dma_start3A_471 : memref<10240x16xf32, #tpu.memory_space<vmem_shared>>) offsets(%dma_start3A_468 : memref<80xi32, #tpu.memory_space<vmem>>) semaphore(%arg25 : memref<!tpu.dma_semaphore, #tpu.memory_space<semaphore_mem>>) {add = true}
      %add3A_472 = arith.constant 3 : i32
      %add3A_473 = arith.addi %mul3A_423, %add3A_472 : i32
      %dma_wait3A_474 = arith.constant 0 : i32
      %dma_wait3A_475 = tpu.memref_slice %arg7[%add3A_473, %dma_wait3A_474] : memref<125x80xi32, #tpu.memory_space<vmem>> -> memref<1x80xi32, #tpu.memory_space<vmem>>
      %dma_wait3A_476 = tpu.memref_squeeze %dma_wait3A_475 : memref<1x80xi32, #tpu.memory_space<vmem>> -> memref<80xi32, #tpu.memory_space<vmem>>
      %dma_wait3A_477 = arith.constant 0 : i32
      %dma_wait3A_478 = arith.constant 0 : i32
      %dma_wait3A_479 = tpu.memref_slice %arg17[%dma_wait3A_477, %dma_wait3A_478] : memref<10240x16xf32, #tpu.memory_space<vmem_shared>> -> memref<10240x16xf32, #tpu.memory_space<vmem_shared>>
      tpu.wait_indirect_dma semaphore(%arg22 : memref<!tpu.dma_semaphore, #tpu.memory_space<semaphore_mem>>) src(%dma_wait3A_479 : memref<10240x16xf32, #tpu.memory_space<vmem_shared>>) dst(%arg16 : memref<80x16xf32, #tpu.memory_space<vmem>>)
      %add3A_480 = arith.constant 3 : i32
      %add3A_481 = arith.addi %mul3A_423, %add3A_480 : i32
      %dma_start3A_482 = arith.constant 0 : i32
      %dma_start3A_483 = tpu.memref_slice %arg8[%add3A_481, %dma_start3A_482] : memref<125x80xi32, #tpu.memory_space<vmem>> -> memref<1x80xi32, #tpu.memory_space<vmem>>
      %dma_start3A_484 = tpu.memref_squeeze %dma_start3A_483 : memref<1x80xi32, #tpu.memory_space<vmem>> -> memref<80xi32, #tpu.memory_space<vmem>>
      %dma_start3A_485 = arith.constant 0 : i32
      %dma_start3A_486 = arith.constant 0 : i32
      %dma_start3A_487 = tpu.memref_slice %arg18[%dma_start3A_485, %dma_start3A_486] : memref<10240x16xf32, #tpu.memory_space<vmem_shared>> -> memref<10240x16xf32, #tpu.memory_space<vmem_shared>>
      tpu.enqueue_indirect_dma source(%arg16 : memref<80x16xf32, #tpu.memory_space<vmem>>) target(%dma_start3A_487 : memref<10240x16xf32, #tpu.memory_space<vmem_shared>>) offsets(%dma_start3A_484 : memref<80xi32, #tpu.memory_space<vmem>>) semaphore(%arg26 : memref<!tpu.dma_semaphore, #tpu.memory_space<semaphore_mem>>) {add = true}
      %add3A_488 = arith.constant 4 : i32
      %add3A_489 = arith.addi %mul3A_423, %add3A_488 : i32
      %add3A_490 = arith.constant 0 : i32
      %add3A_491 = arith.addi %add3A_489, %add3A_490 : i32
      %lt3A = arith.constant 125 : i32
      %lt3A_492 = arith.cmpi slt, %add3A_491, %lt3A : i32
      %convert_element_type3A = arith.extui %lt3A_492 : i1 to i32
      %cond3A = arith.constant 0 : i32
      %cond3A_493 = arith.cmpi ne, %convert_element_type3A, %cond3A : i32
      scf.if %cond3A_493 {
        %add3A_521 = arith.constant 0 : i32
        %add3A_522 = arith.addi %mul3A_423, %add3A_521 : i32
        %dma_wait3A_523 = arith.constant 0 : i32
        %dma_wait3A_524 = tpu.memref_slice %arg8[%add3A_522, %dma_wait3A_523] : memref<125x80xi32, #tpu.memory_space<vmem>> -> memref<1x80xi32, #tpu.memory_space<vmem>>
        %dma_wait3A_525 = tpu.memref_squeeze %dma_wait3A_524 : memref<1x80xi32, #tpu.memory_space<vmem>> -> memref<80xi32, #tpu.memory_space<vmem>>
        %dma_wait3A_526 = arith.constant 0 : i32
        %dma_wait3A_527 = arith.constant 0 : i32
        %dma_wait3A_528 = tpu.memref_slice %arg18[%dma_wait3A_526, %dma_wait3A_527] : memref<10240x16xf32, #tpu.memory_space<vmem_shared>> -> memref<10240x16xf32, #tpu.memory_space<vmem_shared>>
        tpu.wait_indirect_dma semaphore(%arg23 : memref<!tpu.dma_semaphore, #tpu.memory_space<semaphore_mem>>) src(%arg13 : memref<80x16xf32, #tpu.memory_space<vmem>>) dst(%dma_wait3A_528 : memref<10240x16xf32, #tpu.memory_space<vmem_shared>>)
        %dma_start3A_529 = arith.constant 0 : i32
        %dma_start3A_530 = tpu.memref_slice %arg7[%add3A_491, %dma_start3A_529] : memref<125x80xi32, #tpu.memory_space<vmem>> -> memref<1x80xi32, #tpu.memory_space<vmem>>
        %dma_start3A_531 = tpu.memref_squeeze %dma_start3A_530 : memref<1x80xi32, #tpu.memory_space<vmem>> -> memref<80xi32, #tpu.memory_space<vmem>>
        %dma_start3A_532 = arith.constant 0 : i32
        %dma_start3A_533 = arith.constant 0 : i32
        %dma_start3A_534 = tpu.memref_slice %arg17[%dma_start3A_532, %dma_start3A_533] : memref<10240x16xf32, #tpu.memory_space<vmem_shared>> -> memref<10240x16xf32, #tpu.memory_space<vmem_shared>>
        tpu.enqueue_indirect_dma source(%dma_start3A_534 : memref<10240x16xf32, #tpu.memory_space<vmem_shared>>) target(%arg13 : memref<80x16xf32, #tpu.memory_space<vmem>>) offsets(%dma_start3A_531 : memref<80xi32, #tpu.memory_space<vmem>>) semaphore(%arg19 : memref<!tpu.dma_semaphore, #tpu.memory_space<semaphore_mem>>)
      } else {
      }
      %add3A_494 = arith.constant 4 : i32
      %add3A_495 = arith.addi %mul3A_423, %add3A_494 : i32
      %add3A_496 = arith.constant 1 : i32
      %add3A_497 = arith.addi %add3A_495, %add3A_496 : i32
      %lt3A_498 = arith.constant 125 : i32
      %lt3A_499 = arith.cmpi slt, %add3A_497, %lt3A_498 : i32
      %convert_element_type3A_500 = arith.extui %lt3A_499 : i1 to i32
      %cond3A_501 = arith.constant 0 : i32
      %cond3A_502 = arith.cmpi ne, %convert_element_type3A_500, %cond3A_501 : i32
      scf.if %cond3A_502 {
        %add3A_521 = arith.constant 1 : i32
        %add3A_522 = arith.addi %mul3A_423, %add3A_521 : i32
        %dma_wait3A_523 = arith.constant 0 : i32
        %dma_wait3A_524 = tpu.memref_slice %arg8[%add3A_522, %dma_wait3A_523] : memref<125x80xi32, #tpu.memory_space<vmem>> -> memref<1x80xi32, #tpu.memory_space<vmem>>
        %dma_wait3A_525 = tpu.memref_squeeze %dma_wait3A_524 : memref<1x80xi32, #tpu.memory_space<vmem>> -> memref<80xi32, #tpu.memory_space<vmem>>
        %dma_wait3A_526 = arith.constant 0 : i32
        %dma_wait3A_527 = arith.constant 0 : i32
        %dma_wait3A_528 = tpu.memref_slice %arg18[%dma_wait3A_526, %dma_wait3A_527] : memref<10240x16xf32, #tpu.memory_space<vmem_shared>> -> memref<10240x16xf32, #tpu.memory_space<vmem_shared>>
        tpu.wait_indirect_dma semaphore(%arg24 : memref<!tpu.dma_semaphore, #tpu.memory_space<semaphore_mem>>) src(%arg14 : memref<80x16xf32, #tpu.memory_space<vmem>>) dst(%dma_wait3A_528 : memref<10240x16xf32, #tpu.memory_space<vmem_shared>>)
        %dma_start3A_529 = arith.constant 0 : i32
        %dma_start3A_530 = tpu.memref_slice %arg7[%add3A_497, %dma_start3A_529] : memref<125x80xi32, #tpu.memory_space<vmem>> -> memref<1x80xi32, #tpu.memory_space<vmem>>
        %dma_start3A_531 = tpu.memref_squeeze %dma_start3A_530 : memref<1x80xi32, #tpu.memory_space<vmem>> -> memref<80xi32, #tpu.memory_space<vmem>>
        %dma_start3A_532 = arith.constant 0 : i32
        %dma_start3A_533 = arith.constant 0 : i32
        %dma_start3A_534 = tpu.memref_slice %arg17[%dma_start3A_532, %dma_start3A_533] : memref<10240x16xf32, #tpu.memory_space<vmem_shared>> -> memref<10240x16xf32, #tpu.memory_space<vmem_shared>>
        tpu.enqueue_indirect_dma source(%dma_start3A_534 : memref<10240x16xf32, #tpu.memory_space<vmem_shared>>) target(%arg14 : memref<80x16xf32, #tpu.memory_space<vmem>>) offsets(%dma_start3A_531 : memref<80xi32, #tpu.memory_space<vmem>>) semaphore(%arg20 : memref<!tpu.dma_semaphore, #tpu.memory_space<semaphore_mem>>)
      } else {
      }
      %add3A_503 = arith.constant 4 : i32
      %add3A_504 = arith.addi %mul3A_423, %add3A_503 : i32
      %add3A_505 = arith.constant 2 : i32
      %add3A_506 = arith.addi %add3A_504, %add3A_505 : i32
      %lt3A_507 = arith.constant 125 : i32
      %lt3A_508 = arith.cmpi slt, %add3A_506, %lt3A_507 : i32
      %convert_element_type3A_509 = arith.extui %lt3A_508 : i1 to i32
      %cond3A_510 = arith.constant 0 : i32
      %cond3A_511 = arith.cmpi ne, %convert_element_type3A_509, %cond3A_510 : i32
      scf.if %cond3A_511 {
        %add3A_521 = arith.constant 2 : i32
        %add3A_522 = arith.addi %mul3A_423, %add3A_521 : i32
        %dma_wait3A_523 = arith.constant 0 : i32
        %dma_wait3A_524 = tpu.memref_slice %arg8[%add3A_522, %dma_wait3A_523] : memref<125x80xi32, #tpu.memory_space<vmem>> -> memref<1x80xi32, #tpu.memory_space<vmem>>
        %dma_wait3A_525 = tpu.memref_squeeze %dma_wait3A_524 : memref<1x80xi32, #tpu.memory_space<vmem>> -> memref<80xi32, #tpu.memory_space<vmem>>
        %dma_wait3A_526 = arith.constant 0 : i32
        %dma_wait3A_527 = arith.constant 0 : i32
        %dma_wait3A_528 = tpu.memref_slice %arg18[%dma_wait3A_526, %dma_wait3A_527] : memref<10240x16xf32, #tpu.memory_space<vmem_shared>> -> memref<10240x16xf32, #tpu.memory_space<vmem_shared>>
        tpu.wait_indirect_dma semaphore(%arg25 : memref<!tpu.dma_semaphore, #tpu.memory_space<semaphore_mem>>) src(%arg15 : memref<80x16xf32, #tpu.memory_space<vmem>>) dst(%dma_wait3A_528 : memref<10240x16xf32, #tpu.memory_space<vmem_shared>>)
        %dma_start3A_529 = arith.constant 0 : i32
        %dma_start3A_530 = tpu.memref_slice %arg7[%add3A_506, %dma_start3A_529] : memref<125x80xi32, #tpu.memory_space<vmem>> -> memref<1x80xi32, #tpu.memory_space<vmem>>
        %dma_start3A_531 = tpu.memref_squeeze %dma_start3A_530 : memref<1x80xi32, #tpu.memory_space<vmem>> -> memref<80xi32, #tpu.memory_space<vmem>>
        %dma_start3A_532 = arith.constant 0 : i32
        %dma_start3A_533 = arith.constant 0 : i32
        %dma_start3A_534 = tpu.memref_slice %arg17[%dma_start3A_532, %dma_start3A_533] : memref<10240x16xf32, #tpu.memory_space<vmem_shared>> -> memref<10240x16xf32, #tpu.memory_space<vmem_shared>>
        tpu.enqueue_indirect_dma source(%dma_start3A_534 : memref<10240x16xf32, #tpu.memory_space<vmem_shared>>) target(%arg15 : memref<80x16xf32, #tpu.memory_space<vmem>>) offsets(%dma_start3A_531 : memref<80xi32, #tpu.memory_space<vmem>>) semaphore(%arg21 : memref<!tpu.dma_semaphore, #tpu.memory_space<semaphore_mem>>)
      } else {
      }
      %add3A_512 = arith.constant 4 : i32
      %add3A_513 = arith.addi %mul3A_423, %add3A_512 : i32
      %add3A_514 = arith.constant 3 : i32
      %add3A_515 = arith.addi %add3A_513, %add3A_514 : i32
      %lt3A_516 = arith.constant 125 : i32
      %lt3A_517 = arith.cmpi slt, %add3A_515, %lt3A_516 : i32
      %convert_element_type3A_518 = arith.extui %lt3A_517 : i1 to i32
      %cond3A_519 = arith.constant 0 : i32
      %cond3A_520 = arith.cmpi ne, %convert_element_type3A_518, %cond3A_519 : i32
      scf.if %cond3A_520 {
        %add3A_521 = arith.constant 3 : i32
        %add3A_522 = arith.addi %mul3A_423, %add3A_521 : i32
        %dma_wait3A_523 = arith.constant 0 : i32
        %dma_wait3A_524 = tpu.memref_slice %arg8[%add3A_522, %dma_wait3A_523] : memref<125x80xi32, #tpu.memory_space<vmem>> -> memref<1x80xi32, #tpu.memory_space<vmem>>
        %dma_wait3A_525 = tpu.memref_squeeze %dma_wait3A_524 : memref<1x80xi32, #tpu.memory_space<vmem>> -> memref<80xi32, #tpu.memory_space<vmem>>
        %dma_wait3A_526 = arith.constant 0 : i32
        %dma_wait3A_527 = arith.constant 0 : i32
        %dma_wait3A_528 = tpu.memref_slice %arg18[%dma_wait3A_526, %dma_wait3A_527] : memref<10240x16xf32, #tpu.memory_space<vmem_shared>> -> memref<10240x16xf32, #tpu.memory_space<vmem_shared>>
        tpu.wait_indirect_dma semaphore(%arg26 : memref<!tpu.dma_semaphore, #tpu.memory_space<semaphore_mem>>) src(%arg16 : memref<80x16xf32, #tpu.memory_space<vmem>>) dst(%dma_wait3A_528 : memref<10240x16xf32, #tpu.memory_space<vmem_shared>>)
        %dma_start3A_529 = arith.constant 0 : i32
        %dma_start3A_530 = tpu.memref_slice %arg7[%add3A_515, %dma_start3A_529] : memref<125x80xi32, #tpu.memory_space<vmem>> -> memref<1x80xi32, #tpu.memory_space<vmem>>
        %dma_start3A_531 = tpu.memref_squeeze %dma_start3A_530 : memref<1x80xi32, #tpu.memory_space<vmem>> -> memref<80xi32, #tpu.memory_space<vmem>>
        %dma_start3A_532 = arith.constant 0 : i32
        %dma_start3A_533 = arith.constant 0 : i32
        %dma_start3A_534 = tpu.memref_slice %arg17[%dma_start3A_532, %dma_start3A_533] : memref<10240x16xf32, #tpu.memory_space<vmem_shared>> -> memref<10240x16xf32, #tpu.memory_space<vmem_shared>>
        tpu.enqueue_indirect_dma source(%dma_start3A_534 : memref<10240x16xf32, #tpu.memory_space<vmem_shared>>) target(%arg16 : memref<80x16xf32, #tpu.memory_space<vmem>>) offsets(%dma_start3A_531 : memref<80xi32, #tpu.memory_space<vmem>>) semaphore(%arg22 : memref<!tpu.dma_semaphore, #tpu.memory_space<semaphore_mem>>)
      } else {
      }
    }
    %scan3A_378 = arith.constant 31 : i32
    %dma_wait3A = arith.constant 124 : i32
    %dma_wait3A_379 = arith.constant 0 : i32
    %dma_wait3A_380 = tpu.memref_slice %arg7[%dma_wait3A, %dma_wait3A_379] : memref<125x80xi32, #tpu.memory_space<vmem>> -> memref<1x80xi32, #tpu.memory_space<vmem>>
    %dma_wait3A_381 = tpu.memref_squeeze %dma_wait3A_380 : memref<1x80xi32, #tpu.memory_space<vmem>> -> memref<80xi32, #tpu.memory_space<vmem>>
    %dma_wait3A_382 = arith.constant 0 : i32
    %dma_wait3A_383 = arith.constant 0 : i32
    %dma_wait3A_384 = tpu.memref_slice %arg17[%dma_wait3A_382, %dma_wait3A_383] : memref<10240x16xf32, #tpu.memory_space<vmem_shared>> -> memref<10240x16xf32, #tpu.memory_space<vmem_shared>>
    tpu.wait_indirect_dma semaphore(%arg19 : memref<!tpu.dma_semaphore, #tpu.memory_space<semaphore_mem>>) src(%dma_wait3A_384 : memref<10240x16xf32, #tpu.memory_space<vmem_shared>>) dst(%arg13 : memref<80x16xf32, #tpu.memory_space<vmem>>)
    %dma_start3A_385 = arith.constant 124 : i32
    %dma_start3A_386 = arith.constant 0 : i32
    %dma_start3A_387 = tpu.memref_slice %arg8[%dma_start3A_385, %dma_start3A_386] : memref<125x80xi32, #tpu.memory_space<vmem>> -> memref<1x80xi32, #tpu.memory_space<vmem>>
    %dma_start3A_388 = tpu.memref_squeeze %dma_start3A_387 : memref<1x80xi32, #tpu.memory_space<vmem>> -> memref<80xi32, #tpu.memory_space<vmem>>
    %dma_start3A_389 = arith.constant 0 : i32
    %dma_start3A_390 = arith.constant 0 : i32
    %dma_start3A_391 = tpu.memref_slice %arg18[%dma_start3A_389, %dma_start3A_390] : memref<10240x16xf32, #tpu.memory_space<vmem_shared>> -> memref<10240x16xf32, #tpu.memory_space<vmem_shared>>
    tpu.enqueue_indirect_dma source(%arg13 : memref<80x16xf32, #tpu.memory_space<vmem>>) target(%dma_start3A_391 : memref<10240x16xf32, #tpu.memory_space<vmem_shared>>) offsets(%dma_start3A_388 : memref<80xi32, #tpu.memory_space<vmem>>) semaphore(%arg23 : memref<!tpu.dma_semaphore, #tpu.memory_space<semaphore_mem>>) {add = true}
    %dma_wait3A_392 = arith.constant 124 : i32
    %dma_wait3A_393 = arith.constant 0 : i32
    %dma_wait3A_394 = tpu.memref_slice %arg8[%dma_wait3A_392, %dma_wait3A_393] : memref<125x80xi32, #tpu.memory_space<vmem>> -> memref<1x80xi32, #tpu.memory_space<vmem>>
    %dma_wait3A_395 = tpu.memref_squeeze %dma_wait3A_394 : memref<1x80xi32, #tpu.memory_space<vmem>> -> memref<80xi32, #tpu.memory_space<vmem>>
    %dma_wait3A_396 = arith.constant 0 : i32
    %dma_wait3A_397 = arith.constant 0 : i32
    %dma_wait3A_398 = tpu.memref_slice %arg18[%dma_wait3A_396, %dma_wait3A_397] : memref<10240x16xf32, #tpu.memory_space<vmem_shared>> -> memref<10240x16xf32, #tpu.memory_space<vmem_shared>>
    tpu.wait_indirect_dma semaphore(%arg23 : memref<!tpu.dma_semaphore, #tpu.memory_space<semaphore_mem>>) src(%arg13 : memref<80x16xf32, #tpu.memory_space<vmem>>) dst(%dma_wait3A_398 : memref<10240x16xf32, #tpu.memory_space<vmem_shared>>)
    %dma_wait3A_399 = arith.constant 121 : i32
    %dma_wait3A_400 = arith.constant 0 : i32
    %dma_wait3A_401 = tpu.memref_slice %arg8[%dma_wait3A_399, %dma_wait3A_400] : memref<125x80xi32, #tpu.memory_space<vmem>> -> memref<1x80xi32, #tpu.memory_space<vmem>>
    %dma_wait3A_402 = tpu.memref_squeeze %dma_wait3A_401 : memref<1x80xi32, #tpu.memory_space<vmem>> -> memref<80xi32, #tpu.memory_space<vmem>>
    %dma_wait3A_403 = arith.constant 0 : i32
    %dma_wait3A_404 = arith.constant 0 : i32
    %dma_wait3A_405 = tpu.memref_slice %arg18[%dma_wait3A_403, %dma_wait3A_404] : memref<10240x16xf32, #tpu.memory_space<vmem_shared>> -> memref<10240x16xf32, #tpu.memory_space<vmem_shared>>
    tpu.wait_indirect_dma semaphore(%arg24 : memref<!tpu.dma_semaphore, #tpu.memory_space<semaphore_mem>>) src(%arg14 : memref<80x16xf32, #tpu.memory_space<vmem>>) dst(%dma_wait3A_405 : memref<10240x16xf32, #tpu.memory_space<vmem_shared>>)
    %dma_wait3A_406 = arith.constant 122 : i32
    %dma_wait3A_407 = arith.constant 0 : i32
    %dma_wait3A_408 = tpu.memref_slice %arg8[%dma_wait3A_406, %dma_wait3A_407] : memref<125x80xi32, #tpu.memory_space<vmem>> -> memref<1x80xi32, #tpu.memory_space<vmem>>
    %dma_wait3A_409 = tpu.memref_squeeze %dma_wait3A_408 : memref<1x80xi32, #tpu.memory_space<vmem>> -> memref<80xi32, #tpu.memory_space<vmem>>
    %dma_wait3A_410 = arith.constant 0 : i32
    %dma_wait3A_411 = arith.constant 0 : i32
    %dma_wait3A_412 = tpu.memref_slice %arg18[%dma_wait3A_410, %dma_wait3A_411] : memref<10240x16xf32, #tpu.memory_space<vmem_shared>> -> memref<10240x16xf32, #tpu.memory_space<vmem_shared>>
    tpu.wait_indirect_dma semaphore(%arg25 : memref<!tpu.dma_semaphore, #tpu.memory_space<semaphore_mem>>) src(%arg15 : memref<80x16xf32, #tpu.memory_space<vmem>>) dst(%dma_wait3A_412 : memref<10240x16xf32, #tpu.memory_space<vmem_shared>>)
    %dma_wait3A_413 = arith.constant 123 : i32
    %dma_wait3A_414 = arith.constant 0 : i32
    %dma_wait3A_415 = tpu.memref_slice %arg8[%dma_wait3A_413, %dma_wait3A_414] : memref<125x80xi32, #tpu.memory_space<vmem>> -> memref<1x80xi32, #tpu.memory_space<vmem>>
    %dma_wait3A_416 = tpu.memref_squeeze %dma_wait3A_415 : memref<1x80xi32, #tpu.memory_space<vmem>> -> memref<80xi32, #tpu.memory_space<vmem>>
    %dma_wait3A_417 = arith.constant 0 : i32
    %dma_wait3A_418 = arith.constant 0 : i32
    %dma_wait3A_419 = tpu.memref_slice %arg18[%dma_wait3A_417, %dma_wait3A_418] : memref<10240x16xf32, #tpu.memory_space<vmem_shared>> -> memref<10240x16xf32, #tpu.memory_space<vmem_shared>>
    tpu.wait_indirect_dma semaphore(%arg26 : memref<!tpu.dma_semaphore, #tpu.memory_space<semaphore_mem>>) src(%arg16 : memref<80x16xf32, #tpu.memory_space<vmem>>) dst(%dma_wait3A_419 : memref<10240x16xf32, #tpu.memory_space<vmem_shared>>)
    %barrier3A_420 = arith.constant 0 : index
    tpu.barrier barrier_id(%barrier3A_420)
    "tpu.region"() ({
      %run_scoped3A_421 = tpu.sem_alloc : memref<!tpu.dma_semaphore, #tpu.memory_space<semaphore_mem>>
      %dma_start3A_422 = arith.constant 0 : i32
      %dma_start3A_423 = tpu.memref_slice %arg6[%arg0, %mul3A_2, %dma_start3A_422] : memref<2x10240x16xf32, #tpu.memory_space<hbm>> -> memref<1x640x16xf32, #tpu.memory_space<hbm>>
      %dma_start3A_424 = tpu.memref_squeeze %dma_start3A_423 : memref<1x640x16xf32, #tpu.memory_space<hbm>> -> memref<640x16xf32, #tpu.memory_space<hbm>>
      %dma_start3A_425 = arith.constant 0 : i32
      %dma_start3A_426 = tpu.memref_slice %arg18[%mul3A_2, %dma_start3A_425] : memref<10240x16xf32, #tpu.memory_space<vmem_shared>> -> memref<640x16xf32, #tpu.memory_space<vmem_shared>>
      tpu.enqueue_dma source(%dma_start3A_426 : memref<640x16xf32, #tpu.memory_space<vmem_shared>>) target(%dma_start3A_424 : memref<640x16xf32, #tpu.memory_space<hbm>>) target_semaphore(%run_scoped3A_421 : memref<!tpu.dma_semaphore, #tpu.memory_space<semaphore_mem>>)
      %dma_wait3A_427 = arith.constant 0 : i32
      %dma_wait3A_428 = tpu.memref_slice %arg6[%arg0, %mul3A_2, %dma_wait3A_427] : memref<2x10240x16xf32, #tpu.memory_space<hbm>> -> memref<1x640x16xf32, #tpu.memory_space<hbm>>
      %dma_wait3A_429 = tpu.memref_squeeze %dma_wait3A_428 : memref<1x640x16xf32, #tpu.memory_space<hbm>> -> memref<640x16xf32, #tpu.memory_space<hbm>>
      %dma_wait3A_430 = arith.constant 0 : i32
      %dma_wait3A_431 = tpu.memref_slice %arg18[%mul3A_2, %dma_wait3A_430] : memref<10240x16xf32, #tpu.memory_space<vmem_shared>> -> memref<640x16xf32, #tpu.memory_space<vmem_shared>>
      tpu.wait_dma2 semaphore(%run_scoped3A_421 : memref<!tpu.dma_semaphore, #tpu.memory_space<semaphore_mem>>) src(%dma_wait3A_431 : memref<640x16xf32, #tpu.memory_space<vmem_shared>>) dst(%dma_wait3A_429 : memref<640x16xf32, #tpu.memory_space<hbm>>)
      tpu.yield
    }) : () -> ()
    return
  }
}

module attributes {stable_mosaic.version = 14 : i64} {
  func.func @_tc1_body(%arg0: memref<10000x128xf32, #tpu.memory_space<vmem>>, %arg1: memref<128x16xf32, #tpu.memory_space<vmem>>, %arg2: memref<10240x16xf32, #tpu.memory_space<vmem>>) attributes {dimension_semantics = [], scalar_prefetch = 0 : i64, scratch_operands = 0 : i64, tpu.core_type = #tpu.core_type<tc>} {
    %broadcast_in_dim3A = arith.constant 0.000000e+00 : f32
    %broadcast_in_dim3A_0 = vector.broadcast %broadcast_in_dim3A : f32 to vector<240x16xf32>
    %swap3A = arith.constant 10000 : index
    %swap3A_1 = arith.constant 0 : index
    %swap3A_2 = vector.load %arg2[%swap3A, %swap3A_1] : memref<10240x16xf32, #tpu.memory_space<vmem>>, vector<240x16xf32>
    tpu.vector_store %arg2[%swap3A, %swap3A_1], %broadcast_in_dim3A_0 {strides = array<i32>} : memref<10240x16xf32, #tpu.memory_space<vmem>>, vector<240x16xf32>,
    %get3A = arith.constant 0 : index
    %get3A_3 = arith.constant 0 : index
    %get3A_4 = vector.load %arg0[%get3A, %get3A_3] : memref<10000x128xf32, #tpu.memory_space<vmem>>, vector<10000x128xf32>
    %get3A_5 = arith.constant 0 : index
    %get3A_6 = arith.constant 0 : index
    %get3A_7 = vector.load %arg1[%get3A_5, %get3A_6] : memref<128x16xf32, #tpu.memory_space<vmem>>, vector<128x16xf32>
    %dot_general3A = arith.constant dense<0.000000e+00> : vector<10000x16xf32>
    %dot_general3A_8 = tpu.matmul %get3A_4, %get3A_7, %dot_general3A {dimension_numbers = #tpu.dot_dimension_numbers<[1], [0], [0], [1], [0, 0, 1, 1], [], []>, transpose_lhs_hint = false} : vector<10000x128xf32>, vector<128x16xf32>, vector<10000x16xf32> -> vector<10000x16xf32>
    %swap3A_9 = arith.constant 0 : index
    %swap3A_10 = arith.constant 0 : index
    %swap3A_11 = vector.load %arg2[%swap3A_9, %swap3A_10] : memref<10240x16xf32, #tpu.memory_space<vmem>>, vector<10000x16xf32>
    tpu.vector_store %arg2[%swap3A_9, %swap3A_10], %dot_general3A_8 {strides = array<i32>} : memref<10240x16xf32, #tpu.memory_space<vmem>>, vector<10000x16xf32>,
    return
  }
}

module attributes {stable_mosaic.version = 14 : i64} {
  func.func @_tc2_body(%arg0: memref<2x1280x128xf32, #tpu.memory_space<vmem>>, %arg1: memref<128x320xf32, #tpu.memory_space<vmem>>, %arg2: memref<1x320xf32, #tpu.memory_space<vmem>>, %arg3: memref<320x8xf32, #tpu.memory_space<vmem>>, %arg4: memref<8x320xf32, #tpu.memory_space<vmem>>, %arg5: memref<1280x320xf32, #tpu.memory_space<vmem>>) attributes {dimension_semantics = [], scalar_prefetch = 0 : i64, scratch_operands = 0 : i64, tpu.core_type = #tpu.core_type<tc>} {
    %get3A = arith.constant 0 : index
    %get3A_0 = arith.constant 0 : index
    %get3A_1 = arith.constant 0 : index
    %get3A_2 = vector.load %arg0[%get3A, %get3A_0, %get3A_1] : memref<2x1280x128xf32, #tpu.memory_space<vmem>>, vector<1x1280x128xf32>
    %get3A_3 = vector.shape_cast %get3A_2 : vector<1x1280x128xf32> to vector<1280x128xf32>
    %get3A_4 = arith.constant 1 : index
    %get3A_5 = arith.constant 0 : index
    %get3A_6 = arith.constant 0 : index
    %get3A_7 = vector.load %arg0[%get3A_4, %get3A_5, %get3A_6] : memref<2x1280x128xf32, #tpu.memory_space<vmem>>, vector<1x1280x128xf32>
    %get3A_8 = vector.shape_cast %get3A_7 : vector<1x1280x128xf32> to vector<1280x128xf32>
    %add3A = arith.addf %get3A_3, %get3A_8 : vector<1280x128xf32>
    %get3A_9 = arith.constant 0 : index
    %get3A_10 = arith.constant 0 : index
    %get3A_11 = vector.load %arg1[%get3A_9, %get3A_10] : memref<128x320xf32, #tpu.memory_space<vmem>>, vector<128x320xf32>
    %dot_general3A = arith.constant dense<0.000000e+00> : vector<1280x320xf32>
    %dot_general3A_12 = tpu.matmul %add3A, %get3A_11, %dot_general3A {dimension_numbers = #tpu.dot_dimension_numbers<[1], [0], [0], [1], [0, 0, 1, 1], [], []>, transpose_lhs_hint = false} : vector<1280x128xf32>, vector<128x320xf32>, vector<1280x320xf32> -> vector<1280x320xf32>
    %get3A_13 = arith.constant 0 : index
    %get3A_14 = arith.constant 0 : index
    %get3A_15 = vector.load %arg2[%get3A_13, %get3A_14] : memref<1x320xf32, #tpu.memory_space<vmem>>, vector<1x320xf32>
    %add3A_16 = vector.broadcast %get3A_15 : vector<1x320xf32> to vector<1280x320xf32>
    %add3A_17 = arith.addf %dot_general3A_12, %add3A_16 : vector<1280x320xf32>
    %max3A = arith.constant 0.000000e+00 : f32
    %max3A_18 = vector.broadcast %max3A : f32 to vector<1280x320xf32>
    %max3A_19 = arith.maximumf %add3A_17, %max3A_18 : vector<1280x320xf32>
    %reduce_max3A = arith.constant dense<0xFF800000> : vector<1280xf32>
    %reduce_max3A_20 = vector.multi_reduction <maximumf>, %max3A_19, %reduce_max3A [1] : vector<1280x320xf32> to vector<1280xf32>
    %broadcast_in_dim3A = vector.shape_cast %reduce_max3A_20 : vector<1280xf32> to vector<1280x1xf32>
    %sub3A = vector.broadcast %broadcast_in_dim3A : vector<1280x1xf32> to vector<1280x320xf32>
    %sub3A_21 = arith.subf %max3A_19, %sub3A : vector<1280x320xf32>
    %exp3A = math.exp %sub3A_21 : vector<1280x320xf32>
    %get3A_22 = arith.constant 0 : index
    %get3A_23 = arith.constant 0 : index
    %get3A_24 = vector.load %arg3[%get3A_22, %get3A_23] : memref<320x8xf32, #tpu.memory_space<vmem>>, vector<320x8xf32>
    %dot_general3A_25 = arith.constant dense<0.000000e+00> : vector<1280x8xf32>
    %dot_general3A_26 = tpu.matmul %exp3A, %get3A_24, %dot_general3A_25 {dimension_numbers = #tpu.dot_dimension_numbers<[1], [0], [0], [1], [0, 0, 1, 1], [], []>, precision = #tpu.contract_precision<fp32>, transpose_lhs_hint = false} : vector<1280x320xf32>, vector<320x8xf32>, vector<1280x8xf32> -> vector<1280x8xf32>
    %log3A = math.log %dot_general3A_26 : vector<1280x8xf32>
    %get3A_27 = arith.constant 0 : index
    %get3A_28 = arith.constant 0 : index
    %get3A_29 = vector.load %arg4[%get3A_27, %get3A_28] : memref<8x320xf32, #tpu.memory_space<vmem>>, vector<8x320xf32>
    %dot_general3A_30 = arith.constant dense<0.000000e+00> : vector<1280x320xf32>
    %dot_general3A_31 = tpu.matmul %log3A, %get3A_29, %dot_general3A_30 {dimension_numbers = #tpu.dot_dimension_numbers<[1], [0], [0], [1], [0, 0, 1, 1], [], []>, precision = #tpu.contract_precision<fp32>, transpose_lhs_hint = false} : vector<1280x8xf32>, vector<8x320xf32>, vector<1280x320xf32> -> vector<1280x320xf32>
    %sub3A_32 = arith.subf %sub3A_21, %dot_general3A_31 : vector<1280x320xf32>
    %swap3A = arith.constant 0 : index
    %swap3A_33 = arith.constant 0 : index
    %swap3A_34 = vector.load %arg5[%swap3A, %swap3A_33] : memref<1280x320xf32, #tpu.memory_space<vmem>>, vector<1280x320xf32>
    tpu.vector_store %arg5[%swap3A, %swap3A_33], %sub3A_32 {strides = array<i32>} : memref<1280x320xf32, #tpu.memory_space<vmem>>, vector<1280x320xf32>,
    return
  }
}

</mosaic_0001>

<sc_bundles>
// kernel: kernel.10.cloned.1.call-start
scs
__scs_entry_jumppad:
0x0: {  	(pc) =	sbr.rel $0x88, $3  }
0x1: {  	(tag) =	ssettag $0x0;
	lr =	simm.s32 $0x1  }
0x2: {  	[smem:$0x3F9B] =	sst lr;
	_ =	strace $0xD0000000  }
0x3: {  	_ = 	snop  }
0x4: {  	_ = 	snop  }
0x5: {  	_ = 	snop  }
0x6: {  	_ = 	snop  }
0x7: {  	_ = 	snop  }
__scs_overlays_trampoline_lowered:
0x8: {  	[smem:$0x3FAA] =	sst s0  }
0x9: {  	[smem:$0x3FAB] =	sst s1  }
0xa: {  	[smem:$0x3FAC] =	sst s2  }
0xb: {  	[smem:$0x3FAD] =	sst s3  }
0xc: {  	[smem:$0x3FAE] =	sst s4  }
0xd: {  	[smem:$0x3FAF] =	sst s5  }
0xe: {  	[smem:$0x3FB0] =	sst s6  }
0xf: {  	[smem:$0x3FB1] =	sst s7  }
0x10: {  	[smem:$0x3FB2] =	sst s8  }
0x11: {  	[smem:$0x3FB3] =	sst s9;
	s0 =	simm.s32 @!p0 $0x0  }
0x12: {  	s1 =	sld [smem:$0x3F99];
	s0 =	simm.s32 @p0 $0x1  }
0x13: {  	[smem:$0x3FB4] =	sst s0;
	s0 =	simm.s32 @!p1 $0x0  }
0x14: {  	s2 =	sld [smem:$0x3F98];
	s0 =	simm.s32 @p1 $0x1  }
0x15: {  	[smem:$0x3FB5] =	sst s0;
	s0 =	simm.s32 @!p2 $0x0  }
0x16: {  	s3 =	sld [smem:$0x3FDB];
	s0 =	simm.s32 @p2 $0x1  }
0x17: {  	s4 =	simm.s32 $0x1BF5;
	[smem:$0x3FB7] =	sst s0  }
0x18: {  	s0 =	sld [smem:$0x3F9A];
	_ =	swait.ge [sflag:s4], $0x0  }
0x19: {  	s7 =	sld [smem:$0x3F9B]  }
0x1a: {  	s8 =	sadd.s32 $0xFFFFE003, lr  }
0x1b: {  	s9 =	sadd.s32 $0xFFFFFEF7, lr;
	s5 =	simm.s32 $0xFFFFFFFF;
	p2 =	slt.u32 s8, $0xFFFFF086  }
0x1c: {  	p1 =	slt.u32 s9, $0xF7A;
	s5 =	simm.s32 @!p2 $0x0  }
0x1d: {  	s5 =	simm.s32 @p1 $0x1;
	p0 =	seq.s32 s7, s2  }
0x1e: {  	s7 =	smul.u32 @!p0 $0xF7A, s2;
	p2 =	seq.s32 @!p0 s5, $0x0  }
0x1f: {  	s9 =	smul.u32 $0xF7A, s1;
	s8 =	simm.s32 @!p0 $0x1BF5;
	p2 =	por !p2, p0  }
0x20: {  	[sflag:s8] =	ssyncset.s32 @!p0 $0xFFFFF086;
	s6 =	sadd.s32 @!p0 s3, s7;
	s7 =	simm.s32 @!p0 $0x108  }
0x21: {  	s3 =	sadd.s32 s3, s9;
	s6 =	sadd.s32 @!p0 $0x88, s6;
	s7 =	simm.s32 @p2 $0x1082  }
0x22: {  	[simem:s7], [sflag:s8] =	dma.local @!p0 [hbm:s6], $0xF7A  }
0x23: {  	s9 =	sor.u32 $0xD0000000, s2;
	s6 =	simm.s32 $0x108;
	_ =	swait.ge @!p0 [sflag:s8], $0x0  }
0x24: {  	s3 =	sadd.s32 $0x88, s3;
	s6 =	simm.s32 @!p1 $0x1082;
	[sflag:s4] =	ssyncset.s32 $0xFFFFF086  }
0x25: {  	[simem:s6], [sflag:s4] =	dma.local [hbm:s3], $0xF7A  }
0x26: {  	[smem:$0x3F9B] =	sst s1;
	(tag) =	ssettag s2;
	_ =	strace s9  }
0x27: {  	s1 =	sld [smem:$0x3FAB]  }
0x28: {  	s2 =	sld [smem:$0x3FAC]  }
0x29: {  	s4 =	sld [smem:$0x3FAE]  }
0x2a: {  	p0 =	seq.s32 s5, $0x0;
	s5 =	sld [smem:$0x3FAF]  }
0x2b: {  	s6 =	sld [smem:$0x3FB0]  }
0x2c: {  	s7 =	sld [smem:$0x3FB1]  }
0x2d: {  	s3 =	simm.s32 $0x108;
	s8 =	sld [smem:$0x3FB2]  }
0x2e: {  	s3 =	simm.s32 @!p0 $0x1082;
	s9 =	sld [smem:$0x3FB3]  }
0x2f: {  	lr =	sadd.s32 s0, s3;
	s0 =	sld [smem:$0x3FAA]  }
0x30: {  	s3 =	sld [smem:$0x3FAD]  }
0x31: {  	[smem:$0x3FB6] =	sst s10  }
0x32: {  	s10 =	sld [smem:$0x3FB4];
	_ =	sdelay $0x3  }
0x33: {  	p0 =	seq.s32 s10, $0x1;
	s10 =	sld [smem:$0x3FB6];
	_ =	sdelay $0x3  }
0x34: {  	[smem:$0x3FB6] =	sst s10  }
0x35: {  	s10 =	sld [smem:$0x3FB5];
	_ =	sdelay $0x3  }
0x36: {  	p1 =	seq.s32 s10, $0x1;
	s10 =	sld [smem:$0x3FB6];
	_ =	sdelay $0x3  }
0x37: {  	[smem:$0x3FB6] =	sst s10  }
0x38: {  	s10 =	sld [smem:$0x3FB7]  }
0x39: {  	_ = 	snop;
	(pc) =	sbr.ind lr, $3  }
0x3a: {  	_ = 	snop  }
0x3b: {  	_ = 	snop  }
0x3c: {  	p2 =	seq.s32 s10, $0x1;
	s10 =	sld [smem:$0x3FB6]  }
0x3d: {  	_ =	shalt  }
0x3e: {  	_ =	shalt  }
0x3f: {  	_ =	shalt  }
0x40: {  	_ =	shalt  }
0x41: {  	_ =	shalt  }
0x42: {  	_ =	shalt  }
0x43: {  	_ =	shalt  }
0x44: {  	_ =	shalt  }
0x45: {  	_ =	shalt  }
0x46: {  	_ =	shalt  }
0x47: {  	_ =	shalt  }
0x48: {  	_ =	shalt  }
0x49: {  	_ =	shalt  }
0x4a: {  	_ =	shalt  }
0x4b: {  	_ =	shalt  }
0x4c: {  	_ =	shalt  }
0x4d: {  	_ =	shalt  }
0x4e: {  	_ =	shalt  }
0x4f: {  	_ =	shalt  }
0x50: {  	_ =	shalt  }
0x51: {  	_ =	shalt  }
0x52: {  	_ =	shalt  }
0x53: {  	_ =	shalt  }
0x54: {  	_ =	shalt  }
0x55: {  	_ =	shalt  }
0x56: {  	_ =	shalt  }
0x57: {  	_ =	shalt  }
0x58: {  	_ =	shalt  }
0x59: {  	_ =	shalt  }
0x5a: {  	_ =	shalt  }
0x5b: {  	_ =	shalt  }
0x5c: {  	_ =	shalt  }
0x5d: {  	_ =	shalt  }
0x5e: {  	_ =	shalt  }
0x5f: {  	_ =	shalt  }
0x60: {  	_ =	shalt  }
0x61: {  	_ =	shalt  }
0x62: {  	_ =	shalt  }
0x63: {  	_ =	shalt  }
0x64: {  	_ =	shalt  }
0x65: {  	_ =	shalt  }
0x66: {  	_ =	shalt  }
0x67: {  	_ =	shalt  }
0x68: {  	_ =	shalt  }
0x69: {  	_ =	shalt  }
0x6a: {  	_ =	shalt  }
0x6b: {  	_ =	shalt  }
0x6c: {  	_ =	shalt  }
0x6d: {  	_ =	shalt  }
0x6e: {  	_ =	shalt  }
0x6f: {  	_ =	shalt  }
0x70: {  	_ =	shalt  }
0x71: {  	_ =	shalt  }
0x72: {  	_ =	shalt  }
0x73: {  	_ =	shalt  }
0x74: {  	_ =	shalt  }
0x75: {  	_ =	shalt  }
0x76: {  	_ =	shalt  }
0x77: {  	_ =	shalt  }
0x78: {  	_ =	shalt  }
0x79: {  	_ =	shalt  }
0x7a: {  	_ =	shalt  }
0x7b: {  	_ =	shalt  }
0x7c: {  	_ =	shalt  }
0x7d: {  	_ =	shalt  }
0x7e: {  	_ =	shalt  }
0x7f: {  	_ =	shalt  }
0x80: {  	_ =	shalt  }
0x81: {  	_ =	shalt  }
0x82: {  	_ =	shalt  }
0x83: {  	_ =	shalt  }
0x84: {  	_ =	shalt  }
0x85: {  	_ =	shalt  }
0x86: {  	_ =	shalt  }
0x87: {  	_ =	shalt  }
.Lfunc_end0:
.L_simem_size_0:
called_computation.1_lowered:
.L_overlay_start_0:
0x88: {  	s2 =	sld [smem:$0x3FD9]  }
0x89: {  	s3 =	sld [smem:$0x3FFE];
	_ =	sdelay $0x1  }
0x8a: {  	s1 =	srdreg.scid  }
0x8b: {  	s0 =	sand.u32 $0x1, s1  }
0x8c: {  	s17 =	sshll.u32 s0, $0xA;
	s2 =	sadd.s32 s3, s2  }
0x8d: {  	s2 =	sadd.s32 s2, s17  }
0x8e: {  	[smem:$0x3FC2] =	sst s2  }
0x8f: {  	_ = 	snop  }
0x90: {  	s2 =	sld [smem:$0x3FD0];
	(tm) =	ssettm $0x1  }
0x91: {  	s18 =	sld [smem:$0x3FFB];
	_ =	sdelay $0x3  }
0x92: {  	_ =	strace s18  }
0x93: {  	s3 =	sld [smem:$0x3FFC];
	_ =	sdelay $0x3  }
0x94: {  	_ =	strace s3  }
0x95: {  	s3 =	sld [smem:$0x3FFD];
	_ =	sdelay $0x3  }
0x96: {  	_ =	strace s3  }
0x97: {  	_ =	strace $0x8FFFFFFF  }
0x98: {  	s19 =	sld [smem:$0x3FDB];
	_ =	sdelay $0x1  }
0x99: {  	s4 =	simm.s32 $_scs_section_size  }
0x9a: {  	s5 =	simm.s32 $_size__tile_overlayer_lowered;
	s6 =	simm.s32 $_tile_overlayer_lowered  }
0x9b: {  	s22 =	simm.s32 $0x1BFF;
	s21 =	sshll.u32 s6, $0x1;
	s3 =	sadd.s32 s4, s19  }
0x9c: {  	s7 =	simm.s32 $0x0;
	s20 =	sshll.u32 s5, $0x1;
	s5 =	sadd.s32 s21, s3  }
0x9d: {  	[timem:s7], [sflag:s22] =	dma.local [hbm:s5], s20  }
0x9e: {  	_ =	swait.ge [sflag:s22], s20  }
0x9f: {  	s4 =	ssub.s32 $0x0, s20;
	[sflag:s22] =	ssyncset.done $0x0  }
0xa0: {  	[sflag:s22] =	ssyncadd.s32 s4;
	_ =	sdelay $0x1  }
0xa1: {  	s23 =	simm.s32 $0x1B8B  }
0xa2: {  	_ =	swait.ge [sflag:s23], $0x1  }
0xa3: {  	[sflag:s23] =	ssyncset.done $0x0  }
0xa4: {  	s25 =	simm.s32 $0x1B8E;
	s24 =	sld [smem:$0x3FFE];
	[sflag:s23] =	ssyncadd.s32 $0xFFFFFFFF  }
0xa5: {  	s26 =	simm.s32 $execute0_lowered;
	[smem:$0x3FD2] =	sst s25  }
0xa6: {  	s5 =	sshll.u32 s26, $0x1;
	_ =	strace $0x80000049;
	[dreg:$0x1] =	wrdreg $0xFFFFFFFF  }
0xa7: {  	s28 =	simm.s32 $_size_execute0_lowered;
	s3 =	sadd.s32 s3, s5;
	[dreg:$0x0] =	wrdreg $0x0  }
0xa8: {  	s5 =	sshll.u32 s28, $0x1;
	[dreg:$0x2] =	wrdreg s3  }
0xa9: {  	[dreg:$0x3] =	wrdreg s5  }
0xaa: {  	[dreg:$0x4] =	wrdreg $0xC0  }
0xab: {  	_ =	task [dreg:s7], $0x5FFFF  }
0xac: {  	[dreg:$0x1] =	wrdreg $0xFFFFFFFF  }
0xad: {  	[dreg:$0x0] =	wrdreg $0x60  }
0xae: {  	[dreg:$0x2] =	wrdreg s2  }
0xaf: {  	[dreg:$0x3] =	wrdreg s24  }
0xb0: {  	[dreg:$0x4] =	wrdreg $0xB4B00  }
0xb1: {  	[dreg:$0x5] =	wrdreg $0x8CB00  }
0xb2: {  	[dreg:$0x6] =	wrdreg $0x9  }
0xb3: {  	_ =	task.clear_ibuf [dreg:s7], $0x7FFFF;
	_ =	strace $0x90000049  }
0xb4: {  	s29 =	simm.s32 $0x9;
	_ =	strace $0x8000004B  }
0xb5: {  	_ =	swait.ge [sflag:s29], $0x1  }
0xb6: {  	[sflag:s29] =	ssyncadd.s32 $0xFFFFFFFF  }
0xb7: {  	_ =	strace $0x9000004B  }
0xb8: {  	_ =	sfence  }
0xb9: {  	s30 =	sld [smem:$0x0];
	_ =	sdelay $0x2  }
0xba: {  	s31 =	sshll.u32 s1, $0xD;
	s1 =	sshrl.u32 s1, $0x2  }
0xbb: {  	s3 =	sand.u32 $0x4000, s31;
	s1 =	sadd.s32 s1, s30  }
0xbc: {  	s0 =	sor.u32 s3, s0;
	s1 =	sshll.u32 s1, $0x11  }
0xbd: {  	s0 =	sor.u32 s1, s0  }
0xbe: {  	s0 =	sadd.s32 $0x8F2B, s0  }
0xbf: {  	[sflag:s0] =	ssyncadd.remote.s32 $0x1  }
0xc0: {  	_ =	sfence.sel $0xFFFF  }
0xc1: {  	[dreg:$0x0] =	wrdreg $0xFFFFFFFF;
	(pc) =	sbr.abs _section_cstart, $3  }
0xc2: {  	[dreg:$0x1] =	wrdreg $0xFFFFFFFF  }
0xc3: {  	_ =	task.clear_ibuf [dreg:s7], $0x2FFFF;
	_ =	strace $0x9FFFFFFF  }
0xc4: {  	(tm) =	ssettm $0x7FFFFFFF  }
0xc5: {  	_ =	shalt  }
tec
execute0_lowered:
.L_overlay_start_1:
0x0: {  	(tag) =	ssettag $0x1  }
0x1: {  	s0 =	srdreg.scid  }
0x2: {  	s11 =	stileid.u32;
	s1 =	rddreg [dreg:$0x0]  }
0x3: {  	s5 =	rddreg [dreg:$0x1];
	s4 =	simm.s32 $0x0;
	s28 =	simm.s32 $0x50  }
0x4: {  	s29 =	simm.s32 $0x7DB0;
	s31 =	simm.s32 $0x82B0;
	s7 =	smul.u32 $0x50, s11  }
0x5: {  	s30 =	simm.s32 $0x3;
	s0 =	sand.u32 $0x1, s0;
	s8 =	smul.u32 $0x2800, s11  }
0x6: {  	s2 =	sshll.u32 s11, $0x1;
	[smem:$0x7FF] =	sst s4;
	s17 =	smul.u32 $0xA000, s11  }
0x7: {  	s18 =	sadd.s32 $0x15C00, s5;
	s3 =	sor.u32 s0, s2;
	s9 =	smul.u32 $0x28000, s0  }
0x8: {  	s2 =	rddreg [dreg:$0x2];
	s0 =	ssub.s32 $0x2, s0;
	s6 =	smul.u32 $0x2710, s3  }
0x9: {  	s3 =	rddreg [dreg:$0x3];
	_ =	strace $0x8000004A;
	s7 =	sadd.s32 s7, s5  }
0xa: {  	[dreg:$0x5] =	wrdreg s18;
	s19 =	sshrl.u32 s0, $0x1;
	s26 =	sshrl.u32 s8, $0x3  }
0xb: {  	s16 =	sadd.s32 s8, s9;
	s9 =	sshrl.u32 s17, $0x2;
	s0 =	ssub.s32 s0, s19  }
0xc: {  	s14 =	sadd.s32 $0x15600, s7;
	s15 =	sadd.s32 s1, s26;
	s9 =	sadd.s32 s9, s2  }
0xd: {  	s26 =	simm.s32 $0x2;
	s1 =	simm.s32 $0x4;
	s20 =	sadd.s32 $0x500, s9  }
0xe: {  	s7 =	simm.s32 $0x7;
	s21 =	sadd.s32 $0xA00, s9;
	[dreg:$0x6] =	wrdreg s20  }
0xf: {  	s6 =	sshrl.u32 s6, $0x3;
	s22 =	sadd.s32 $0xF00, s9;
	[dreg:$0x7] =	wrdreg s21  }
0x10: {  	s10 =	sadd.s32 s6, s5;
	s23 =	sadd.s32 $0x1400, s9;
	[dreg:$0x8] =	wrdreg s22  }
0x11: {  	s6 =	sshrl.u32 s16, $0x3;
	s24 =	sadd.s32 $0x1900, s9;
	[dreg:$0x9] =	wrdreg s23  }
0x12: {  	s25 =	sadd.s32 $0x1E00, s9;
	s9 =	sadd.s32 $0x2300, s9;
	[dreg:$0xa] =	wrdreg s24  }
0x13: {  	v0 =	vimm.f32 $0.0e+00;
	v1 =	vimm.s32 $0x0;
	s16 =	sadd.s32 s8, s3;
	s5 =	sadd.s32 s6, s5;
	[dreg:$0xb] =	wrdreg s25  }
0x14: {  	v2 =	vimm.s32 $0x1;
	v3 =	vimm.s32 $0x2;
	v4 =	vimm.s32 $0x3;
	s6 =	sadd.s32 s8, s2;
	[dreg:$0xc] =	wrdreg s9;
	s17 =	sadd.s32 $0x1C00, s10  }
0x15: {  	v5 =	vimm.s32 $0x4;
	v6 =	vimm.s32 $0x5;
	v7 =	vimm.s32 $0x6;
	s18 =	sadd.s32 $0xB840, s10;
	s20 =	smax.u32 s0, $0x1;
	s21 =	simm.s32 $0x78B0  }
0x16: {  	v8 =	vimm.s32 $0x7;
	v9 =	vimm.s32 $0x8;
	v10 =	vimm.s32 $0x9;
	s22 =	simm.s32 $0x9;
	s25 =	simm.s32 $0x50A0;
	s23 =	simm.s32 $0x87B0  }
0x17: {  	v11 =	vimm.s32 $0xA;
	v12 =	vimm.s32 $0xB;
	v13 =	vimm.s32 $0xC;
	s24 =	simm.s32 $0x1;
	s0 =	simm.s32 $0x5;
	s8 =	simm.s32 $0x8  }
0x18: {  	v14 =	vimm.s32 $0xD;
	v15 =	vimm.s32 $0xE;
	v16 =	vimm.s32 $0xF;
	s9 =	simm.s32 $0x0;
	s19 =	sadd.s32 $0x15E00, s5;
	s5 =	simm.s32 $0x6  }
.LBB2_1:
0x19: {  	[tilespmem:$0x78B0] =	vst v0  }
0x1a: {  	[tilespmem:$0x78C0] =	vst v0  }
0x1b: {  	[tilespmem:$0x78D0] =	vst v0  }
0x1c: {  	[tilespmem:$0x78E0] =	vst v0  }
0x1d: {  	[tilespmem:$0x78F0] =	vst v0  }
0x1e: {  	[tilespmem:$0x7900] =	vst v0  }
0x1f: {  	[tilespmem:$0x7910] =	vst v0  }
0x20: {  	[tilespmem:$0x7920] =	vst v0  }
0x21: {  	[tilespmem:$0x7930] =	vst v0  }
0x22: {  	[tilespmem:$0x7940] =	vst v0  }
0x23: {  	[tilespmem:$0x7950] =	vst v0  }
0x24: {  	[tilespmem:$0x7960] =	vst v0  }
0x25: {  	[tilespmem:$0x7970] =	vst v0  }
0x26: {  	[tilespmem:$0x7980] =	vst v0  }
0x27: {  	[tilespmem:$0x7990] =	vst v0  }
0x28: {  	[tilespmem:$0x79A0] =	vst v0  }
0x29: {  	[tilespmem:$0x79B0] =	vst v0  }
0x2a: {  	[tilespmem:$0x79C0] =	vst v0  }
0x2b: {  	[tilespmem:$0x79D0] =	vst v0  }
0x2c: {  	[tilespmem:$0x79E0] =	vst v0  }
0x2d: {  	[tilespmem:$0x79F0] =	vst v0  }
0x2e: {  	[tilespmem:$0x7A00] =	vst v0  }
0x2f: {  	[tilespmem:$0x7A10] =	vst v0  }
0x30: {  	[tilespmem:$0x7A20] =	vst v0  }
0x31: {  	[tilespmem:$0x7A30] =	vst v0  }
0x32: {  	[tilespmem:$0x7A40] =	vst v0  }
0x33: {  	[tilespmem:$0x7A50] =	vst v0  }
0x34: {  	[tilespmem:$0x7A60] =	vst v0  }
0x35: {  	[tilespmem:$0x7A70] =	vst v0  }
0x36: {  	[tilespmem:$0x7A80] =	vst v0  }
0x37: {  	[tilespmem:$0x7A90] =	vst v0  }
0x38: {  	[tilespmem:$0x7AA0] =	vst v0  }
0x39: {  	[tilespmem:$0x7AB0] =	vst v0  }
0x3a: {  	[tilespmem:$0x7AC0] =	vst v0  }
0x3b: {  	[tilespmem:$0x7AD0] =	vst v0  }
0x3c: {  	[tilespmem:$0x7AE0] =	vst v0  }
0x3d: {  	[tilespmem:$0x7AF0] =	vst v0  }
0x3e: {  	[tilespmem:$0x7B00] =	vst v0  }
0x3f: {  	[tilespmem:$0x7B10] =	vst v0  }
0x40: {  	[tilespmem:$0x7B20] =	vst v0  }
0x41: {  	[tilespmem:$0x7B30] =	vst v0  }
0x42: {  	[tilespmem:$0x7B40] =	vst v0  }
0x43: {  	[tilespmem:$0x7B50] =	vst v0  }
0x44: {  	[tilespmem:$0x7B60] =	vst v0  }
0x45: {  	[tilespmem:$0x7B70] =	vst v0  }
0x46: {  	[tilespmem:$0x7B80] =	vst v0  }
0x47: {  	[tilespmem:$0x7B90] =	vst v0  }
0x48: {  	[tilespmem:$0x7BA0] =	vst v0  }
0x49: {  	[tilespmem:$0x7BB0] =	vst v0  }
0x4a: {  	[tilespmem:$0x7BC0] =	vst v0  }
0x4b: {  	[tilespmem:$0x7BD0] =	vst v0  }
0x4c: {  	[tilespmem:$0x7BE0] =	vst v0  }
0x4d: {  	[tilespmem:$0x7BF0] =	vst v0  }
0x4e: {  	[tilespmem:$0x7C00] =	vst v0  }
0x4f: {  	[tilespmem:$0x7C10] =	vst v0  }
0x50: {  	[tilespmem:$0x7C20] =	vst v0  }
0x51: {  	[tilespmem:$0x7C30] =	vst v0  }
0x52: {  	[tilespmem:$0x7C40] =	vst v0  }
0x53: {  	[tilespmem:$0x7C50] =	vst v0  }
0x54: {  	[tilespmem:$0x7C60] =	vst v0  }
0x55: {  	[tilespmem:$0x7C70] =	vst v0  }
0x56: {  	[tilespmem:$0x7C80] =	vst v0  }
0x57: {  	[tilespmem:$0x7C90] =	vst v0  }
0x58: {  	[tilespmem:$0x7CA0] =	vst v0  }
0x59: {  	[tilespmem:$0x7CB0] =	vst v0  }
0x5a: {  	[tilespmem:$0x7CC0] =	vst v0  }
0x5b: {  	[tilespmem:$0x7CD0] =	vst v0  }
0x5c: {  	[tilespmem:$0x7CE0] =	vst v0  }
0x5d: {  	[tilespmem:$0x7CF0] =	vst v0  }
0x5e: {  	[tilespmem:$0x7D00] =	vst v0  }
0x5f: {  	[tilespmem:$0x7D10] =	vst v0  }
0x60: {  	[tilespmem:$0x7D20] =	vst v0  }
0x61: {  	[tilespmem:$0x7D30] =	vst v0  }
0x62: {  	[tilespmem:$0x7D40] =	vst v0  }
0x63: {  	[tilespmem:$0x7D50] =	vst v0  }
0x64: {  	[tilespmem:$0x7D60] =	vst v0  }
0x65: {  	[tilespmem:$0x7D70] =	vst v0  }
0x66: {  	[tilespmem:$0x7D80] =	vst v0  }
0x67: {  	[tilespmem:$0x7D90] =	vst v0  }
0x68: {  	[tilespmem:$0x7DA0] =	vst v0  }
0x69: {  	[spmem:s6] =	stream.linear.scatter [tilespmem:s21], [sflag:$0x9], $0x500, $0x38;
	[tilespmem:$0xDCB0] =	vst v63  }
0x6a: {  	_ =	swait.ge [sflag:s22], $0x500  }
0x6b: {  	[sflag:s22] =	ssyncset.done $0x0  }
0x6c: {  	s10 =	rddreg [dreg:$0x6];
	[sflag:s22] =	ssyncadd.s32 $0xFFFFFB00  }
0x6d: {  	[spmem:s10] =	stream.linear.scatter [tilespmem:s21], [sflag:$0x9], $0x500, $0x38;
	[tilespmem:$0xDCB0] =	vst v63  }
0x6e: {  	_ =	swait.ge [sflag:s22], $0x500  }
0x6f: {  	[sflag:s22] =	ssyncset.done $0x0  }
0x70: {  	s12 =	rddreg [dreg:$0x7];
	[sflag:s22] =	ssyncadd.s32 $0xFFFFFB00  }
0x71: {  	[spmem:s12] =	stream.linear.scatter [tilespmem:s21], [sflag:$0x9], $0x500, $0x38;
	[tilespmem:$0xDCB0] =	vst v63  }
0x72: {  	_ =	swait.ge [sflag:s22], $0x500  }
0x73: {  	[sflag:s22] =	ssyncset.done $0x0  }
0x74: {  	s13 =	rddreg [dreg:$0x8];
	[sflag:s22] =	ssyncadd.s32 $0xFFFFFB00  }
0x75: {  	[spmem:s13] =	stream.linear.scatter [tilespmem:s21], [sflag:$0x9], $0x500, $0x38;
	[tilespmem:$0xDCB0] =	vst v63  }
0x76: {  	_ =	swait.ge [sflag:s22], $0x500  }
0x77: {  	[sflag:s22] =	ssyncset.done $0x0  }
0x78: {  	s11 =	rddreg [dreg:$0x9];
	[sflag:s22] =	ssyncadd.s32 $0xFFFFFB00  }
0x79: {  	[spmem:s11] =	stream.linear.scatter [tilespmem:s21], [sflag:$0x9], $0x500, $0x38;
	[tilespmem:$0xDCB0] =	vst v63  }
0x7a: {  	_ =	swait.ge [sflag:s22], $0x500  }
0x7b: {  	[sflag:s22] =	ssyncset.done $0x0  }
0x7c: {  	s12 =	rddreg [dreg:$0xa];
	[sflag:s22] =	ssyncadd.s32 $0xFFFFFB00  }
0x7d: {  	[spmem:s12] =	stream.linear.scatter [tilespmem:s21], [sflag:$0x9], $0x500, $0x38;
	[tilespmem:$0xDCB0] =	vst v63  }
0x7e: {  	_ =	swait.ge [sflag:s22], $0x500  }
0x7f: {  	[sflag:s22] =	ssyncset.done $0x0  }
0x80: {  	s13 =	rddreg [dreg:$0xb];
	[sflag:s22] =	ssyncadd.s32 $0xFFFFFB00  }
0x81: {  	[spmem:s13] =	stream.linear.scatter [tilespmem:s21], [sflag:$0x9], $0x500, $0x38;
	[tilespmem:$0xDCB0] =	vst v63  }
0x82: {  	_ =	swait.ge [sflag:s22], $0x500  }
0x83: {  	[sflag:s22] =	ssyncset.done $0x0  }
0x84: {  	s11 =	rddreg [dreg:$0xc];
	[sflag:s22] =	ssyncadd.s32 $0xFFFFFB00  }
0x85: {  	[spmem:s11] =	stream.linear.scatter [tilespmem:s21], [sflag:$0x9], $0x500, $0x38;
	[tilespmem:$0xDCB0] =	vst v63  }
0x86: {  	_ =	swait.ge [sflag:s22], $0x500  }
0x87: {  	[sflag:s22] =	ssyncset.done $0x0  }
0x88: {  	s12 =	simm.s32 $0x4E20;
	[sflag:s22] =	ssyncadd.s32 $0xFFFFFB00  }
0x89: {  	[tilespmem:s12], [sflag:$0x9] =	stream.linear.gather [hbm4b:s14+s4], $0x280, $0x38;
	[tilespmem:$0xDCB0] =	vst v63  }
0x8a: {  	_ =	swait.ge [sflag:s22], $0x280  }
0x8b: {  	[sflag:s22] =	ssyncset.done $0x0  }
0x8c: {  	s11 =	simm.s32 $0x78A0;
	s13 =	rddreg [dreg:$0x5];
	[sflag:s22] =	ssyncadd.s32 $0xFFFFFD80  }
0x8d: {  	[tilespmem:s11], [sflag:$0x9] =	stream.linear.gather [hbm4b:s13+s4], $0x10, $0x38;
	[tilespmem:$0xDCB0] =	vst v63  }
0x8e: {  	_ =	swait.ge [sflag:s22], $0x10  }
0x8f: {  	[sflag:s22] =	ssyncset.done $0x0  }
0x90: {  	[sflag:s22] =	ssyncadd.s32 $0xFFFFFFF0  }
0x91: {  	[tilespmem:s25], [sflag:$0x9] =	stream.linear.gather [hbm4b:s15+s4], $0x2800, $0x38;
	[tilespmem:$0xDCB0] =	vst v63  }
0x92: {  	_ =	swait.ge [sflag:s22], $0x2800  }
0x93: {  	[sflag:s22] =	ssyncset.done $0x0  }
0x94: {  	s10 =	simm.s32 $0x5120;
	[sflag:s22] =	ssyncadd.s32 $0xFFFFD800  }
0x95: {  	s12 =	simm.s32 $0x40;
	s13 =	simm.s32 $0x0;
	s11 =	simm.s32 $0x5120;
	v17 =	vld [tilespmem:s10+$0xFFFFFFB0]  }
.LBB2_2:
0x96: {  	p0 =	sne.s32 s12, $0x9C0;
	v18 =	vld [tilespmem:s13+$0x4E20]  }
0x97: {  	v19 =	vld [tilespmem:s10+$0xFFFFFF90]  }
0x98: {  	v20 =	vld [tilespmem:s10+$0xFFFFFF80]  }
0x99: {  	v21 =	vld [tilespmem:s10+$0xFFFFFFA0]  }
0x9a: {  	v22 =	vld [tilespmem:s10+$0xFFFFFFF0]  }
0x9b: {  	v23 =	vperm.xlane v18, v1;
	v24 =	vperm.xlane v18, v2;
	v25 =	vld [tilespmem:s10+$0xFFFFFFD0]  }
0x9c: {  	v26 =	vperm.xlane v18, v3;
	v27 =	vperm.xlane v18, v4;
	v28 =	vld [tilespmem:s10+$0xFFFFFFC0]  }
0x9d: {  	v20 =	vmul.f32 v20, v23;
	v19 =	vmul.f32 v19, v24;
	v23 =	vld [tilespmem:s10+$0xFFFFFFE0]  }
0x9e: {  	v17 =	vmul.f32 v17, v27;
	v21 =	vmul.f32 v21, v26;
	v24 =	vld [tilespmem:s10+$0x30]  }
0x9f: {  	v26 =	vperm.xlane v18, v6;
	[tilespmem:s10+$0xFFFFFF80] =	vst v20;
	v20 =	vperm.xlane v18, v5;
	v27 =	vld [tilespmem:s10+$0x10]  }
0xa0: {  	v29 =	vperm.xlane v18, v8;
	[tilespmem:s10+$0xFFFFFF90] =	vst v19;
	v19 =	vperm.xlane v18, v7;
	v30 =	vld [tilespmem:s10+$0x0]  }
0xa1: {  	[tilespmem:s10+$0xFFFFFFA0] =	vst v21;
	v20 =	vmul.f32 v28, v20;
	v21 =	vmul.f32 v25, v26;
	v25 =	vld [tilespmem:s10+$0x20]  }
0xa2: {  	[tilespmem:s10+$0xFFFFFFB0] =	vst v17;
	v17 =	vmul.f32 v23, v19;
	v19 =	vmul.f32 v22, v29;
	v22 =	vld [tilespmem:s10+$0x70]  }
0xa3: {  	v23 =	vperm.xlane v18, v10;
	[tilespmem:s10+$0xFFFFFFC0] =	vst v20;
	v20 =	vperm.xlane v18, v9;
	v26 =	vld [tilespmem:s10+$0x50]  }
0xa4: {  	v28 =	vperm.xlane v18, v12;
	[tilespmem:s10+$0xFFFFFFD0] =	vst v21;
	v21 =	vperm.xlane v18, v11;
	v29 =	vld [tilespmem:s10+$0x40]  }
0xa5: {  	[tilespmem:s10+$0xFFFFFFE0] =	vst v17;
	v17 =	vmul.f32 v30, v20;
	v20 =	vmul.f32 v27, v23;
	v23 =	vld [tilespmem:s10+$0x60]  }
0xa6: {  	[tilespmem:s10+$0xFFFFFFF0] =	vst v19;
	v19 =	vmul.f32 v25, v21;
	v21 =	vmul.f32 v24, v28  }
0xa7: {  	v24 =	vperm.xlane v18, v14;
	[tilespmem:s10+$0x0] =	vst v17;
	v17 =	vperm.xlane v18, v13  }
0xa8: {  	[tilespmem:s10+$0x10] =	vst v20;
	v20 =	vperm.xlane v18, v15;
	v18 =	vperm.xlane v18, v16  }
0xa9: {  	[tilespmem:s10+$0x20] =	vst v19;
	v17 =	vmul.f32 v29, v17;
	v19 =	vmul.f32 v26, v24  }
.Ltmp0:
0xaa: {  	[tilespmem:s10+$0x30] =	vst v21;
	v20 =	vmul.f32 v23, v20;
	v18 =	vmul.f32 v22, v18;
	(pc) =	sbr.rel @p0 .LBB2_2-.Ltmp0, $4  }
0xab: {  	[tilespmem:s10+$0x40] =	vst v17  }
0xac: {  	[tilespmem:s10+$0x50] =	vst v19  }
0xad: {  	s10 =	sadd.s32 $0x100, s10;
	[tilespmem:s11+$0x60] =	vst v20  }
0xae: {  	s13 =	sshra.s32 s12, $0x2;
	s12 =	sadd.s32 $0x40, s12;
	v17 =	vld [tilespmem:s10+$0xFFFFFFB0];
	[tilespmem:s11+$0x70] =	vst v18;
	s11 =	smov.u32 s10  }
0xaf: {  	v18 =	vld [tilespmem:s13+$0x4E20];
	_ =	sdelay $0x1  }
0xb0: {  	v19 =	vld [tilespmem:s10+$0xFFFFFF80]  }
0xb1: {  	v20 =	vld [tilespmem:s10+$0xFFFFFF90]  }
0xb2: {  	v21 =	vld [tilespmem:s10+$0xFFFFFFA0]  }
0xb3: {  	v22 =	vperm.xlane v18, v1  }
0xb4: {  	v25 =	vld [tilespmem:s10+$0xFFFFFFD0];
	v23 =	vperm.xlane v18, v2  }
0xb5: {  	v24 =	vld [tilespmem:s10+$0xFFFFFFC0];
	v26 =	vperm.xlane v18, v3;
	v19 =	vmul.f32 v19, v22  }
0xb6: {  	v48 =	vld [tilespmem:s10+$0xFFFFFFE0];
	v47 =	vperm.xlane v18, v4;
	v20 =	vmul.f32 v20, v23  }
0xb7: {  	v51 =	vld [tilespmem:s10+$0x10];
	v49 =	vperm.xlane v18, v6;
	v21 =	vmul.f32 v21, v26;
	[tilespmem:s10+$0xFFFFFF80] =	vst v19  }
0xb8: {  	v27 =	vld [tilespmem:s10+$0xFFFFFFF0];
	v17 =	vmul.f32 v17, v47;
	v19 =	vperm.xlane v18, v5;
	[tilespmem:s10+$0xFFFFFF90] =	vst v20  }
0xb9: {  	v50 =	vld [tilespmem:s10+$0x0];
	v28 =	vperm.xlane v18, v7;
	v22 =	vmul.f32 v25, v49;
	[tilespmem:s10+$0xFFFFFFA0] =	vst v21  }
0xba: {  	v56 =	vld [tilespmem:s10+$0x50];
	v54 =	vperm.xlane v18, v10;
	[tilespmem:s10+$0xFFFFFFB0] =	vst v17;
	v19 =	vmul.f32 v24, v19  }
0xbb: {  	v53 =	vld [tilespmem:s10+$0x20];
	v52 =	vperm.xlane v18, v8;
	v23 =	vmul.f32 v48, v28;
	[tilespmem:s10+$0xFFFFFFD0] =	vst v22  }
0xbc: {  	v59 =	vmul.f32 v51, v54;
	v17 =	vld [tilespmem:s10+$0x30];
	[tilespmem:s10+$0xFFFFFFC0] =	vst v19;
	v19 =	vperm.xlane v18, v9  }
0xbd: {  	v55 =	vld [tilespmem:s10+$0x40];
	v62 =	vperm.xlane v18, v14;
	v21 =	vmul.f32 v27, v52;
	[tilespmem:s10+$0xFFFFFFE0] =	vst v23  }
0xbe: {  	v60 =	vld [tilespmem:s10+$0x60];
	v57 =	vperm.xlane v18, v11;
	[tilespmem:s10+$0x10] =	vst v59;
	v19 =	vmul.f32 v50, v19  }
0xbf: {  	v61 =	vld [tilespmem:s10+$0x70];
	v58 =	vperm.xlane v18, v12;
	v20 =	vmul.f32 v56, v62;
	[tilespmem:s10+$0xFFFFFFF0] =	vst v21  }
0xc0: {  	v24 =	vmul.f32 v53, v57;
	[tilespmem:s10+$0x0] =	vst v19;
	v19 =	vperm.xlane v18, v13  }
0xc1: {  	v63 =	vperm.xlane v18, v15;
	[tilespmem:s10+$0x50] =	vst v20;
	v17 =	vmul.f32 v17, v58  }
0xc2: {  	[tilespmem:s10+$0x20] =	vst v24;
	v18 =	vperm.xlane v18, v16;
	v19 =	vmul.f32 v55, v19  }
0xc3: {  	[tilespmem:s10+$0x30] =	vst v17;
	v17 =	vmul.f32 v60, v63  }
0xc4: {  	v18 =	vmul.f32 v61, v18;
	[tilespmem:s10+$0x40] =	vst v19  }
0xc5: {  	[tilespmem:s11+$0x60] =	vst v17  }
0xc6: {  	[tilespmem:s11+$0x70] =	vst v18  }
0xc7: {  	[spmem:s16] =	stream.linear.scatter [tilespmem:s25], [sflag:$0x9], $0x2800, $0x38;
	[tilespmem:$0xDCB0] =	vst v63  }
0xc8: {  	_ =	swait.ge [sflag:s22], $0x2800  }
0xc9: {  	[sflag:s22] =	ssyncset.done $0x0  }
0xca: {  	s12 =	simm.s32 $0x0;
	[sflag:s22] =	ssyncadd.s32 $0xFFFFD800  }
0xcb: {  	[tilespmem:s12], [sflag:$0x9] =	stream.linear.gather [hbm4b:s17+s12], $0x2710, $0x38;
	[tilespmem:$0xDCB0] =	vst v63  }
0xcc: {  	_ =	swait.ge [sflag:s22], $0x2710  }
0xcd: {  	[sflag:s22] =	ssyncset.done $0x0  }
0xce: {  	s13 =	simm.s32 $0x2710;
	[sflag:s22] =	ssyncadd.s32 $0xFFFFD8F0  }
0xcf: {  	[tilespmem:s13], [sflag:$0x9] =	stream.linear.gather [hbm4b:s18+s12], $0x2710, $0x38;
	[tilespmem:$0xDCB0] =	vst v63  }
0xd0: {  	_ =	swait.ge [sflag:s22], $0x2710  }
0xd1: {  	[sflag:s22] =	ssyncset.done $0x0  }
0xd2: {  	[sflag:s22] =	ssyncadd.s32 $0xFFFFD8F0  }
0xd3: {  	[bflag:$0x0] =	sbarrier.arrive $0xFFFF  }
0xd4: {  	[tilespmem:s21], [sflag:$0x1] =	stream.indirect.gather [spmem:s3], $0x10, s12, s28, $0xb8;
	[tilespmem:$0xDCB0] =	vst v63  }
0xd5: {  	_ = 	snop  }
0xd6: {  	[tilespmem:s29], [sflag:$0x2] =	stream.indirect.gather [spmem:s3], $0x10, s28, s28, $0xb8;
	[tilespmem:$0xDCB0] =	vst v63  }
0xd7: {  	s11 =	simm.s32 $0xA0  }
0xd8: {  	[tilespmem:s31], [sflag:$0x3] =	stream.indirect.gather [spmem:s3], $0x10, s11, s28, $0xb8;
	[tilespmem:$0xDCB0] =	vst v63  }
0xd9: {  	s12 =	simm.s32 $0xF0  }
0xda: {  	[tilespmem:s23], [sflag:$0x4] =	stream.indirect.gather [spmem:s3], $0x10, s12, s28, $0xb8;
	[tilespmem:$0xDCB0] =	vst v63  }
0xdb: {  	_ =	swait.ge [sflag:s24], $0x500  }
0xdc: {  	[sflag:s24] =	ssyncset.done $0x0  }
0xdd: {  	s13 =	simm.s32 $0x2710;
	[sflag:s24] =	ssyncadd.s32 $0xFFFFFB00  }
0xde: {  	[spmem:s2] =	stream.indirect.scatter.add.f32 [tilespmem:s21], [sflag:$0x5], $0x10, s13, s28, $0xb8;
	[tilespmem:$0xDCB0] =	vst v63  }
0xdf: {  	_ =	swait.ge [sflag:s26], $0x500  }
0xe0: {  	[sflag:s26] =	ssyncset.done $0x0  }
0xe1: {  	s11 =	simm.s32 $0x2760;
	[sflag:s26] =	ssyncadd.s32 $0xFFFFFB00  }
0xe2: {  	[spmem:s2] =	stream.indirect.scatter.add.f32 [tilespmem:s29], [sflag:$0x6], $0x10, s11, s28, $0xb8;
	[tilespmem:$0xDCB0] =	vst v63  }
0xe3: {  	_ =	swait.ge [sflag:s30], $0x500  }
0xe4: {  	[sflag:s30] =	ssyncset.done $0x0  }
0xe5: {  	s12 =	simm.s32 $0x27B0;
	[sflag:s30] =	ssyncadd.s32 $0xFFFFFB00  }
0xe6: {  	[spmem:s2] =	stream.indirect.scatter.add.f32 [tilespmem:s31], [sflag:$0x7], $0x10, s12, s28, $0xb8;
	[tilespmem:$0xDCB0] =	vst v63  }
0xe7: {  	_ =	swait.ge [sflag:s1], $0x500  }
0xe8: {  	[sflag:s1] =	ssyncset.done $0x0  }
0xe9: {  	s13 =	simm.s32 $0x2800;
	[sflag:s1] =	ssyncadd.s32 $0xFFFFFB00  }
0xea: {  	[spmem:s2] =	stream.indirect.scatter.add.f32 [tilespmem:s23], [sflag:$0x8], $0x10, s13, s28, $0xb8;
	[tilespmem:$0xDCB0] =	vst v63  }
0xeb: {  	_ =	swait.ge [sflag:s0], $0x500  }
0xec: {  	[sflag:s0] =	ssyncset.done $0x0  }
0xed: {  	s11 =	simm.s32 $0x140;
	[sflag:s0] =	ssyncadd.s32 $0xFFFFFB00  }
0xee: {  	[tilespmem:s21], [sflag:$0x1] =	stream.indirect.gather [spmem:s3], $0x10, s11, s28, $0xb8;
	[tilespmem:$0xDCB0] =	vst v63  }
0xef: {  	_ =	swait.ge [sflag:s5], $0x500  }
0xf0: {  	[sflag:s5] =	ssyncset.done $0x0  }
0xf1: {  	s12 =	simm.s32 $0x190;
	[sflag:s5] =	ssyncadd.s32 $0xFFFFFB00  }
0xf2: {  	[tilespmem:s29], [sflag:$0x2] =	stream.indirect.gather [spmem:s3], $0x10, s12, s28, $0xb8;
	[tilespmem:$0xDCB0] =	vst v63  }
0xf3: {  	_ =	swait.ge [sflag:s7], $0x500  }
0xf4: {  	[sflag:s7] =	ssyncset.done $0x0  }
0xf5: {  	s13 =	simm.s32 $0x1E0;
	[sflag:s7] =	ssyncadd.s32 $0xFFFFFB00  }
0xf6: {  	[tilespmem:s31], [sflag:$0x3] =	stream.indirect.gather [spmem:s3], $0x10, s13, s28, $0xb8;
	[tilespmem:$0xDCB0] =	vst v63  }
0xf7: {  	_ =	swait.ge [sflag:s8], $0x500  }
0xf8: {  	[sflag:s8] =	ssyncset.done $0x0  }
0xf9: {  	s10 =	simm.s32 $0x500;
	s11 =	simm.s32 $0x230;
	[sflag:s8] =	ssyncadd.s32 $0xFFFFFB00  }
.LBB2_4:
0xfa: {  	[tilespmem:s23], [sflag:$0x4] =	stream.indirect.gather [spmem:s3], $0x10, s11, s28, $0xb8;
	[tilespmem:$0xDCB0] =	vst v63  }
0xfb: {  	s11 =	smov.u32 s10  }
0xfc: {  	p0 =	sne.s32 s10, $0x9100;
	s10 =	sadd.s32 $0x500, s10;
	_ =	swait.ge [sflag:s24], $0x500  }
0xfd: {  	s11 =	sshra.s32 s11, $0x2;
	[sflag:s24] =	ssyncset.done $0x0  }
0xfe: {  	s12 =	sadd.s32 $0x2710, s11;
	[sflag:s24] =	ssyncadd.s32 $0xFFFFFB00  }
0xff: {  	[spmem:s2] =	stream.indirect.scatter.add.f32 [tilespmem:s21], [sflag:$0x5], $0x10, s12, s28, $0xb8;
	[tilespmem:$0xDCB0] =	vst v63  }
0x100: {  	_ =	swait.ge [sflag:s26], $0x500  }
0x101: {  	[sflag:s26] =	ssyncset.done $0x0  }
0x102: {  	s12 =	sadd.s32 $0x2760, s11;
	[sflag:s26] =	ssyncadd.s32 $0xFFFFFB00  }
0x103: {  	[spmem:s2] =	stream.indirect.scatter.add.f32 [tilespmem:s29], [sflag:$0x6], $0x10, s12, s28, $0xb8;
	[tilespmem:$0xDCB0] =	vst v63  }
0x104: {  	_ =	swait.ge [sflag:s30], $0x500  }
0x105: {  	[sflag:s30] =	ssyncset.done $0x0  }
0x106: {  	s12 =	sadd.s32 $0x27B0, s11;
	[sflag:s30] =	ssyncadd.s32 $0xFFFFFB00  }
0x107: {  	[spmem:s2] =	stream.indirect.scatter.add.f32 [tilespmem:s31], [sflag:$0x7], $0x10, s12, s28, $0xb8;
	[tilespmem:$0xDCB0] =	vst v63  }
0x108: {  	_ =	swait.ge [sflag:s1], $0x500  }
0x109: {  	[sflag:s1] =	ssyncset.done $0x0  }
0x10a: {  	s12 =	sadd.s32 $0x2800, s11;
	[sflag:s1] =	ssyncadd.s32 $0xFFFFFB00  }
0x10b: {  	[spmem:s2] =	stream.indirect.scatter.add.f32 [tilespmem:s23], [sflag:$0x8], $0x10, s12, s28, $0xb8;
	[tilespmem:$0xDCB0] =	vst v63  }
0x10c: {  	_ =	swait.ge [sflag:s0], $0x500  }
0x10d: {  	[sflag:s0] =	ssyncset.done $0x0  }
0x10e: {  	s12 =	sadd.s32 $0x140, s11;
	[sflag:s0] =	ssyncadd.s32 $0xFFFFFB00  }
0x10f: {  	[tilespmem:s21], [sflag:$0x1] =	stream.indirect.gather [spmem:s3], $0x10, s12, s28, $0xb8;
	[tilespmem:$0xDCB0] =	vst v63  }
0x110: {  	_ =	swait.ge [sflag:s5], $0x500  }
0x111: {  	[sflag:s5] =	ssyncset.done $0x0  }
0x112: {  	s12 =	sadd.s32 $0x190, s11;
	[sflag:s5] =	ssyncadd.s32 $0xFFFFFB00  }
0x113: {  	[tilespmem:s29], [sflag:$0x2] =	stream.indirect.gather [spmem:s3], $0x10, s12, s28, $0xb8;
	[tilespmem:$0xDCB0] =	vst v63  }
0x114: {  	_ =	swait.ge [sflag:s7], $0x500  }
0x115: {  	[sflag:s7] =	ssyncset.done $0x0  }
.Ltmp1:
0x116: {  	s12 =	sadd.s32 $0x1E0, s11;
	[sflag:s7] =	ssyncadd.s32 $0xFFFFFB00;
	(pc) =	sbr.rel @p0 .LBB2_4-.Ltmp1, $4  }
0x117: {  	[tilespmem:s31], [sflag:$0x3] =	stream.indirect.gather [spmem:s3], $0x10, s12, s28, $0xb8;
	[tilespmem:$0xDCB0] =	vst v63  }
0x118: {  	_ =	swait.ge [sflag:s8], $0x500  }
0x119: {  	[sflag:s8] =	ssyncset.done $0x0  }
0x11a: {  	s11 =	sadd.s32 $0x230, s11;
	[sflag:s8] =	ssyncadd.s32 $0xFFFFFB00  }
0x11b: {  	[tilespmem:s23], [sflag:$0x4] =	stream.indirect.gather [spmem:s3], $0x10, s11, s28, $0xb8;
	[tilespmem:$0xDCB0] =	vst v63  }
0x11c: {  	_ =	swait.ge [sflag:s24], $0x500  }
0x11d: {  	[sflag:s24] =	ssyncset.done $0x0  }
0x11e: {  	s10 =	simm.s32 $0x4C90;
	[sflag:s24] =	ssyncadd.s32 $0xFFFFFB00  }
0x11f: {  	[spmem:s2] =	stream.indirect.scatter.add.f32 [tilespmem:s21], [sflag:$0x5], $0x10, s10, s28, $0xb8;
	[tilespmem:$0xDCB0] =	vst v63  }
0x120: {  	_ =	swait.ge [sflag:s26], $0x500  }
0x121: {  	[sflag:s26] =	ssyncset.done $0x0  }
0x122: {  	s13 =	simm.s32 $0x4CE0;
	[sflag:s26] =	ssyncadd.s32 $0xFFFFFB00  }
0x123: {  	[spmem:s2] =	stream.indirect.scatter.add.f32 [tilespmem:s29], [sflag:$0x6], $0x10, s13, s28, $0xb8;
	[tilespmem:$0xDCB0] =	vst v63  }
0x124: {  	_ =	swait.ge [sflag:s30], $0x500  }
0x125: {  	[sflag:s30] =	ssyncset.done $0x0  }
0x126: {  	s11 =	simm.s32 $0x4D30;
	[sflag:s30] =	ssyncadd.s32 $0xFFFFFB00  }
0x127: {  	[spmem:s2] =	stream.indirect.scatter.add.f32 [tilespmem:s31], [sflag:$0x7], $0x10, s11, s28, $0xb8;
	[tilespmem:$0xDCB0] =	vst v63  }
0x128: {  	_ =	swait.ge [sflag:s1], $0x500  }
0x129: {  	[sflag:s1] =	ssyncset.done $0x0  }
0x12a: {  	s12 =	simm.s32 $0x4D80;
	[sflag:s1] =	ssyncadd.s32 $0xFFFFFB00  }
0x12b: {  	[spmem:s2] =	stream.indirect.scatter.add.f32 [tilespmem:s23], [sflag:$0x8], $0x10, s12, s28, $0xb8;
	[tilespmem:$0xDCB0] =	vst v63  }
0x12c: {  	_ =	swait.ge [sflag:s0], $0x500  }
0x12d: {  	[sflag:s0] =	ssyncset.done $0x0  }
0x12e: {  	s13 =	simm.s32 $0x26C0;
	[sflag:s0] =	ssyncadd.s32 $0xFFFFFB00  }
0x12f: {  	[tilespmem:s21], [sflag:$0x1] =	stream.indirect.gather [spmem:s3], $0x10, s13, s28, $0xb8;
	[tilespmem:$0xDCB0] =	vst v63  }
0x130: {  	_ =	swait.ge [sflag:s24], $0x500  }
0x131: {  	[sflag:s24] =	ssyncset.done $0x0  }
0x132: {  	s11 =	simm.s32 $0x4DD0;
	[sflag:s24] =	ssyncadd.s32 $0xFFFFFB00  }
0x133: {  	[spmem:s2] =	stream.indirect.scatter.add.f32 [tilespmem:s21], [sflag:$0x5], $0x10, s11, s28, $0xb8;
	[tilespmem:$0xDCB0] =	vst v63  }
0x134: {  	_ =	swait.ge [sflag:s0], $0x500  }
0x135: {  	[sflag:s0] =	ssyncset.done $0x0  }
0x136: {  	[sflag:s0] =	ssyncadd.s32 $0xFFFFFB00  }
0x137: {  	_ =	swait.ge [sflag:s5], $0x500  }
0x138: {  	[sflag:s5] =	ssyncset.done $0x0  }
0x139: {  	[sflag:s5] =	ssyncadd.s32 $0xFFFFFB00  }
0x13a: {  	_ =	swait.ge [sflag:s7], $0x500  }
0x13b: {  	[sflag:s7] =	ssyncset.done $0x0  }
0x13c: {  	[sflag:s7] =	ssyncadd.s32 $0xFFFFFB00  }
0x13d: {  	s12 =	stileid.u32;
	_ =	swait.ge [sflag:s8], $0x500  }
0x13e: {  	s9 =	sadd.s32 $0x1, s9;
	s10 =	sshll.u32 s12, $0x6;
	[sflag:s8] =	ssyncset.done $0x0  }
0x13f: {  	p0 =	sne.s32 s9, s20;
	s10 =	sor.u32 $0x1C09, s10;
	[sflag:s8] =	ssyncadd.s32 $0xFFFFFB00  }
.Ltmp2:
0x140: {  	s13 =	sshrl.u32 s6, $0x3;
	[bflag:$0x0] =	sbarrier.arrive $0xFFFF;
	(pc) =	sbr.rel @p0 .LBB2_1-.Ltmp2, $4  }
0x141: {  	[hbm:s19], [sflag:s10] =	dma.local [spmem:s13], $0x500  }
0x142: {  	_ =	swait.ge [sflag:s22], $0x500  }
0x143: {  	[sflag:s22] =	ssyncset.done $0x0  }
0x144: {  	[sflag:s22] =	ssyncadd.s32 $0xFFFFFB00  }
0x145: {  	_ =	sfence.sel $0x180000  }
0x146: {  	[bflag:$0x0] =	sbarrier.arrive $0xFFFF  }
0x147: {  	_ =	strace $0x9000004A  }
0x148: {  	s0 =	stileid.u32;
	[bflag:$0x2] =	sbarrier.arrive $0xFFFF  }
0x149: {  	p0 =	sne.s32 s0, $0x0;
	s0 =	rddreg [dreg:$0x4]  }
0x14a: {  	s0 =	sadd.s32 @!p0 $0x100000, s0  }
0x14b: {  	[sflag:s0] =	ssyncadd.tile.s32 @!p0 $0x1;
	_ =	shalt  }
.Lfunc_end2:
_tile_overlayer_lowered:
.L_overlay_start_2:
0x14c: {  	(tag) =	ssettag $0x2  }
0x14d: {  	s0 =	rddreg [dreg:$0x0];
	s2 =	stileid.u32  }
0x14e: {  	s1 =	rddreg [dreg:$0x1];
	p0 =	sne.s32 s2, $0x0  }
0x14f: {  	s3 =	rddreg [dreg:$0x2];
	[bflag:$0x3] =	sbarrier.arrive $0xFFFF;
	s2 =	simm.s32 @!p0 $0x1C09  }
0x150: {  	[timem:s3], [sflag:s2] =	dma.local @!p0 [hbm:s0], s1  }
0x151: {  	s0 =	simm.s32 @!p0 $0x9  }
0x152: {  	_ =	swait.ge @!p0 [sflag:s0], s1  }
0x153: {  	s1 =	ssub.s32 @!p0 $0x0, s1;
	[sflag:s0] =	ssyncset.done @!p0 $0x0  }
0x154: {  	[sflag:s0] =	ssyncadd.s32 @!p0 s1  }
0x155: {  	[bflag:$0x3] =	sbarrier.arrive $0xFFFF  }
0x156: {  	_ =	shalt  }

// kernel: kernel.13.cloned.1.call-start
scs
__scs_entry_jumppad:
0x0: {  	(pc) =	sbr.rel $0x88, $3  }
0x1: {  	(tag) =	ssettag $0x0;
	lr =	simm.s32 $0x1  }
0x2: {  	[smem:$0x3F9B] =	sst lr;
	_ =	strace $0xD0000000  }
0x3: {  	_ = 	snop  }
0x4: {  	_ = 	snop  }
0x5: {  	_ = 	snop  }
0x6: {  	_ = 	snop  }
0x7: {  	_ = 	snop  }
__scs_overlays_trampoline_lowered:
0x8: {  	[smem:$0x3FAA] =	sst s0  }
0x9: {  	[smem:$0x3FAB] =	sst s1  }
0xa: {  	[smem:$0x3FAC] =	sst s2  }
0xb: {  	[smem:$0x3FAD] =	sst s3  }
0xc: {  	[smem:$0x3FAE] =	sst s4  }
0xd: {  	[smem:$0x3FAF] =	sst s5  }
0xe: {  	[smem:$0x3FB0] =	sst s6  }
0xf: {  	[smem:$0x3FB1] =	sst s7  }
0x10: {  	[smem:$0x3FB2] =	sst s8  }
0x11: {  	[smem:$0x3FB3] =	sst s9;
	s0 =	simm.s32 @!p0 $0x0  }
0x12: {  	s1 =	sld [smem:$0x3F99];
	s0 =	simm.s32 @p0 $0x1  }
0x13: {  	[smem:$0x3FB4] =	sst s0;
	s0 =	simm.s32 @!p1 $0x0  }
0x14: {  	s2 =	sld [smem:$0x3F98];
	s0 =	simm.s32 @p1 $0x1  }
0x15: {  	[smem:$0x3FB5] =	sst s0;
	s0 =	simm.s32 @!p2 $0x0  }
0x16: {  	s3 =	sld [smem:$0x3FDB];
	s0 =	simm.s32 @p2 $0x1  }
0x17: {  	s4 =	simm.s32 $0x1BF5;
	[smem:$0x3FB7] =	sst s0  }
0x18: {  	s0 =	sld [smem:$0x3F9A];
	_ =	swait.ge [sflag:s4], $0x0  }
0x19: {  	s7 =	sld [smem:$0x3F9B]  }
0x1a: {  	s8 =	sadd.s32 $0xFFFFE003, lr  }
0x1b: {  	s9 =	sadd.s32 $0xFFFFFEF7, lr;
	s5 =	simm.s32 $0xFFFFFFFF;
	p2 =	slt.u32 s8, $0xFFFFF086  }
0x1c: {  	p1 =	slt.u32 s9, $0xF7A;
	s5 =	simm.s32 @!p2 $0x0  }
0x1d: {  	s5 =	simm.s32 @p1 $0x1;
	p0 =	seq.s32 s7, s2  }
0x1e: {  	s7 =	smul.u32 @!p0 $0xF7A, s2;
	p2 =	seq.s32 @!p0 s5, $0x0  }
0x1f: {  	s9 =	smul.u32 $0xF7A, s1;
	s8 =	simm.s32 @!p0 $0x1BF5;
	p2 =	por !p2, p0  }
0x20: {  	[sflag:s8] =	ssyncset.s32 @!p0 $0xFFFFF086;
	s6 =	sadd.s32 @!p0 s3, s7;
	s7 =	simm.s32 @!p0 $0x108  }
0x21: {  	s3 =	sadd.s32 s3, s9;
	s6 =	sadd.s32 @!p0 $0x88, s6;
	s7 =	simm.s32 @p2 $0x1082  }
0x22: {  	[simem:s7], [sflag:s8] =	dma.local @!p0 [hbm:s6], $0xF7A  }
0x23: {  	s9 =	sor.u32 $0xD0000000, s2;
	s6 =	simm.s32 $0x108;
	_ =	swait.ge @!p0 [sflag:s8], $0x0  }
0x24: {  	s3 =	sadd.s32 $0x88, s3;
	s6 =	simm.s32 @!p1 $0x1082;
	[sflag:s4] =	ssyncset.s32 $0xFFFFF086  }
0x25: {  	[simem:s6], [sflag:s4] =	dma.local [hbm:s3], $0xF7A  }
0x26: {  	[smem:$0x3F9B] =	sst s1;
	(tag) =	ssettag s2;
	_ =	strace s9  }
0x27: {  	s1 =	sld [smem:$0x3FAB]  }
0x28: {  	s2 =	sld [smem:$0x3FAC]  }
0x29: {  	s4 =	sld [smem:$0x3FAE]  }
0x2a: {  	p0 =	seq.s32 s5, $0x0;
	s5 =	sld [smem:$0x3FAF]  }
0x2b: {  	s6 =	sld [smem:$0x3FB0]  }
0x2c: {  	s7 =	sld [smem:$0x3FB1]  }
0x2d: {  	s3 =	simm.s32 $0x108;
	s8 =	sld [smem:$0x3FB2]  }
0x2e: {  	s3 =	simm.s32 @!p0 $0x1082;
	s9 =	sld [smem:$0x3FB3]  }
0x2f: {  	lr =	sadd.s32 s0, s3;
	s0 =	sld [smem:$0x3FAA]  }
0x30: {  	s3 =	sld [smem:$0x3FAD]  }
0x31: {  	[smem:$0x3FB6] =	sst s10  }
0x32: {  	s10 =	sld [smem:$0x3FB4];
	_ =	sdelay $0x3  }
0x33: {  	p0 =	seq.s32 s10, $0x1;
	s10 =	sld [smem:$0x3FB6];
	_ =	sdelay $0x3  }
0x34: {  	[smem:$0x3FB6] =	sst s10  }
0x35: {  	s10 =	sld [smem:$0x3FB5];
	_ =	sdelay $0x3  }
0x36: {  	p1 =	seq.s32 s10, $0x1;
	s10 =	sld [smem:$0x3FB6];
	_ =	sdelay $0x3  }
0x37: {  	[smem:$0x3FB6] =	sst s10  }
0x38: {  	s10 =	sld [smem:$0x3FB7]  }
0x39: {  	_ = 	snop;
	(pc) =	sbr.ind lr, $3  }
0x3a: {  	_ = 	snop  }
0x3b: {  	_ = 	snop  }
0x3c: {  	p2 =	seq.s32 s10, $0x1;
	s10 =	sld [smem:$0x3FB6]  }
0x3d: {  	_ =	shalt  }
0x3e: {  	_ =	shalt  }
0x3f: {  	_ =	shalt  }
0x40: {  	_ =	shalt  }
0x41: {  	_ =	shalt  }
0x42: {  	_ =	shalt  }
0x43: {  	_ =	shalt  }
0x44: {  	_ =	shalt  }
0x45: {  	_ =	shalt  }
0x46: {  	_ =	shalt  }
0x47: {  	_ =	shalt  }
0x48: {  	_ =	shalt  }
0x49: {  	_ =	shalt  }
0x4a: {  	_ =	shalt  }
0x4b: {  	_ =	shalt  }
0x4c: {  	_ =	shalt  }
0x4d: {  	_ =	shalt  }
0x4e: {  	_ =	shalt  }
0x4f: {  	_ =	shalt  }
0x50: {  	_ =	shalt  }
0x51: {  	_ =	shalt  }
0x52: {  	_ =	shalt  }
0x53: {  	_ =	shalt  }
0x54: {  	_ =	shalt  }
0x55: {  	_ =	shalt  }
0x56: {  	_ =	shalt  }
0x57: {  	_ =	shalt  }
0x58: {  	_ =	shalt  }
0x59: {  	_ =	shalt  }
0x5a: {  	_ =	shalt  }
0x5b: {  	_ =	shalt  }
0x5c: {  	_ =	shalt  }
0x5d: {  	_ =	shalt  }
0x5e: {  	_ =	shalt  }
0x5f: {  	_ =	shalt  }
0x60: {  	_ =	shalt  }
0x61: {  	_ =	shalt  }
0x62: {  	_ =	shalt  }
0x63: {  	_ =	shalt  }
0x64: {  	_ =	shalt  }
0x65: {  	_ =	shalt  }
0x66: {  	_ =	shalt  }
0x67: {  	_ =	shalt  }
0x68: {  	_ =	shalt  }
0x69: {  	_ =	shalt  }
0x6a: {  	_ =	shalt  }
0x6b: {  	_ =	shalt  }
0x6c: {  	_ =	shalt  }
0x6d: {  	_ =	shalt  }
0x6e: {  	_ =	shalt  }
0x6f: {  	_ =	shalt  }
0x70: {  	_ =	shalt  }
0x71: {  	_ =	shalt  }
0x72: {  	_ =	shalt  }
0x73: {  	_ =	shalt  }
0x74: {  	_ =	shalt  }
0x75: {  	_ =	shalt  }
0x76: {  	_ =	shalt  }
0x77: {  	_ =	shalt  }
0x78: {  	_ =	shalt  }
0x79: {  	_ =	shalt  }
0x7a: {  	_ =	shalt  }
0x7b: {  	_ =	shalt  }
0x7c: {  	_ =	shalt  }
0x7d: {  	_ =	shalt  }
0x7e: {  	_ =	shalt  }
0x7f: {  	_ =	shalt  }
0x80: {  	_ =	shalt  }
0x81: {  	_ =	shalt  }
0x82: {  	_ =	shalt  }
0x83: {  	_ =	shalt  }
0x84: {  	_ =	shalt  }
0x85: {  	_ =	shalt  }
0x86: {  	_ =	shalt  }
0x87: {  	_ =	shalt  }
.Lfunc_end0:
.L_simem_size_0:
called_computation.2_lowered:
.L_overlay_start_0:
0x88: {  	s2 =	sld [smem:$0x3FD9]  }
0x89: {  	s3 =	sld [smem:$0x3FFE];
	_ =	sdelay $0x1  }
0x8a: {  	s1 =	srdreg.scid  }
0x8b: {  	s0 =	sand.u32 $0x1, s1  }
0x8c: {  	s17 =	sshll.u32 s0, $0xA;
	s2 =	sadd.s32 s3, s2  }
0x8d: {  	s2 =	sadd.s32 s2, s17  }
0x8e: {  	[smem:$0x3FC2] =	sst s2  }
0x8f: {  	_ = 	snop  }
0x90: {  	s2 =	sld [smem:$0x3FC6]  }
0x91: {  	s18 =	sld [smem:$0x3FD0];
	(tm) =	ssettm $0x1  }
0x92: {  	s4 =	sld [smem:$0x3FFB];
	_ =	sdelay $0x3  }
0x93: {  	_ =	strace s4  }
0x94: {  	s4 =	sld [smem:$0x3FFC];
	_ =	sdelay $0x3  }
0x95: {  	_ =	strace s4  }
0x96: {  	s4 =	sld [smem:$0x3FFD];
	_ =	sdelay $0x3  }
0x97: {  	_ =	strace s4  }
0x98: {  	_ =	strace $0x8FFFFFFF  }
0x99: {  	s19 =	sld [smem:$0x3FDB];
	_ =	sdelay $0x1  }
0x9a: {  	s5 =	simm.s32 $_scs_section_size  }
0x9b: {  	s6 =	simm.s32 $_size__tile_overlayer_lowered;
	s7 =	simm.s32 $_tile_overlayer_lowered  }
0x9c: {  	s22 =	simm.s32 $0x1BFF;
	s21 =	sshll.u32 s7, $0x1;
	s4 =	sadd.s32 s5, s19  }
0x9d: {  	s8 =	simm.s32 $0x0;
	s20 =	sshll.u32 s6, $0x1;
	s6 =	sadd.s32 s21, s4  }
0x9e: {  	[timem:s8], [sflag:s22] =	dma.local [hbm:s6], s20  }
0x9f: {  	_ =	swait.ge [sflag:s22], s20  }
0xa0: {  	s5 =	ssub.s32 $0x0, s20;
	[sflag:s22] =	ssyncset.done $0x0  }
0xa1: {  	[sflag:s22] =	ssyncadd.s32 s5;
	_ =	sdelay $0x1  }
0xa2: {  	s23 =	simm.s32 $0x1B8B  }
0xa3: {  	_ =	swait.ge [sflag:s23], $0x1  }
0xa4: {  	[sflag:s23] =	ssyncset.done $0x0  }
0xa5: {  	s25 =	simm.s32 $0x1B8E;
	s24 =	sld [smem:$0x3FFE];
	[sflag:s23] =	ssyncadd.s32 $0xFFFFFFFF  }
0xa6: {  	s26 =	simm.s32 $execute0_lowered;
	[smem:$0x3FD2] =	sst s25  }
0xa7: {  	s6 =	sshll.u32 s26, $0x1;
	_ =	strace $0x8000004C;
	[dreg:$0x1] =	wrdreg $0xFFFFFFFF  }
0xa8: {  	s28 =	simm.s32 $_size_execute0_lowered;
	s4 =	sadd.s32 s4, s6;
	[dreg:$0x0] =	wrdreg $0x0  }
0xa9: {  	s6 =	sshll.u32 s28, $0x1;
	[dreg:$0x2] =	wrdreg s4  }
0xaa: {  	[dreg:$0x3] =	wrdreg s6  }
0xab: {  	[dreg:$0x4] =	wrdreg $0xC0  }
0xac: {  	_ =	task [dreg:s8], $0x5FFFF  }
0xad: {  	[dreg:$0x1] =	wrdreg $0xFFFFFFFF  }
0xae: {  	[dreg:$0x0] =	wrdreg $0x60  }
0xaf: {  	[dreg:$0x2] =	wrdreg s24  }
0xb0: {  	[dreg:$0x3] =	wrdreg s2  }
0xb1: {  	[dreg:$0x4] =	wrdreg s18  }
0xb2: {  	[dreg:$0x5] =	wrdreg $0xDCB00  }
0xb3: {  	[dreg:$0x6] =	wrdreg $0xB4B00  }
0xb4: {  	[dreg:$0x7] =	wrdreg $0x9  }
0xb5: {  	_ =	task.clear_ibuf [dreg:s8], $0x8FFFF;
	_ =	strace $0x9000004C  }
0xb6: {  	s29 =	simm.s32 $0x9;
	_ =	strace $0x8000004E  }
0xb7: {  	_ =	swait.ge [sflag:s29], $0x1  }
0xb8: {  	[sflag:s29] =	ssyncadd.s32 $0xFFFFFFFF  }
0xb9: {  	_ =	strace $0x9000004E  }
0xba: {  	_ =	sfence  }
0xbb: {  	s30 =	sld [smem:$0x0];
	_ =	sdelay $0x2  }
0xbc: {  	s31 =	sshll.u32 s1, $0xD;
	s1 =	sshrl.u32 s1, $0x2  }
0xbd: {  	s3 =	sand.u32 $0x4000, s31;
	s1 =	sadd.s32 s1, s30  }
0xbe: {  	s0 =	sor.u32 s3, s0;
	s1 =	sshll.u32 s1, $0x11  }
0xbf: {  	s0 =	sor.u32 s1, s0  }
0xc0: {  	s0 =	sadd.s32 $0x8F2B, s0  }
0xc1: {  	[sflag:s0] =	ssyncadd.remote.s32 $0x1  }
0xc2: {  	_ =	sfence.sel $0xFFFF  }
0xc3: {  	[dreg:$0x0] =	wrdreg $0xFFFFFFFF;
	(pc) =	sbr.abs _section_cstart, $3  }
0xc4: {  	[dreg:$0x1] =	wrdreg $0xFFFFFFFF  }
0xc5: {  	_ =	task.clear_ibuf [dreg:s8], $0x2FFFF;
	_ =	strace $0x9FFFFFFF  }
0xc6: {  	(tm) =	ssettm $0x7FFFFFFF  }
0xc7: {  	_ =	shalt  }
tec
execute0_lowered:
.L_overlay_start_1:
0x0: {  	(tag) =	ssettag $0x1  }
0x1: {  	s0 =	rddreg [dreg:$0x0]  }
0x2: {  	s1 =	rddreg [dreg:$0x2]  }
0x3: {  	s3 =	rddreg [dreg:$0x3]  }
0x4: {  	s4 =	rddreg [dreg:$0x4];
	s10 =	stileid.u32  }
0x5: {  	s2 =	srdreg.scid;
	s5 =	simm.s32 $0x0;
	s7 =	smul.u32 $0x2800, s10  }
0x6: {  	s29 =	simm.s32 $0x50;
	s30 =	simm.s32 $0xA5B0;
	s8 =	smul.u32 $0x50, s10  }
0x7: {  	s28 =	simm.s32 $0x3;
	s6 =	sshll.u32 s10, $0x1;
	s10 =	smul.u32 $0xA000, s10  }
0x8: {  	s31 =	simm.s32 $0x4;
	s2 =	sand.u32 $0x1, s2;
	[smem:$0x7FF] =	sst s5  }
0x9: {  	s6 =	sor.u32 s2, s6;
	_ =	strace $0x8000004D;
	s10 =	sshrl.u32 s10, $0x2  }
0xa: {  	s17 =	ssub.s32 $0x2, s2;
	s2 =	smul.u32 $0x28000, s2;
	s10 =	sadd.s32 s10, s3  }
0xb: {  	s6 =	smul.u32 $0x2710, s6;
	s9 =	sshrl.u32 s7, $0x3;
	s12 =	sadd.s32 $0x500, s10  }
0xc: {  	s18 =	sshrl.u32 s17, $0x1;
	s19 =	sadd.s32 $0xA00, s10;
	[dreg:$0x6] =	wrdreg s12  }
0xd: {  	s9 =	sadd.s32 s9, s0;
	s20 =	sadd.s32 $0xF00, s10;
	[dreg:$0x7] =	wrdreg s19  }
0xe: {  	s26 =	sadd.s32 s7, s2;
	s21 =	sadd.s32 $0x1400, s10;
	[dreg:$0x8] =	wrdreg s20  }
0xf: {  	s2 =	simm.s32 $0xAFB0;
	s22 =	sadd.s32 $0x1900, s10;
	[dreg:$0x9] =	wrdreg s21  }
0x10: {  	s6 =	sshrl.u32 s6, $0x3;
	s23 =	sadd.s32 $0x1E00, s10;
	[dreg:$0xa] =	wrdreg s22  }
0x11: {  	s10 =	sadd.s32 $0x2300, s10;
	s24 =	sadd.s32 $0x15E00, s9;
	[dreg:$0xb] =	wrdreg s23  }
0x12: {  	s25 =	sadd.s32 $0x1AE00, s9;
	s9 =	simm.s32 $0x8;
	[dreg:$0xc] =	wrdreg s10  }
0x13: {  	s11 =	sadd.s32 s6, s0;
	s0 =	sadd.s32 s8, s0;
	[dreg:$0xe] =	wrdreg s24  }
0x14: {  	s8 =	ssub.s32 s17, s18;
	s6 =	sadd.s32 s7, s3;
	[dreg:$0xf] =	wrdreg s25  }
0x15: {  	v0 =	vimm.f32 $0.0e+00;
	v1 =	vimm.s32 $0x0;
	s17 =	sadd.s32 s7, s4;
	s22 =	simm.s32 $0xA0B0;
	s23 =	simm.s32 $0x9  }
0x16: {  	v2 =	vimm.s32 $0x1;
	v3 =	vimm.s32 $0x2;
	v4 =	vimm.s32 $0x3;
	s25 =	simm.s32 $0x50A0;
	s24 =	simm.s32 $0x1;
	s7 =	simm.s32 $0x6  }
0x17: {  	v5 =	vimm.s32 $0x4;
	v6 =	vimm.s32 $0x5;
	v7 =	vimm.s32 $0x6;
	s10 =	simm.s32 $0x0;
	s0 =	sadd.s32 $0x15600, s0;
	s18 =	sadd.s32 $0x1C00, s11  }
0x18: {  	v8 =	vimm.s32 $0x7;
	v9 =	vimm.s32 $0x8;
	v10 =	vimm.s32 $0x9;
	s19 =	sadd.s32 $0xB840, s11;
	s21 =	smax.u32 s8, $0x1;
	s8 =	simm.s32 $0x7  }
0x19: {  	v11 =	vimm.s32 $0xA;
	v12 =	vimm.s32 $0xB;
	v13 =	vimm.s32 $0xC;
	[dreg:$0xd] =	wrdreg s0;
	s0 =	sshrl.u32 s26, $0x3;
	s26 =	simm.s32 $0x2  }
0x1a: {  	v14 =	vimm.s32 $0xD;
	v15 =	vimm.s32 $0xE;
	v16 =	vimm.s32 $0xF;
	s20 =	sadd.s32 s1, s0;
	s0 =	simm.s32 $0xAAB0;
	s1 =	simm.s32 $0x5  }
.LBB2_1:
0x1b: {  	[tilespmem:$0xA0B0] =	vst v0  }
0x1c: {  	[tilespmem:$0xA0C0] =	vst v0  }
0x1d: {  	[tilespmem:$0xA0D0] =	vst v0  }
0x1e: {  	[tilespmem:$0xA0E0] =	vst v0  }
0x1f: {  	[tilespmem:$0xA0F0] =	vst v0  }
0x20: {  	[tilespmem:$0xA100] =	vst v0  }
0x21: {  	[tilespmem:$0xA110] =	vst v0  }
0x22: {  	[tilespmem:$0xA120] =	vst v0  }
0x23: {  	[tilespmem:$0xA130] =	vst v0  }
0x24: {  	[tilespmem:$0xA140] =	vst v0  }
0x25: {  	[tilespmem:$0xA150] =	vst v0  }
0x26: {  	[tilespmem:$0xA160] =	vst v0  }
0x27: {  	[tilespmem:$0xA170] =	vst v0  }
0x28: {  	[tilespmem:$0xA180] =	vst v0  }
0x29: {  	[tilespmem:$0xA190] =	vst v0  }
0x2a: {  	[tilespmem:$0xA1A0] =	vst v0  }
0x2b: {  	[tilespmem:$0xA1B0] =	vst v0  }
0x2c: {  	[tilespmem:$0xA1C0] =	vst v0  }
0x2d: {  	[tilespmem:$0xA1D0] =	vst v0  }
0x2e: {  	[tilespmem:$0xA1E0] =	vst v0  }
0x2f: {  	[tilespmem:$0xA1F0] =	vst v0  }
0x30: {  	[tilespmem:$0xA200] =	vst v0  }
0x31: {  	[tilespmem:$0xA210] =	vst v0  }
0x32: {  	[tilespmem:$0xA220] =	vst v0  }
0x33: {  	[tilespmem:$0xA230] =	vst v0  }
0x34: {  	[tilespmem:$0xA240] =	vst v0  }
0x35: {  	[tilespmem:$0xA250] =	vst v0  }
0x36: {  	[tilespmem:$0xA260] =	vst v0  }
0x37: {  	[tilespmem:$0xA270] =	vst v0  }
0x38: {  	[tilespmem:$0xA280] =	vst v0  }
0x39: {  	[tilespmem:$0xA290] =	vst v0  }
0x3a: {  	[tilespmem:$0xA2A0] =	vst v0  }
0x3b: {  	[tilespmem:$0xA2B0] =	vst v0  }
0x3c: {  	[tilespmem:$0xA2C0] =	vst v0  }
0x3d: {  	[tilespmem:$0xA2D0] =	vst v0  }
0x3e: {  	[tilespmem:$0xA2E0] =	vst v0  }
0x3f: {  	[tilespmem:$0xA2F0] =	vst v0  }
0x40: {  	[tilespmem:$0xA300] =	vst v0  }
0x41: {  	[tilespmem:$0xA310] =	vst v0  }
0x42: {  	[tilespmem:$0xA320] =	vst v0  }
0x43: {  	[tilespmem:$0xA330] =	vst v0  }
0x44: {  	[tilespmem:$0xA340] =	vst v0  }
0x45: {  	[tilespmem:$0xA350] =	vst v0  }
0x46: {  	[tilespmem:$0xA360] =	vst v0  }
0x47: {  	[tilespmem:$0xA370] =	vst v0  }
0x48: {  	[tilespmem:$0xA380] =	vst v0  }
0x49: {  	[tilespmem:$0xA390] =	vst v0  }
0x4a: {  	[tilespmem:$0xA3A0] =	vst v0  }
0x4b: {  	[tilespmem:$0xA3B0] =	vst v0  }
0x4c: {  	[tilespmem:$0xA3C0] =	vst v0  }
0x4d: {  	[tilespmem:$0xA3D0] =	vst v0  }
0x4e: {  	[tilespmem:$0xA3E0] =	vst v0  }
0x4f: {  	[tilespmem:$0xA3F0] =	vst v0  }
0x50: {  	[tilespmem:$0xA400] =	vst v0  }
0x51: {  	[tilespmem:$0xA410] =	vst v0  }
0x52: {  	[tilespmem:$0xA420] =	vst v0  }
0x53: {  	[tilespmem:$0xA430] =	vst v0  }
0x54: {  	[tilespmem:$0xA440] =	vst v0  }
0x55: {  	[tilespmem:$0xA450] =	vst v0  }
0x56: {  	[tilespmem:$0xA460] =	vst v0  }
0x57: {  	[tilespmem:$0xA470] =	vst v0  }
0x58: {  	[tilespmem:$0xA480] =	vst v0  }
0x59: {  	[tilespmem:$0xA490] =	vst v0  }
0x5a: {  	[tilespmem:$0xA4A0] =	vst v0  }
0x5b: {  	[tilespmem:$0xA4B0] =	vst v0  }
0x5c: {  	[tilespmem:$0xA4C0] =	vst v0  }
0x5d: {  	[tilespmem:$0xA4D0] =	vst v0  }
0x5e: {  	[tilespmem:$0xA4E0] =	vst v0  }
0x5f: {  	[tilespmem:$0xA4F0] =	vst v0  }
0x60: {  	[tilespmem:$0xA500] =	vst v0  }
0x61: {  	[tilespmem:$0xA510] =	vst v0  }
0x62: {  	[tilespmem:$0xA520] =	vst v0  }
0x63: {  	[tilespmem:$0xA530] =	vst v0  }
0x64: {  	[tilespmem:$0xA540] =	vst v0  }
0x65: {  	[tilespmem:$0xA550] =	vst v0  }
0x66: {  	[tilespmem:$0xA560] =	vst v0  }
0x67: {  	[tilespmem:$0xA570] =	vst v0  }
0x68: {  	[tilespmem:$0xA580] =	vst v0  }
0x69: {  	[tilespmem:$0xA590] =	vst v0  }
0x6a: {  	[tilespmem:$0xA5A0] =	vst v0  }
0x6b: {  	[spmem:s6] =	stream.linear.scatter [tilespmem:s22], [sflag:$0x9], $0x500, $0x38;
	[tilespmem:$0x104B0] =	vst v63  }
0x6c: {  	_ =	swait.ge [sflag:s23], $0x500  }
0x6d: {  	[sflag:s23] =	ssyncset.done $0x0  }
0x6e: {  	s11 =	rddreg [dreg:$0x6];
	[sflag:s23] =	ssyncadd.s32 $0xFFFFFB00  }
0x6f: {  	[spmem:s11] =	stream.linear.scatter [tilespmem:s22], [sflag:$0x9], $0x500, $0x38;
	[tilespmem:$0x104B0] =	vst v63  }
0x70: {  	_ =	swait.ge [sflag:s23], $0x500  }
0x71: {  	[sflag:s23] =	ssyncset.done $0x0  }
0x72: {  	s14 =	rddreg [dreg:$0x7];
	[sflag:s23] =	ssyncadd.s32 $0xFFFFFB00  }
0x73: {  	[spmem:s14] =	stream.linear.scatter [tilespmem:s22], [sflag:$0x9], $0x500, $0x38;
	[tilespmem:$0x104B0] =	vst v63  }
0x74: {  	_ =	swait.ge [sflag:s23], $0x500  }
0x75: {  	[sflag:s23] =	ssyncset.done $0x0  }
0x76: {  	s15 =	rddreg [dreg:$0x8];
	[sflag:s23] =	ssyncadd.s32 $0xFFFFFB00  }
0x77: {  	[spmem:s15] =	stream.linear.scatter [tilespmem:s22], [sflag:$0x9], $0x500, $0x38;
	[tilespmem:$0x104B0] =	vst v63  }
0x78: {  	_ =	swait.ge [sflag:s23], $0x500  }
0x79: {  	[sflag:s23] =	ssyncset.done $0x0  }
0x7a: {  	s16 =	rddreg [dreg:$0x9];
	[sflag:s23] =	ssyncadd.s32 $0xFFFFFB00  }
0x7b: {  	[spmem:s16] =	stream.linear.scatter [tilespmem:s22], [sflag:$0x9], $0x500, $0x38;
	[tilespmem:$0x104B0] =	vst v63  }
0x7c: {  	_ =	swait.ge [sflag:s23], $0x500  }
0x7d: {  	[sflag:s23] =	ssyncset.done $0x0  }
0x7e: {  	s12 =	rddreg [dreg:$0xa];
	[sflag:s23] =	ssyncadd.s32 $0xFFFFFB00  }
0x7f: {  	[spmem:s12] =	stream.linear.scatter [tilespmem:s22], [sflag:$0x9], $0x500, $0x38;
	[tilespmem:$0x104B0] =	vst v63  }
0x80: {  	_ =	swait.ge [sflag:s23], $0x500  }
0x81: {  	[sflag:s23] =	ssyncset.done $0x0  }
0x82: {  	s13 =	rddreg [dreg:$0xb];
	[sflag:s23] =	ssyncadd.s32 $0xFFFFFB00  }
0x83: {  	[spmem:s13] =	stream.linear.scatter [tilespmem:s22], [sflag:$0x9], $0x500, $0x38;
	[tilespmem:$0x104B0] =	vst v63  }
0x84: {  	_ =	swait.ge [sflag:s23], $0x500  }
0x85: {  	[sflag:s23] =	ssyncset.done $0x0  }
0x86: {  	s14 =	rddreg [dreg:$0xc];
	[sflag:s23] =	ssyncadd.s32 $0xFFFFFB00  }
0x87: {  	[spmem:s14] =	stream.linear.scatter [tilespmem:s22], [sflag:$0x9], $0x500, $0x38;
	[tilespmem:$0x104B0] =	vst v63  }
0x88: {  	_ =	swait.ge [sflag:s23], $0x500  }
0x89: {  	[sflag:s23] =	ssyncset.done $0x0  }
0x8a: {  	s12 =	simm.s32 $0x4E20;
	s15 =	rddreg [dreg:$0xd];
	[sflag:s23] =	ssyncadd.s32 $0xFFFFFB00  }
0x8b: {  	[tilespmem:s12], [sflag:$0x9] =	stream.linear.gather [hbm4b:s15+s5], $0x280, $0x38;
	[tilespmem:$0x104B0] =	vst v63  }
0x8c: {  	_ =	swait.ge [sflag:s23], $0x280  }
0x8d: {  	[sflag:s23] =	ssyncset.done $0x0  }
0x8e: {  	[sflag:s23] =	ssyncadd.s32 $0xFFFFFD80  }
0x8f: {  	s13 =	simm.s32 $0xA0A0;
	s16 =	rddreg [dreg:$0x1]  }
0x90: {  	[tilespmem:s13], [sflag:$0x9] =	stream.linear.gather [hbm4b:s16+s5], $0x10, $0x38;
	[tilespmem:$0x104B0] =	vst v63  }
0x91: {  	_ =	swait.ge [sflag:s23], $0x10  }
0x92: {  	[sflag:s23] =	ssyncset.done $0x0  }
0x93: {  	s14 =	rddreg [dreg:$0xe];
	[sflag:s23] =	ssyncadd.s32 $0xFFFFFFF0  }
0x94: {  	[tilespmem:s25], [sflag:$0x9] =	stream.linear.gather [hbm4b:s14+s5], $0x2800, $0x38;
	[tilespmem:$0x104B0] =	vst v63  }
0x95: {  	_ =	swait.ge [sflag:s23], $0x2800  }
0x96: {  	[sflag:s23] =	ssyncset.done $0x0  }
0x97: {  	s16 =	simm.s32 $0x78A0;
	s15 =	rddreg [dreg:$0xf];
	[sflag:s23] =	ssyncadd.s32 $0xFFFFD800  }
0x98: {  	[tilespmem:s16], [sflag:$0x9] =	stream.linear.gather [hbm4b:s15+s5], $0x2800, $0x38;
	[tilespmem:$0x104B0] =	vst v63  }
0x99: {  	_ =	swait.ge [sflag:s23], $0x2800  }
0x9a: {  	[sflag:s23] =	ssyncset.done $0x0  }
0x9b: {  	[sflag:s23] =	ssyncadd.s32 $0xFFFFD800  }
0x9c: {  	s11 =	simm.s32 $0x0;
	v17 =	vld [tilespmem:$0xA0A0]  }
0x9d: {  	v18 =	vld [tilespmem:s11+$0x7990]  }
0x9e: {  	v19 =	vld [tilespmem:s11+$0x78B0]  }
0x9f: {  	v20 =	vld [tilespmem:s11+$0x7960]  }
0xa0: {  	v22 =	vld [tilespmem:s11+$0x7950]  }
0xa1: {  	v23 =	vld [tilespmem:s11+$0x78E0]  }
0xa2: {  	v26 =	vld [tilespmem:s11+$0x78F0]  }
0xa3: {  	v28 =	vld [tilespmem:s11+$0x5150]  }
0xa4: {  	v29 =	vld [tilespmem:s11+$0x5190]  }
0xa5: {  	v31 =	vld [tilespmem:s11+$0x50E0]  }
0xa6: {  	v33 =	vld [tilespmem:s12+$0x0]  }
0xa7: {  	v35 =	vld [tilespmem:s11+$0x78D0]  }
0xa8: {  	v37 =	vld [tilespmem:s11+$0x7970]  }
0xa9: {  	v38 =	vld [tilespmem:s11+$0x5170]  }
0xaa: {  	v39 =	vld [tilespmem:s11+$0x50B0]  }
0xab: {  	v40 =	vld [tilespmem:s11+$0x78A0]  }
0xac: {  	v41 =	vld [tilespmem:s11+$0x50A0]  }
0xad: {  	v62 =	vld [tilespmem:s11+$0x5160]  }
0xae: {  	v61 =	vld [tilespmem:s11+$0x50D0];
	v43 =	vperm.xlane v33, v12;
	v22 =	vadd.f32 v22, v28  }
0xaf: {  	v34 =	vld [tilespmem:s11+$0x50F0];
	v44 =	vperm.xlane v33, v5;
	v45 =	vperm.xlane v33, v14;
	v37 =	vadd.f32 v37, v38  }
0xb0: {  	v21 =	vld [tilespmem:s11+$0x7920];
	v46 =	vperm.xlane v33, v2;
	v19 =	vadd.f32 v19, v39;
	v23 =	vadd.f32 v23, v31  }
0xb1: {  	v25 =	vld [tilespmem:s11+$0x7980];
	v31 =	vperm.xlane v33, v1;
	v40 =	vadd.f32 v40, v41;
	v18 =	vadd.f32 v18, v29  }
0xb2: {  	v24 =	vld [tilespmem:s11+$0x7930];
	v29 =	vperm.xlane v33, v16;
	v20 =	vadd.f32 v20, v62;
	v51 =	vperm.xlane v33, v3  }
0xb3: {  	v27 =	vld [tilespmem:s11+$0x7940];
	v35 =	vadd.f32 v35, v61;
	v53 =	vperm.xlane v33, v8;
	v22 =	vmul.f32 v22, v43  }
0xb4: {  	v30 =	vld [tilespmem:s11+$0x5130];
	v26 =	vadd.f32 v26, v34;
	v37 =	vmul.f32 v37, v45;
	v19 =	vmul.f32 v19, v46  }
0xb5: {  	v47 =	vld [tilespmem:s11+$0x50C0];
	v56 =	vperm.xlane v33, v11;
	v40 =	vmul.f32 v40, v31;
	v22 =	vadd.f32 v22, v17  }
0xb6: {  	v49 =	vld [tilespmem:s11+$0x78C0];
	v57 =	vperm.xlane v33, v9;
	v37 =	vadd.f32 v37, v17;
	v19 =	vadd.f32 v19, v17  }
0xb7: {  	v48 =	vld [tilespmem:s11+$0x7910];
	v18 =	vmul.f32 v18, v29;
	v40 =	vadd.f32 v40, v17;
	v22 =	vmax.f32 v22, $0.0e+00  }
0xb8: {  	v63 =	vld [tilespmem:s11+$0x5110];
	v37 =	vmax.f32 v37, $0.0e+00;
	v19 =	vmax.f32 v19, $0.0e+00;
	v22 =	vmul.f32 v22, v43  }
0xb9: {  	v32 =	vld [tilespmem:s11+$0x5140];
	v18 =	vadd.f32 v18, v17;
	v37 =	vmul.f32 v37, v45;
	v19 =	vmul.f32 v19, v46  }
0xba: {  	v36 =	vld [tilespmem:s11+$0x7900];
	v46 =	vperm.xlane v33, v13;
	[tilespmem:s11+$0x5150] =	vst v22;
	v22 =	vmul.f32 v23, v44;
	v23 =	vmax.f32 v40, $0.0e+00  }
0xbb: {  	v42 =	vld [tilespmem:s11+$0x5100];
	v52 =	vadd.f32 v49, v47;
	[tilespmem:s11+$0x5170] =	vst v37;
	v23 =	vmul.f32 v23, v31;
	v31 =	vperm.xlane v33, v4  }
0xbc: {  	s12 =	simm.s32 $0x100;
	v28 =	vld [tilespmem:s11+$0x5120];
	v18 =	vmax.f32 v18, $0.0e+00;
	[tilespmem:s11+$0x50B0] =	vst v19;
	v20 =	vmul.f32 v20, v46;
	v22 =	vadd.f32 v22, v17  }
0xbd: {  	v54 =	vadd.f32 v48, v63;
	v29 =	vmul.f32 v18, v29;
	v19 =	vld [tilespmem:s12+$0x7990];
	[tilespmem:s11+$0x50A0] =	vst v23;
	v23 =	vmul.f32 v35, v31  }
0xbe: {  	v38 =	vld [tilespmem:s11+$0x5180];
	v30 =	vadd.f32 v24, v30;
	v20 =	vadd.f32 v20, v17;
	v22 =	vmax.f32 v22, $0.0e+00  }
0xbf: {  	v18 =	vld [tilespmem:s12+$0x78B0];
	[tilespmem:s11+$0x5190] =	vst v29;
	v29 =	vperm.xlane v33, v6;
	v50 =	vmul.f32 v22, v44;
	v23 =	vadd.f32 v23, v17  }
0xc0: {  	v27 =	vadd.f32 v27, v32;
	v61 =	vperm.xlane v33, v15;
	v20 =	vmax.f32 v20, $0.0e+00  }
0xc1: {  	v22 =	vld [tilespmem:s12+$0x7920];
	v37 =	vmul.f32 v20, v46;
	v26 =	vmul.f32 v26, v29;
	[tilespmem:s11+$0x50E0] =	vst v50;
	v55 =	vmax.f32 v23, $0.0e+00  }
0xc2: {  	v36 =	vadd.f32 v36, v42;
	v27 =	vmul.f32 v27, v56;
	v20 =	vld [tilespmem:s12+$0x7960];
	v31 =	vmul.f32 v55, v31  }
0xc3: {  	v28 =	vadd.f32 v21, v28;
	v35 =	vmul.f32 v52, v51;
	v23 =	vld [tilespmem:s12+$0x7980];
	v26 =	vadd.f32 v26, v17;
	[tilespmem:s11+$0x5160] =	vst v37  }
0xc4: {  	v25 =	vadd.f32 v25, v38;
	v40 =	vmul.f32 v54, v53;
	v21 =	vld [tilespmem:s12+$0x7950];
	[tilespmem:s11+$0x50D0] =	vst v31;
	v31 =	vperm.xlane v33, v10  }
0xc5: {  	v28 =	vmul.f32 v28, v57;
	v58 =	vadd.f32 v35, v17;
	v26 =	vmax.f32 v26, $0.0e+00  }
0xc6: {  	v26 =	vmul.f32 v26, v29;
	v29 =	vadd.f32 v40, v17;
	v30 =	vmul.f32 v30, v31  }
0xc7: {  	v25 =	vmul.f32 v25, v61;
	v28 =	vadd.f32 v28, v17;
	v59 =	vmax.f32 v58, $0.0e+00  }
0xc8: {  	v60 =	vmul.f32 v59, v51;
	v35 =	vld [tilespmem:s12+$0x7930];
	v29 =	vmax.f32 v29, $0.0e+00;
	v30 =	vadd.f32 v30, v17  }
0xc9: {  	v62 =	vmax.f32 v28, $0.0e+00;
	v33 =	vperm.xlane v33, v7;
	v24 =	vld [tilespmem:s12+$0x78E0];
	[tilespmem:s11+$0x50F0] =	vst v26;
	v29 =	vmul.f32 v29, v53  }
0xca: {  	v27 =	vadd.f32 v27, v17;
	v34 =	vmul.f32 v62, v57;
	v26 =	vld [tilespmem:s12+$0x78F0];
	[tilespmem:s11+$0x50C0] =	vst v60;
	v30 =	vmax.f32 v30, $0.0e+00  }
0xcb: {  	v25 =	vadd.f32 v25, v17;
	v63 =	vmul.f32 v36, v33;
	v28 =	vld [tilespmem:s12+$0x7940];
	[tilespmem:s11+$0x5110] =	vst v29;
	v31 =	vmul.f32 v30, v31  }
0xcc: {  	v27 =	vmax.f32 v27, $0.0e+00;
	v29 =	vld [tilespmem:s12+$0x5150];
	[tilespmem:s11+$0x5120] =	vst v34  }
0xcd: {  	v27 =	vmul.f32 v27, v56;
	v34 =	vadd.f32 v63, v17;
	v30 =	vld [tilespmem:s12+$0x5190];
	[tilespmem:s11+$0x5130] =	vst v31;
	v31 =	vmax.f32 v25, $0.0e+00  }
0xce: {  	v31 =	vmul.f32 v31, v61  }
0xcf: {  	v25 =	vld [tilespmem:s12+$0x5130];
	[tilespmem:s11+$0x5140] =	vst v27;
	v27 =	vmax.f32 v34, $0.0e+00  }
0xd0: {  	s13 =	simm.s32 $0x800;
	s14 =	simm.s32 $0x4E30;
	s15 =	simm.s32 $0x4E30;
	v34 =	vld [tilespmem:s12+$0x50E0];
	v27 =	vmul.f32 v27, v33;
	[tilespmem:s11+$0x5180] =	vst v31  }
.LBB2_2:
0xd1: {  	p0 =	sne.s32 s13, $0x9C00;
	s14 =	sadd.s32 $0x10, s14  }
0xd2: {  	v31 =	vld [tilespmem:s12+$0x5140];
	[tilespmem:s11+$0x5100] =	vst v27;
	s16 =	smov.u32 s13;
	s13 =	sadd.s32 $0x400, s13;
	s11 =	smov.u32 s12  }
0xd3: {  	v36 =	vld [tilespmem:s15+$0x0];
	s15 =	smov.u32 s14  }
0xd4: {  	v37 =	vld [tilespmem:s11+$0x50F0]  }
0xd5: {  	v32 =	vld [tilespmem:s11+$0x7900]  }
0xd6: {  	v35 =	vadd.f32 v35, v25;
	v38 =	vld [tilespmem:s11+$0x78D0]  }
0xd7: {  	v39 =	vld [tilespmem:s11+$0x5100];
	v33 =	vadd.f32 v28, v31  }
0xd8: {  	v25 =	vperm.xlane v36, v7;
	v40 =	vld [tilespmem:s11+$0x5120];
	v27 =	vperm.xlane v36, v11  }
0xd9: {  	v41 =	vperm.xlane v36, v5;
	v28 =	vperm.xlane v36, v10;
	v42 =	vld [tilespmem:s11+$0x5180]  }
0xda: {  	v31 =	vperm.xlane v36, v8;
	v43 =	vld [tilespmem:s11+$0x50D0];
	v44 =	vmul.f32 v33, v27  }
0xdb: {  	v33 =	vperm.xlane v36, v3;
	v35 =	vmul.f32 v35, v28;
	v45 =	vld [tilespmem:s11+$0x50C0]  }
0xdc: {  	v47 =	vperm.xlane v36, v12;
	v46 =	vld [tilespmem:s11+$0x50B0];
	v39 =	vadd.f32 v32, v39;
	v32 =	vperm.xlane v36, v9  }
0xdd: {  	v35 =	vadd.f32 v35, v17;
	v22 =	vadd.f32 v22, v40;
	v40 =	vperm.xlane v36, v13;
	v48 =	vld [tilespmem:s11+$0x5160]  }
0xde: {  	v50 =	vperm.xlane v36, v15;
	v44 =	vadd.f32 v44, v17;
	v49 =	vld [tilespmem:s11+$0x7970];
	v23 =	vadd.f32 v23, v42  }
0xdf: {  	v42 =	vperm.xlane v36, v4;
	v39 =	vmul.f32 v39, v25;
	v38 =	vadd.f32 v38, v43;
	v43 =	vld [tilespmem:s11+$0x5170]  }
0xe0: {  	v26 =	vadd.f32 v26, v37;
	v37 =	vmax.f32 v35, $0.0e+00;
	v51 =	vld [tilespmem:s11+$0x78A0];
	v23 =	vmul.f32 v23, v50  }
0xe1: {  	v24 =	vadd.f32 v24, v34;
	v34 =	vperm.xlane v36, v6;
	v35 =	vld [tilespmem:s11+$0x50A0];
	v38 =	vmul.f32 v38, v42  }
0xe2: {  	v21 =	vadd.f32 v21, v29;
	v19 =	vadd.f32 v19, v30;
	v52 =	vmul.f32 v22, v32  }
0xe3: {  	v22 =	vmul.f32 v24, v41;
	v24 =	vperm.xlane v36, v16;
	v20 =	vadd.f32 v20, v48  }
0xe4: {  	v29 =	vperm.xlane v36, v14;
	v21 =	vmul.f32 v21, v47;
	v30 =	vadd.f32 v49, v43  }
0xe5: {  	v18 =	vadd.f32 v18, v46;
	v43 =	vperm.xlane v36, v1;
	v36 =	vperm.xlane v36, v2  }
0xe6: {  	v21 =	vadd.f32 v21, v17;
	v35 =	vadd.f32 v51, v35;
	v30 =	vmul.f32 v30, v29  }
0xe7: {  	v22 =	vadd.f32 v22, v17;
	v19 =	vmul.f32 v19, v24;
	v18 =	vmul.f32 v18, v36;
	v46 =	vld [tilespmem:s11+$0x7910]  }
0xe8: {  	v21 =	vmax.f32 v21, $0.0e+00;
	v35 =	vmul.f32 v35, v43;
	v48 =	vld [tilespmem:s11+$0x78C0];
	v30 =	vadd.f32 v30, v17  }
0xe9: {  	v21 =	vmul.f32 v21, v47;
	v19 =	vadd.f32 v19, v17;
	v18 =	vadd.f32 v18, v17;
	v49 =	vld [tilespmem:s11+$0x5110]  }
0xea: {  	v20 =	vmul.f32 v20, v40;
	v35 =	vadd.f32 v35, v17;
	v30 =	vmax.f32 v30, $0.0e+00  }
0xeb: {  	v19 =	vmax.f32 v19, $0.0e+00;
	v18 =	vmax.f32 v18, $0.0e+00;
	[tilespmem:s11+$0x5150] =	vst v21;
	v21 =	vmul.f32 v30, v29  }
0xec: {  	v24 =	vmul.f32 v19, v24;
	v18 =	vmul.f32 v18, v36;
	v29 =	vmax.f32 v35, $0.0e+00  }
0xed: {  	v19 =	vmax.f32 v22, $0.0e+00;
	v20 =	vadd.f32 v20, v17;
	v29 =	vmul.f32 v29, v43;
	[tilespmem:s11+$0x5170] =	vst v21  }
0xee: {  	s12 =	sshra.s32 s16, $0x2;
	v30 =	vmul.f32 v19, v41;
	v21 =	vadd.f32 v48, v45;
	[tilespmem:s11+$0x50B0] =	vst v18;
	v22 =	vadd.f32 v46, v49  }
0xef: {  	v26 =	vmul.f32 v26, v34;
	v20 =	vmax.f32 v20, $0.0e+00;
	v19 =	vld [tilespmem:s12+$0x7990];
	[tilespmem:s11+$0x50A0] =	vst v29;
	v29 =	vadd.f32 v38, v17  }
0xf0: {  	v36 =	vadd.f32 v23, v17;
	v21 =	vmul.f32 v21, v33;
	v18 =	vld [tilespmem:s12+$0x78B0];
	v35 =	vmul.f32 v22, v31;
	[tilespmem:s11+$0x5190] =	vst v24  }
0xf1: {  	v24 =	vadd.f32 v26, v17;
	v26 =	vmul.f32 v20, v40;
	v22 =	vld [tilespmem:s12+$0x7920];
	v23 =	vmax.f32 v29, $0.0e+00;
	[tilespmem:s11+$0x50E0] =	vst v30  }
0xf2: {  	v29 =	vadd.f32 v21, v17;
	v20 =	vld [tilespmem:s12+$0x7960];
	v30 =	vmul.f32 v23, v42;
	v35 =	vadd.f32 v35, v17  }
0xf3: {  	v38 =	vadd.f32 v52, v17;
	v24 =	vmax.f32 v24, $0.0e+00;
	v23 =	vld [tilespmem:s12+$0x7980];
	[tilespmem:s11+$0x5160] =	vst v26;
	v26 =	vmax.f32 v36, $0.0e+00  }
0xf4: {  	v29 =	vmax.f32 v29, $0.0e+00;
	v21 =	vld [tilespmem:s12+$0x7950];
	[tilespmem:s11+$0x50D0] =	vst v30;
	v30 =	vmul.f32 v24, v34;
	v24 =	vmax.f32 v35, $0.0e+00  }
0xf5: {  	v29 =	vmul.f32 v29, v33;
	v33 =	vmax.f32 v38, $0.0e+00;
	v35 =	vld [tilespmem:s12+$0x7930];
	v31 =	vmul.f32 v24, v31  }
0xf6: {  	v32 =	vmul.f32 v33, v32;
	v33 =	vmul.f32 v26, v50;
	v24 =	vld [tilespmem:s12+$0x78E0];
	[tilespmem:s11+$0x50F0] =	vst v30;
	v30 =	vadd.f32 v39, v17  }
0xf7: {  	v34 =	vmul.f32 v37, v28;
	v26 =	vld [tilespmem:s12+$0x78F0];
	[tilespmem:s11+$0x50C0] =	vst v29;
	v29 =	vmax.f32 v44, $0.0e+00  }
.Ltmp0:
0xf8: {  	v28 =	vld [tilespmem:s12+$0x7940];
	v30 =	vmax.f32 v30, $0.0e+00;
	[tilespmem:s11+$0x5110] =	vst v31;
	v31 =	vmul.f32 v29, v27;
	(pc) =	sbr.rel @p0 .LBB2_2-.Ltmp0, $4  }
0xf9: {  	v29 =	vld [tilespmem:s12+$0x5150];
	v27 =	vmul.f32 v30, v25;
	[tilespmem:s11+$0x5120] =	vst v32  }
0xfa: {  	v30 =	vld [tilespmem:s12+$0x5190];
	[tilespmem:s11+$0x5130] =	vst v34  }
0xfb: {  	v25 =	vld [tilespmem:s12+$0x5130];
	[tilespmem:s11+$0x5140] =	vst v31  }
0xfc: {  	v34 =	vld [tilespmem:s12+$0x50E0];
	[tilespmem:s11+$0x5180] =	vst v33  }
0xfd: {  	v31 =	vld [tilespmem:s12+$0x5140];
	[tilespmem:s11+$0x5100] =	vst v27  }
0xfe: {  	v27 =	vld [tilespmem:s15+$0x0]  }
0xff: {  	v32 =	vld [tilespmem:s12+$0x50F0]  }
0x100: {  	v33 =	vld [tilespmem:s12+$0x7900]  }
0x101: {  	v36 =	vld [tilespmem:s12+$0x78D0]  }
0x102: {  	v37 =	vld [tilespmem:s12+$0x5100]  }
0x103: {  	v38 =	vld [tilespmem:s12+$0x5120]  }
0x104: {  	v41 =	vld [tilespmem:s12+$0x50D0]  }
0x105: {  	v42 =	vld [tilespmem:s12+$0x5180]  }
0x106: {  	v45 =	vld [tilespmem:s12+$0x50B0];
	v21 =	vadd.f32 v21, v29;
	v28 =	vadd.f32 v28, v31;
	v31 =	vperm.xlane v27, v7  }
0x107: {  	v47 =	vld [tilespmem:s12+$0x5160];
	v25 =	vadd.f32 v35, v25;
	v39 =	vperm.xlane v27, v11;
	v35 =	vperm.xlane v27, v5  }
0x108: {  	v48 =	vld [tilespmem:s12+$0x7970];
	v19 =	vadd.f32 v19, v30;
	v40 =	vperm.xlane v27, v10;
	v43 =	vperm.xlane v27, v8  }
0x109: {  	v55 =	vld [tilespmem:s12+$0x5170];
	v44 =	vperm.xlane v27, v3;
	v33 =	vadd.f32 v33, v37;
	v37 =	vperm.xlane v27, v9  }
0x10a: {  	v56 =	vld [tilespmem:s12+$0x78A0];
	v46 =	vperm.xlane v27, v12;
	v22 =	vadd.f32 v22, v38;
	v38 =	vperm.xlane v27, v13  }
0x10b: {  	v57 =	vld [tilespmem:s12+$0x50A0];
	v24 =	vadd.f32 v24, v34;
	v49 =	vperm.xlane v27, v4;
	v50 =	vperm.xlane v27, v15  }
0x10c: {  	v62 =	vld [tilespmem:s12+$0x7910];
	v36 =	vadd.f32 v36, v41;
	v34 =	vperm.xlane v27, v6;
	v58 =	vperm.xlane v27, v16  }
0x10d: {  	v51 =	vld [tilespmem:s12+$0x5110];
	v26 =	vadd.f32 v26, v32;
	v59 =	vperm.xlane v27, v14;
	v60 =	vperm.xlane v27, v1  }
0x10e: {  	v61 =	vld [tilespmem:s12+$0x50C0];
	v20 =	vadd.f32 v20, v47;
	v27 =	vperm.xlane v27, v2;
	v28 =	vmul.f32 v28, v39  }
0x10f: {  	v63 =	vld [tilespmem:s12+$0x78C0];
	v41 =	vadd.f32 v48, v55;
	v25 =	vmul.f32 v25, v40;
	v36 =	vmul.f32 v36, v49  }
0x110: {  	v18 =	vadd.f32 v18, v45;
	v22 =	vmul.f32 v22, v37;
	v24 =	vmul.f32 v24, v35  }
0x111: {  	v32 =	vadd.f32 v56, v57;
	v21 =	vmul.f32 v21, v46;
	v41 =	vmul.f32 v41, v59  }
0x112: {  	v55 =	vadd.f32 v62, v51;
	v18 =	vmul.f32 v18, v27;
	v19 =	vmul.f32 v19, v58  }
0x113: {  	v23 =	vadd.f32 v23, v42;
	v32 =	vmul.f32 v32, v60;
	v20 =	vmul.f32 v20, v38  }
0x114: {  	v54 =	vadd.f32 v63, v61;
	v26 =	vmul.f32 v26, v34;
	v57 =	vmul.f32 v55, v43  }
0x115: {  	v23 =	vmul.f32 v23, v50;
	v25 =	vadd.f32 v25, v17;
	v21 =	vadd.f32 v21, v17  }
0x116: {  	v61 =	vmul.f32 v33, v31;
	v28 =	vadd.f32 v28, v17;
	v41 =	vadd.f32 v41, v17  }
0x117: {  	v24 =	vadd.f32 v24, v17;
	v18 =	vadd.f32 v18, v17;
	v21 =	vmax.f32 v21, $0.0e+00  }
0x118: {  	v32 =	vadd.f32 v32, v17;
	v41 =	vmax.f32 v41, $0.0e+00;
	v21 =	vmul.f32 v21, v46  }
0x119: {  	v19 =	vadd.f32 v19, v17;
	v18 =	vmax.f32 v18, $0.0e+00;
	v30 =	vmul.f32 v41, v59  }
0x11a: {  	v20 =	vadd.f32 v20, v17;
	v32 =	vmax.f32 v32, $0.0e+00;
	v18 =	vmul.f32 v18, v27;
	[tilespmem:s12+$0x5150] =	vst v21  }
0x11b: {  	v22 =	vadd.f32 v22, v17;
	v19 =	vmax.f32 v19, $0.0e+00;
	v53 =	vmul.f32 v32, v60;
	[tilespmem:s12+$0x5170] =	vst v30  }
0x11c: {  	v56 =	vadd.f32 v36, v17;
	v20 =	vmax.f32 v20, $0.0e+00;
	v19 =	vmul.f32 v19, v58;
	[tilespmem:s12+$0x50B0] =	vst v18  }
0x11d: {  	v26 =	vadd.f32 v26, v17;
	v22 =	vmax.f32 v22, $0.0e+00;
	v20 =	vmul.f32 v20, v38;
	[tilespmem:s12+$0x50A0] =	vst v53  }
0x11e: {  	v24 =	vmax.f32 v24, $0.0e+00;
	v27 =	vmul.f32 v54, v44;
	v22 =	vmul.f32 v22, v37;
	[tilespmem:s12+$0x5190] =	vst v19  }
0x11f: {  	v23 =	vadd.f32 v23, v17;
	v59 =	vmax.f32 v26, $0.0e+00;
	v18 =	vmul.f32 v24, v35;
	[tilespmem:s12+$0x5160] =	vst v20  }
0x120: {  	v19 =	vmax.f32 v56, $0.0e+00;
	v58 =	vadd.f32 v27, v17;
	v21 =	vmul.f32 v59, v34;
	[tilespmem:s12+$0x5120] =	vst v22  }
0x121: {  	v63 =	vmax.f32 v28, $0.0e+00;
	[tilespmem:s12+$0x50E0] =	vst v18;
	v18 =	vmul.f32 v19, v49;
	v19 =	vadd.f32 v57, v17  }
0x122: {  	v20 =	vmul.f32 v63, v39;
	v60 =	vmax.f32 v58, $0.0e+00;
	[tilespmem:s12+$0x50F0] =	vst v21;
	v17 =	vadd.f32 v61, v17  }
0x123: {  	[tilespmem:s12+$0x50D0] =	vst v18;
	v18 =	vmax.f32 v19, $0.0e+00;
	v19 =	vmul.f32 v60, v44  }
0x124: {  	[tilespmem:s12+$0x5140] =	vst v20;
	v17 =	vmax.f32 v17, $0.0e+00;
	v18 =	vmul.f32 v18, v43  }
0x125: {  	v62 =	vmax.f32 v25, $0.0e+00;
	v17 =	vmul.f32 v17, v31;
	[tilespmem:s12+$0x50C0] =	vst v19  }
0x126: {  	v19 =	vmul.f32 v62, v40;
	[tilespmem:s12+$0x5110] =	vst v18;
	v18 =	vmax.f32 v23, $0.0e+00  }
0x127: {  	[tilespmem:s12+$0x5100] =	vst v17;
	v18 =	vmul.f32 v18, v50  }
0x128: {  	[tilespmem:s12+$0x5130] =	vst v19  }
0x129: {  	[tilespmem:s12+$0x5180] =	vst v18  }
0x12a: {  	[spmem:s17] =	stream.linear.scatter [tilespmem:s25], [sflag:$0x9], $0x2800, $0x38;
	[tilespmem:$0x104B0] =	vst v63  }
0x12b: {  	_ =	swait.ge [sflag:s23], $0x2800  }
0x12c: {  	[sflag:s23] =	ssyncset.done $0x0  }
0x12d: {  	s15 =	simm.s32 $0x0;
	[sflag:s23] =	ssyncadd.s32 $0xFFFFD800  }
0x12e: {  	[tilespmem:s15], [sflag:$0x9] =	stream.linear.gather [hbm4b:s18+s15], $0x2710, $0x38;
	[tilespmem:$0x104B0] =	vst v63  }
0x12f: {  	_ =	swait.ge [sflag:s23], $0x2710  }
0x130: {  	[sflag:s23] =	ssyncset.done $0x0  }
0x131: {  	s16 =	simm.s32 $0x2710;
	[sflag:s23] =	ssyncadd.s32 $0xFFFFD8F0  }
0x132: {  	[tilespmem:s16], [sflag:$0x9] =	stream.linear.gather [hbm4b:s19+s15], $0x2710, $0x38;
	[tilespmem:$0x104B0] =	vst v63  }
0x133: {  	_ =	swait.ge [sflag:s23], $0x2710  }
0x134: {  	[sflag:s23] =	ssyncset.done $0x0  }
0x135: {  	[sflag:s23] =	ssyncadd.s32 $0xFFFFD8F0  }
0x136: {  	[bflag:$0x0] =	sbarrier.arrive $0xFFFF  }
0x137: {  	[tilespmem:s22], [sflag:$0x1] =	stream.indirect.gather [spmem:s4], $0x10, s15, s29, $0xb8;
	[tilespmem:$0x104B0] =	vst v63  }
0x138: {  	_ = 	snop  }
0x139: {  	[tilespmem:s30], [sflag:$0x2] =	stream.indirect.gather [spmem:s4], $0x10, s29, s29, $0xb8;
	[tilespmem:$0x104B0] =	vst v63  }
0x13a: {  	s13 =	simm.s32 $0xA0  }
0x13b: {  	[tilespmem:s0], [sflag:$0x3] =	stream.indirect.gather [spmem:s4], $0x10, s13, s29, $0xb8;
	[tilespmem:$0x104B0] =	vst v63  }
0x13c: {  	s14 =	simm.s32 $0xF0  }
0x13d: {  	[tilespmem:s2], [sflag:$0x4] =	stream.indirect.gather [spmem:s4], $0x10, s14, s29, $0xb8;
	[tilespmem:$0x104B0] =	vst v63  }
0x13e: {  	_ =	swait.ge [sflag:s24], $0x500  }
0x13f: {  	[sflag:s24] =	ssyncset.done $0x0  }
0x140: {  	s15 =	simm.s32 $0x2710;
	[sflag:s24] =	ssyncadd.s32 $0xFFFFFB00  }
0x141: {  	[spmem:s3] =	stream.indirect.scatter.add.f32 [tilespmem:s22], [sflag:$0x5], $0x10, s15, s29, $0xb8;
	[tilespmem:$0x104B0] =	vst v63  }
0x142: {  	_ =	swait.ge [sflag:s26], $0x500  }
0x143: {  	[sflag:s26] =	ssyncset.done $0x0  }
0x144: {  	s16 =	simm.s32 $0x2760;
	[sflag:s26] =	ssyncadd.s32 $0xFFFFFB00  }
0x145: {  	[spmem:s3] =	stream.indirect.scatter.add.f32 [tilespmem:s30], [sflag:$0x6], $0x10, s16, s29, $0xb8;
	[tilespmem:$0x104B0] =	vst v63  }
0x146: {  	_ =	swait.ge [sflag:s28], $0x500  }
0x147: {  	[sflag:s28] =	ssyncset.done $0x0  }
0x148: {  	s12 =	simm.s32 $0x27B0;
	[sflag:s28] =	ssyncadd.s32 $0xFFFFFB00  }
0x149: {  	[spmem:s3] =	stream.indirect.scatter.add.f32 [tilespmem:s0], [sflag:$0x7], $0x10, s12, s29, $0xb8;
	[tilespmem:$0x104B0] =	vst v63  }
0x14a: {  	_ =	swait.ge [sflag:s31], $0x500  }
0x14b: {  	[sflag:s31] =	ssyncset.done $0x0  }
0x14c: {  	s13 =	simm.s32 $0x2800;
	[sflag:s31] =	ssyncadd.s32 $0xFFFFFB00  }
0x14d: {  	[spmem:s3] =	stream.indirect.scatter.add.f32 [tilespmem:s2], [sflag:$0x8], $0x10, s13, s29, $0xb8;
	[tilespmem:$0x104B0] =	vst v63  }
0x14e: {  	_ =	swait.ge [sflag:s1], $0x500  }
0x14f: {  	[sflag:s1] =	ssyncset.done $0x0  }
0x150: {  	s14 =	simm.s32 $0x140;
	[sflag:s1] =	ssyncadd.s32 $0xFFFFFB00  }
0x151: {  	[tilespmem:s22], [sflag:$0x1] =	stream.indirect.gather [spmem:s4], $0x10, s14, s29, $0xb8;
	[tilespmem:$0x104B0] =	vst v63  }
0x152: {  	_ =	swait.ge [sflag:s7], $0x500  }
0x153: {  	[sflag:s7] =	ssyncset.done $0x0  }
0x154: {  	s15 =	simm.s32 $0x190;
	[sflag:s7] =	ssyncadd.s32 $0xFFFFFB00  }
0x155: {  	[tilespmem:s30], [sflag:$0x2] =	stream.indirect.gather [spmem:s4], $0x10, s15, s29, $0xb8;
	[tilespmem:$0x104B0] =	vst v63  }
0x156: {  	_ =	swait.ge [sflag:s8], $0x500  }
0x157: {  	[sflag:s8] =	ssyncset.done $0x0  }
0x158: {  	s16 =	simm.s32 $0x1E0;
	[sflag:s8] =	ssyncadd.s32 $0xFFFFFB00  }
0x159: {  	[tilespmem:s0], [sflag:$0x3] =	stream.indirect.gather [spmem:s4], $0x10, s16, s29, $0xb8;
	[tilespmem:$0x104B0] =	vst v63  }
0x15a: {  	_ =	swait.ge [sflag:s9], $0x500  }
0x15b: {  	[sflag:s9] =	ssyncset.done $0x0  }
0x15c: {  	s11 =	simm.s32 $0x500;
	s12 =	simm.s32 $0x230;
	[sflag:s9] =	ssyncadd.s32 $0xFFFFFB00  }
.LBB2_4:
0x15d: {  	[tilespmem:s2], [sflag:$0x4] =	stream.indirect.gather [spmem:s4], $0x10, s12, s29, $0xb8;
	[tilespmem:$0x104B0] =	vst v63  }
0x15e: {  	s12 =	smov.u32 s11  }
0x15f: {  	p0 =	sne.s32 s11, $0x9100;
	s11 =	sadd.s32 $0x500, s11;
	_ =	swait.ge [sflag:s24], $0x500  }
0x160: {  	s12 =	sshra.s32 s12, $0x2;
	[sflag:s24] =	ssyncset.done $0x0  }
0x161: {  	s13 =	sadd.s32 $0x2710, s12;
	[sflag:s24] =	ssyncadd.s32 $0xFFFFFB00  }
0x162: {  	[spmem:s3] =	stream.indirect.scatter.add.f32 [tilespmem:s22], [sflag:$0x5], $0x10, s13, s29, $0xb8;
	[tilespmem:$0x104B0] =	vst v63  }
0x163: {  	_ =	swait.ge [sflag:s26], $0x500  }
0x164: {  	[sflag:s26] =	ssyncset.done $0x0  }
0x165: {  	s13 =	sadd.s32 $0x2760, s12;
	[sflag:s26] =	ssyncadd.s32 $0xFFFFFB00  }
0x166: {  	[spmem:s3] =	stream.indirect.scatter.add.f32 [tilespmem:s30], [sflag:$0x6], $0x10, s13, s29, $0xb8;
	[tilespmem:$0x104B0] =	vst v63  }
0x167: {  	_ =	swait.ge [sflag:s28], $0x500  }
0x168: {  	[sflag:s28] =	ssyncset.done $0x0  }
0x169: {  	s13 =	sadd.s32 $0x27B0, s12;
	[sflag:s28] =	ssyncadd.s32 $0xFFFFFB00  }
0x16a: {  	[spmem:s3] =	stream.indirect.scatter.add.f32 [tilespmem:s0], [sflag:$0x7], $0x10, s13, s29, $0xb8;
	[tilespmem:$0x104B0] =	vst v63  }
0x16b: {  	_ =	swait.ge [sflag:s31], $0x500  }
0x16c: {  	[sflag:s31] =	ssyncset.done $0x0  }
0x16d: {  	s13 =	sadd.s32 $0x2800, s12;
	[sflag:s31] =	ssyncadd.s32 $0xFFFFFB00  }
0x16e: {  	[spmem:s3] =	stream.indirect.scatter.add.f32 [tilespmem:s2], [sflag:$0x8], $0x10, s13, s29, $0xb8;
	[tilespmem:$0x104B0] =	vst v63  }
0x16f: {  	_ =	swait.ge [sflag:s1], $0x500  }
0x170: {  	[sflag:s1] =	ssyncset.done $0x0  }
0x171: {  	s13 =	sadd.s32 $0x140, s12;
	[sflag:s1] =	ssyncadd.s32 $0xFFFFFB00  }
0x172: {  	[tilespmem:s22], [sflag:$0x1] =	stream.indirect.gather [spmem:s4], $0x10, s13, s29, $0xb8;
	[tilespmem:$0x104B0] =	vst v63  }
0x173: {  	_ =	swait.ge [sflag:s7], $0x500  }
0x174: {  	[sflag:s7] =	ssyncset.done $0x0  }
0x175: {  	s13 =	sadd.s32 $0x190, s12;
	[sflag:s7] =	ssyncadd.s32 $0xFFFFFB00  }
0x176: {  	[tilespmem:s30], [sflag:$0x2] =	stream.indirect.gather [spmem:s4], $0x10, s13, s29, $0xb8;
	[tilespmem:$0x104B0] =	vst v63  }
0x177: {  	_ =	swait.ge [sflag:s8], $0x500  }
0x178: {  	[sflag:s8] =	ssyncset.done $0x0  }
.Ltmp1:
0x179: {  	s13 =	sadd.s32 $0x1E0, s12;
	[sflag:s8] =	ssyncadd.s32 $0xFFFFFB00;
	(pc) =	sbr.rel @p0 .LBB2_4-.Ltmp1, $4  }
0x17a: {  	[tilespmem:s0], [sflag:$0x3] =	stream.indirect.gather [spmem:s4], $0x10, s13, s29, $0xb8;
	[tilespmem:$0x104B0] =	vst v63  }
0x17b: {  	_ =	swait.ge [sflag:s9], $0x500  }
0x17c: {  	[sflag:s9] =	ssyncset.done $0x0  }
0x17d: {  	s12 =	sadd.s32 $0x230, s12;
	[sflag:s9] =	ssyncadd.s32 $0xFFFFFB00  }
0x17e: {  	[tilespmem:s2], [sflag:$0x4] =	stream.indirect.gather [spmem:s4], $0x10, s12, s29, $0xb8;
	[tilespmem:$0x104B0] =	vst v63  }
0x17f: {  	_ =	swait.ge [sflag:s24], $0x500  }
0x180: {  	[sflag:s24] =	ssyncset.done $0x0  }
0x181: {  	s11 =	simm.s32 $0x4C90;
	[sflag:s24] =	ssyncadd.s32 $0xFFFFFB00  }
0x182: {  	[spmem:s3] =	stream.indirect.scatter.add.f32 [tilespmem:s22], [sflag:$0x5], $0x10, s11, s29, $0xb8;
	[tilespmem:$0x104B0] =	vst v63  }
0x183: {  	_ =	swait.ge [sflag:s26], $0x500  }
0x184: {  	[sflag:s26] =	ssyncset.done $0x0  }
0x185: {  	s12 =	simm.s32 $0x4CE0;
	[sflag:s26] =	ssyncadd.s32 $0xFFFFFB00  }
0x186: {  	[spmem:s3] =	stream.indirect.scatter.add.f32 [tilespmem:s30], [sflag:$0x6], $0x10, s12, s29, $0xb8;
	[tilespmem:$0x104B0] =	vst v63  }
0x187: {  	_ =	swait.ge [sflag:s28], $0x500  }
0x188: {  	[sflag:s28] =	ssyncset.done $0x0  }
0x189: {  	s13 =	simm.s32 $0x4D30;
	[sflag:s28] =	ssyncadd.s32 $0xFFFFFB00  }
0x18a: {  	[spmem:s3] =	stream.indirect.scatter.add.f32 [tilespmem:s0], [sflag:$0x7], $0x10, s13, s29, $0xb8;
	[tilespmem:$0x104B0] =	vst v63  }
0x18b: {  	_ =	swait.ge [sflag:s31], $0x500  }
0x18c: {  	[sflag:s31] =	ssyncset.done $0x0  }
0x18d: {  	s14 =	simm.s32 $0x4D80;
	[sflag:s31] =	ssyncadd.s32 $0xFFFFFB00  }
0x18e: {  	[spmem:s3] =	stream.indirect.scatter.add.f32 [tilespmem:s2], [sflag:$0x8], $0x10, s14, s29, $0xb8;
	[tilespmem:$0x104B0] =	vst v63  }
0x18f: {  	_ =	swait.ge [sflag:s1], $0x500  }
0x190: {  	[sflag:s1] =	ssyncset.done $0x0  }
0x191: {  	s15 =	simm.s32 $0x26C0;
	[sflag:s1] =	ssyncadd.s32 $0xFFFFFB00  }
0x192: {  	[tilespmem:s22], [sflag:$0x1] =	stream.indirect.gather [spmem:s4], $0x10, s15, s29, $0xb8;
	[tilespmem:$0x104B0] =	vst v63  }
0x193: {  	_ =	swait.ge [sflag:s24], $0x500  }
0x194: {  	[sflag:s24] =	ssyncset.done $0x0  }
0x195: {  	s16 =	simm.s32 $0x4DD0;
	[sflag:s24] =	ssyncadd.s32 $0xFFFFFB00  }
0x196: {  	[spmem:s3] =	stream.indirect.scatter.add.f32 [tilespmem:s22], [sflag:$0x5], $0x10, s16, s29, $0xb8;
	[tilespmem:$0x104B0] =	vst v63  }
0x197: {  	_ =	swait.ge [sflag:s1], $0x500  }
0x198: {  	[sflag:s1] =	ssyncset.done $0x0  }
0x199: {  	[sflag:s1] =	ssyncadd.s32 $0xFFFFFB00  }
0x19a: {  	_ =	swait.ge [sflag:s7], $0x500  }
0x19b: {  	[sflag:s7] =	ssyncset.done $0x0  }
0x19c: {  	[sflag:s7] =	ssyncadd.s32 $0xFFFFFB00  }
0x19d: {  	_ =	swait.ge [sflag:s8], $0x500  }
0x19e: {  	[sflag:s8] =	ssyncset.done $0x0  }
0x19f: {  	[sflag:s8] =	ssyncadd.s32 $0xFFFFFB00  }
0x1a0: {  	_ =	swait.ge [sflag:s9], $0x500  }
0x1a1: {  	[sflag:s9] =	ssyncset.done $0x0  }
0x1a2: {  	[sflag:s9] =	ssyncadd.s32 $0xFFFFFB00  }
0x1a3: {  	[bflag:$0x0] =	sbarrier.arrive $0xFFFF  }
0x1a4: {  	[tilespmem:s25], [sflag:$0x9] =	stream.linear.gather [spmem:s6], $0x2800, $0x38;
	[tilespmem:$0x104B0] =	vst v63  }
0x1a5: {  	_ =	swait.ge [sflag:s23], $0x2800  }
0x1a6: {  	[sflag:s23] =	ssyncset.done $0x0  }
0x1a7: {  	s11 =	simm.s32 $0x5120;
	[sflag:s23] =	ssyncadd.s32 $0xFFFFD800  }
0x1a8: {  	s12 =	simm.s32 $0x5120;
	s13 =	simm.s32 $0x40;
	s14 =	simm.s32 $0x0;
	v17 =	vld [tilespmem:s11+$0xFFFFFFB0]  }
.LBB2_6:
0x1a9: {  	p0 =	sne.s32 s13, $0x9C0;
	v18 =	vld [tilespmem:s14+$0x4E20]  }
0x1aa: {  	v19 =	vld [tilespmem:s11+$0xFFFFFF90]  }
0x1ab: {  	v20 =	vld [tilespmem:s11+$0xFFFFFF80]  }
0x1ac: {  	v21 =	vld [tilespmem:s11+$0xFFFFFFA0]  }
0x1ad: {  	v22 =	vld [tilespmem:s11+$0xFFFFFFF0]  }
0x1ae: {  	v23 =	vperm.xlane v18, v1;
	v24 =	vperm.xlane v18, v2;
	v25 =	vld [tilespmem:s11+$0xFFFFFFD0]  }
0x1af: {  	v26 =	vperm.xlane v18, v3;
	v27 =	vperm.xlane v18, v4;
	v28 =	vld [tilespmem:s11+$0xFFFFFFC0]  }
0x1b0: {  	v20 =	vmul.f32 v20, v23;
	v19 =	vmul.f32 v19, v24;
	v23 =	vld [tilespmem:s11+$0xFFFFFFE0]  }
0x1b1: {  	v17 =	vmul.f32 v17, v27;
	v21 =	vmul.f32 v21, v26;
	v24 =	vld [tilespmem:s11+$0x30]  }
0x1b2: {  	v26 =	vperm.xlane v18, v6;
	[tilespmem:s11+$0xFFFFFF80] =	vst v20;
	v20 =	vperm.xlane v18, v5;
	v27 =	vld [tilespmem:s11+$0x10]  }
0x1b3: {  	v29 =	vperm.xlane v18, v8;
	[tilespmem:s11+$0xFFFFFF90] =	vst v19;
	v19 =	vperm.xlane v18, v7;
	v30 =	vld [tilespmem:s11+$0x0]  }
0x1b4: {  	[tilespmem:s11+$0xFFFFFFA0] =	vst v21;
	v20 =	vmul.f32 v28, v20;
	v21 =	vmul.f32 v25, v26;
	v25 =	vld [tilespmem:s11+$0x20]  }
0x1b5: {  	[tilespmem:s11+$0xFFFFFFB0] =	vst v17;
	v17 =	vmul.f32 v23, v19;
	v19 =	vmul.f32 v22, v29;
	v22 =	vld [tilespmem:s11+$0x70]  }
0x1b6: {  	v23 =	vperm.xlane v18, v10;
	[tilespmem:s11+$0xFFFFFFC0] =	vst v20;
	v20 =	vperm.xlane v18, v9;
	v26 =	vld [tilespmem:s11+$0x50]  }
0x1b7: {  	v28 =	vperm.xlane v18, v12;
	[tilespmem:s11+$0xFFFFFFD0] =	vst v21;
	v21 =	vperm.xlane v18, v11;
	v29 =	vld [tilespmem:s11+$0x40]  }
0x1b8: {  	[tilespmem:s11+$0xFFFFFFE0] =	vst v17;
	v17 =	vmul.f32 v30, v20;
	v20 =	vmul.f32 v27, v23;
	v23 =	vld [tilespmem:s11+$0x60]  }
0x1b9: {  	[tilespmem:s11+$0xFFFFFFF0] =	vst v19;
	v19 =	vmul.f32 v25, v21;
	v21 =	vmul.f32 v24, v28  }
0x1ba: {  	v24 =	vperm.xlane v18, v14;
	[tilespmem:s11+$0x0] =	vst v17;
	v17 =	vperm.xlane v18, v13  }
0x1bb: {  	[tilespmem:s11+$0x10] =	vst v20;
	v20 =	vperm.xlane v18, v15;
	v18 =	vperm.xlane v18, v16  }
0x1bc: {  	[tilespmem:s11+$0x20] =	vst v19;
	v17 =	vmul.f32 v29, v17;
	v19 =	vmul.f32 v26, v24  }
.Ltmp2:
0x1bd: {  	[tilespmem:s11+$0x30] =	vst v21;
	v20 =	vmul.f32 v23, v20;
	v18 =	vmul.f32 v22, v18;
	(pc) =	sbr.rel @p0 .LBB2_6-.Ltmp2, $4  }
0x1be: {  	[tilespmem:s11+$0x40] =	vst v17  }
0x1bf: {  	[tilespmem:s11+$0x50] =	vst v19  }
0x1c0: {  	s11 =	sadd.s32 $0x100, s11;
	[tilespmem:s12+$0x60] =	vst v20  }
0x1c1: {  	s14 =	sshra.s32 s13, $0x2;
	s13 =	sadd.s32 $0x40, s13;
	v17 =	vld [tilespmem:s11+$0xFFFFFFB0];
	[tilespmem:s12+$0x70] =	vst v18;
	s12 =	smov.u32 s11  }
0x1c2: {  	v18 =	vld [tilespmem:s14+$0x4E20];
	_ =	sdelay $0x1  }
0x1c3: {  	v19 =	vld [tilespmem:s11+$0xFFFFFF80]  }
0x1c4: {  	v20 =	vld [tilespmem:s11+$0xFFFFFF90]  }
0x1c5: {  	v21 =	vld [tilespmem:s11+$0xFFFFFFA0]  }
0x1c6: {  	v22 =	vperm.xlane v18, v1  }
0x1c7: {  	v25 =	vld [tilespmem:s11+$0xFFFFFFD0];
	v23 =	vperm.xlane v18, v2  }
0x1c8: {  	v24 =	vld [tilespmem:s11+$0xFFFFFFC0];
	v26 =	vperm.xlane v18, v3;
	v19 =	vmul.f32 v19, v22  }
0x1c9: {  	v48 =	vld [tilespmem:s11+$0xFFFFFFE0];
	v47 =	vperm.xlane v18, v4;
	v20 =	vmul.f32 v20, v23  }
0x1ca: {  	v51 =	vld [tilespmem:s11+$0x10];
	v49 =	vperm.xlane v18, v6;
	v21 =	vmul.f32 v21, v26;
	[tilespmem:s11+$0xFFFFFF80] =	vst v19  }
0x1cb: {  	v27 =	vld [tilespmem:s11+$0xFFFFFFF0];
	v17 =	vmul.f32 v17, v47;
	v19 =	vperm.xlane v18, v5;
	[tilespmem:s11+$0xFFFFFF90] =	vst v20  }
0x1cc: {  	v50 =	vld [tilespmem:s11+$0x0];
	v28 =	vperm.xlane v18, v7;
	v22 =	vmul.f32 v25, v49;
	[tilespmem:s11+$0xFFFFFFA0] =	vst v21  }
0x1cd: {  	v56 =	vld [tilespmem:s11+$0x50];
	v54 =	vperm.xlane v18, v10;
	[tilespmem:s11+$0xFFFFFFB0] =	vst v17;
	v19 =	vmul.f32 v24, v19  }
0x1ce: {  	v53 =	vld [tilespmem:s11+$0x20];
	v52 =	vperm.xlane v18, v8;
	v23 =	vmul.f32 v48, v28;
	[tilespmem:s11+$0xFFFFFFD0] =	vst v22  }
0x1cf: {  	v59 =	vmul.f32 v51, v54;
	v17 =	vld [tilespmem:s11+$0x30];
	[tilespmem:s11+$0xFFFFFFC0] =	vst v19;
	v19 =	vperm.xlane v18, v9  }
0x1d0: {  	v55 =	vld [tilespmem:s11+$0x40];
	v62 =	vperm.xlane v18, v14;
	v21 =	vmul.f32 v27, v52;
	[tilespmem:s11+$0xFFFFFFE0] =	vst v23  }
0x1d1: {  	v60 =	vld [tilespmem:s11+$0x60];
	v57 =	vperm.xlane v18, v11;
	[tilespmem:s11+$0x10] =	vst v59;
	v19 =	vmul.f32 v50, v19  }
0x1d2: {  	v61 =	vld [tilespmem:s11+$0x70];
	v58 =	vperm.xlane v18, v12;
	v20 =	vmul.f32 v56, v62;
	[tilespmem:s11+$0xFFFFFFF0] =	vst v21  }
0x1d3: {  	v24 =	vmul.f32 v53, v57;
	[tilespmem:s11+$0x0] =	vst v19;
	v19 =	vperm.xlane v18, v13  }
0x1d4: {  	v63 =	vperm.xlane v18, v15;
	[tilespmem:s11+$0x50] =	vst v20;
	v17 =	vmul.f32 v17, v58  }
0x1d5: {  	[tilespmem:s11+$0x20] =	vst v24;
	v18 =	vperm.xlane v18, v16;
	v19 =	vmul.f32 v55, v19  }
0x1d6: {  	[tilespmem:s11+$0x30] =	vst v17;
	v17 =	vmul.f32 v60, v63  }
0x1d7: {  	s10 =	sadd.s32 $0x1, s10;
	v18 =	vmul.f32 v61, v18;
	[tilespmem:s11+$0x40] =	vst v19  }
0x1d8: {  	p0 =	sne.s32 s10, s21;
	[tilespmem:s12+$0x60] =	vst v17  }
.Ltmp3:
0x1d9: {  	[tilespmem:s12+$0x70] =	vst v18;
	(pc) =	sbr.rel @p0 .LBB2_1-.Ltmp3, $4  }
0x1da: {  	[hbm4b:s20+s5] =	stream.linear.scatter [tilespmem:s25], [sflag:$0x9], $0x2800, $0x38;
	[tilespmem:$0x104B0] =	vst v63  }
0x1db: {  	_ =	swait.ge [sflag:s23], $0x2800  }
0x1dc: {  	[sflag:s23] =	ssyncset.done $0x0  }
0x1dd: {  	[sflag:s23] =	ssyncadd.s32 $0xFFFFD800  }
0x1de: {  	_ =	sfence.sel $0x180000  }
0x1df: {  	[bflag:$0x0] =	sbarrier.arrive $0xFFFF  }
0x1e0: {  	_ =	strace $0x9000004D  }
0x1e1: {  	s0 =	stileid.u32;
	[bflag:$0x2] =	sbarrier.arrive $0xFFFF  }
0x1e2: {  	p0 =	sne.s32 s0, $0x0;
	s0 =	rddreg [dreg:$0x5]  }
0x1e3: {  	s0 =	sadd.s32 @!p0 $0x100000, s0  }
0x1e4: {  	[sflag:s0] =	ssyncadd.tile.s32 @!p0 $0x1;
	_ =	shalt  }
.Lfunc_end2:
_tile_overlayer_lowered:
.L_overlay_start_2:
0x1e5: {  	(tag) =	ssettag $0x2  }
0x1e6: {  	s0 =	rddreg [dreg:$0x0];
	s2 =	stileid.u32  }
0x1e7: {  	s1 =	rddreg [dreg:$0x1];
	p0 =	sne.s32 s2, $0x0  }
0x1e8: {  	s3 =	rddreg [dreg:$0x2];
	[bflag:$0x3] =	sbarrier.arrive $0xFFFF;
	s2 =	simm.s32 @!p0 $0x1C09  }
0x1e9: {  	[timem:s3], [sflag:s2] =	dma.local @!p0 [hbm:s0], s1  }
0x1ea: {  	s0 =	simm.s32 @!p0 $0x9  }
0x1eb: {  	_ =	swait.ge @!p0 [sflag:s0], s1  }
0x1ec: {  	s1 =	ssub.s32 @!p0 $0x0, s1;
	[sflag:s0] =	ssyncset.done @!p0 $0x0  }
0x1ed: {  	[sflag:s0] =	ssyncadd.s32 @!p0 s1  }
0x1ee: {  	[bflag:$0x3] =	sbarrier.arrive $0xFFFF  }
0x1ef: {  	_ =	shalt  }

// kernel: kernel.7.cloned.1.call-start
scs
__scs_entry_jumppad:
0x0: {  	(pc) =	sbr.rel $0x88, $3  }
0x1: {  	(tag) =	ssettag $0x0;
	lr =	simm.s32 $0x1  }
0x2: {  	[smem:$0x3F9B] =	sst lr;
	_ =	strace $0xD0000000  }
0x3: {  	_ = 	snop  }
0x4: {  	_ = 	snop  }
0x5: {  	_ = 	snop  }
0x6: {  	_ = 	snop  }
0x7: {  	_ = 	snop  }
__scs_overlays_trampoline_lowered:
0x8: {  	[smem:$0x3FAA] =	sst s0  }
0x9: {  	[smem:$0x3FAB] =	sst s1  }
0xa: {  	[smem:$0x3FAC] =	sst s2  }
0xb: {  	[smem:$0x3FAD] =	sst s3  }
0xc: {  	[smem:$0x3FAE] =	sst s4  }
0xd: {  	[smem:$0x3FAF] =	sst s5  }
0xe: {  	[smem:$0x3FB0] =	sst s6  }
0xf: {  	[smem:$0x3FB1] =	sst s7  }
0x10: {  	[smem:$0x3FB2] =	sst s8  }
0x11: {  	[smem:$0x3FB3] =	sst s9;
	s0 =	simm.s32 @!p0 $0x0  }
0x12: {  	s1 =	sld [smem:$0x3F99];
	s0 =	simm.s32 @p0 $0x1  }
0x13: {  	[smem:$0x3FB4] =	sst s0;
	s0 =	simm.s32 @!p1 $0x0  }
0x14: {  	s2 =	sld [smem:$0x3F98];
	s0 =	simm.s32 @p1 $0x1  }
0x15: {  	[smem:$0x3FB5] =	sst s0;
	s0 =	simm.s32 @!p2 $0x0  }
0x16: {  	s3 =	sld [smem:$0x3FDB];
	s0 =	simm.s32 @p2 $0x1  }
0x17: {  	s4 =	simm.s32 $0x1BF5;
	[smem:$0x3FB7] =	sst s0  }
0x18: {  	s0 =	sld [smem:$0x3F9A];
	_ =	swait.ge [sflag:s4], $0x0  }
0x19: {  	s7 =	sld [smem:$0x3F9B]  }
0x1a: {  	s8 =	sadd.s32 $0xFFFFE003, lr  }
0x1b: {  	s9 =	sadd.s32 $0xFFFFFEF7, lr;
	s5 =	simm.s32 $0xFFFFFFFF;
	p2 =	slt.u32 s8, $0xFFFFF086  }
0x1c: {  	p1 =	slt.u32 s9, $0xF7A;
	s5 =	simm.s32 @!p2 $0x0  }
0x1d: {  	s5 =	simm.s32 @p1 $0x1;
	p0 =	seq.s32 s7, s2  }
0x1e: {  	s7 =	smul.u32 @!p0 $0xF7A, s2;
	p2 =	seq.s32 @!p0 s5, $0x0  }
0x1f: {  	s9 =	smul.u32 $0xF7A, s1;
	s8 =	simm.s32 @!p0 $0x1BF5;
	p2 =	por !p2, p0  }
0x20: {  	[sflag:s8] =	ssyncset.s32 @!p0 $0xFFFFF086;
	s6 =	sadd.s32 @!p0 s3, s7;
	s7 =	simm.s32 @!p0 $0x108  }
0x21: {  	s3 =	sadd.s32 s3, s9;
	s6 =	sadd.s32 @!p0 $0x88, s6;
	s7 =	simm.s32 @p2 $0x1082  }
0x22: {  	[simem:s7], [sflag:s8] =	dma.local @!p0 [hbm:s6], $0xF7A  }
0x23: {  	s9 =	sor.u32 $0xD0000000, s2;
	s6 =	simm.s32 $0x108;
	_ =	swait.ge @!p0 [sflag:s8], $0x0  }
0x24: {  	s3 =	sadd.s32 $0x88, s3;
	s6 =	simm.s32 @!p1 $0x1082;
	[sflag:s4] =	ssyncset.s32 $0xFFFFF086  }
0x25: {  	[simem:s6], [sflag:s4] =	dma.local [hbm:s3], $0xF7A  }
0x26: {  	[smem:$0x3F9B] =	sst s1;
	(tag) =	ssettag s2;
	_ =	strace s9  }
0x27: {  	s1 =	sld [smem:$0x3FAB]  }
0x28: {  	s2 =	sld [smem:$0x3FAC]  }
0x29: {  	s4 =	sld [smem:$0x3FAE]  }
0x2a: {  	p0 =	seq.s32 s5, $0x0;
	s5 =	sld [smem:$0x3FAF]  }
0x2b: {  	s6 =	sld [smem:$0x3FB0]  }
0x2c: {  	s7 =	sld [smem:$0x3FB1]  }
0x2d: {  	s3 =	simm.s32 $0x108;
	s8 =	sld [smem:$0x3FB2]  }
0x2e: {  	s3 =	simm.s32 @!p0 $0x1082;
	s9 =	sld [smem:$0x3FB3]  }
0x2f: {  	lr =	sadd.s32 s0, s3;
	s0 =	sld [smem:$0x3FAA]  }
0x30: {  	s3 =	sld [smem:$0x3FAD]  }
0x31: {  	[smem:$0x3FB6] =	sst s10  }
0x32: {  	s10 =	sld [smem:$0x3FB4];
	_ =	sdelay $0x3  }
0x33: {  	p0 =	seq.s32 s10, $0x1;
	s10 =	sld [smem:$0x3FB6];
	_ =	sdelay $0x3  }
0x34: {  	[smem:$0x3FB6] =	sst s10  }
0x35: {  	s10 =	sld [smem:$0x3FB5];
	_ =	sdelay $0x3  }
0x36: {  	p1 =	seq.s32 s10, $0x1;
	s10 =	sld [smem:$0x3FB6];
	_ =	sdelay $0x3  }
0x37: {  	[smem:$0x3FB6] =	sst s10  }
0x38: {  	s10 =	sld [smem:$0x3FB7]  }
0x39: {  	_ = 	snop;
	(pc) =	sbr.ind lr, $3  }
0x3a: {  	_ = 	snop  }
0x3b: {  	_ = 	snop  }
0x3c: {  	p2 =	seq.s32 s10, $0x1;
	s10 =	sld [smem:$0x3FB6]  }
0x3d: {  	_ =	shalt  }
0x3e: {  	_ =	shalt  }
0x3f: {  	_ =	shalt  }
0x40: {  	_ =	shalt  }
0x41: {  	_ =	shalt  }
0x42: {  	_ =	shalt  }
0x43: {  	_ =	shalt  }
0x44: {  	_ =	shalt  }
0x45: {  	_ =	shalt  }
0x46: {  	_ =	shalt  }
0x47: {  	_ =	shalt  }
0x48: {  	_ =	shalt  }
0x49: {  	_ =	shalt  }
0x4a: {  	_ =	shalt  }
0x4b: {  	_ =	shalt  }
0x4c: {  	_ =	shalt  }
0x4d: {  	_ =	shalt  }
0x4e: {  	_ =	shalt  }
0x4f: {  	_ =	shalt  }
0x50: {  	_ =	shalt  }
0x51: {  	_ =	shalt  }
0x52: {  	_ =	shalt  }
0x53: {  	_ =	shalt  }
0x54: {  	_ =	shalt  }
0x55: {  	_ =	shalt  }
0x56: {  	_ =	shalt  }
0x57: {  	_ =	shalt  }
0x58: {  	_ =	shalt  }
0x59: {  	_ =	shalt  }
0x5a: {  	_ =	shalt  }
0x5b: {  	_ =	shalt  }
0x5c: {  	_ =	shalt  }
0x5d: {  	_ =	shalt  }
0x5e: {  	_ =	shalt  }
0x5f: {  	_ =	shalt  }
0x60: {  	_ =	shalt  }
0x61: {  	_ =	shalt  }
0x62: {  	_ =	shalt  }
0x63: {  	_ =	shalt  }
0x64: {  	_ =	shalt  }
0x65: {  	_ =	shalt  }
0x66: {  	_ =	shalt  }
0x67: {  	_ =	shalt  }
0x68: {  	_ =	shalt  }
0x69: {  	_ =	shalt  }
0x6a: {  	_ =	shalt  }
0x6b: {  	_ =	shalt  }
0x6c: {  	_ =	shalt  }
0x6d: {  	_ =	shalt  }
0x6e: {  	_ =	shalt  }
0x6f: {  	_ =	shalt  }
0x70: {  	_ =	shalt  }
0x71: {  	_ =	shalt  }
0x72: {  	_ =	shalt  }
0x73: {  	_ =	shalt  }
0x74: {  	_ =	shalt  }
0x75: {  	_ =	shalt  }
0x76: {  	_ =	shalt  }
0x77: {  	_ =	shalt  }
0x78: {  	_ =	shalt  }
0x79: {  	_ =	shalt  }
0x7a: {  	_ =	shalt  }
0x7b: {  	_ =	shalt  }
0x7c: {  	_ =	shalt  }
0x7d: {  	_ =	shalt  }
0x7e: {  	_ =	shalt  }
0x7f: {  	_ =	shalt  }
0x80: {  	_ =	shalt  }
0x81: {  	_ =	shalt  }
0x82: {  	_ =	shalt  }
0x83: {  	_ =	shalt  }
0x84: {  	_ =	shalt  }
0x85: {  	_ =	shalt  }
0x86: {  	_ =	shalt  }
0x87: {  	_ =	shalt  }
.Lfunc_end0:
.L_simem_size_0:
called_computation_lowered:
.L_overlay_start_0:
0x88: {  	s2 =	sld [smem:$0x3FD9]  }
0x89: {  	s3 =	sld [smem:$0x3FFE];
	_ =	sdelay $0x1  }
0x8a: {  	s1 =	srdreg.scid  }
0x8b: {  	s0 =	sand.u32 $0x1, s1  }
0x8c: {  	s16 =	sshll.u32 s0, $0xA;
	s2 =	sadd.s32 s3, s2  }
0x8d: {  	s2 =	sadd.s32 s2, s16  }
0x8e: {  	[smem:$0x3FC2] =	sst s2  }
0x8f: {  	_ = 	snop  }
0x90: {  	(tm) =	ssettm $0x1  }
0x91: {  	s17 =	sld [smem:$0x3FFB];
	_ =	sdelay $0x3  }
0x92: {  	_ =	strace s17  }
0x93: {  	s2 =	sld [smem:$0x3FFC];
	_ =	sdelay $0x3  }
0x94: {  	_ =	strace s2  }
0x95: {  	s2 =	sld [smem:$0x3FFD];
	_ =	sdelay $0x3  }
0x96: {  	_ =	strace s2  }
0x97: {  	_ =	strace $0x8FFFFFFF  }
0x98: {  	s18 =	sld [smem:$0x3FDB];
	_ =	sdelay $0x1  }
0x99: {  	s19 =	simm.s32 $_scs_section_size  }
0x9a: {  	s4 =	simm.s32 $_size__tile_overlayer_lowered;
	s5 =	simm.s32 $_tile_overlayer_lowered  }
0x9b: {  	s22 =	simm.s32 $0x1BFF;
	s21 =	sshll.u32 s5, $0x1;
	s2 =	sadd.s32 s19, s18  }
0x9c: {  	s6 =	simm.s32 $0x0;
	s20 =	sshll.u32 s4, $0x1;
	s4 =	sadd.s32 s21, s2  }
0x9d: {  	[timem:s6], [sflag:s22] =	dma.local [hbm:s4], s20  }
0x9e: {  	_ =	swait.ge [sflag:s22], s20  }
0x9f: {  	s3 =	ssub.s32 $0x0, s20;
	[sflag:s22] =	ssyncset.done $0x0  }
0xa0: {  	[sflag:s22] =	ssyncadd.s32 s3;
	_ =	sdelay $0x1  }
0xa1: {  	s23 =	simm.s32 $0x1B8B  }
0xa2: {  	_ =	swait.ge [sflag:s23], $0x1  }
0xa3: {  	[sflag:s23] =	ssyncset.done $0x0  }
0xa4: {  	s25 =	simm.s32 $0x1B8E;
	s24 =	sld [smem:$0x3FFE];
	[sflag:s23] =	ssyncadd.s32 $0xFFFFFFFF  }
0xa5: {  	s26 =	simm.s32 $execute0_lowered;
	[smem:$0x3FD2] =	sst s25  }
0xa6: {  	s4 =	sshll.u32 s26, $0x1;
	_ =	strace $0x80000046;
	[dreg:$0x1] =	wrdreg $0xFFFFFFFF  }
0xa7: {  	s28 =	simm.s32 $_size_execute0_lowered;
	s2 =	sadd.s32 s2, s4;
	[dreg:$0x0] =	wrdreg $0x0  }
0xa8: {  	s4 =	sshll.u32 s28, $0x1;
	[dreg:$0x2] =	wrdreg s2  }
0xa9: {  	[dreg:$0x3] =	wrdreg s4  }
0xaa: {  	[dreg:$0x4] =	wrdreg $0xC0  }
0xab: {  	_ =	task [dreg:s6], $0x5FFFF  }
0xac: {  	[dreg:$0x1] =	wrdreg $0xFFFFFFFF  }
0xad: {  	[dreg:$0x0] =	wrdreg $0x60  }
0xae: {  	[dreg:$0x2] =	wrdreg s24  }
0xaf: {  	[dreg:$0x3] =	wrdreg $0x50F00  }
0xb0: {  	[dreg:$0x4] =	wrdreg $0x9  }
0xb1: {  	_ =	task.clear_ibuf [dreg:s6], $0x5FFFF;
	_ =	strace $0x90000046  }
0xb2: {  	s29 =	simm.s32 $0x9;
	_ =	strace $0x80000048  }
0xb3: {  	_ =	swait.ge [sflag:s29], $0x1  }
0xb4: {  	[sflag:s29] =	ssyncadd.s32 $0xFFFFFFFF  }
0xb5: {  	_ =	strace $0x90000048  }
0xb6: {  	_ =	sfence  }
0xb7: {  	s30 =	sld [smem:$0x0];
	_ =	sdelay $0x2  }
0xb8: {  	s31 =	sshll.u32 s1, $0xD;
	s1 =	sshrl.u32 s1, $0x2  }
0xb9: {  	s3 =	sand.u32 $0x4000, s31;
	s1 =	sadd.s32 s1, s30  }
0xba: {  	s0 =	sor.u32 s3, s0;
	s1 =	sshll.u32 s1, $0x11  }
0xbb: {  	s0 =	sor.u32 s1, s0  }
0xbc: {  	s0 =	sadd.s32 $0x8F2B, s0  }
0xbd: {  	[sflag:s0] =	ssyncadd.remote.s32 $0x1  }
0xbe: {  	_ =	sfence.sel $0xFFFF  }
0xbf: {  	[dreg:$0x0] =	wrdreg $0xFFFFFFFF;
	(pc) =	sbr.abs _section_cstart, $3  }
0xc0: {  	[dreg:$0x1] =	wrdreg $0xFFFFFFFF  }
0xc1: {  	_ =	task.clear_ibuf [dreg:s6], $0x2FFFF;
	_ =	strace $0x9FFFFFFF  }
0xc2: {  	(tm) =	ssettm $0x7FFFFFFF  }
0xc3: {  	_ =	shalt  }
tec
execute0_lowered:
.L_overlay_start_1:
0x0: {  	(tag) =	ssettag $0x1  }
0x1: {  	s4 =	rddreg [dreg:$0x0]  }
0x2: {  	s2 =	rddreg [dreg:$0x1]  }
0x3: {  	s0 =	rddreg [dreg:$0x2];
	s1 =	stileid.u32  }
0x4: {  	s3 =	simm.s32 $0x0;
	s6 =	srdreg.scid;
	s11 =	simm.s32 $0x2710  }
0x5: {  	s12 =	simm.s32 $0x50;
	s13 =	simm.s32 $0x4E20;
	s14 =	simm.s32 $0x1  }
0x6: {  	s5 =	smul.u32 $0x4E20, s1;
	[smem:$0x7FF] =	sst s3;
	s15 =	sand.u32 $0x1, s6  }
0x7: {  	s7 =	smul.u32 $0x280, s1;
	_ =	strace $0x80000047;
	s6 =	ssub.s32 $0x2, s15  }
0x8: {  	p0 =	sne.s32 s15, $0x0;
	s15 =	simm.s32 $0x0;
	s5 =	sshrl.u32 s5, $0x3  }
0x9: {  	s31 =	sshrl.u32 s7, $0x3;
	s9 =	sshrl.u32 s6, $0x1;
	s8 =	sadd.s32 s5, s4  }
0xa: {  	s10 =	sadd.s32 s31, s4;
	s9 =	ssub.s32 s6, s9;
	s4 =	sadd.s32 s7, s2  }
0xb: {  	s5 =	sadd.s32 $0xB840, s8;
	s6 =	sadd.s32 $0xBD22, s8;
	s7 =	sadd.s32 $0x15600, s10  }
0xc: {  	v0 =	vimm.f32 $1.000000000e+00;
	v1 =	vimm.f32 $0.0e+00;
	s8 =	smax.u32 s9, $0x1;
	s9 =	simm.s32 $0x4E70;
	s10 =	simm.s32 $0x2  }
.LBB2_1:
0xd: {  	[tilespmem:$0x4E20] =	vst v0  }
0xe: {  	[tilespmem:$0x4E30] =	vst v0  }
0xf: {  	[tilespmem:$0x4E40] =	vst v0  }
0x10: {  	[tilespmem:$0x4E50] =	vst v0  }
0x11: {  	[tilespmem:$0x4E60] =	vst v0  }
0x12: {  	[tilespmem:$0x4E70] =	vst v1  }
0x13: {  	[tilespmem:$0x4E80] =	vst v1  }
0x14: {  	[tilespmem:$0x4E90] =	vst v1  }
0x15: {  	[tilespmem:$0x4EA0] =	vst v1  }
0x16: {  	[tilespmem:$0x4EB0] =	vst v1  }
0x17: {  	[tilespmem:$0x4EC0] =	vst v1  }
0x18: {  	[tilespmem:$0x4ED0] =	vst v1  }
0x19: {  	[tilespmem:$0x4EE0] =	vst v1  }
0x1a: {  	[tilespmem:$0x4EF0] =	vst v1  }
0x1b: {  	[tilespmem:$0x4F00] =	vst v1  }
0x1c: {  	[tilespmem:$0x4F10] =	vst v1  }
0x1d: {  	[tilespmem:$0x4F20] =	vst v1  }
0x1e: {  	[tilespmem:$0x4F30] =	vst v1  }
0x1f: {  	[tilespmem:$0x4F40] =	vst v1  }
0x20: {  	[tilespmem:$0x4F50] =	vst v1  }
0x21: {  	[tilespmem:$0x4F60] =	vst v1  }
0x22: {  	[tilespmem:$0x4F70] =	vst v1  }
0x23: {  	[tilespmem:$0x4F80] =	vst v1  }
0x24: {  	[tilespmem:$0x4F90] =	vst v1  }
0x25: {  	[tilespmem:$0x4FA0] =	vst v1  }
0x26: {  	[tilespmem:$0x4FB0] =	vst v1  }
0x27: {  	[tilespmem:$0x4FC0] =	vst v1  }
0x28: {  	[tilespmem:$0x4FD0] =	vst v1  }
0x29: {  	[tilespmem:$0x4FE0] =	vst v1  }
0x2a: {  	[tilespmem:$0x4FF0] =	vst v1  }
0x2b: {  	[tilespmem:$0x5000] =	vst v1  }
0x2c: {  	[tilespmem:$0x5010] =	vst v1  }
0x2d: {  	[tilespmem:$0x5020] =	vst v1  }
0x2e: {  	[tilespmem:$0x5030] =	vst v1  }
0x2f: {  	[tilespmem:$0x5040] =	vst v1  }
0x30: {  	[tilespmem:$0x5050] =	vst v1  }
0x31: {  	[tilespmem:$0x5060] =	vst v1  }
0x32: {  	[tilespmem:$0x5070] =	vst v1  }
0x33: {  	[tilespmem:$0x5080] =	vst v1  }
0x34: {  	[tilespmem:$0x5090] =	vst v1  }
0x35: {  	[tilespmem:$0x50A0] =	vst v1  }
0x36: {  	[tilespmem:$0x50B0] =	vst v1  }
0x37: {  	[tilespmem:$0x50C0] =	vst v1  }
0x38: {  	[tilespmem:$0x50D0] =	vst v1  }
0x39: {  	[tilespmem:$0x50E0] =	vst v1  }
0x3a: {  	[spmem:s4] =	stream.linear.scatter [tilespmem:s9], [sflag:$0x2], $0x280, $0x38;
	[tilespmem:$0x5370] =	vst v63  }
0x3b: {  	_ =	swait.ge [sflag:s10], $0x280  }
0x3c: {  	[sflag:s10] =	ssyncset.done $0x0  }
0x3d: {  	[sflag:s10] =	ssyncadd.s32 $0xFFFFFD80  }
0x3e: {  	[tilespmem:s3], [sflag:$0x2] =	stream.linear.gather [hbm4b:s5+s3], $0x2710, $0x38;
	[tilespmem:$0x5370] =	vst v63  }
0x3f: {  	_ =	swait.ge [sflag:s10], $0x2710  }
0x40: {  	[sflag:s10] =	ssyncset.done $0x0  }
0x41: {  	[sflag:s10] =	ssyncadd.s32 $0xFFFFD8F0  }
0x42: {  	[tilespmem:s11], [sflag:$0x2] =	stream.linear.gather [hbm4b:s6+s3], $0x2710, $0x38;
	[tilespmem:$0x5370] =	vst v63  }
0x43: {  	_ =	swait.ge [sflag:s10], $0x2710  }
0x44: {  	[sflag:s10] =	ssyncset.done $0x0  }
0x45: {  	[sflag:s10] =	ssyncadd.s32 $0xFFFFD8F0  }
0x46: {  	s16 =	simm.s32 $0x0;
	[bflag:$0x0] =	sbarrier.arrive $0xFFFF  }
0x47: {  	[spmem:s2] =	stream.indirect.scatter.add.f32 [tilespmem:s13], [sflag:$0x1], $0x1, s16, s12, $0xb8;
	[tilespmem:$0x5370] =	vst v63  }
0x48: {  	s28 =	simm.s32 $0x50  }
0x49: {  	[spmem:s2] =	stream.indirect.scatter.add.f32 [tilespmem:s13], [sflag:$0x1], $0x1, s28, s12, $0xb8;
	[tilespmem:$0x5370] =	vst v63  }
0x4a: {  	s29 =	simm.s32 $0xA0  }
0x4b: {  	[spmem:s2] =	stream.indirect.scatter.add.f32 [tilespmem:s13], [sflag:$0x1], $0x1, s29, s12, $0xb8;
	[tilespmem:$0x5370] =	vst v63  }
0x4c: {  	s30 =	simm.s32 $0xF0  }
0x4d: {  	[spmem:s2] =	stream.indirect.scatter.add.f32 [tilespmem:s13], [sflag:$0x1], $0x1, s30, s12, $0xb8;
	[tilespmem:$0x5370] =	vst v63  }
0x4e: {  	s31 =	simm.s32 $0x140  }
0x4f: {  	[spmem:s2] =	stream.indirect.scatter.add.f32 [tilespmem:s13], [sflag:$0x1], $0x1, s31, s12, $0xb8;
	[tilespmem:$0x5370] =	vst v63  }
0x50: {  	_ =	swait.ge [sflag:s14], $0x50  }
0x51: {  	[sflag:s14] =	ssyncset.done $0x0  }
0x52: {  	[sflag:s14] =	ssyncadd.s32 $0xFFFFFFB0  }
0x53: {  	_ =	swait.ge [sflag:s14], $0x50  }
0x54: {  	[sflag:s14] =	ssyncset.done $0x0  }
0x55: {  	[sflag:s14] =	ssyncadd.s32 $0xFFFFFFB0  }
0x56: {  	_ =	swait.ge [sflag:s14], $0x50  }
0x57: {  	[sflag:s14] =	ssyncset.done $0x0  }
0x58: {  	[sflag:s14] =	ssyncadd.s32 $0xFFFFFFB0  }
0x59: {  	_ =	swait.ge [sflag:s14], $0x50  }
0x5a: {  	[sflag:s14] =	ssyncset.done $0x0  }
0x5b: {  	[sflag:s14] =	ssyncadd.s32 $0xFFFFFFB0  }
0x5c: {  	_ =	swait.ge [sflag:s14], $0x50  }
0x5d: {  	s17 =	simm.s32 $0xC80;
	s16 =	simm.s32 $0x640;
	[sflag:s14] =	ssyncset.done $0x0  }
.LBB2_2:
0x5e: {  	s18 =	sshra.s32 s16, $0x2  }
0x5f: {  	[sflag:s14] =	ssyncadd.s32 $0xFFFFFFB0;
	s16 =	smov.u32 s17;
	s19 =	sadd.s32 $0x640, s17  }
0x60: {  	[spmem:s2] =	stream.indirect.scatter.add.f32 [tilespmem:s13], [sflag:$0x1], $0x1, s18, s12, $0xb8;
	[tilespmem:$0x5370] =	vst v63  }
0x61: {  	p1 =	sne.s32 s17, $0x13240;
	s17 =	sadd.s32 $0x50, s18  }
0x62: {  	[spmem:s2] =	stream.indirect.scatter.add.f32 [tilespmem:s13], [sflag:$0x1], $0x1, s17, s12, $0xb8;
	[tilespmem:$0x5370] =	vst v63  }
0x63: {  	s17 =	sadd.s32 $0xA0, s18  }
0x64: {  	[spmem:s2] =	stream.indirect.scatter.add.f32 [tilespmem:s13], [sflag:$0x1], $0x1, s17, s12, $0xb8;
	[tilespmem:$0x5370] =	vst v63  }
0x65: {  	s17 =	sadd.s32 $0xF0, s18  }
0x66: {  	[spmem:s2] =	stream.indirect.scatter.add.f32 [tilespmem:s13], [sflag:$0x1], $0x1, s17, s12, $0xb8;
	[tilespmem:$0x5370] =	vst v63  }
0x67: {  	s17 =	sadd.s32 $0x140, s18  }
0x68: {  	[spmem:s2] =	stream.indirect.scatter.add.f32 [tilespmem:s13], [sflag:$0x1], $0x1, s17, s12, $0xb8;
	[tilespmem:$0x5370] =	vst v63  }
0x69: {  	_ =	swait.ge [sflag:s14], $0x50  }
0x6a: {  	[sflag:s14] =	ssyncset.done $0x0  }
0x6b: {  	[sflag:s14] =	ssyncadd.s32 $0xFFFFFFB0  }
0x6c: {  	_ =	swait.ge [sflag:s14], $0x50  }
0x6d: {  	[sflag:s14] =	ssyncset.done $0x0  }
0x6e: {  	[sflag:s14] =	ssyncadd.s32 $0xFFFFFFB0  }
0x6f: {  	_ =	swait.ge [sflag:s14], $0x50  }
0x70: {  	[sflag:s14] =	ssyncset.done $0x0  }
0x71: {  	[sflag:s14] =	ssyncadd.s32 $0xFFFFFFB0  }
.Ltmp0:
0x72: {  	_ =	swait.ge [sflag:s14], $0x50;
	(pc) =	sbr.rel @p1 .LBB2_2-.Ltmp0, $4  }
0x73: {  	[sflag:s14] =	ssyncset.done $0x0  }
0x74: {  	[sflag:s14] =	ssyncadd.s32 $0xFFFFFFB0  }
0x75: {  	_ =	swait.ge [sflag:s14], $0x50  }
0x76: {  	s17 =	smov.u32 s19;
	[sflag:s14] =	ssyncset.done $0x0  }
0x77: {  	s16 =	sshra.s32 s16, $0x2;
	[sflag:s14] =	ssyncadd.s32 $0xFFFFFFB0  }
0x78: {  	[spmem:s2] =	stream.indirect.scatter.add.f32 [tilespmem:s13], [sflag:$0x1], $0x1, s16, s12, $0xb8;
	[tilespmem:$0x5370] =	vst v63  }
0x79: {  	s17 =	sadd.s32 $0x50, s16  }
0x7a: {  	[spmem:s2] =	stream.indirect.scatter.add.f32 [tilespmem:s13], [sflag:$0x1], $0x1, s17, s12, $0xb8;
	[tilespmem:$0x5370] =	vst v63  }
0x7b: {  	s30 =	sadd.s32 $0xA0, s16  }
0x7c: {  	[spmem:s2] =	stream.indirect.scatter.add.f32 [tilespmem:s13], [sflag:$0x1], $0x1, s30, s12, $0xb8;
	[tilespmem:$0x5370] =	vst v63  }
0x7d: {  	s31 =	sadd.s32 $0xF0, s16  }
0x7e: {  	[spmem:s2] =	stream.indirect.scatter.add.f32 [tilespmem:s13], [sflag:$0x1], $0x1, s31, s12, $0xb8;
	[tilespmem:$0x5370] =	vst v63  }
0x7f: {  	s16 =	sadd.s32 $0x140, s16  }
0x80: {  	[spmem:s2] =	stream.indirect.scatter.add.f32 [tilespmem:s13], [sflag:$0x1], $0x1, s16, s12, $0xb8;
	[tilespmem:$0x5370] =	vst v63  }
0x81: {  	_ =	swait.ge [sflag:s14], $0x50  }
0x82: {  	[sflag:s14] =	ssyncset.done $0x0  }
0x83: {  	[sflag:s14] =	ssyncadd.s32 $0xFFFFFFB0  }
0x84: {  	_ =	swait.ge [sflag:s14], $0x50  }
0x85: {  	[sflag:s14] =	ssyncset.done $0x0  }
0x86: {  	[sflag:s14] =	ssyncadd.s32 $0xFFFFFFB0  }
0x87: {  	_ =	swait.ge [sflag:s14], $0x50  }
0x88: {  	[sflag:s14] =	ssyncset.done $0x0  }
0x89: {  	[sflag:s14] =	ssyncadd.s32 $0xFFFFFFB0  }
0x8a: {  	_ =	swait.ge [sflag:s14], $0x50  }
0x8b: {  	[sflag:s14] =	ssyncset.done $0x0  }
0x8c: {  	[sflag:s14] =	ssyncadd.s32 $0xFFFFFFB0  }
0x8d: {  	_ =	swait.ge [sflag:s14], $0x50  }
0x8e: {  	[sflag:s14] =	ssyncset.done $0x0  }
0x8f: {  	[sflag:s14] =	ssyncadd.s32 $0xFFFFFFB0  }
0x90: {  	[bflag:$0x0] =	sbarrier.arrive $0xFFFF  }
0x91: {  	[tilespmem:s9], [sflag:$0x2] =	stream.linear.gather [spmem:s4], $0x280, $0x38;
	[tilespmem:$0x5370] =	vst v63  }
0x92: {  	_ =	swait.ge [sflag:s10], $0x280  }
0x93: {  	[sflag:s10] =	ssyncset.done $0x0  }
0x94: {  	s17 =	simm.s32 $0x40;
	s16 =	simm.s32 $0x0;
	[sflag:s10] =	ssyncadd.s32 $0xFFFFFD80  }
.LBB2_4:
0x95: {  	p1 =	sne.s32 s17, $0x9C0;
	v2 =	vld [tilespmem:s16+$0x4E70];
	_ =	sdelay $0x4  }
0x96: {  	v3 =	vmul.f32 $5.000000000e-01, v2;
	v4 =	vshrl.u32 v2, $0x1  }
0x97: {  	v4 =	vsub.s32 $0x5F3759DF, v4  }
0x98: {  	v5 =	vmul.f32 v4, v3;
	_ =	sdelay $0x1  }
0x99: {  	v5 =	vmul.f32 v4, v5;
	_ =	sdelay $0x1  }
0x9a: {  	v5 =	vsub.f32 $1.500000000e+00, v5;
	_ =	sdelay $0x1  }
0x9b: {  	v4 =	vmul.f32 v4, v5;
	_ =	sdelay $0x1  }
0x9c: {  	v5 =	vmul.f32 v4, v3;
	_ =	sdelay $0x1  }
0x9d: {  	v5 =	vmul.f32 v5, v4;
	_ =	sdelay $0x1  }
0x9e: {  	v5 =	vsub.f32 $1.500000000e+00, v5;
	_ =	sdelay $0x1  }
0x9f: {  	v4 =	vmul.f32 v5, v4;
	_ =	sdelay $0x1  }
0xa0: {  	v3 =	vmul.f32 v4, v3;
	_ =	sdelay $0x1  }
0xa1: {  	v3 =	vmul.f32 v3, v4;
	_ =	sdelay $0x1  }
0xa2: {  	v3 =	vsub.f32 $1.500000000e+00, v3  }
.Ltmp1:
0xa3: {  	(pc) =	sbr.rel @p1 .LBB2_4-.Ltmp1, $4  }
0xa4: {  	v3 =	vmul.f32 v3, v4  }
0xa5: {  	vm0 =	vgt.f32 v2, $5.000000000e-01  }
0xa6: {  	v2 =	vnsel vm0, $0x0, v3  }
0xa7: {  	[tilespmem:s16+$0x4E70] =	vst v2;
	s16 =	sshra.s32 s17, $0x2;
	s17 =	sadd.s32 $0x40, s17  }
0xa8: {  	v2 =	vld [tilespmem:s16+$0x4E70];
	_ =	sdelay $0x4  }
0xa9: {  	v3 =	vmul.f32 $5.000000000e-01, v2;
	v4 =	vshrl.u32 v2, $0x1  }
0xaa: {  	v4 =	vsub.s32 $0x5F3759DF, v4  }
0xab: {  	v5 =	vmul.f32 v4, v3;
	_ =	sdelay $0x1  }
0xac: {  	v5 =	vmul.f32 v4, v5;
	_ =	sdelay $0x1  }
0xad: {  	v5 =	vsub.f32 $1.500000000e+00, v5;
	_ =	sdelay $0x1  }
0xae: {  	v4 =	vmul.f32 v4, v5;
	_ =	sdelay $0x1  }
0xaf: {  	v5 =	vmul.f32 v4, v3;
	_ =	sdelay $0x1  }
0xb0: {  	v5 =	vmul.f32 v5, v4;
	_ =	sdelay $0x1  }
0xb1: {  	v5 =	vsub.f32 $1.500000000e+00, v5;
	_ =	sdelay $0x1  }
0xb2: {  	v4 =	vmul.f32 v5, v4;
	_ =	sdelay $0x1  }
0xb3: {  	v3 =	vmul.f32 v4, v3;
	_ =	sdelay $0x1  }
0xb4: {  	v3 =	vmul.f32 v3, v4;
	_ =	sdelay $0x1  }
0xb5: {  	v3 =	vsub.f32 $1.500000000e+00, v3;
	_ =	sdelay $0x1  }
0xb6: {  	v3 =	vmul.f32 v3, v4  }
0xb7: {  	vm0 =	vgt.f32 v2, $5.000000000e-01  }
0xb8: {  	s15 =	sadd.s32 $0x1, s15;
	v2 =	vnsel vm0, $0x0, v3  }
0xb9: {  	s17 =	simm.s32 @!p0 $0x4E70;
	p1 =	sne.s32 s15, s8;
	[tilespmem:s16+$0x4E70] =	vst v2;
	s16 =	simm.s32 @!p0 $0x0  }
0xba: {  	[hbm4b:s7+s16] =	stream.linear.scatter @!p0 [tilespmem:s17], [sflag:$0x2], $0x280, $0x38;
	[tilespmem:$0x5370] =	vst v63  }
.Ltmp2:
0xbb: {  	_ = 	snop;
	(pc) =	sbr.rel @p1 .LBB2_1-.Ltmp2, $4  }
0xbc: {  	s16 =	simm.s32 @!p0 $0x2  }
0xbd: {  	_ =	swait.ge @!p0 [sflag:s16], $0x280  }
0xbe: {  	[sflag:s16] =	ssyncset.done @!p0 $0x0  }
0xbf: {  	[sflag:s16] =	ssyncadd.s32 @!p0 $0xFFFFFD80  }
0xc0: {  	_ =	sfence.sel $0x180000  }
0xc1: {  	[bflag:$0x0] =	sbarrier.arrive $0xFFFF  }
0xc2: {  	p0 =	sne.s32 s1, $0x0;
	_ =	strace $0x90000047  }
0xc3: {  	s0 =	sadd.s32 @!p0 $0x100000, s0;
	[bflag:$0x2] =	sbarrier.arrive $0xFFFF  }
0xc4: {  	[sflag:s0] =	ssyncadd.tile.s32 @!p0 $0x1;
	_ =	shalt  }
.Lfunc_end2:
_tile_overlayer_lowered:
.L_overlay_start_2:
0xc5: {  	(tag) =	ssettag $0x2  }
0xc6: {  	s0 =	rddreg [dreg:$0x0];
	s2 =	stileid.u32  }
0xc7: {  	s1 =	rddreg [dreg:$0x1];
	p0 =	sne.s32 s2, $0x0  }
0xc8: {  	s3 =	rddreg [dreg:$0x2];
	[bflag:$0x3] =	sbarrier.arrive $0xFFFF;
	s2 =	simm.s32 @!p0 $0x1C02  }
0xc9: {  	[timem:s3], [sflag:s2] =	dma.local @!p0 [hbm:s0], s1  }
0xca: {  	s0 =	simm.s32 @!p0 $0x2  }
0xcb: {  	_ =	swait.ge @!p0 [sflag:s0], s1  }
0xcc: {  	s1 =	ssub.s32 @!p0 $0x0, s1;
	[sflag:s0] =	ssyncset.done @!p0 $0x0  }
0xcd: {  	[sflag:s0] =	ssyncadd.s32 @!p0 s1  }
0xce: {  	[bflag:$0x3] =	sbarrier.arrive $0xFFFF  }
0xcf: {  	_ =	shalt  }

</sc_bundles>
